<compile_context>
chip_gen: v7x
topology: tpu7x:2x2x1
jax: 0.10.2.dev20260603
libtpu: 0.0.44.dev20260713+nightly
codegen_flags: <defaults>
</compile_context>

<pallas_src>
import functools

import jax
import jax.numpy as jnp
from jax import lax
from jax.experimental import pallas as pl
from jax.experimental.pallas import tpu as pltpu
from jax.experimental.pallas import tpu_sc as plsc

N = 10000
E = 320000
EL = 100000
D = 128
H = 256

NC = 2
NS = 16
L = 16
NW = NC * NS

N_PAD = 10240
R_BLK = 512
K = 128
C0 = 80
C1 = 80
T_CH = NS * (C0 + C1)
E_PAD = T_CH * K
EPT = E_PAD // NW
PER_EL = -(-EL // (NW * L)) * L
EL_PAD = NW * PER_EL

import functools as _ft


@_ft.cache
def _mesh():
    return plsc.VectorSubcoreMesh(
        core_axis_name="c", subcore_axis_name="s",
        num_cores=NC, num_subcores=NS)


def _sc_agg1_body(x_hbm, srcm, dstm, zrow, zvec, sums_out, cnts_out,
                  idx_s, idx_d, rows0, rows1, cnt_v, acc_sh,
                  sem_g, sem_s, sem_is, sem_id):
    cid = lax.axis_index("c")
    sid = lax.axis_index("s")
    wid = sid * NC + cid
    rpt = N_PAD // NS
    lo = sid * rpt
    ones16 = jnp.ones((L,), jnp.float32)
    rows = (rows0, rows1)

    def start_idx(ch, b):
        pltpu.async_copy(srcm.at[ch], idx_s.at[b], sem_is.at[b])
        pltpu.async_copy(dstm.at[ch], idx_d.at[b], sem_id.at[b])

    def wait_idx(b):
        pltpu.make_async_copy(srcm.at[0], idx_s.at[b], sem_is.at[b]).wait()
        pltpu.make_async_copy(dstm.at[0], idx_d.at[b], sem_id.at[b]).wait()

    def start_gather(bi, rb):
        pltpu.async_copy(x_hbm.at[idx_s.at[bi]], rows[rb], sem_g.at[rb])

    def wait_gather(rb):
        pltpu.make_async_copy(x_hbm.at[idx_s.at[0]], rows[rb],
                              sem_g.at[rb]).wait()

    def start_scatter(bi, rb):
        pltpu.async_copy(rows[rb], acc_sh.at[idx_d.at[bi]], sem_s.at[rb],
                         add=True)

    def wait_scatter(rb):
        pltpu.make_async_copy(rows[rb], acc_sh.at[idx_d.at[0]],
                              sem_s.at[rb]).wait()

    pltpu.sync_copy(zrow.at[pl.ds(lo, rpt)], acc_sh.at[pl.ds(lo, rpt)])
    pltpu.sync_copy(zvec, cnt_v)
    plsc.subcore_barrier()

    def run_pipe(off, n):
        for b in range(4):
            start_idx(off + b, b)
        wait_idx(0)
        start_gather(0, 0)
        wait_idx(1)
        start_gather(1, 1)

        def body(i, carry):
            for b in range(4):
                jj = i * 4 + b
                rb = b % 2
                wait_gather(rb)
                start_scatter(b, rb)
                for ll in range(K // L):
                    dv = idx_d[b, pl.ds(ll * L, L)]
                    plsc.addupdate_scatter(cnt_v, [dv], ones16)
                wait_scatter(rb)

                @pl.when(jj + 2 < n)
                def _():
                    wait_idx((b + 2) % 4)
                    start_gather((b + 2) % 4, rb)

                @pl.when(jj + 4 < n)
                def _():
                    start_idx(off + jj + 4, b)
            return carry

        lax.fori_loop(0, n // 4, body, 0)

    @pl.when(cid == 0)
    def _():
        run_pipe(sid * C0, C0)

    if C1:
        @pl.when(cid == 1)
        def _():
            run_pipe(NS * C0 + sid * C1, C1)

    plsc.subcore_barrier()
    pltpu.sync_copy(acc_sh.at[pl.ds(lo, rpt)], sums_out.at[cid, pl.ds(lo, rpt)])
    pltpu.sync_copy(cnt_v, cnts_out.at[wid])


@_ft.cache
def _sc_agg1_k():
  return functools.partial(
    pl.kernel,
    out_type=(jax.ShapeDtypeStruct((NC, N_PAD, D), jnp.float32),
              jax.ShapeDtypeStruct((NW, N_PAD), jnp.float32)),
    mesh=_mesh(),
    compiler_params=pltpu.CompilerParams(needs_layout_passes=False),
    scratch_types=[
        pltpu.VMEM((4, K), jnp.int32),
        pltpu.VMEM((4, K), jnp.int32),
        pltpu.VMEM((K, D), jnp.float32),
        pltpu.VMEM((K, D), jnp.float32),
        pltpu.VMEM((N_PAD,), jnp.float32),
        pltpu.VMEM_SHARED((N_PAD, D), jnp.float32),
        pltpu.SemaphoreType.DMA((2,)),
        pltpu.SemaphoreType.DMA((2,)),
        pltpu.SemaphoreType.DMA((4,)),
        pltpu.SemaphoreType.DMA((4,)),
    ],
)(_sc_agg1_body)


def _sc_agg2_body(tcols, srcf, dstf, zvec, acc2_out,
                  src_v, dst_v, ta_v, tb_v, acca_v, accb_v):
    cid = lax.axis_index("c")
    sid = lax.axis_index("s")
    wid = sid * NC + cid
    pltpu.sync_copy(zvec, acca_v)
    pltpu.sync_copy(zvec, accb_v)
    pltpu.sync_copy(tcols.at[2], ta_v)
    pltpu.sync_copy(tcols.at[3], tb_v)
    pltpu.sync_copy(srcf.at[wid], src_v)
    pltpu.sync_copy(dstf.at[wid], dst_v)

    def body(j, carry):
        off = j * L
        sv = src_v[pl.ds(off, L)]
        dv = dst_v[pl.ds(off, L)]
        va = plsc.load_gather(ta_v, [sv])
        vb = plsc.load_gather(tb_v, [sv])
        plsc.addupdate_scatter(acca_v, [dv], va)
        plsc.addupdate_scatter(accb_v, [dv], vb)
        return carry

    lax.fori_loop(0, EPT // L, body, 0)
    pltpu.sync_copy(acca_v, acc2_out.at[wid, 0])
    pltpu.sync_copy(accb_v, acc2_out.at[wid, 1])


@_ft.cache
def _sc_agg2_k():
  return functools.partial(
    pl.kernel,
    out_type=jax.ShapeDtypeStruct((NW, 2, N_PAD), jnp.float32),
    mesh=_mesh(),
    compiler_params=pltpu.CompilerParams(needs_layout_passes=False),
    scratch_types=[
        pltpu.VMEM((EPT,), jnp.int32),
        pltpu.VMEM((EPT,), jnp.int32),
        pltpu.VMEM((N_PAD,), jnp.float32),
        pltpu.VMEM((N_PAD,), jnp.float32),
        pltpu.VMEM((N_PAD,), jnp.float32),
        pltpu.VMEM((N_PAD,), jnp.float32),
    ],
)(_sc_agg2_body)


def _sc_dec_body(pab_hbm, am, bm, out_hbm, pa_v, pb_v, ai_v, bi_v, out_v):
    cid = lax.axis_index("c")
    sid = lax.axis_index("s")
    wid = sid * NC + cid
    base = wid * PER_EL
    pltpu.sync_copy(pab_hbm.at[0], pa_v)
    pltpu.sync_copy(pab_hbm.at[1], pb_v)
    pltpu.sync_copy(am.at[wid], ai_v)
    pltpu.sync_copy(bm.at[wid], bi_v)

    def body(j, carry):
        off = j * L
        ia = ai_v[pl.ds(off, L)]
        ib = bi_v[pl.ds(off, L)]
        va = plsc.load_gather(pa_v, [ia])
        vb = plsc.load_gather(pb_v, [ib])
        out_v[pl.ds(off, L)] = va + vb
        return carry

    lax.fori_loop(0, PER_EL // L, body, 0)
    pltpu.sync_copy(out_v, out_hbm.at[pl.ds(base, PER_EL)])


@_ft.cache
def _sc_dec_k():
  return functools.partial(
    pl.kernel,
    out_type=jax.ShapeDtypeStruct((EL_PAD,), jnp.float32),
    mesh=_mesh(),
    compiler_params=pltpu.CompilerParams(needs_layout_passes=False),
    scratch_types=[
        pltpu.VMEM((N_PAD,), jnp.float32),
        pltpu.VMEM((N_PAD,), jnp.float32),
        pltpu.VMEM((PER_EL,), jnp.int32),
        pltpu.VMEM((PER_EL,), jnp.int32),
        pltpu.VMEM((PER_EL,), jnp.float32),
    ],
)(_sc_dec_body)


def _tc_main_body(x_ref, s_ref, c_ref, wl1_ref, wr1_ref, b1_ref,
                  wl2_ref, wr2_ref, w1_ref, w2_ref, w3_ref, t_ref, v_ref):
    @pl.when(pl.program_id(0) == 0)
    def _():
        w23 = jnp.dot(w2_ref[...], w3_ref[...],
                      preferred_element_type=jnp.float32,
                      precision=jax.lax.Precision.HIGHEST)
        wfull = jnp.dot(w1_ref[...], w23, preferred_element_type=jnp.float32,
                        precision=jax.lax.Precision.HIGHEST)
        wa = wfull[:H]
        wb = wfull[H:]
        v_ref[...] = jnp.concatenate(
            [jnp.dot(wr2_ref[...], wa, preferred_element_type=jnp.float32,
                     precision=jax.lax.Precision.HIGHEST),
             jnp.dot(wr2_ref[...], wb, preferred_element_type=jnp.float32,
                     precision=jax.lax.Precision.HIGHEST),
             jnp.dot(wl2_ref[...], wa, preferred_element_type=jnp.float32,
                     precision=jax.lax.Precision.HIGHEST),
             jnp.dot(wl2_ref[...], wb, preferred_element_type=jnp.float32,
                     precision=jax.lax.Precision.HIGHEST)],
            axis=1)

    s = s_ref[0] + s_ref[1]
    cnt = jnp.sum(c_ref[...], axis=0)[:, None]
    mean = s / jnp.maximum(cnt, 1.0)
    z1 = jnp.maximum(
        jnp.dot(mean, wl1_ref[...], preferred_element_type=jnp.float32,
                precision=jax.lax.Precision.HIGHEST)
        + jnp.dot(x_ref[...], wr1_ref[...],
                  preferred_element_type=jnp.float32,
                  precision=jax.lax.Precision.HIGHEST)
        + b1_ref[...], 0.0)
    t_ref[...] = jnp.dot(z1, v_ref[...], preferred_element_type=jnp.float32,
                         precision=jax.lax.Precision.HIGHEST).T


def _tc_main(x_pad, sums, cnts, Wl1, Wr1, b1, Wl2, Wr2, W1, W2, W3):
    grid = (N_PAD // R_BLK,)
    return pl.pallas_call(
        _tc_main_body,
        grid=grid,
        in_specs=[
            pl.BlockSpec((R_BLK, D), lambda i: (i, 0)),
            pl.BlockSpec((NC, R_BLK, D), lambda i: (0, i, 0)),
            pl.BlockSpec((NW, R_BLK), lambda i: (0, i)),
            pl.BlockSpec((D, H), lambda i: (0, 0)),
            pl.BlockSpec((D, H), lambda i: (0, 0)),
            pl.BlockSpec((1, H), lambda i: (0, 0)),
            pl.BlockSpec((H, H), lambda i: (0, 0)),
            pl.BlockSpec((H, H), lambda i: (0, 0)),
            pl.BlockSpec((2 * H, H), lambda i: (0, 0)),
            pl.BlockSpec((H, H), lambda i: (0, 0)),
            pl.BlockSpec((H, 1), lambda i: (0, 0)),
        ],
        out_specs=pl.BlockSpec((4, R_BLK), lambda i: (0, i)),
        out_shape=jax.ShapeDtypeStruct((4, N_PAD), jnp.float32),
        scratch_shapes=[pltpu.VMEM((H, 4), jnp.float32)],
    )(x_pad, sums, cnts, Wl1, Wr1, b1, Wl2, Wr2, W1, W2, W3)


def _tc_fin_body(acc2_ref, cnts_ref, t_ref, w1_ref, w2_ref, w3_ref,
                 b2_ref, c1_ref, c2_ref, c3_ref, pab_ref):
    w23 = jnp.dot(w2_ref[...], w3_ref[...], preferred_element_type=jnp.float32, precision=jax.lax.Precision.HIGHEST)
    wfull = jnp.dot(w1_ref[...], w23, preferred_element_type=jnp.float32, precision=jax.lax.Precision.HIGHEST)
    wa = wfull[:H, 0]
    wb = wfull[H:, 0]
    cfull = (jnp.sum(c1_ref[0] * w23[:, 0]) + jnp.sum(c2_ref[0] * w3_ref[:, 0])
             + c3_ref[0, 0])
    ba = jnp.sum(b2_ref[0] * wa)
    bb = jnp.sum(b2_ref[0] * wb)
    cnt = jnp.maximum(jnp.sum(cnts_ref[...], axis=0), 1.0)
    m_a = jnp.sum(acc2_ref[:, 0, :], axis=0) / cnt
    m_b = jnp.sum(acc2_ref[:, 1, :], axis=0) / cnt
    pab_ref[0, :] = m_a + t_ref[0, :] + ba + cfull
    pab_ref[1, :] = m_b + t_ref[1, :] + bb


def _tc_fin(acc2, cnts, tcols, W1, W2, W3, b2, c1, c2, c3):
    return pl.pallas_call(
        _tc_fin_body,
        out_shape=jax.ShapeDtypeStruct((2, N_PAD), jnp.float32),
    )(acc2, cnts, tcols, W1, W2, W3, b2, c1, c2, c3)


def kernel(x, edge_index, edge_label_index, Wl1, Wr1, b1, Wl2, Wr2, b2,
           W1, c1, W2, c2, W3, c3):
    f32 = jnp.float32
    i32 = jnp.int32
    src = edge_index[0].astype(i32)
    dst = edge_index[1].astype(i32)
    pad_src = jnp.arange(E_PAD - E, dtype=i32) % N
    pad_dst = N + jnp.arange(E_PAD - E, dtype=i32) % (N_PAD - N)
    src_pad = jnp.concatenate([src, pad_src])
    dst_pad = jnp.concatenate([dst, pad_dst])
    srcm = src_pad.reshape(T_CH, K)
    dstm = dst_pad.reshape(T_CH, K)
    srcf = src_pad.reshape(NW, EPT)
    dstf = dst_pad.reshape(NW, EPT)
    am = jnp.concatenate(
        [edge_label_index[0].astype(i32),
         jnp.zeros((EL_PAD - EL,), i32)]).reshape(NW, PER_EL)
    bm = jnp.concatenate(
        [edge_label_index[1].astype(i32),
         jnp.zeros((EL_PAD - EL,), i32)]).reshape(NW, PER_EL)
    x_pad = jnp.zeros((N_PAD, D), f32).at[:N].set(x)
    zrow = jnp.zeros((N_PAD, D), f32)
    zvec = jnp.zeros((N_PAD,), f32)

    sums, cnts = _sc_agg1_k()(x_pad, srcm, dstm, zrow, zvec)
    tcols = _tc_main(x_pad, sums, cnts, Wl1, Wr1, b1.reshape(1, H),
                     Wl2, Wr2, W1, W2, W3)
    acc2 = _sc_agg2_k()(tcols, srcf, dstf, zvec)
    pab = _tc_fin(acc2, cnts, tcols, W1, W2, W3, b2.reshape(1, H),
                  c1.reshape(1, H), c2.reshape(1, H), c3.reshape(1, 1))
    outf = _sc_dec_k()(pab, am, bm)
    return outf[:EL].reshape(EL, 1)

# --- scband reference (transcript-rebuilt; emitter-appended) ---
"""Pipeline reference for scband-net-32238024524263 (READ-ONLY COPY).

The authoritative reference and input builder live on the scoring server;
editing this copy changes nothing except your own understanding.
"""

import jax, jax.numpy as jnp
import numpy as np

N = 10000
E = 320000
EL = 100000
D_IN = 128
H = 256
D_OUT = 1


def glorot(key, shape):
    lim = float(np.sqrt(6.0 / (shape[0] + shape[1])))
    return jax.random.uniform(key, shape, jnp.float32, -lim, lim)


def setup_inputs(seed: int = 0):
    key = jax.random.key(seed)
    ks = jax.random.split(key, 16)
    inp = {}
    inp["x"] = jax.random.normal(ks[0], (N, D_IN), jnp.float32)
    inp["edge_index"] = jax.random.randint(ks[1], (2, E), 0, N)
    inp["edge_label_index"] = jax.random.randint(ks[2], (2, EL), 0, N)
    # SAGEConv1: lin_l applied to aggregated neighbors (with bias), lin_r to root (no bias)
    inp["Wl1"] = glorot(ks[3], (D_IN, H))
    inp["Wr1"] = glorot(ks[4], (D_IN, H))
    inp["b1"] = jnp.zeros((H,), jnp.float32)
    # SAGEConv2
    inp["Wl2"] = glorot(ks[5], (H, H))
    inp["Wr2"] = glorot(ks[6], (H, H))
    inp["b2"] = jnp.zeros((H,), jnp.float32)
    # Decoder MLP
    inp["W1"] = glorot(ks[7], (2 * H, H))
    inp["c1"] = jnp.zeros((H,), jnp.float32)
    inp["W2"] = glorot(ks[8], (H, H))
    inp["c2"] = jnp.zeros((H,), jnp.float32)
    inp["W3"] = glorot(ks[9], (H, D_OUT))
    inp["c3"] = jnp.zeros((D_OUT,), jnp.float32)
    return inp


def reference(x, edge_index, edge_label_index, Wl1, Wr1, b1, Wl2, Wr2, b2, W1, c1, W2, c2, W3, c3):
    src = edge_index[0]
    dst = edge_index[1]

    def sage(h, Wl, Wr, b):
        # mean aggregation of source-node messages at destination nodes
        s = jax.ops.segment_sum(h[src], dst, num_segments=N)
        cnt = jax.ops.segment_sum(jnp.ones((E,), jnp.float32), dst, num_segments=N)
        mean = s / jnp.clip(cnt, 1.0)[:, None]
        return mean @ Wl + h @ Wr + b

    # encode
    z = jax.nn.relu(sage(x, Wl1, Wr1, b1))
    z = sage(z, Wl2, Wr2, b2)
    # decode (eval mode: dropout is identity)
    feat = jnp.concatenate([z[edge_label_index[0]], z[edge_label_index[1]]], axis=-1)
    h = feat @ W1 + c1
    h = h @ W2 + c2
    out = h @ W3 + c3
    return out

if __name__ == "__main__":
    import jax
    _d = setup_inputs()
    print(jax.jit(kernel)(*tuple(_d.values())))

</pallas_src>

<mosaic_0001>
#map = affine_map<(d0, d1) -> (0, 0)>
#map1 = affine_map<(d0, d1) -> (0)>
module attributes {stable_mosaic.version = 14 : i64} {
  func.func @_sc_dec_body(%arg0: i32, %arg1: i32, %arg2: memref<2x10240xf32, #tpu.memory_space<hbm>>, %arg3: memref<32x3136xi32, #tpu.memory_space<hbm>>, %arg4: memref<32x3136xi32, #tpu.memory_space<hbm>>, %arg5: memref<100352xf32, #tpu.memory_space<hbm>>, %arg6: memref<10240xf32, #tpu.memory_space<vmem>>, %arg7: memref<10240xf32, #tpu.memory_space<vmem>>, %arg8: memref<3136xi32, #tpu.memory_space<vmem>>, %arg9: memref<3136xi32, #tpu.memory_space<vmem>>, %arg10: memref<3136xf32, #tpu.memory_space<vmem>>) attributes {dimension_semantics = [#tpu.dimension_semantics<core_parallel>, #tpu.dimension_semantics<subcore_parallel>], iteration_bounds = array<i64: 2, 16>, scalar_prefetch = 0 : i64, scratch_operands = 5 : i64, tpu.core_type = #tpu.core_type<sc_vector_subcore>, window_params = [{transform_indices = #map}, {transform_indices = #map}, {transform_indices = #map}, {transform_indices = #map1}]} {
    %mul3A = arith.constant 2 : i32
    %mul3A_0 = arith.muli %arg1, %mul3A : i32
    %add3A = arith.addi %mul3A_0, %arg0 : i32
    %mul3A_1 = arith.constant 3136 : i32
    %mul3A_2 = arith.muli %add3A, %mul3A_1 : i32
    %run_scoped3A = arith.constant 0 : i32
    "tpu.region"() ({
      %run_scoped3A_9 = tpu.sem_alloc : memref<!tpu.dma_semaphore, #tpu.memory_space<semaphore_mem>>
      %dma_start3A = arith.constant 0 : i32
      %dma_start3A_10 = tpu.memref_slice %arg2[%run_scoped3A, %dma_start3A] : memref<2x10240xf32, #tpu.memory_space<hbm>> -> memref<1x10240xf32, #tpu.memory_space<hbm>>
      %dma_start3A_11 = tpu.memref_squeeze %dma_start3A_10 : memref<1x10240xf32, #tpu.memory_space<hbm>> -> memref<10240xf32, #tpu.memory_space<hbm>>
      %dma_start3A_12 = arith.constant 0 : i32
      %dma_start3A_13 = tpu.memref_slice %arg2[%run_scoped3A, %dma_start3A_12] : memref<2x10240xf32, #tpu.memory_space<hbm>> -> memref<1x10240xf32, #tpu.memory_space<hbm>>
      %dma_start3A_14 = tpu.memref_squeeze %dma_start3A_13 : memref<1x10240xf32, #tpu.memory_space<hbm>> -> memref<10240xf32, #tpu.memory_space<hbm>>
      tpu.enqueue_dma source(%dma_start3A_14 : memref<10240xf32, #tpu.memory_space<hbm>>) target(%arg6 : memref<10240xf32, #tpu.memory_space<vmem>>) target_semaphore(%run_scoped3A_9 : memref<!tpu.dma_semaphore, #tpu.memory_space<semaphore_mem>>)
      %dma_wait3A = arith.constant 0 : i32
      %dma_wait3A_15 = tpu.memref_slice %arg2[%run_scoped3A, %dma_wait3A] : memref<2x10240xf32, #tpu.memory_space<hbm>> -> memref<1x10240xf32, #tpu.memory_space<hbm>>
      %dma_wait3A_16 = tpu.memref_squeeze %dma_wait3A_15 : memref<1x10240xf32, #tpu.memory_space<hbm>> -> memref<10240xf32, #tpu.memory_space<hbm>>
      %dma_wait3A_17 = arith.constant 0 : i32
      %dma_wait3A_18 = tpu.memref_slice %arg2[%run_scoped3A, %dma_wait3A_17] : memref<2x10240xf32, #tpu.memory_space<hbm>> -> memref<1x10240xf32, #tpu.memory_space<hbm>>
      %dma_wait3A_19 = tpu.memref_squeeze %dma_wait3A_18 : memref<1x10240xf32, #tpu.memory_space<hbm>> -> memref<10240xf32, #tpu.memory_space<hbm>>
      tpu.wait_dma2 semaphore(%run_scoped3A_9 : memref<!tpu.dma_semaphore, #tpu.memory_space<semaphore_mem>>) src(%dma_wait3A_19 : memref<10240xf32, #tpu.memory_space<hbm>>) dst(%arg6 : memref<10240xf32, #tpu.memory_space<vmem>>)
      tpu.yield
    }) : () -> ()
    %run_scoped3A_3 = arith.constant 1 : i32
    "tpu.region"() ({
      %run_scoped3A_9 = tpu.sem_alloc : memref<!tpu.dma_semaphore, #tpu.memory_space<semaphore_mem>>
      %dma_start3A = arith.constant 0 : i32
      %dma_start3A_10 = tpu.memref_slice %arg2[%run_scoped3A_3, %dma_start3A] : memref<2x10240xf32, #tpu.memory_space<hbm>> -> memref<1x10240xf32, #tpu.memory_space<hbm>>
      %dma_start3A_11 = tpu.memref_squeeze %dma_start3A_10 : memref<1x10240xf32, #tpu.memory_space<hbm>> -> memref<10240xf32, #tpu.memory_space<hbm>>
      %dma_start3A_12 = arith.constant 0 : i32
      %dma_start3A_13 = tpu.memref_slice %arg2[%run_scoped3A_3, %dma_start3A_12] : memref<2x10240xf32, #tpu.memory_space<hbm>> -> memref<1x10240xf32, #tpu.memory_space<hbm>>
      %dma_start3A_14 = tpu.memref_squeeze %dma_start3A_13 : memref<1x10240xf32, #tpu.memory_space<hbm>> -> memref<10240xf32, #tpu.memory_space<hbm>>
      tpu.enqueue_dma source(%dma_start3A_14 : memref<10240xf32, #tpu.memory_space<hbm>>) target(%arg7 : memref<10240xf32, #tpu.memory_space<vmem>>) target_semaphore(%run_scoped3A_9 : memref<!tpu.dma_semaphore, #tpu.memory_space<semaphore_mem>>)
      %dma_wait3A = arith.constant 0 : i32
      %dma_wait3A_15 = tpu.memref_slice %arg2[%run_scoped3A_3, %dma_wait3A] : memref<2x10240xf32, #tpu.memory_space<hbm>> -> memref<1x10240xf32, #tpu.memory_space<hbm>>
      %dma_wait3A_16 = tpu.memref_squeeze %dma_wait3A_15 : memref<1x10240xf32, #tpu.memory_space<hbm>> -> memref<10240xf32, #tpu.memory_space<hbm>>
      %dma_wait3A_17 = arith.constant 0 : i32
      %dma_wait3A_18 = tpu.memref_slice %arg2[%run_scoped3A_3, %dma_wait3A_17] : memref<2x10240xf32, #tpu.memory_space<hbm>> -> memref<1x10240xf32, #tpu.memory_space<hbm>>
      %dma_wait3A_19 = tpu.memref_squeeze %dma_wait3A_18 : memref<1x10240xf32, #tpu.memory_space<hbm>> -> memref<10240xf32, #tpu.memory_space<hbm>>
      tpu.wait_dma2 semaphore(%run_scoped3A_9 : memref<!tpu.dma_semaphore, #tpu.memory_space<semaphore_mem>>) src(%dma_wait3A_19 : memref<10240xf32, #tpu.memory_space<hbm>>) dst(%arg7 : memref<10240xf32, #tpu.memory_space<vmem>>)
      tpu.yield
    }) : () -> ()
    "tpu.region"() ({
      %run_scoped3A_9 = tpu.sem_alloc : memref<!tpu.dma_semaphore, #tpu.memory_space<semaphore_mem>>
      %dma_start3A = arith.constant 0 : i32
      %dma_start3A_10 = tpu.memref_slice %arg3[%add3A, %dma_start3A] : memref<32x3136xi32, #tpu.memory_space<hbm>> -> memref<1x3136xi32, #tpu.memory_space<hbm>>
      %dma_start3A_11 = tpu.memref_squeeze %dma_start3A_10 : memref<1x3136xi32, #tpu.memory_space<hbm>> -> memref<3136xi32, #tpu.memory_space<hbm>>
      %dma_start3A_12 = arith.constant 0 : i32
      %dma_start3A_13 = tpu.memref_slice %arg3[%add3A, %dma_start3A_12] : memref<32x3136xi32, #tpu.memory_space<hbm>> -> memref<1x3136xi32, #tpu.memory_space<hbm>>
      %dma_start3A_14 = tpu.memref_squeeze %dma_start3A_13 : memref<1x3136xi32, #tpu.memory_space<hbm>> -> memref<3136xi32, #tpu.memory_space<hbm>>
      tpu.enqueue_dma source(%dma_start3A_14 : memref<3136xi32, #tpu.memory_space<hbm>>) target(%arg8 : memref<3136xi32, #tpu.memory_space<vmem>>) target_semaphore(%run_scoped3A_9 : memref<!tpu.dma_semaphore, #tpu.memory_space<semaphore_mem>>)
      %dma_wait3A = arith.constant 0 : i32
      %dma_wait3A_15 = tpu.memref_slice %arg3[%add3A, %dma_wait3A] : memref<32x3136xi32, #tpu.memory_space<hbm>> -> memref<1x3136xi32, #tpu.memory_space<hbm>>
      %dma_wait3A_16 = tpu.memref_squeeze %dma_wait3A_15 : memref<1x3136xi32, #tpu.memory_space<hbm>> -> memref<3136xi32, #tpu.memory_space<hbm>>
      %dma_wait3A_17 = arith.constant 0 : i32
      %dma_wait3A_18 = tpu.memref_slice %arg3[%add3A, %dma_wait3A_17] : memref<32x3136xi32, #tpu.memory_space<hbm>> -> memref<1x3136xi32, #tpu.memory_space<hbm>>
      %dma_wait3A_19 = tpu.memref_squeeze %dma_wait3A_18 : memref<1x3136xi32, #tpu.memory_space<hbm>> -> memref<3136xi32, #tpu.memory_space<hbm>>
      tpu.wait_dma2 semaphore(%run_scoped3A_9 : memref<!tpu.dma_semaphore, #tpu.memory_space<semaphore_mem>>) src(%dma_wait3A_19 : memref<3136xi32, #tpu.memory_space<hbm>>) dst(%arg8 : memref<3136xi32, #tpu.memory_space<vmem>>)
      tpu.yield
    }) : () -> ()
    "tpu.region"() ({
      %run_scoped3A_9 = tpu.sem_alloc : memref<!tpu.dma_semaphore, #tpu.memory_space<semaphore_mem>>
      %dma_start3A = arith.constant 0 : i32
      %dma_start3A_10 = tpu.memref_slice %arg4[%add3A, %dma_start3A] : memref<32x3136xi32, #tpu.memory_space<hbm>> -> memref<1x3136xi32, #tpu.memory_space<hbm>>
      %dma_start3A_11 = tpu.memref_squeeze %dma_start3A_10 : memref<1x3136xi32, #tpu.memory_space<hbm>> -> memref<3136xi32, #tpu.memory_space<hbm>>
      %dma_start3A_12 = arith.constant 0 : i32
      %dma_start3A_13 = tpu.memref_slice %arg4[%add3A, %dma_start3A_12] : memref<32x3136xi32, #tpu.memory_space<hbm>> -> memref<1x3136xi32, #tpu.memory_space<hbm>>
      %dma_start3A_14 = tpu.memref_squeeze %dma_start3A_13 : memref<1x3136xi32, #tpu.memory_space<hbm>> -> memref<3136xi32, #tpu.memory_space<hbm>>
      tpu.enqueue_dma source(%dma_start3A_14 : memref<3136xi32, #tpu.memory_space<hbm>>) target(%arg9 : memref<3136xi32, #tpu.memory_space<vmem>>) target_semaphore(%run_scoped3A_9 : memref<!tpu.dma_semaphore, #tpu.memory_space<semaphore_mem>>)
      %dma_wait3A = arith.constant 0 : i32
      %dma_wait3A_15 = tpu.memref_slice %arg4[%add3A, %dma_wait3A] : memref<32x3136xi32, #tpu.memory_space<hbm>> -> memref<1x3136xi32, #tpu.memory_space<hbm>>
      %dma_wait3A_16 = tpu.memref_squeeze %dma_wait3A_15 : memref<1x3136xi32, #tpu.memory_space<hbm>> -> memref<3136xi32, #tpu.memory_space<hbm>>
      %dma_wait3A_17 = arith.constant 0 : i32
      %dma_wait3A_18 = tpu.memref_slice %arg4[%add3A, %dma_wait3A_17] : memref<32x3136xi32, #tpu.memory_space<hbm>> -> memref<1x3136xi32, #tpu.memory_space<hbm>>
      %dma_wait3A_19 = tpu.memref_squeeze %dma_wait3A_18 : memref<1x3136xi32, #tpu.memory_space<hbm>> -> memref<3136xi32, #tpu.memory_space<hbm>>
      tpu.wait_dma2 semaphore(%run_scoped3A_9 : memref<!tpu.dma_semaphore, #tpu.memory_space<semaphore_mem>>) src(%dma_wait3A_19 : memref<3136xi32, #tpu.memory_space<hbm>>) dst(%arg9 : memref<3136xi32, #tpu.memory_space<vmem>>)
      tpu.yield
    }) : () -> ()
    %scan3A = arith.constant 0 : i32
    %scan3A_4 = arith.constant 0 : i32
    %scan3A_5 = arith.constant 196 : i32
    %scan3A_6 = arith.addi %scan3A_4, %scan3A_5 : i32
    %scan3A_7 = arith.constant 1 : i32
    scf.for %scan3A_9 = %scan3A_4 to %scan3A_6 step %scan3A_7  : i32 {
      %mul3A_10 = arith.constant 16 : i32
      %mul3A_11 = arith.muli %scan3A_9, %mul3A_10 : i32
      %get3A = arith.index_cast %mul3A_11 : i32 to index
      %get3A_12 = tpu.vector_load %arg8[%get3A] {strides = array<i32>} : memref<3136xi32, #tpu.memory_space<vmem>>, vector<16xi32>,
      %get3A_13 = arith.index_cast %mul3A_11 : i32 to index
      %get3A_14 = tpu.vector_load %arg9[%get3A_13] {strides = array<i32>} : memref<3136xi32, #tpu.memory_space<vmem>>, vector<16xi32>,
      %gather3A = tpu.vector_load_idx %arg6[%get3A_12] : memref<10240xf32, #tpu.memory_space<vmem>>[vector<16xi32>], vector<16xf32>,
      %gather3A_15 = tpu.vector_load_idx %arg7[%get3A_14] : memref<10240xf32, #tpu.memory_space<vmem>>[vector<16xi32>], vector<16xf32>,
      %add3A_16 = arith.addf %gather3A, %gather3A_15 : vector<16xf32>
      %swap3A = arith.index_cast %mul3A_11 : i32 to index
      %swap3A_17 = tpu.vector_load %arg10[%swap3A] {strides = array<i32>} : memref<3136xf32, #tpu.memory_space<vmem>>, vector<16xf32>,
      tpu.vector_store %arg10[%swap3A], %add3A_16 {strides = array<i32>} : memref<3136xf32, #tpu.memory_space<vmem>>, vector<16xf32>,
    }
    %scan3A_8 = arith.constant 196 : i32
    "tpu.region"() ({
      %run_scoped3A_9 = tpu.sem_alloc : memref<!tpu.dma_semaphore, #tpu.memory_space<semaphore_mem>>
      %dma_start3A = tpu.memref_slice %arg5[%mul3A_2] : memref<100352xf32, #tpu.memory_space<hbm>> -> memref<3136xf32, #tpu.memory_space<hbm>>
      %dma_start3A_10 = tpu.memref_slice %arg5[%mul3A_2] : memref<100352xf32, #tpu.memory_space<hbm>> -> memref<3136xf32, #tpu.memory_space<hbm>>
      tpu.enqueue_dma source(%arg10 : memref<3136xf32, #tpu.memory_space<vmem>>) target(%dma_start3A_10 : memref<3136xf32, #tpu.memory_space<hbm>>) target_semaphore(%run_scoped3A_9 : memref<!tpu.dma_semaphore, #tpu.memory_space<semaphore_mem>>)
      %dma_wait3A = tpu.memref_slice %arg5[%mul3A_2] : memref<100352xf32, #tpu.memory_space<hbm>> -> memref<3136xf32, #tpu.memory_space<hbm>>
      %dma_wait3A_11 = tpu.memref_slice %arg5[%mul3A_2] : memref<100352xf32, #tpu.memory_space<hbm>> -> memref<3136xf32, #tpu.memory_space<hbm>>
      tpu.wait_dma2 semaphore(%run_scoped3A_9 : memref<!tpu.dma_semaphore, #tpu.memory_space<semaphore_mem>>) src(%arg10 : memref<3136xf32, #tpu.memory_space<vmem>>) dst(%dma_wait3A_11 : memref<3136xf32, #tpu.memory_space<hbm>>)
      tpu.yield
    }) : () -> ()
    return
  }
}

#map = affine_map<(d0, d1) -> (0, 0)>
#map1 = affine_map<(d0, d1) -> (0)>
#map2 = affine_map<(d0, d1) -> (0, 0, 0)>
module attributes {stable_mosaic.version = 14 : i64} {
  func.func @_sc_agg2_body(%arg0: i32, %arg1: i32, %arg2: memref<4x10240xf32, #tpu.memory_space<hbm>>, %arg3: memref<32x10240xi32, #tpu.memory_space<hbm>>, %arg4: memref<32x10240xi32, #tpu.memory_space<hbm>>, %arg5: memref<10240xf32, #tpu.memory_space<hbm>>, %arg6: memref<32x2x10240xf32, #tpu.memory_space<hbm>>, %arg7: memref<10240xi32, #tpu.memory_space<vmem>>, %arg8: memref<10240xi32, #tpu.memory_space<vmem>>, %arg9: memref<10240xf32, #tpu.memory_space<vmem>>, %arg10: memref<10240xf32, #tpu.memory_space<vmem>>, %arg11: memref<10240xf32, #tpu.memory_space<vmem>>, %arg12: memref<10240xf32, #tpu.memory_space<vmem>>) attributes {dimension_semantics = [#tpu.dimension_semantics<core_parallel>, #tpu.dimension_semantics<subcore_parallel>], iteration_bounds = array<i64: 2, 16>, scalar_prefetch = 0 : i64, scratch_operands = 6 : i64, tpu.core_type = #tpu.core_type<sc_vector_subcore>, window_params = [{transform_indices = #map}, {transform_indices = #map}, {transform_indices = #map}, {transform_indices = #map1}, {transform_indices = #map2}]} {
    %mul3A = arith.constant 2 : i32
    %mul3A_0 = arith.muli %arg1, %mul3A : i32
    %add3A = arith.addi %mul3A_0, %arg0 : i32
    "tpu.region"() ({
      %run_scoped3A_9 = tpu.sem_alloc : memref<!tpu.dma_semaphore, #tpu.memory_space<semaphore_mem>>
      tpu.enqueue_dma source(%arg5 : memref<10240xf32, #tpu.memory_space<hbm>>) target(%arg11 : memref<10240xf32, #tpu.memory_space<vmem>>) target_semaphore(%run_scoped3A_9 : memref<!tpu.dma_semaphore, #tpu.memory_space<semaphore_mem>>)
      tpu.wait_dma2 semaphore(%run_scoped3A_9 : memref<!tpu.dma_semaphore, #tpu.memory_space<semaphore_mem>>) src(%arg5 : memref<10240xf32, #tpu.memory_space<hbm>>) dst(%arg11 : memref<10240xf32, #tpu.memory_space<vmem>>)
      tpu.yield
    }) : () -> ()
    "tpu.region"() ({
      %run_scoped3A_9 = tpu.sem_alloc : memref<!tpu.dma_semaphore, #tpu.memory_space<semaphore_mem>>
      tpu.enqueue_dma source(%arg5 : memref<10240xf32, #tpu.memory_space<hbm>>) target(%arg12 : memref<10240xf32, #tpu.memory_space<vmem>>) target_semaphore(%run_scoped3A_9 : memref<!tpu.dma_semaphore, #tpu.memory_space<semaphore_mem>>)
      tpu.wait_dma2 semaphore(%run_scoped3A_9 : memref<!tpu.dma_semaphore, #tpu.memory_space<semaphore_mem>>) src(%arg5 : memref<10240xf32, #tpu.memory_space<hbm>>) dst(%arg12 : memref<10240xf32, #tpu.memory_space<vmem>>)
      tpu.yield
    }) : () -> ()
    %run_scoped3A = arith.constant 2 : i32
    "tpu.region"() ({
      %run_scoped3A_9 = tpu.sem_alloc : memref<!tpu.dma_semaphore, #tpu.memory_space<semaphore_mem>>
      %dma_start3A = arith.constant 0 : i32
      %dma_start3A_10 = tpu.memref_slice %arg2[%run_scoped3A, %dma_start3A] : memref<4x10240xf32, #tpu.memory_space<hbm>> -> memref<1x10240xf32, #tpu.memory_space<hbm>>
      %dma_start3A_11 = tpu.memref_squeeze %dma_start3A_10 : memref<1x10240xf32, #tpu.memory_space<hbm>> -> memref<10240xf32, #tpu.memory_space<hbm>>
      %dma_start3A_12 = arith.constant 0 : i32
      %dma_start3A_13 = tpu.memref_slice %arg2[%run_scoped3A, %dma_start3A_12] : memref<4x10240xf32, #tpu.memory_space<hbm>> -> memref<1x10240xf32, #tpu.memory_space<hbm>>
      %dma_start3A_14 = tpu.memref_squeeze %dma_start3A_13 : memref<1x10240xf32, #tpu.memory_space<hbm>> -> memref<10240xf32, #tpu.memory_space<hbm>>
      tpu.enqueue_dma source(%dma_start3A_14 : memref<10240xf32, #tpu.memory_space<hbm>>) target(%arg9 : memref<10240xf32, #tpu.memory_space<vmem>>) target_semaphore(%run_scoped3A_9 : memref<!tpu.dma_semaphore, #tpu.memory_space<semaphore_mem>>)
      %dma_wait3A = arith.constant 0 : i32
      %dma_wait3A_15 = tpu.memref_slice %arg2[%run_scoped3A, %dma_wait3A] : memref<4x10240xf32, #tpu.memory_space<hbm>> -> memref<1x10240xf32, #tpu.memory_space<hbm>>
      %dma_wait3A_16 = tpu.memref_squeeze %dma_wait3A_15 : memref<1x10240xf32, #tpu.memory_space<hbm>> -> memref<10240xf32, #tpu.memory_space<hbm>>
      %dma_wait3A_17 = arith.constant 0 : i32
      %dma_wait3A_18 = tpu.memref_slice %arg2[%run_scoped3A, %dma_wait3A_17] : memref<4x10240xf32, #tpu.memory_space<hbm>> -> memref<1x10240xf32, #tpu.memory_space<hbm>>
      %dma_wait3A_19 = tpu.memref_squeeze %dma_wait3A_18 : memref<1x10240xf32, #tpu.memory_space<hbm>> -> memref<10240xf32, #tpu.memory_space<hbm>>
      tpu.wait_dma2 semaphore(%run_scoped3A_9 : memref<!tpu.dma_semaphore, #tpu.memory_space<semaphore_mem>>) src(%dma_wait3A_19 : memref<10240xf32, #tpu.memory_space<hbm>>) dst(%arg9 : memref<10240xf32, #tpu.memory_space<vmem>>)
      tpu.yield
    }) : () -> ()
    %run_scoped3A_1 = arith.constant 3 : i32
    "tpu.region"() ({
      %run_scoped3A_9 = tpu.sem_alloc : memref<!tpu.dma_semaphore, #tpu.memory_space<semaphore_mem>>
      %dma_start3A = arith.constant 0 : i32
      %dma_start3A_10 = tpu.memref_slice %arg2[%run_scoped3A_1, %dma_start3A] : memref<4x10240xf32, #tpu.memory_space<hbm>> -> memref<1x10240xf32, #tpu.memory_space<hbm>>
      %dma_start3A_11 = tpu.memref_squeeze %dma_start3A_10 : memref<1x10240xf32, #tpu.memory_space<hbm>> -> memref<10240xf32, #tpu.memory_space<hbm>>
      %dma_start3A_12 = arith.constant 0 : i32
      %dma_start3A_13 = tpu.memref_slice %arg2[%run_scoped3A_1, %dma_start3A_12] : memref<4x10240xf32, #tpu.memory_space<hbm>> -> memref<1x10240xf32, #tpu.memory_space<hbm>>
      %dma_start3A_14 = tpu.memref_squeeze %dma_start3A_13 : memref<1x10240xf32, #tpu.memory_space<hbm>> -> memref<10240xf32, #tpu.memory_space<hbm>>
      tpu.enqueue_dma source(%dma_start3A_14 : memref<10240xf32, #tpu.memory_space<hbm>>) target(%arg10 : memref<10240xf32, #tpu.memory_space<vmem>>) target_semaphore(%run_scoped3A_9 : memref<!tpu.dma_semaphore, #tpu.memory_space<semaphore_mem>>)
      %dma_wait3A = arith.constant 0 : i32
      %dma_wait3A_15 = tpu.memref_slice %arg2[%run_scoped3A_1, %dma_wait3A] : memref<4x10240xf32, #tpu.memory_space<hbm>> -> memref<1x10240xf32, #tpu.memory_space<hbm>>
      %dma_wait3A_16 = tpu.memref_squeeze %dma_wait3A_15 : memref<1x10240xf32, #tpu.memory_space<hbm>> -> memref<10240xf32, #tpu.memory_space<hbm>>
      %dma_wait3A_17 = arith.constant 0 : i32
      %dma_wait3A_18 = tpu.memref_slice %arg2[%run_scoped3A_1, %dma_wait3A_17] : memref<4x10240xf32, #tpu.memory_space<hbm>> -> memref<1x10240xf32, #tpu.memory_space<hbm>>
      %dma_wait3A_19 = tpu.memref_squeeze %dma_wait3A_18 : memref<1x10240xf32, #tpu.memory_space<hbm>> -> memref<10240xf32, #tpu.memory_space<hbm>>
      tpu.wait_dma2 semaphore(%run_scoped3A_9 : memref<!tpu.dma_semaphore, #tpu.memory_space<semaphore_mem>>) src(%dma_wait3A_19 : memref<10240xf32, #tpu.memory_space<hbm>>) dst(%arg10 : memref<10240xf32, #tpu.memory_space<vmem>>)
      tpu.yield
    }) : () -> ()
    "tpu.region"() ({
      %run_scoped3A_9 = tpu.sem_alloc : memref<!tpu.dma_semaphore, #tpu.memory_space<semaphore_mem>>
      %dma_start3A = arith.constant 0 : i32
      %dma_start3A_10 = tpu.memref_slice %arg3[%add3A, %dma_start3A] : memref<32x10240xi32, #tpu.memory_space<hbm>> -> memref<1x10240xi32, #tpu.memory_space<hbm>>
      %dma_start3A_11 = tpu.memref_squeeze %dma_start3A_10 : memref<1x10240xi32, #tpu.memory_space<hbm>> -> memref<10240xi32, #tpu.memory_space<hbm>>
      %dma_start3A_12 = arith.constant 0 : i32
      %dma_start3A_13 = tpu.memref_slice %arg3[%add3A, %dma_start3A_12] : memref<32x10240xi32, #tpu.memory_space<hbm>> -> memref<1x10240xi32, #tpu.memory_space<hbm>>
      %dma_start3A_14 = tpu.memref_squeeze %dma_start3A_13 : memref<1x10240xi32, #tpu.memory_space<hbm>> -> memref<10240xi32, #tpu.memory_space<hbm>>
      tpu.enqueue_dma source(%dma_start3A_14 : memref<10240xi32, #tpu.memory_space<hbm>>) target(%arg7 : memref<10240xi32, #tpu.memory_space<vmem>>) target_semaphore(%run_scoped3A_9 : memref<!tpu.dma_semaphore, #tpu.memory_space<semaphore_mem>>)
      %dma_wait3A = arith.constant 0 : i32
      %dma_wait3A_15 = tpu.memref_slice %arg3[%add3A, %dma_wait3A] : memref<32x10240xi32, #tpu.memory_space<hbm>> -> memref<1x10240xi32, #tpu.memory_space<hbm>>
      %dma_wait3A_16 = tpu.memref_squeeze %dma_wait3A_15 : memref<1x10240xi32, #tpu.memory_space<hbm>> -> memref<10240xi32, #tpu.memory_space<hbm>>
      %dma_wait3A_17 = arith.constant 0 : i32
      %dma_wait3A_18 = tpu.memref_slice %arg3[%add3A, %dma_wait3A_17] : memref<32x10240xi32, #tpu.memory_space<hbm>> -> memref<1x10240xi32, #tpu.memory_space<hbm>>
      %dma_wait3A_19 = tpu.memref_squeeze %dma_wait3A_18 : memref<1x10240xi32, #tpu.memory_space<hbm>> -> memref<10240xi32, #tpu.memory_space<hbm>>
      tpu.wait_dma2 semaphore(%run_scoped3A_9 : memref<!tpu.dma_semaphore, #tpu.memory_space<semaphore_mem>>) src(%dma_wait3A_19 : memref<10240xi32, #tpu.memory_space<hbm>>) dst(%arg7 : memref<10240xi32, #tpu.memory_space<vmem>>)
      tpu.yield
    }) : () -> ()
    "tpu.region"() ({
      %run_scoped3A_9 = tpu.sem_alloc : memref<!tpu.dma_semaphore, #tpu.memory_space<semaphore_mem>>
      %dma_start3A = arith.constant 0 : i32
      %dma_start3A_10 = tpu.memref_slice %arg4[%add3A, %dma_start3A] : memref<32x10240xi32, #tpu.memory_space<hbm>> -> memref<1x10240xi32, #tpu.memory_space<hbm>>
      %dma_start3A_11 = tpu.memref_squeeze %dma_start3A_10 : memref<1x10240xi32, #tpu.memory_space<hbm>> -> memref<10240xi32, #tpu.memory_space<hbm>>
      %dma_start3A_12 = arith.constant 0 : i32
      %dma_start3A_13 = tpu.memref_slice %arg4[%add3A, %dma_start3A_12] : memref<32x10240xi32, #tpu.memory_space<hbm>> -> memref<1x10240xi32, #tpu.memory_space<hbm>>
      %dma_start3A_14 = tpu.memref_squeeze %dma_start3A_13 : memref<1x10240xi32, #tpu.memory_space<hbm>> -> memref<10240xi32, #tpu.memory_space<hbm>>
      tpu.enqueue_dma source(%dma_start3A_14 : memref<10240xi32, #tpu.memory_space<hbm>>) target(%arg8 : memref<10240xi32, #tpu.memory_space<vmem>>) target_semaphore(%run_scoped3A_9 : memref<!tpu.dma_semaphore, #tpu.memory_space<semaphore_mem>>)
      %dma_wait3A = arith.constant 0 : i32
      %dma_wait3A_15 = tpu.memref_slice %arg4[%add3A, %dma_wait3A] : memref<32x10240xi32, #tpu.memory_space<hbm>> -> memref<1x10240xi32, #tpu.memory_space<hbm>>
      %dma_wait3A_16 = tpu.memref_squeeze %dma_wait3A_15 : memref<1x10240xi32, #tpu.memory_space<hbm>> -> memref<10240xi32, #tpu.memory_space<hbm>>
      %dma_wait3A_17 = arith.constant 0 : i32
      %dma_wait3A_18 = tpu.memref_slice %arg4[%add3A, %dma_wait3A_17] : memref<32x10240xi32, #tpu.memory_space<hbm>> -> memref<1x10240xi32, #tpu.memory_space<hbm>>
      %dma_wait3A_19 = tpu.memref_squeeze %dma_wait3A_18 : memref<1x10240xi32, #tpu.memory_space<hbm>> -> memref<10240xi32, #tpu.memory_space<hbm>>
      tpu.wait_dma2 semaphore(%run_scoped3A_9 : memref<!tpu.dma_semaphore, #tpu.memory_space<semaphore_mem>>) src(%dma_wait3A_19 : memref<10240xi32, #tpu.memory_space<hbm>>) dst(%arg8 : memref<10240xi32, #tpu.memory_space<vmem>>)
      tpu.yield
    }) : () -> ()
    %scan3A = arith.constant 0 : i32
    %scan3A_2 = arith.constant 0 : i32
    %scan3A_3 = arith.constant 640 : i32
    %scan3A_4 = arith.addi %scan3A_2, %scan3A_3 : i32
    %scan3A_5 = arith.constant 1 : i32
    scf.for %scan3A_9 = %scan3A_2 to %scan3A_4 step %scan3A_5  : i32 {
      %mul3A_10 = arith.constant 16 : i32
      %mul3A_11 = arith.muli %scan3A_9, %mul3A_10 : i32
      %get3A = arith.index_cast %mul3A_11 : i32 to index
      %get3A_12 = tpu.vector_load %arg7[%get3A] {strides = array<i32>} : memref<10240xi32, #tpu.memory_space<vmem>>, vector<16xi32>,
      %get3A_13 = arith.index_cast %mul3A_11 : i32 to index
      %get3A_14 = tpu.vector_load %arg8[%get3A_13] {strides = array<i32>} : memref<10240xi32, #tpu.memory_space<vmem>>, vector<16xi32>,
      %gather3A = tpu.vector_load_idx %arg9[%get3A_12] : memref<10240xf32, #tpu.memory_space<vmem>>[vector<16xi32>], vector<16xf32>,
      %gather3A_15 = tpu.vector_load_idx %arg10[%get3A_12] : memref<10240xf32, #tpu.memory_space<vmem>>[vector<16xi32>], vector<16xf32>,
      tpu.vector_store_idx %arg11[%get3A_14], %gather3A {add = true} : memref<10240xf32, #tpu.memory_space<vmem>>[vector<16xi32>], vector<16xf32>,
      tpu.vector_store_idx %arg12[%get3A_14], %gather3A_15 {add = true} : memref<10240xf32, #tpu.memory_space<vmem>>[vector<16xi32>], vector<16xf32>,
    }
    %scan3A_6 = arith.constant 640 : i32
    %run_scoped3A_7 = arith.constant 0 : i32
    "tpu.region"() ({
      %run_scoped3A_9 = tpu.sem_alloc : memref<!tpu.dma_semaphore, #tpu.memory_space<semaphore_mem>>
      %dma_start3A = arith.constant 0 : i32
      %dma_start3A_10 = tpu.memref_slice %arg6[%add3A, %run_scoped3A_7, %dma_start3A] : memref<32x2x10240xf32, #tpu.memory_space<hbm>> -> memref<1x1x10240xf32, #tpu.memory_space<hbm>>
      %dma_start3A_11 = tpu.memref_squeeze %dma_start3A_10 : memref<1x1x10240xf32, #tpu.memory_space<hbm>> -> memref<10240xf32, #tpu.memory_space<hbm>>
      %dma_start3A_12 = arith.constant 0 : i32
      %dma_start3A_13 = tpu.memref_slice %arg6[%add3A, %run_scoped3A_7, %dma_start3A_12] : memref<32x2x10240xf32, #tpu.memory_space<hbm>> -> memref<1x1x10240xf32, #tpu.memory_space<hbm>>
      %dma_start3A_14 = tpu.memref_squeeze %dma_start3A_13 : memref<1x1x10240xf32, #tpu.memory_space<hbm>> -> memref<10240xf32, #tpu.memory_space<hbm>>
      tpu.enqueue_dma source(%arg11 : memref<10240xf32, #tpu.memory_space<vmem>>) target(%dma_start3A_14 : memref<10240xf32, #tpu.memory_space<hbm>>) target_semaphore(%run_scoped3A_9 : memref<!tpu.dma_semaphore, #tpu.memory_space<semaphore_mem>>)
      %dma_wait3A = arith.constant 0 : i32
      %dma_wait3A_15 = tpu.memref_slice %arg6[%add3A, %run_scoped3A_7, %dma_wait3A] : memref<32x2x10240xf32, #tpu.memory_space<hbm>> -> memref<1x1x10240xf32, #tpu.memory_space<hbm>>
      %dma_wait3A_16 = tpu.memref_squeeze %dma_wait3A_15 : memref<1x1x10240xf32, #tpu.memory_space<hbm>> -> memref<10240xf32, #tpu.memory_space<hbm>>
      %dma_wait3A_17 = arith.constant 0 : i32
      %dma_wait3A_18 = tpu.memref_slice %arg6[%add3A, %run_scoped3A_7, %dma_wait3A_17] : memref<32x2x10240xf32, #tpu.memory_space<hbm>> -> memref<1x1x10240xf32, #tpu.memory_space<hbm>>
      %dma_wait3A_19 = tpu.memref_squeeze %dma_wait3A_18 : memref<1x1x10240xf32, #tpu.memory_space<hbm>> -> memref<10240xf32, #tpu.memory_space<hbm>>
      tpu.wait_dma2 semaphore(%run_scoped3A_9 : memref<!tpu.dma_semaphore, #tpu.memory_space<semaphore_mem>>) src(%arg11 : memref<10240xf32, #tpu.memory_space<vmem>>) dst(%dma_wait3A_19 : memref<10240xf32, #tpu.memory_space<hbm>>)
      tpu.yield
    }) : () -> ()
    %run_scoped3A_8 = arith.constant 1 : i32
    "tpu.region"() ({
      %run_scoped3A_9 = tpu.sem_alloc : memref<!tpu.dma_semaphore, #tpu.memory_space<semaphore_mem>>
      %dma_start3A = arith.constant 0 : i32
      %dma_start3A_10 = tpu.memref_slice %arg6[%add3A, %run_scoped3A_8, %dma_start3A] : memref<32x2x10240xf32, #tpu.memory_space<hbm>> -> memref<1x1x10240xf32, #tpu.memory_space<hbm>>
      %dma_start3A_11 = tpu.memref_squeeze %dma_start3A_10 : memref<1x1x10240xf32, #tpu.memory_space<hbm>> -> memref<10240xf32, #tpu.memory_space<hbm>>
      %dma_start3A_12 = arith.constant 0 : i32
      %dma_start3A_13 = tpu.memref_slice %arg6[%add3A, %run_scoped3A_8, %dma_start3A_12] : memref<32x2x10240xf32, #tpu.memory_space<hbm>> -> memref<1x1x10240xf32, #tpu.memory_space<hbm>>
      %dma_start3A_14 = tpu.memref_squeeze %dma_start3A_13 : memref<1x1x10240xf32, #tpu.memory_space<hbm>> -> memref<10240xf32, #tpu.memory_space<hbm>>
      tpu.enqueue_dma source(%arg12 : memref<10240xf32, #tpu.memory_space<vmem>>) target(%dma_start3A_14 : memref<10240xf32, #tpu.memory_space<hbm>>) target_semaphore(%run_scoped3A_9 : memref<!tpu.dma_semaphore, #tpu.memory_space<semaphore_mem>>)
      %dma_wait3A = arith.constant 0 : i32
      %dma_wait3A_15 = tpu.memref_slice %arg6[%add3A, %run_scoped3A_8, %dma_wait3A] : memref<32x2x10240xf32, #tpu.memory_space<hbm>> -> memref<1x1x10240xf32, #tpu.memory_space<hbm>>
      %dma_wait3A_16 = tpu.memref_squeeze %dma_wait3A_15 : memref<1x1x10240xf32, #tpu.memory_space<hbm>> -> memref<10240xf32, #tpu.memory_space<hbm>>
      %dma_wait3A_17 = arith.constant 0 : i32
      %dma_wait3A_18 = tpu.memref_slice %arg6[%add3A, %run_scoped3A_8, %dma_wait3A_17] : memref<32x2x10240xf32, #tpu.memory_space<hbm>> -> memref<1x1x10240xf32, #tpu.memory_space<hbm>>
      %dma_wait3A_19 = tpu.memref_squeeze %dma_wait3A_18 : memref<1x1x10240xf32, #tpu.memory_space<hbm>> -> memref<10240xf32, #tpu.memory_space<hbm>>
      tpu.wait_dma2 semaphore(%run_scoped3A_9 : memref<!tpu.dma_semaphore, #tpu.memory_space<semaphore_mem>>) src(%arg12 : memref<10240xf32, #tpu.memory_space<vmem>>) dst(%dma_wait3A_19 : memref<10240xf32, #tpu.memory_space<hbm>>)
      tpu.yield
    }) : () -> ()
    return
  }
}

#map = affine_map<(d0, d1) -> (0, 0)>
#map1 = affine_map<(d0, d1) -> (0)>
#map2 = affine_map<(d0, d1) -> (0, 0, 0)>
module attributes {stable_mosaic.version = 14 : i64} {
  func.func @_sc_agg1_body(%arg0: i32, %arg1: i32, %arg2: memref<10240x128xf32, #tpu.memory_space<hbm>>, %arg3: memref<2560x128xi32, #tpu.memory_space<hbm>>, %arg4: memref<2560x128xi32, #tpu.memory_space<hbm>>, %arg5: memref<10240x128xf32, #tpu.memory_space<hbm>>, %arg6: memref<10240xf32, #tpu.memory_space<hbm>>, %arg7: memref<2x10240x128xf32, #tpu.memory_space<hbm>>, %arg8: memref<32x10240xf32, #tpu.memory_space<hbm>>, %arg9: memref<4x128xi32, #tpu.memory_space<vmem>>, %arg10: memref<4x128xi32, #tpu.memory_space<vmem>>, %arg11: memref<128x128xf32, #tpu.memory_space<vmem>>, %arg12: memref<128x128xf32, #tpu.memory_space<vmem>>, %arg13: memref<10240xf32, #tpu.memory_space<vmem>>, %arg14: memref<10240x128xf32, #tpu.memory_space<vmem_shared>>, %arg15: memref<2x!tpu.dma_semaphore, #tpu.memory_space<semaphore_mem>>, %arg16: memref<2x!tpu.dma_semaphore, #tpu.memory_space<semaphore_mem>>, %arg17: memref<4x!tpu.dma_semaphore, #tpu.memory_space<semaphore_mem>>, %arg18: memref<4x!tpu.dma_semaphore, #tpu.memory_space<semaphore_mem>>) attributes {dimension_semantics = [#tpu.dimension_semantics<core_parallel>, #tpu.dimension_semantics<subcore_parallel>], iteration_bounds = array<i64: 2, 16>, scalar_prefetch = 0 : i64, scratch_operands = 10 : i64, tpu.core_type = #tpu.core_type<sc_vector_subcore>, window_params = [{transform_indices = #map}, {transform_indices = #map}, {transform_indices = #map}, {transform_indices = #map}, {transform_indices = #map1}, {transform_indices = #map2}, {transform_indices = #map}]} {
    %mul3A = arith.constant 2 : i32
    %mul3A_0 = arith.muli %arg1, %mul3A : i32
    %add3A = arith.addi %mul3A_0, %arg0 : i32
    %mul3A_1 = arith.constant 640 : i32
    %mul3A_2 = arith.muli %arg1, %mul3A_1 : i32
    %broadcast_in_dim3A = arith.constant 1.000000e+00 : f32
    %broadcast_in_dim3A_3 = vector.broadcast %broadcast_in_dim3A : f32 to vector<16xf32>
    "tpu.region"() ({
      %run_scoped3A = tpu.sem_alloc : memref<!tpu.dma_semaphore, #tpu.memory_space<semaphore_mem>>
      %dma_start3A = arith.constant 0 : i32
      %dma_start3A_12 = tpu.memref_slice %arg14[%mul3A_2, %dma_start3A] : memref<10240x128xf32, #tpu.memory_space<vmem_shared>> -> memref<640x128xf32, #tpu.memory_space<vmem_shared>>
      %dma_start3A_13 = arith.constant 0 : i32
      %dma_start3A_14 = tpu.memref_slice %arg5[%mul3A_2, %dma_start3A_13] : memref<10240x128xf32, #tpu.memory_space<hbm>> -> memref<640x128xf32, #tpu.memory_space<hbm>>
      tpu.enqueue_dma source(%dma_start3A_14 : memref<640x128xf32, #tpu.memory_space<hbm>>) target(%dma_start3A_12 : memref<640x128xf32, #tpu.memory_space<vmem_shared>>) target_semaphore(%run_scoped3A : memref<!tpu.dma_semaphore, #tpu.memory_space<semaphore_mem>>)
      %dma_wait3A = arith.constant 0 : i32
      %dma_wait3A_15 = tpu.memref_slice %arg14[%mul3A_2, %dma_wait3A] : memref<10240x128xf32, #tpu.memory_space<vmem_shared>> -> memref<640x128xf32, #tpu.memory_space<vmem_shared>>
      %dma_wait3A_16 = arith.constant 0 : i32
      %dma_wait3A_17 = tpu.memref_slice %arg5[%mul3A_2, %dma_wait3A_16] : memref<10240x128xf32, #tpu.memory_space<hbm>> -> memref<640x128xf32, #tpu.memory_space<hbm>>
      tpu.wait_dma2 semaphore(%run_scoped3A : memref<!tpu.dma_semaphore, #tpu.memory_space<semaphore_mem>>) src(%dma_wait3A_17 : memref<640x128xf32, #tpu.memory_space<hbm>>) dst(%dma_wait3A_15 : memref<640x128xf32, #tpu.memory_space<vmem_shared>>)
      tpu.yield
    }) : () -> ()
    "tpu.region"() ({
      %run_scoped3A = tpu.sem_alloc : memref<!tpu.dma_semaphore, #tpu.memory_space<semaphore_mem>>
      tpu.enqueue_dma source(%arg6 : memref<10240xf32, #tpu.memory_space<hbm>>) target(%arg13 : memref<10240xf32, #tpu.memory_space<vmem>>) target_semaphore(%run_scoped3A : memref<!tpu.dma_semaphore, #tpu.memory_space<semaphore_mem>>)
      tpu.wait_dma2 semaphore(%run_scoped3A : memref<!tpu.dma_semaphore, #tpu.memory_space<semaphore_mem>>) src(%arg6 : memref<10240xf32, #tpu.memory_space<hbm>>) dst(%arg13 : memref<10240xf32, #tpu.memory_space<vmem>>)
      tpu.yield
    }) : () -> ()
    %barrier3A = arith.constant 0 : index
    tpu.barrier barrier_id(%barrier3A)
    %eq3A = arith.constant 0 : i32
    %eq3A_4 = arith.cmpi eq, %arg0, %eq3A : i32
    %convert_element_type3A = arith.extui %eq3A_4 : i1 to i32
    %cond3A = arith.constant 0 : i32
    %cond3A_5 = arith.cmpi ne, %convert_element_type3A, %cond3A : i32
    scf.if %cond3A_5 {
      %mul3A_12 = arith.constant 80 : i32
      %mul3A_13 = arith.muli %arg1, %mul3A_12 : i32
      %add3A_14 = arith.constant 0 : i32
      %add3A_15 = arith.addi %mul3A_13, %add3A_14 : i32
      %dma_start3A = arith.constant 0 : i32
      %dma_start3A_16 = arith.constant 0 : i32
      %dma_start3A_17 = arith.constant 0 : i32
      %dma_start3A_18 = tpu.memref_slice %arg9[%dma_start3A, %dma_start3A_17] : memref<4x128xi32, #tpu.memory_space<vmem>> -> memref<1x128xi32, #tpu.memory_space<vmem>>
      %dma_start3A_19 = tpu.memref_squeeze %dma_start3A_18 : memref<1x128xi32, #tpu.memory_space<vmem>> -> memref<128xi32, #tpu.memory_space<vmem>>
      %dma_start3A_20 = arith.constant 0 : i32
      %dma_start3A_21 = tpu.memref_slice %arg3[%add3A_15, %dma_start3A_20] : memref<2560x128xi32, #tpu.memory_space<hbm>> -> memref<1x128xi32, #tpu.memory_space<hbm>>
      %dma_start3A_22 = tpu.memref_squeeze %dma_start3A_21 : memref<1x128xi32, #tpu.memory_space<hbm>> -> memref<128xi32, #tpu.memory_space<hbm>>
      %dma_start3A_23 = tpu.memref_slice %arg17[%dma_start3A_16] : memref<4x!tpu.dma_semaphore, #tpu.memory_space<semaphore_mem>> -> memref<1x!tpu.dma_semaphore, #tpu.memory_space<semaphore_mem>>
      %dma_start3A_24 = tpu.memref_squeeze %dma_start3A_23 : memref<1x!tpu.dma_semaphore, #tpu.memory_space<semaphore_mem>> -> memref<!tpu.dma_semaphore, #tpu.memory_space<semaphore_mem>>
      %dma_start3A_25 = arith.constant 0 : i32
      %dma_start3A_26 = tpu.memref_slice %arg9[%dma_start3A, %dma_start3A_25] : memref<4x128xi32, #tpu.memory_space<vmem>> -> memref<1x128xi32, #tpu.memory_space<vmem>>
      %dma_start3A_27 = tpu.memref_squeeze %dma_start3A_26 : memref<1x128xi32, #tpu.memory_space<vmem>> -> memref<128xi32, #tpu.memory_space<vmem>>
      %dma_start3A_28 = arith.constant 0 : i32
      %dma_start3A_29 = tpu.memref_slice %arg3[%add3A_15, %dma_start3A_28] : memref<2560x128xi32, #tpu.memory_space<hbm>> -> memref<1x128xi32, #tpu.memory_space<hbm>>
      %dma_start3A_30 = tpu.memref_squeeze %dma_start3A_29 : memref<1x128xi32, #tpu.memory_space<hbm>> -> memref<128xi32, #tpu.memory_space<hbm>>
      tpu.enqueue_dma source(%dma_start3A_30 : memref<128xi32, #tpu.memory_space<hbm>>) target(%dma_start3A_27 : memref<128xi32, #tpu.memory_space<vmem>>) target_semaphore(%dma_start3A_24 : memref<!tpu.dma_semaphore, #tpu.memory_space<semaphore_mem>>)
      %dma_start3A_31 = arith.constant 0 : i32
      %dma_start3A_32 = arith.constant 0 : i32
      %dma_start3A_33 = arith.constant 0 : i32
      %dma_start3A_34 = tpu.memref_slice %arg10[%dma_start3A_31, %dma_start3A_33] : memref<4x128xi32, #tpu.memory_space<vmem>> -> memref<1x128xi32, #tpu.memory_space<vmem>>
      %dma_start3A_35 = tpu.memref_squeeze %dma_start3A_34 : memref<1x128xi32, #tpu.memory_space<vmem>> -> memref<128xi32, #tpu.memory_space<vmem>>
      %dma_start3A_36 = arith.constant 0 : i32
      %dma_start3A_37 = tpu.memref_slice %arg4[%add3A_15, %dma_start3A_36] : memref<2560x128xi32, #tpu.memory_space<hbm>> -> memref<1x128xi32, #tpu.memory_space<hbm>>
      %dma_start3A_38 = tpu.memref_squeeze %dma_start3A_37 : memref<1x128xi32, #tpu.memory_space<hbm>> -> memref<128xi32, #tpu.memory_space<hbm>>
      %dma_start3A_39 = tpu.memref_slice %arg18[%dma_start3A_32] : memref<4x!tpu.dma_semaphore, #tpu.memory_space<semaphore_mem>> -> memref<1x!tpu.dma_semaphore, #tpu.memory_space<semaphore_mem>>
      %dma_start3A_40 = tpu.memref_squeeze %dma_start3A_39 : memref<1x!tpu.dma_semaphore, #tpu.memory_space<semaphore_mem>> -> memref<!tpu.dma_semaphore, #tpu.memory_space<semaphore_mem>>
      %dma_start3A_41 = arith.constant 0 : i32
      %dma_start3A_42 = tpu.memref_slice %arg10[%dma_start3A_31, %dma_start3A_41] : memref<4x128xi32, #tpu.memory_space<vmem>> -> memref<1x128xi32, #tpu.memory_space<vmem>>
      %dma_start3A_43 = tpu.memref_squeeze %dma_start3A_42 : memref<1x128xi32, #tpu.memory_space<vmem>> -> memref<128xi32, #tpu.memory_space<vmem>>
      %dma_start3A_44 = arith.constant 0 : i32
      %dma_start3A_45 = tpu.memref_slice %arg4[%add3A_15, %dma_start3A_44] : memref<2560x128xi32, #tpu.memory_space<hbm>> -> memref<1x128xi32, #tpu.memory_space<hbm>>
      %dma_start3A_46 = tpu.memref_squeeze %dma_start3A_45 : memref<1x128xi32, #tpu.memory_space<hbm>> -> memref<128xi32, #tpu.memory_space<hbm>>
      tpu.enqueue_dma source(%dma_start3A_46 : memref<128xi32, #tpu.memory_space<hbm>>) target(%dma_start3A_43 : memref<128xi32, #tpu.memory_space<vmem>>) target_semaphore(%dma_start3A_40 : memref<!tpu.dma_semaphore, #tpu.memory_space<semaphore_mem>>)
      %add3A_47 = arith.constant 1 : i32
      %add3A_48 = arith.addi %mul3A_13, %add3A_47 : i32
      %dma_start3A_49 = arith.constant 1 : i32
      %dma_start3A_50 = arith.constant 1 : i32
      %dma_start3A_51 = arith.constant 0 : i32
      %dma_start3A_52 = tpu.memref_slice %arg9[%dma_start3A_49, %dma_start3A_51] : memref<4x128xi32, #tpu.memory_space<vmem>> -> memref<1x128xi32, #tpu.memory_space<vmem>>
      %dma_start3A_53 = tpu.memref_squeeze %dma_start3A_52 : memref<1x128xi32, #tpu.memory_space<vmem>> -> memref<128xi32, #tpu.memory_space<vmem>>
      %dma_start3A_54 = arith.constant 0 : i32
      %dma_start3A_55 = tpu.memref_slice %arg3[%add3A_48, %dma_start3A_54] : memref<2560x128xi32, #tpu.memory_space<hbm>> -> memref<1x128xi32, #tpu.memory_space<hbm>>
      %dma_start3A_56 = tpu.memref_squeeze %dma_start3A_55 : memref<1x128xi32, #tpu.memory_space<hbm>> -> memref<128xi32, #tpu.memory_space<hbm>>
      %dma_start3A_57 = tpu.memref_slice %arg17[%dma_start3A_50] : memref<4x!tpu.dma_semaphore, #tpu.memory_space<semaphore_mem>> -> memref<1x!tpu.dma_semaphore, #tpu.memory_space<semaphore_mem>>
      %dma_start3A_58 = tpu.memref_squeeze %dma_start3A_57 : memref<1x!tpu.dma_semaphore, #tpu.memory_space<semaphore_mem>> -> memref<!tpu.dma_semaphore, #tpu.memory_space<semaphore_mem>>
      %dma_start3A_59 = arith.constant 0 : i32
      %dma_start3A_60 = tpu.memref_slice %arg9[%dma_start3A_49, %dma_start3A_59] : memref<4x128xi32, #tpu.memory_space<vmem>> -> memref<1x128xi32, #tpu.memory_space<vmem>>
      %dma_start3A_61 = tpu.memref_squeeze %dma_start3A_60 : memref<1x128xi32, #tpu.memory_space<vmem>> -> memref<128xi32, #tpu.memory_space<vmem>>
      %dma_start3A_62 = arith.constant 0 : i32
      %dma_start3A_63 = tpu.memref_slice %arg3[%add3A_48, %dma_start3A_62] : memref<2560x128xi32, #tpu.memory_space<hbm>> -> memref<1x128xi32, #tpu.memory_space<hbm>>
      %dma_start3A_64 = tpu.memref_squeeze %dma_start3A_63 : memref<1x128xi32, #tpu.memory_space<hbm>> -> memref<128xi32, #tpu.memory_space<hbm>>
      tpu.enqueue_dma source(%dma_start3A_64 : memref<128xi32, #tpu.memory_space<hbm>>) target(%dma_start3A_61 : memref<128xi32, #tpu.memory_space<vmem>>) target_semaphore(%dma_start3A_58 : memref<!tpu.dma_semaphore, #tpu.memory_space<semaphore_mem>>)
      %dma_start3A_65 = arith.constant 1 : i32
      %dma_start3A_66 = arith.constant 1 : i32
      %dma_start3A_67 = arith.constant 0 : i32
      %dma_start3A_68 = tpu.memref_slice %arg10[%dma_start3A_65, %dma_start3A_67] : memref<4x128xi32, #tpu.memory_space<vmem>> -> memref<1x128xi32, #tpu.memory_space<vmem>>
      %dma_start3A_69 = tpu.memref_squeeze %dma_start3A_68 : memref<1x128xi32, #tpu.memory_space<vmem>> -> memref<128xi32, #tpu.memory_space<vmem>>
      %dma_start3A_70 = arith.constant 0 : i32
      %dma_start3A_71 = tpu.memref_slice %arg4[%add3A_48, %dma_start3A_70] : memref<2560x128xi32, #tpu.memory_space<hbm>> -> memref<1x128xi32, #tpu.memory_space<hbm>>
      %dma_start3A_72 = tpu.memref_squeeze %dma_start3A_71 : memref<1x128xi32, #tpu.memory_space<hbm>> -> memref<128xi32, #tpu.memory_space<hbm>>
      %dma_start3A_73 = tpu.memref_slice %arg18[%dma_start3A_66] : memref<4x!tpu.dma_semaphore, #tpu.memory_space<semaphore_mem>> -> memref<1x!tpu.dma_semaphore, #tpu.memory_space<semaphore_mem>>
      %dma_start3A_74 = tpu.memref_squeeze %dma_start3A_73 : memref<1x!tpu.dma_semaphore, #tpu.memory_space<semaphore_mem>> -> memref<!tpu.dma_semaphore, #tpu.memory_space<semaphore_mem>>
      %dma_start3A_75 = arith.constant 0 : i32
      %dma_start3A_76 = tpu.memref_slice %arg10[%dma_start3A_65, %dma_start3A_75] : memref<4x128xi32, #tpu.memory_space<vmem>> -> memref<1x128xi32, #tpu.memory_space<vmem>>
      %dma_start3A_77 = tpu.memref_squeeze %dma_start3A_76 : memref<1x128xi32, #tpu.memory_space<vmem>> -> memref<128xi32, #tpu.memory_space<vmem>>
      %dma_start3A_78 = arith.constant 0 : i32
      %dma_start3A_79 = tpu.memref_slice %arg4[%add3A_48, %dma_start3A_78] : memref<2560x128xi32, #tpu.memory_space<hbm>> -> memref<1x128xi32, #tpu.memory_space<hbm>>
      %dma_start3A_80 = tpu.memref_squeeze %dma_start3A_79 : memref<1x128xi32, #tpu.memory_space<hbm>> -> memref<128xi32, #tpu.memory_space<hbm>>
      tpu.enqueue_dma source(%dma_start3A_80 : memref<128xi32, #tpu.memory_space<hbm>>) target(%dma_start3A_77 : memref<128xi32, #tpu.memory_space<vmem>>) target_semaphore(%dma_start3A_74 : memref<!tpu.dma_semaphore, #tpu.memory_space<semaphore_mem>>)
      %add3A_81 = arith.constant 2 : i32
      %add3A_82 = arith.addi %mul3A_13, %add3A_81 : i32
      %dma_start3A_83 = arith.constant 2 : i32
      %dma_start3A_84 = arith.constant 2 : i32
      %dma_start3A_85 = arith.constant 0 : i32
      %dma_start3A_86 = tpu.memref_slice %arg9[%dma_start3A_83, %dma_start3A_85] : memref<4x128xi32, #tpu.memory_space<vmem>> -> memref<1x128xi32, #tpu.memory_space<vmem>>
      %dma_start3A_87 = tpu.memref_squeeze %dma_start3A_86 : memref<1x128xi32, #tpu.memory_space<vmem>> -> memref<128xi32, #tpu.memory_space<vmem>>
      %dma_start3A_88 = arith.constant 0 : i32
      %dma_start3A_89 = tpu.memref_slice %arg3[%add3A_82, %dma_start3A_88] : memref<2560x128xi32, #tpu.memory_space<hbm>> -> memref<1x128xi32, #tpu.memory_space<hbm>>
      %dma_start3A_90 = tpu.memref_squeeze %dma_start3A_89 : memref<1x128xi32, #tpu.memory_space<hbm>> -> memref<128xi32, #tpu.memory_space<hbm>>
      %dma_start3A_91 = tpu.memref_slice %arg17[%dma_start3A_84] : memref<4x!tpu.dma_semaphore, #tpu.memory_space<semaphore_mem>> -> memref<1x!tpu.dma_semaphore, #tpu.memory_space<semaphore_mem>>
      %dma_start3A_92 = tpu.memref_squeeze %dma_start3A_91 : memref<1x!tpu.dma_semaphore, #tpu.memory_space<semaphore_mem>> -> memref<!tpu.dma_semaphore, #tpu.memory_space<semaphore_mem>>
      %dma_start3A_93 = arith.constant 0 : i32
      %dma_start3A_94 = tpu.memref_slice %arg9[%dma_start3A_83, %dma_start3A_93] : memref<4x128xi32, #tpu.memory_space<vmem>> -> memref<1x128xi32, #tpu.memory_space<vmem>>
      %dma_start3A_95 = tpu.memref_squeeze %dma_start3A_94 : memref<1x128xi32, #tpu.memory_space<vmem>> -> memref<128xi32, #tpu.memory_space<vmem>>
      %dma_start3A_96 = arith.constant 0 : i32
      %dma_start3A_97 = tpu.memref_slice %arg3[%add3A_82, %dma_start3A_96] : memref<2560x128xi32, #tpu.memory_space<hbm>> -> memref<1x128xi32, #tpu.memory_space<hbm>>
      %dma_start3A_98 = tpu.memref_squeeze %dma_start3A_97 : memref<1x128xi32, #tpu.memory_space<hbm>> -> memref<128xi32, #tpu.memory_space<hbm>>
      tpu.enqueue_dma source(%dma_start3A_98 : memref<128xi32, #tpu.memory_space<hbm>>) target(%dma_start3A_95 : memref<128xi32, #tpu.memory_space<vmem>>) target_semaphore(%dma_start3A_92 : memref<!tpu.dma_semaphore, #tpu.memory_space<semaphore_mem>>)
      %dma_start3A_99 = arith.constant 2 : i32
      %dma_start3A_100 = arith.constant 2 : i32
      %dma_start3A_101 = arith.constant 0 : i32
      %dma_start3A_102 = tpu.memref_slice %arg10[%dma_start3A_99, %dma_start3A_101] : memref<4x128xi32, #tpu.memory_space<vmem>> -> memref<1x128xi32, #tpu.memory_space<vmem>>
      %dma_start3A_103 = tpu.memref_squeeze %dma_start3A_102 : memref<1x128xi32, #tpu.memory_space<vmem>> -> memref<128xi32, #tpu.memory_space<vmem>>
      %dma_start3A_104 = arith.constant 0 : i32
      %dma_start3A_105 = tpu.memref_slice %arg4[%add3A_82, %dma_start3A_104] : memref<2560x128xi32, #tpu.memory_space<hbm>> -> memref<1x128xi32, #tpu.memory_space<hbm>>
      %dma_start3A_106 = tpu.memref_squeeze %dma_start3A_105 : memref<1x128xi32, #tpu.memory_space<hbm>> -> memref<128xi32, #tpu.memory_space<hbm>>
      %dma_start3A_107 = tpu.memref_slice %arg18[%dma_start3A_100] : memref<4x!tpu.dma_semaphore, #tpu.memory_space<semaphore_mem>> -> memref<1x!tpu.dma_semaphore, #tpu.memory_space<semaphore_mem>>
      %dma_start3A_108 = tpu.memref_squeeze %dma_start3A_107 : memref<1x!tpu.dma_semaphore, #tpu.memory_space<semaphore_mem>> -> memref<!tpu.dma_semaphore, #tpu.memory_space<semaphore_mem>>
      %dma_start3A_109 = arith.constant 0 : i32
      %dma_start3A_110 = tpu.memref_slice %arg10[%dma_start3A_99, %dma_start3A_109] : memref<4x128xi32, #tpu.memory_space<vmem>> -> memref<1x128xi32, #tpu.memory_space<vmem>>
      %dma_start3A_111 = tpu.memref_squeeze %dma_start3A_110 : memref<1x128xi32, #tpu.memory_space<vmem>> -> memref<128xi32, #tpu.memory_space<vmem>>
      %dma_start3A_112 = arith.constant 0 : i32
      %dma_start3A_113 = tpu.memref_slice %arg4[%add3A_82, %dma_start3A_112] : memref<2560x128xi32, #tpu.memory_space<hbm>> -> memref<1x128xi32, #tpu.memory_space<hbm>>
      %dma_start3A_114 = tpu.memref_squeeze %dma_start3A_113 : memref<1x128xi32, #tpu.memory_space<hbm>> -> memref<128xi32, #tpu.memory_space<hbm>>
      tpu.enqueue_dma source(%dma_start3A_114 : memref<128xi32, #tpu.memory_space<hbm>>) target(%dma_start3A_111 : memref<128xi32, #tpu.memory_space<vmem>>) target_semaphore(%dma_start3A_108 : memref<!tpu.dma_semaphore, #tpu.memory_space<semaphore_mem>>)
      %add3A_115 = arith.constant 3 : i32
      %add3A_116 = arith.addi %mul3A_13, %add3A_115 : i32
      %dma_start3A_117 = arith.constant 3 : i32
      %dma_start3A_118 = arith.constant 3 : i32
      %dma_start3A_119 = arith.constant 0 : i32
      %dma_start3A_120 = tpu.memref_slice %arg9[%dma_start3A_117, %dma_start3A_119] : memref<4x128xi32, #tpu.memory_space<vmem>> -> memref<1x128xi32, #tpu.memory_space<vmem>>
      %dma_start3A_121 = tpu.memref_squeeze %dma_start3A_120 : memref<1x128xi32, #tpu.memory_space<vmem>> -> memref<128xi32, #tpu.memory_space<vmem>>
      %dma_start3A_122 = arith.constant 0 : i32
      %dma_start3A_123 = tpu.memref_slice %arg3[%add3A_116, %dma_start3A_122] : memref<2560x128xi32, #tpu.memory_space<hbm>> -> memref<1x128xi32, #tpu.memory_space<hbm>>
      %dma_start3A_124 = tpu.memref_squeeze %dma_start3A_123 : memref<1x128xi32, #tpu.memory_space<hbm>> -> memref<128xi32, #tpu.memory_space<hbm>>
      %dma_start3A_125 = tpu.memref_slice %arg17[%dma_start3A_118] : memref<4x!tpu.dma_semaphore, #tpu.memory_space<semaphore_mem>> -> memref<1x!tpu.dma_semaphore, #tpu.memory_space<semaphore_mem>>
      %dma_start3A_126 = tpu.memref_squeeze %dma_start3A_125 : memref<1x!tpu.dma_semaphore, #tpu.memory_space<semaphore_mem>> -> memref<!tpu.dma_semaphore, #tpu.memory_space<semaphore_mem>>
      %dma_start3A_127 = arith.constant 0 : i32
      %dma_start3A_128 = tpu.memref_slice %arg9[%dma_start3A_117, %dma_start3A_127] : memref<4x128xi32, #tpu.memory_space<vmem>> -> memref<1x128xi32, #tpu.memory_space<vmem>>
      %dma_start3A_129 = tpu.memref_squeeze %dma_start3A_128 : memref<1x128xi32, #tpu.memory_space<vmem>> -> memref<128xi32, #tpu.memory_space<vmem>>
      %dma_start3A_130 = arith.constant 0 : i32
      %dma_start3A_131 = tpu.memref_slice %arg3[%add3A_116, %dma_start3A_130] : memref<2560x128xi32, #tpu.memory_space<hbm>> -> memref<1x128xi32, #tpu.memory_space<hbm>>
      %dma_start3A_132 = tpu.memref_squeeze %dma_start3A_131 : memref<1x128xi32, #tpu.memory_space<hbm>> -> memref<128xi32, #tpu.memory_space<hbm>>
      tpu.enqueue_dma source(%dma_start3A_132 : memref<128xi32, #tpu.memory_space<hbm>>) target(%dma_start3A_129 : memref<128xi32, #tpu.memory_space<vmem>>) target_semaphore(%dma_start3A_126 : memref<!tpu.dma_semaphore, #tpu.memory_space<semaphore_mem>>)
      %dma_start3A_133 = arith.constant 3 : i32
      %dma_start3A_134 = arith.constant 3 : i32
      %dma_start3A_135 = arith.constant 0 : i32
      %dma_start3A_136 = tpu.memref_slice %arg10[%dma_start3A_133, %dma_start3A_135] : memref<4x128xi32, #tpu.memory_space<vmem>> -> memref<1x128xi32, #tpu.memory_space<vmem>>
      %dma_start3A_137 = tpu.memref_squeeze %dma_start3A_136 : memref<1x128xi32, #tpu.memory_space<vmem>> -> memref<128xi32, #tpu.memory_space<vmem>>
      %dma_start3A_138 = arith.constant 0 : i32
      %dma_start3A_139 = tpu.memref_slice %arg4[%add3A_116, %dma_start3A_138] : memref<2560x128xi32, #tpu.memory_space<hbm>> -> memref<1x128xi32, #tpu.memory_space<hbm>>
      %dma_start3A_140 = tpu.memref_squeeze %dma_start3A_139 : memref<1x128xi32, #tpu.memory_space<hbm>> -> memref<128xi32, #tpu.memory_space<hbm>>
      %dma_start3A_141 = tpu.memref_slice %arg18[%dma_start3A_134] : memref<4x!tpu.dma_semaphore, #tpu.memory_space<semaphore_mem>> -> memref<1x!tpu.dma_semaphore, #tpu.memory_space<semaphore_mem>>
      %dma_start3A_142 = tpu.memref_squeeze %dma_start3A_141 : memref<1x!tpu.dma_semaphore, #tpu.memory_space<semaphore_mem>> -> memref<!tpu.dma_semaphore, #tpu.memory_space<semaphore_mem>>
      %dma_start3A_143 = arith.constant 0 : i32
      %dma_start3A_144 = tpu.memref_slice %arg10[%dma_start3A_133, %dma_start3A_143] : memref<4x128xi32, #tpu.memory_space<vmem>> -> memref<1x128xi32, #tpu.memory_space<vmem>>
      %dma_start3A_145 = tpu.memref_squeeze %dma_start3A_144 : memref<1x128xi32, #tpu.memory_space<vmem>> -> memref<128xi32, #tpu.memory_space<vmem>>
      %dma_start3A_146 = arith.constant 0 : i32
      %dma_start3A_147 = tpu.memref_slice %arg4[%add3A_116, %dma_start3A_146] : memref<2560x128xi32, #tpu.memory_space<hbm>> -> memref<1x128xi32, #tpu.memory_space<hbm>>
      %dma_start3A_148 = tpu.memref_squeeze %dma_start3A_147 : memref<1x128xi32, #tpu.memory_space<hbm>> -> memref<128xi32, #tpu.memory_space<hbm>>
      tpu.enqueue_dma source(%dma_start3A_148 : memref<128xi32, #tpu.memory_space<hbm>>) target(%dma_start3A_145 : memref<128xi32, #tpu.memory_space<vmem>>) target_semaphore(%dma_start3A_142 : memref<!tpu.dma_semaphore, #tpu.memory_space<semaphore_mem>>)
      %dma_wait3A = arith.constant 0 : i32
      %dma_wait3A_149 = arith.constant 0 : i32
      %dma_wait3A_150 = arith.constant 0 : i32
      %dma_wait3A_151 = arith.constant 0 : i32
      %dma_wait3A_152 = tpu.memref_slice %arg9[%dma_wait3A_149, %dma_wait3A_151] : memref<4x128xi32, #tpu.memory_space<vmem>> -> memref<1x128xi32, #tpu.memory_space<vmem>>
      %dma_wait3A_153 = tpu.memref_squeeze %dma_wait3A_152 : memref<1x128xi32, #tpu.memory_space<vmem>> -> memref<128xi32, #tpu.memory_space<vmem>>
      %dma_wait3A_154 = arith.constant 0 : i32
      %dma_wait3A_155 = tpu.memref_slice %arg3[%dma_wait3A, %dma_wait3A_154] : memref<2560x128xi32, #tpu.memory_space<hbm>> -> memref<1x128xi32, #tpu.memory_space<hbm>>
      %dma_wait3A_156 = tpu.memref_squeeze %dma_wait3A_155 : memref<1x128xi32, #tpu.memory_space<hbm>> -> memref<128xi32, #tpu.memory_space<hbm>>
      %dma_wait3A_157 = tpu.memref_slice %arg17[%dma_wait3A_150] : memref<4x!tpu.dma_semaphore, #tpu.memory_space<semaphore_mem>> -> memref<1x!tpu.dma_semaphore, #tpu.memory_space<semaphore_mem>>
      %dma_wait3A_158 = tpu.memref_squeeze %dma_wait3A_157 : memref<1x!tpu.dma_semaphore, #tpu.memory_space<semaphore_mem>> -> memref<!tpu.dma_semaphore, #tpu.memory_space<semaphore_mem>>
      %dma_wait3A_159 = arith.constant 0 : i32
      %dma_wait3A_160 = tpu.memref_slice %arg9[%dma_wait3A_149, %dma_wait3A_159] : memref<4x128xi32, #tpu.memory_space<vmem>> -> memref<1x128xi32, #tpu.memory_space<vmem>>
      %dma_wait3A_161 = tpu.memref_squeeze %dma_wait3A_160 : memref<1x128xi32, #tpu.memory_space<vmem>> -> memref<128xi32, #tpu.memory_space<vmem>>
      %dma_wait3A_162 = arith.constant 0 : i32
      %dma_wait3A_163 = tpu.memref_slice %arg3[%dma_wait3A, %dma_wait3A_162] : memref<2560x128xi32, #tpu.memory_space<hbm>> -> memref<1x128xi32, #tpu.memory_space<hbm>>
      %dma_wait3A_164 = tpu.memref_squeeze %dma_wait3A_163 : memref<1x128xi32, #tpu.memory_space<hbm>> -> memref<128xi32, #tpu.memory_space<hbm>>
      tpu.wait_dma2 semaphore(%dma_wait3A_158 : memref<!tpu.dma_semaphore, #tpu.memory_space<semaphore_mem>>) src(%dma_wait3A_164 : memref<128xi32, #tpu.memory_space<hbm>>) dst(%dma_wait3A_161 : memref<128xi32, #tpu.memory_space<vmem>>)
      %dma_wait3A_165 = arith.constant 0 : i32
      %dma_wait3A_166 = arith.constant 0 : i32
      %dma_wait3A_167 = arith.constant 0 : i32
      %dma_wait3A_168 = arith.constant 0 : i32
      %dma_wait3A_169 = tpu.memref_slice %arg10[%dma_wait3A_166, %dma_wait3A_168] : memref<4x128xi32, #tpu.memory_space<vmem>> -> memref<1x128xi32, #tpu.memory_space<vmem>>
      %dma_wait3A_170 = tpu.memref_squeeze %dma_wait3A_169 : memref<1x128xi32, #tpu.memory_space<vmem>> -> memref<128xi32, #tpu.memory_space<vmem>>
      %dma_wait3A_171 = arith.constant 0 : i32
      %dma_wait3A_172 = tpu.memref_slice %arg4[%dma_wait3A_165, %dma_wait3A_171] : memref<2560x128xi32, #tpu.memory_space<hbm>> -> memref<1x128xi32, #tpu.memory_space<hbm>>
      %dma_wait3A_173 = tpu.memref_squeeze %dma_wait3A_172 : memref<1x128xi32, #tpu.memory_space<hbm>> -> memref<128xi32, #tpu.memory_space<hbm>>
      %dma_wait3A_174 = tpu.memref_slice %arg18[%dma_wait3A_167] : memref<4x!tpu.dma_semaphore, #tpu.memory_space<semaphore_mem>> -> memref<1x!tpu.dma_semaphore, #tpu.memory_space<semaphore_mem>>
      %dma_wait3A_175 = tpu.memref_squeeze %dma_wait3A_174 : memref<1x!tpu.dma_semaphore, #tpu.memory_space<semaphore_mem>> -> memref<!tpu.dma_semaphore, #tpu.memory_space<semaphore_mem>>
      %dma_wait3A_176 = arith.constant 0 : i32
      %dma_wait3A_177 = tpu.memref_slice %arg10[%dma_wait3A_166, %dma_wait3A_176] : memref<4x128xi32, #tpu.memory_space<vmem>> -> memref<1x128xi32, #tpu.memory_space<vmem>>
      %dma_wait3A_178 = tpu.memref_squeeze %dma_wait3A_177 : memref<1x128xi32, #tpu.memory_space<vmem>> -> memref<128xi32, #tpu.memory_space<vmem>>
      %dma_wait3A_179 = arith.constant 0 : i32
      %dma_wait3A_180 = tpu.memref_slice %arg4[%dma_wait3A_165, %dma_wait3A_179] : memref<2560x128xi32, #tpu.memory_space<hbm>> -> memref<1x128xi32, #tpu.memory_space<hbm>>
      %dma_wait3A_181 = tpu.memref_squeeze %dma_wait3A_180 : memref<1x128xi32, #tpu.memory_space<hbm>> -> memref<128xi32, #tpu.memory_space<hbm>>
      tpu.wait_dma2 semaphore(%dma_wait3A_175 : memref<!tpu.dma_semaphore, #tpu.memory_space<semaphore_mem>>) src(%dma_wait3A_181 : memref<128xi32, #tpu.memory_space<hbm>>) dst(%dma_wait3A_178 : memref<128xi32, #tpu.memory_space<vmem>>)
      %dma_start3A_182 = arith.constant 0 : i32
      %dma_start3A_183 = arith.constant 0 : i32
      %dma_start3A_184 = arith.constant 0 : i32
      %dma_start3A_185 = tpu.memref_slice %arg9[%dma_start3A_182, %dma_start3A_184] : memref<4x128xi32, #tpu.memory_space<vmem>> -> memref<1x128xi32, #tpu.memory_space<vmem>>
      %dma_start3A_186 = tpu.memref_squeeze %dma_start3A_185 : memref<1x128xi32, #tpu.memory_space<vmem>> -> memref<128xi32, #tpu.memory_space<vmem>>
      %dma_start3A_187 = arith.constant 0 : i32
      %dma_start3A_188 = arith.constant 0 : i32
      %dma_start3A_189 = tpu.memref_slice %arg2[%dma_start3A_187, %dma_start3A_188] : memref<10240x128xf32, #tpu.memory_space<hbm>> -> memref<10240x128xf32, #tpu.memory_space<hbm>>
      %dma_start3A_190 = tpu.memref_slice %arg15[%dma_start3A_183] : memref<2x!tpu.dma_semaphore, #tpu.memory_space<semaphore_mem>> -> memref<1x!tpu.dma_semaphore, #tpu.memory_space<semaphore_mem>>
      %dma_start3A_191 = tpu.memref_squeeze %dma_start3A_190 : memref<1x!tpu.dma_semaphore, #tpu.memory_space<semaphore_mem>> -> memref<!tpu.dma_semaphore, #tpu.memory_space<semaphore_mem>>
      tpu.enqueue_indirect_dma source(%dma_start3A_189 : memref<10240x128xf32, #tpu.memory_space<hbm>>) target(%arg11 : memref<128x128xf32, #tpu.memory_space<vmem>>) offsets(%dma_start3A_186 : memref<128xi32, #tpu.memory_space<vmem>>) semaphore(%dma_start3A_191 : memref<!tpu.dma_semaphore, #tpu.memory_space<semaphore_mem>>)
      %dma_wait3A_192 = arith.constant 0 : i32
      %dma_wait3A_193 = arith.constant 1 : i32
      %dma_wait3A_194 = arith.constant 1 : i32
      %dma_wait3A_195 = arith.constant 0 : i32
      %dma_wait3A_196 = tpu.memref_slice %arg9[%dma_wait3A_193, %dma_wait3A_195] : memref<4x128xi32, #tpu.memory_space<vmem>> -> memref<1x128xi32, #tpu.memory_space<vmem>>
      %dma_wait3A_197 = tpu.memref_squeeze %dma_wait3A_196 : memref<1x128xi32, #tpu.memory_space<vmem>> -> memref<128xi32, #tpu.memory_space<vmem>>
      %dma_wait3A_198 = arith.constant 0 : i32
      %dma_wait3A_199 = tpu.memref_slice %arg3[%dma_wait3A_192, %dma_wait3A_198] : memref<2560x128xi32, #tpu.memory_space<hbm>> -> memref<1x128xi32, #tpu.memory_space<hbm>>
      %dma_wait3A_200 = tpu.memref_squeeze %dma_wait3A_199 : memref<1x128xi32, #tpu.memory_space<hbm>> -> memref<128xi32, #tpu.memory_space<hbm>>
      %dma_wait3A_201 = tpu.memref_slice %arg17[%dma_wait3A_194] : memref<4x!tpu.dma_semaphore, #tpu.memory_space<semaphore_mem>> -> memref<1x!tpu.dma_semaphore, #tpu.memory_space<semaphore_mem>>
      %dma_wait3A_202 = tpu.memref_squeeze %dma_wait3A_201 : memref<1x!tpu.dma_semaphore, #tpu.memory_space<semaphore_mem>> -> memref<!tpu.dma_semaphore, #tpu.memory_space<semaphore_mem>>
      %dma_wait3A_203 = arith.constant 0 : i32
      %dma_wait3A_204 = tpu.memref_slice %arg9[%dma_wait3A_193, %dma_wait3A_203] : memref<4x128xi32, #tpu.memory_space<vmem>> -> memref<1x128xi32, #tpu.memory_space<vmem>>
      %dma_wait3A_205 = tpu.memref_squeeze %dma_wait3A_204 : memref<1x128xi32, #tpu.memory_space<vmem>> -> memref<128xi32, #tpu.memory_space<vmem>>
      %dma_wait3A_206 = arith.constant 0 : i32
      %dma_wait3A_207 = tpu.memref_slice %arg3[%dma_wait3A_192, %dma_wait3A_206] : memref<2560x128xi32, #tpu.memory_space<hbm>> -> memref<1x128xi32, #tpu.memory_space<hbm>>
      %dma_wait3A_208 = tpu.memref_squeeze %dma_wait3A_207 : memref<1x128xi32, #tpu.memory_space<hbm>> -> memref<128xi32, #tpu.memory_space<hbm>>
      tpu.wait_dma2 semaphore(%dma_wait3A_202 : memref<!tpu.dma_semaphore, #tpu.memory_space<semaphore_mem>>) src(%dma_wait3A_208 : memref<128xi32, #tpu.memory_space<hbm>>) dst(%dma_wait3A_205 : memref<128xi32, #tpu.memory_space<vmem>>)
      %dma_wait3A_209 = arith.constant 0 : i32
      %dma_wait3A_210 = arith.constant 1 : i32
      %dma_wait3A_211 = arith.constant 1 : i32
      %dma_wait3A_212 = arith.constant 0 : i32
      %dma_wait3A_213 = tpu.memref_slice %arg10[%dma_wait3A_210, %dma_wait3A_212] : memref<4x128xi32, #tpu.memory_space<vmem>> -> memref<1x128xi32, #tpu.memory_space<vmem>>
      %dma_wait3A_214 = tpu.memref_squeeze %dma_wait3A_213 : memref<1x128xi32, #tpu.memory_space<vmem>> -> memref<128xi32, #tpu.memory_space<vmem>>
      %dma_wait3A_215 = arith.constant 0 : i32
      %dma_wait3A_216 = tpu.memref_slice %arg4[%dma_wait3A_209, %dma_wait3A_215] : memref<2560x128xi32, #tpu.memory_space<hbm>> -> memref<1x128xi32, #tpu.memory_space<hbm>>
      %dma_wait3A_217 = tpu.memref_squeeze %dma_wait3A_216 : memref<1x128xi32, #tpu.memory_space<hbm>> -> memref<128xi32, #tpu.memory_space<hbm>>
      %dma_wait3A_218 = tpu.memref_slice %arg18[%dma_wait3A_211] : memref<4x!tpu.dma_semaphore, #tpu.memory_space<semaphore_mem>> -> memref<1x!tpu.dma_semaphore, #tpu.memory_space<semaphore_mem>>
      %dma_wait3A_219 = tpu.memref_squeeze %dma_wait3A_218 : memref<1x!tpu.dma_semaphore, #tpu.memory_space<semaphore_mem>> -> memref<!tpu.dma_semaphore, #tpu.memory_space<semaphore_mem>>
      %dma_wait3A_220 = arith.constant 0 : i32
      %dma_wait3A_221 = tpu.memref_slice %arg10[%dma_wait3A_210, %dma_wait3A_220] : memref<4x128xi32, #tpu.memory_space<vmem>> -> memref<1x128xi32, #tpu.memory_space<vmem>>
      %dma_wait3A_222 = tpu.memref_squeeze %dma_wait3A_221 : memref<1x128xi32, #tpu.memory_space<vmem>> -> memref<128xi32, #tpu.memory_space<vmem>>
      %dma_wait3A_223 = arith.constant 0 : i32
      %dma_wait3A_224 = tpu.memref_slice %arg4[%dma_wait3A_209, %dma_wait3A_223] : memref<2560x128xi32, #tpu.memory_space<hbm>> -> memref<1x128xi32, #tpu.memory_space<hbm>>
      %dma_wait3A_225 = tpu.memref_squeeze %dma_wait3A_224 : memref<1x128xi32, #tpu.memory_space<hbm>> -> memref<128xi32, #tpu.memory_space<hbm>>
      tpu.wait_dma2 semaphore(%dma_wait3A_219 : memref<!tpu.dma_semaphore, #tpu.memory_space<semaphore_mem>>) src(%dma_wait3A_225 : memref<128xi32, #tpu.memory_space<hbm>>) dst(%dma_wait3A_222 : memref<128xi32, #tpu.memory_space<vmem>>)
      %dma_start3A_226 = arith.constant 1 : i32
      %dma_start3A_227 = arith.constant 1 : i32
      %dma_start3A_228 = arith.constant 0 : i32
      %dma_start3A_229 = tpu.memref_slice %arg9[%dma_start3A_226, %dma_start3A_228] : memref<4x128xi32, #tpu.memory_space<vmem>> -> memref<1x128xi32, #tpu.memory_space<vmem>>
      %dma_start3A_230 = tpu.memref_squeeze %dma_start3A_229 : memref<1x128xi32, #tpu.memory_space<vmem>> -> memref<128xi32, #tpu.memory_space<vmem>>
      %dma_start3A_231 = arith.constant 0 : i32
      %dma_start3A_232 = arith.constant 0 : i32
      %dma_start3A_233 = tpu.memref_slice %arg2[%dma_start3A_231, %dma_start3A_232] : memref<10240x128xf32, #tpu.memory_space<hbm>> -> memref<10240x128xf32, #tpu.memory_space<hbm>>
      %dma_start3A_234 = tpu.memref_slice %arg15[%dma_start3A_227] : memref<2x!tpu.dma_semaphore, #tpu.memory_space<semaphore_mem>> -> memref<1x!tpu.dma_semaphore, #tpu.memory_space<semaphore_mem>>
      %dma_start3A_235 = tpu.memref_squeeze %dma_start3A_234 : memref<1x!tpu.dma_semaphore, #tpu.memory_space<semaphore_mem>> -> memref<!tpu.dma_semaphore, #tpu.memory_space<semaphore_mem>>
      tpu.enqueue_indirect_dma source(%dma_start3A_233 : memref<10240x128xf32, #tpu.memory_space<hbm>>) target(%arg12 : memref<128x128xf32, #tpu.memory_space<vmem>>) offsets(%dma_start3A_230 : memref<128xi32, #tpu.memory_space<vmem>>) semaphore(%dma_start3A_235 : memref<!tpu.dma_semaphore, #tpu.memory_space<semaphore_mem>>)
      %scan3A = arith.constant 0 : i32
      %scan3A_236 = arith.constant 0 : i32
      %scan3A_237 = arith.constant 20 : i32
      %scan3A_238 = arith.addi %scan3A_236, %scan3A_237 : i32
      %scan3A_239 = arith.constant 1 : i32
      scf.for %scan3A_241 = %scan3A_236 to %scan3A_238 step %scan3A_239  : i32 {
        %mul3A_242 = arith.constant 4 : i32
        %mul3A_243 = arith.muli %scan3A_241, %mul3A_242 : i32
        %add3A_244 = arith.constant 0 : i32
        %add3A_245 = arith.addi %mul3A_243, %add3A_244 : i32
        %dma_wait3A_246 = arith.constant 0 : i32
        %dma_wait3A_247 = arith.constant 0 : i32
        %dma_wait3A_248 = arith.constant 0 : i32
        %dma_wait3A_249 = tpu.memref_slice %arg9[%dma_wait3A_246, %dma_wait3A_248] : memref<4x128xi32, #tpu.memory_space<vmem>> -> memref<1x128xi32, #tpu.memory_space<vmem>>
        %dma_wait3A_250 = tpu.memref_squeeze %dma_wait3A_249 : memref<1x128xi32, #tpu.memory_space<vmem>> -> memref<128xi32, #tpu.memory_space<vmem>>
        %dma_wait3A_251 = arith.constant 0 : i32
        %dma_wait3A_252 = arith.constant 0 : i32
        %dma_wait3A_253 = tpu.memref_slice %arg2[%dma_wait3A_251, %dma_wait3A_252] : memref<10240x128xf32, #tpu.memory_space<hbm>> -> memref<10240x128xf32, #tpu.memory_space<hbm>>
        %dma_wait3A_254 = tpu.memref_slice %arg15[%dma_wait3A_247] : memref<2x!tpu.dma_semaphore, #tpu.memory_space<semaphore_mem>> -> memref<1x!tpu.dma_semaphore, #tpu.memory_space<semaphore_mem>>
        %dma_wait3A_255 = tpu.memref_squeeze %dma_wait3A_254 : memref<1x!tpu.dma_semaphore, #tpu.memory_space<semaphore_mem>> -> memref<!tpu.dma_semaphore, #tpu.memory_space<semaphore_mem>>
        tpu.wait_indirect_dma semaphore(%dma_wait3A_255 : memref<!tpu.dma_semaphore, #tpu.memory_space<semaphore_mem>>) src(%dma_wait3A_253 : memref<10240x128xf32, #tpu.memory_space<hbm>>) dst(%arg11 : memref<128x128xf32, #tpu.memory_space<vmem>>)
        %dma_start3A_256 = arith.constant 0 : i32
        %dma_start3A_257 = arith.constant 0 : i32
        %dma_start3A_258 = arith.constant 0 : i32
        %dma_start3A_259 = tpu.memref_slice %arg10[%dma_start3A_256, %dma_start3A_258] : memref<4x128xi32, #tpu.memory_space<vmem>> -> memref<1x128xi32, #tpu.memory_space<vmem>>
        %dma_start3A_260 = tpu.memref_squeeze %dma_start3A_259 : memref<1x128xi32, #tpu.memory_space<vmem>> -> memref<128xi32, #tpu.memory_space<vmem>>
        %dma_start3A_261 = arith.constant 0 : i32
        %dma_start3A_262 = arith.constant 0 : i32
        %dma_start3A_263 = tpu.memref_slice %arg14[%dma_start3A_261, %dma_start3A_262] : memref<10240x128xf32, #tpu.memory_space<vmem_shared>> -> memref<10240x128xf32, #tpu.memory_space<vmem_shared>>
        %dma_start3A_264 = tpu.memref_slice %arg16[%dma_start3A_257] : memref<2x!tpu.dma_semaphore, #tpu.memory_space<semaphore_mem>> -> memref<1x!tpu.dma_semaphore, #tpu.memory_space<semaphore_mem>>
        %dma_start3A_265 = tpu.memref_squeeze %dma_start3A_264 : memref<1x!tpu.dma_semaphore, #tpu.memory_space<semaphore_mem>> -> memref<!tpu.dma_semaphore, #tpu.memory_space<semaphore_mem>>
        tpu.enqueue_indirect_dma source(%arg11 : memref<128x128xf32, #tpu.memory_space<vmem>>) target(%dma_start3A_263 : memref<10240x128xf32, #tpu.memory_space<vmem_shared>>) offsets(%dma_start3A_260 : memref<128xi32, #tpu.memory_space<vmem>>) semaphore(%dma_start3A_265 : memref<!tpu.dma_semaphore, #tpu.memory_space<semaphore_mem>>) {add = true}
        %get3A = arith.constant 0 : i32
        %get3A_266 = arith.index_cast %get3A : i32 to index
        %get3A_267 = arith.constant 0 : index
        %get3A_268 = tpu.vector_load %arg10[%get3A_266, %get3A_267] {strides = array<i32>} : memref<4x128xi32, #tpu.memory_space<vmem>>, vector<16xi32>,
        tpu.vector_store_idx %arg13[%get3A_268], %broadcast_in_dim3A_3 {add = true} : memref<10240xf32, #tpu.memory_space<vmem>>[vector<16xi32>], vector<16xf32>,
        %get3A_269 = arith.constant 0 : i32
        %get3A_270 = arith.index_cast %get3A_269 : i32 to index
        %get3A_271 = arith.constant 16 : index
        %get3A_272 = tpu.vector_load %arg10[%get3A_270, %get3A_271] {strides = array<i32>} : memref<4x128xi32, #tpu.memory_space<vmem>>, vector<16xi32>,
        tpu.vector_store_idx %arg13[%get3A_272], %broadcast_in_dim3A_3 {add = true} : memref<10240xf32, #tpu.memory_space<vmem>>[vector<16xi32>], vector<16xf32>,
        %get3A_273 = arith.constant 0 : i32
        %get3A_274 = arith.index_cast %get3A_273 : i32 to index
        %get3A_275 = arith.constant 32 : index
        %get3A_276 = tpu.vector_load %arg10[%get3A_274, %get3A_275] {strides = array<i32>} : memref<4x128xi32, #tpu.memory_space<vmem>>, vector<16xi32>,
        tpu.vector_store_idx %arg13[%get3A_276], %broadcast_in_dim3A_3 {add = true} : memref<10240xf32, #tpu.memory_space<vmem>>[vector<16xi32>], vector<16xf32>,
        %get3A_277 = arith.constant 0 : i32
        %get3A_278 = arith.index_cast %get3A_277 : i32 to index
        %get3A_279 = arith.constant 48 : index
        %get3A_280 = tpu.vector_load %arg10[%get3A_278, %get3A_279] {strides = array<i32>} : memref<4x128xi32, #tpu.memory_space<vmem>>, vector<16xi32>,
        tpu.vector_store_idx %arg13[%get3A_280], %broadcast_in_dim3A_3 {add = true} : memref<10240xf32, #tpu.memory_space<vmem>>[vector<16xi32>], vector<16xf32>,
        %get3A_281 = arith.constant 0 : i32
        %get3A_282 = arith.index_cast %get3A_281 : i32 to index
        %get3A_283 = arith.constant 64 : index
        %get3A_284 = tpu.vector_load %arg10[%get3A_282, %get3A_283] {strides = array<i32>} : memref<4x128xi32, #tpu.memory_space<vmem>>, vector<16xi32>,
        tpu.vector_store_idx %arg13[%get3A_284], %broadcast_in_dim3A_3 {add = true} : memref<10240xf32, #tpu.memory_space<vmem>>[vector<16xi32>], vector<16xf32>,
        %get3A_285 = arith.constant 0 : i32
        %get3A_286 = arith.index_cast %get3A_285 : i32 to index
        %get3A_287 = arith.constant 80 : index
        %get3A_288 = tpu.vector_load %arg10[%get3A_286, %get3A_287] {strides = array<i32>} : memref<4x128xi32, #tpu.memory_space<vmem>>, vector<16xi32>,
        tpu.vector_store_idx %arg13[%get3A_288], %broadcast_in_dim3A_3 {add = true} : memref<10240xf32, #tpu.memory_space<vmem>>[vector<16xi32>], vector<16xf32>,
        %get3A_289 = arith.constant 0 : i32
        %get3A_290 = arith.index_cast %get3A_289 : i32 to index
        %get3A_291 = arith.constant 96 : index
        %get3A_292 = tpu.vector_load %arg10[%get3A_290, %get3A_291] {strides = array<i32>} : memref<4x128xi32, #tpu.memory_space<vmem>>, vector<16xi32>,
        tpu.vector_store_idx %arg13[%get3A_292], %broadcast_in_dim3A_3 {add = true} : memref<10240xf32, #tpu.memory_space<vmem>>[vector<16xi32>], vector<16xf32>,
        %get3A_293 = arith.constant 0 : i32
        %get3A_294 = arith.index_cast %get3A_293 : i32 to index
        %get3A_295 = arith.constant 112 : index
        %get3A_296 = tpu.vector_load %arg10[%get3A_294, %get3A_295] {strides = array<i32>} : memref<4x128xi32, #tpu.memory_space<vmem>>, vector<16xi32>,
        tpu.vector_store_idx %arg13[%get3A_296], %broadcast_in_dim3A_3 {add = true} : memref<10240xf32, #tpu.memory_space<vmem>>[vector<16xi32>], vector<16xf32>,
        %dma_wait3A_297 = arith.constant 0 : i32
        %dma_wait3A_298 = arith.constant 0 : i32
        %dma_wait3A_299 = arith.constant 0 : i32
        %dma_wait3A_300 = tpu.memref_slice %arg10[%dma_wait3A_297, %dma_wait3A_299] : memref<4x128xi32, #tpu.memory_space<vmem>> -> memref<1x128xi32, #tpu.memory_space<vmem>>
        %dma_wait3A_301 = tpu.memref_squeeze %dma_wait3A_300 : memref<1x128xi32, #tpu.memory_space<vmem>> -> memref<128xi32, #tpu.memory_space<vmem>>
        %dma_wait3A_302 = arith.constant 0 : i32
        %dma_wait3A_303 = arith.constant 0 : i32
        %dma_wait3A_304 = tpu.memref_slice %arg14[%dma_wait3A_302, %dma_wait3A_303] : memref<10240x128xf32, #tpu.memory_space<vmem_shared>> -> memref<10240x128xf32, #tpu.memory_space<vmem_shared>>
        %dma_wait3A_305 = tpu.memref_slice %arg16[%dma_wait3A_298] : memref<2x!tpu.dma_semaphore, #tpu.memory_space<semaphore_mem>> -> memref<1x!tpu.dma_semaphore, #tpu.memory_space<semaphore_mem>>
        %dma_wait3A_306 = tpu.memref_squeeze %dma_wait3A_305 : memref<1x!tpu.dma_semaphore, #tpu.memory_space<semaphore_mem>> -> memref<!tpu.dma_semaphore, #tpu.memory_space<semaphore_mem>>
        tpu.wait_indirect_dma semaphore(%dma_wait3A_306 : memref<!tpu.dma_semaphore, #tpu.memory_space<semaphore_mem>>) src(%arg11 : memref<128x128xf32, #tpu.memory_space<vmem>>) dst(%dma_wait3A_304 : memref<10240x128xf32, #tpu.memory_space<vmem_shared>>)
        %add3A_307 = arith.constant 2 : i32
        %add3A_308 = arith.addi %add3A_245, %add3A_307 : i32
        %lt3A = arith.constant 80 : i32
        %lt3A_309 = arith.cmpi slt, %add3A_308, %lt3A : i32
        %convert_element_type3A_310 = arith.extui %lt3A_309 : i1 to i32
        %cond3A_311 = arith.constant 0 : i32
        %cond3A_312 = arith.cmpi ne, %convert_element_type3A_310, %cond3A_311 : i32
        scf.if %cond3A_312 {
          %dma_wait3A_560 = arith.constant 0 : i32
          %dma_wait3A_561 = arith.constant 2 : i32
          %dma_wait3A_562 = arith.constant 2 : i32
          %dma_wait3A_563 = arith.constant 0 : i32
          %dma_wait3A_564 = tpu.memref_slice %arg9[%dma_wait3A_561, %dma_wait3A_563] : memref<4x128xi32, #tpu.memory_space<vmem>> -> memref<1x128xi32, #tpu.memory_space<vmem>>
          %dma_wait3A_565 = tpu.memref_squeeze %dma_wait3A_564 : memref<1x128xi32, #tpu.memory_space<vmem>> -> memref<128xi32, #tpu.memory_space<vmem>>
          %dma_wait3A_566 = arith.constant 0 : i32
          %dma_wait3A_567 = tpu.memref_slice %arg3[%dma_wait3A_560, %dma_wait3A_566] : memref<2560x128xi32, #tpu.memory_space<hbm>> -> memref<1x128xi32, #tpu.memory_space<hbm>>
          %dma_wait3A_568 = tpu.memref_squeeze %dma_wait3A_567 : memref<1x128xi32, #tpu.memory_space<hbm>> -> memref<128xi32, #tpu.memory_space<hbm>>
          %dma_wait3A_569 = tpu.memref_slice %arg17[%dma_wait3A_562] : memref<4x!tpu.dma_semaphore, #tpu.memory_space<semaphore_mem>> -> memref<1x!tpu.dma_semaphore, #tpu.memory_space<semaphore_mem>>
          %dma_wait3A_570 = tpu.memref_squeeze %dma_wait3A_569 : memref<1x!tpu.dma_semaphore, #tpu.memory_space<semaphore_mem>> -> memref<!tpu.dma_semaphore, #tpu.memory_space<semaphore_mem>>
          %dma_wait3A_571 = arith.constant 0 : i32
          %dma_wait3A_572 = tpu.memref_slice %arg9[%dma_wait3A_561, %dma_wait3A_571] : memref<4x128xi32, #tpu.memory_space<vmem>> -> memref<1x128xi32, #tpu.memory_space<vmem>>
          %dma_wait3A_573 = tpu.memref_squeeze %dma_wait3A_572 : memref<1x128xi32, #tpu.memory_space<vmem>> -> memref<128xi32, #tpu.memory_space<vmem>>
          %dma_wait3A_574 = arith.constant 0 : i32
          %dma_wait3A_575 = tpu.memref_slice %arg3[%dma_wait3A_560, %dma_wait3A_574] : memref<2560x128xi32, #tpu.memory_space<hbm>> -> memref<1x128xi32, #tpu.memory_space<hbm>>
          %dma_wait3A_576 = tpu.memref_squeeze %dma_wait3A_575 : memref<1x128xi32, #tpu.memory_space<hbm>> -> memref<128xi32, #tpu.memory_space<hbm>>
          tpu.wait_dma2 semaphore(%dma_wait3A_570 : memref<!tpu.dma_semaphore, #tpu.memory_space<semaphore_mem>>) src(%dma_wait3A_576 : memref<128xi32, #tpu.memory_space<hbm>>) dst(%dma_wait3A_573 : memref<128xi32, #tpu.memory_space<vmem>>)
          %dma_wait3A_577 = arith.constant 0 : i32
          %dma_wait3A_578 = arith.constant 2 : i32
          %dma_wait3A_579 = arith.constant 2 : i32
          %dma_wait3A_580 = arith.constant 0 : i32
          %dma_wait3A_581 = tpu.memref_slice %arg10[%dma_wait3A_578, %dma_wait3A_580] : memref<4x128xi32, #tpu.memory_space<vmem>> -> memref<1x128xi32, #tpu.memory_space<vmem>>
          %dma_wait3A_582 = tpu.memref_squeeze %dma_wait3A_581 : memref<1x128xi32, #tpu.memory_space<vmem>> -> memref<128xi32, #tpu.memory_space<vmem>>
          %dma_wait3A_583 = arith.constant 0 : i32
          %dma_wait3A_584 = tpu.memref_slice %arg4[%dma_wait3A_577, %dma_wait3A_583] : memref<2560x128xi32, #tpu.memory_space<hbm>> -> memref<1x128xi32, #tpu.memory_space<hbm>>
          %dma_wait3A_585 = tpu.memref_squeeze %dma_wait3A_584 : memref<1x128xi32, #tpu.memory_space<hbm>> -> memref<128xi32, #tpu.memory_space<hbm>>
          %dma_wait3A_586 = tpu.memref_slice %arg18[%dma_wait3A_579] : memref<4x!tpu.dma_semaphore, #tpu.memory_space<semaphore_mem>> -> memref<1x!tpu.dma_semaphore, #tpu.memory_space<semaphore_mem>>
          %dma_wait3A_587 = tpu.memref_squeeze %dma_wait3A_586 : memref<1x!tpu.dma_semaphore, #tpu.memory_space<semaphore_mem>> -> memref<!tpu.dma_semaphore, #tpu.memory_space<semaphore_mem>>
          %dma_wait3A_588 = arith.constant 0 : i32
          %dma_wait3A_589 = tpu.memref_slice %arg10[%dma_wait3A_578, %dma_wait3A_588] : memref<4x128xi32, #tpu.memory_space<vmem>> -> memref<1x128xi32, #tpu.memory_space<vmem>>
          %dma_wait3A_590 = tpu.memref_squeeze %dma_wait3A_589 : memref<1x128xi32, #tpu.memory_space<vmem>> -> memref<128xi32, #tpu.memory_space<vmem>>
          %dma_wait3A_591 = arith.constant 0 : i32
          %dma_wait3A_592 = tpu.memref_slice %arg4[%dma_wait3A_577, %dma_wait3A_591] : memref<2560x128xi32, #tpu.memory_space<hbm>> -> memref<1x128xi32, #tpu.memory_space<hbm>>
          %dma_wait3A_593 = tpu.memref_squeeze %dma_wait3A_592 : memref<1x128xi32, #tpu.memory_space<hbm>> -> memref<128xi32, #tpu.memory_space<hbm>>
          tpu.wait_dma2 semaphore(%dma_wait3A_587 : memref<!tpu.dma_semaphore, #tpu.memory_space<semaphore_mem>>) src(%dma_wait3A_593 : memref<128xi32, #tpu.memory_space<hbm>>) dst(%dma_wait3A_590 : memref<128xi32, #tpu.memory_space<vmem>>)
          %dma_start3A_594 = arith.constant 2 : i32
          %dma_start3A_595 = arith.constant 0 : i32
          %dma_start3A_596 = arith.constant 0 : i32
          %dma_start3A_597 = tpu.memref_slice %arg9[%dma_start3A_594, %dma_start3A_596] : memref<4x128xi32, #tpu.memory_space<vmem>> -> memref<1x128xi32, #tpu.memory_space<vmem>>
          %dma_start3A_598 = tpu.memref_squeeze %dma_start3A_597 : memref<1x128xi32, #tpu.memory_space<vmem>> -> memref<128xi32, #tpu.memory_space<vmem>>
          %dma_start3A_599 = arith.constant 0 : i32
          %dma_start3A_600 = arith.constant 0 : i32
          %dma_start3A_601 = tpu.memref_slice %arg2[%dma_start3A_599, %dma_start3A_600] : memref<10240x128xf32, #tpu.memory_space<hbm>> -> memref<10240x128xf32, #tpu.memory_space<hbm>>
          %dma_start3A_602 = tpu.memref_slice %arg15[%dma_start3A_595] : memref<2x!tpu.dma_semaphore, #tpu.memory_space<semaphore_mem>> -> memref<1x!tpu.dma_semaphore, #tpu.memory_space<semaphore_mem>>
          %dma_start3A_603 = tpu.memref_squeeze %dma_start3A_602 : memref<1x!tpu.dma_semaphore, #tpu.memory_space<semaphore_mem>> -> memref<!tpu.dma_semaphore, #tpu.memory_space<semaphore_mem>>
          tpu.enqueue_indirect_dma source(%dma_start3A_601 : memref<10240x128xf32, #tpu.memory_space<hbm>>) target(%arg11 : memref<128x128xf32, #tpu.memory_space<vmem>>) offsets(%dma_start3A_598 : memref<128xi32, #tpu.memory_space<vmem>>) semaphore(%dma_start3A_603 : memref<!tpu.dma_semaphore, #tpu.memory_space<semaphore_mem>>)
        } else {
        }
        %add3A_313 = arith.constant 4 : i32
        %add3A_314 = arith.addi %add3A_245, %add3A_313 : i32
        %lt3A_315 = arith.constant 80 : i32
        %lt3A_316 = arith.cmpi slt, %add3A_314, %lt3A_315 : i32
        %convert_element_type3A_317 = arith.extui %lt3A_316 : i1 to i32
        %cond3A_318 = arith.constant 0 : i32
        %cond3A_319 = arith.cmpi ne, %convert_element_type3A_317, %cond3A_318 : i32
        scf.if %cond3A_319 {
          %add3A_560 = arith.addi %mul3A_13, %add3A_245 : i32
          %add3A_561 = arith.constant 4 : i32
          %add3A_562 = arith.addi %add3A_560, %add3A_561 : i32
          %dma_start3A_563 = arith.constant 0 : i32
          %dma_start3A_564 = arith.constant 0 : i32
          %dma_start3A_565 = arith.constant 0 : i32
          %dma_start3A_566 = tpu.memref_slice %arg9[%dma_start3A_563, %dma_start3A_565] : memref<4x128xi32, #tpu.memory_space<vmem>> -> memref<1x128xi32, #tpu.memory_space<vmem>>
          %dma_start3A_567 = tpu.memref_squeeze %dma_start3A_566 : memref<1x128xi32, #tpu.memory_space<vmem>> -> memref<128xi32, #tpu.memory_space<vmem>>
          %dma_start3A_568 = arith.constant 0 : i32
          %dma_start3A_569 = tpu.memref_slice %arg3[%add3A_562, %dma_start3A_568] : memref<2560x128xi32, #tpu.memory_space<hbm>> -> memref<1x128xi32, #tpu.memory_space<hbm>>
          %dma_start3A_570 = tpu.memref_squeeze %dma_start3A_569 : memref<1x128xi32, #tpu.memory_space<hbm>> -> memref<128xi32, #tpu.memory_space<hbm>>
          %dma_start3A_571 = tpu.memref_slice %arg17[%dma_start3A_564] : memref<4x!tpu.dma_semaphore, #tpu.memory_space<semaphore_mem>> -> memref<1x!tpu.dma_semaphore, #tpu.memory_space<semaphore_mem>>
          %dma_start3A_572 = tpu.memref_squeeze %dma_start3A_571 : memref<1x!tpu.dma_semaphore, #tpu.memory_space<semaphore_mem>> -> memref<!tpu.dma_semaphore, #tpu.memory_space<semaphore_mem>>
          %dma_start3A_573 = arith.constant 0 : i32
          %dma_start3A_574 = tpu.memref_slice %arg9[%dma_start3A_563, %dma_start3A_573] : memref<4x128xi32, #tpu.memory_space<vmem>> -> memref<1x128xi32, #tpu.memory_space<vmem>>
          %dma_start3A_575 = tpu.memref_squeeze %dma_start3A_574 : memref<1x128xi32, #tpu.memory_space<vmem>> -> memref<128xi32, #tpu.memory_space<vmem>>
          %dma_start3A_576 = arith.constant 0 : i32
          %dma_start3A_577 = tpu.memref_slice %arg3[%add3A_562, %dma_start3A_576] : memref<2560x128xi32, #tpu.memory_space<hbm>> -> memref<1x128xi32, #tpu.memory_space<hbm>>
          %dma_start3A_578 = tpu.memref_squeeze %dma_start3A_577 : memref<1x128xi32, #tpu.memory_space<hbm>> -> memref<128xi32, #tpu.memory_space<hbm>>
          tpu.enqueue_dma source(%dma_start3A_578 : memref<128xi32, #tpu.memory_space<hbm>>) target(%dma_start3A_575 : memref<128xi32, #tpu.memory_space<vmem>>) target_semaphore(%dma_start3A_572 : memref<!tpu.dma_semaphore, #tpu.memory_space<semaphore_mem>>)
          %dma_start3A_579 = arith.constant 0 : i32
          %dma_start3A_580 = arith.constant 0 : i32
          %dma_start3A_581 = arith.constant 0 : i32
          %dma_start3A_582 = tpu.memref_slice %arg10[%dma_start3A_579, %dma_start3A_581] : memref<4x128xi32, #tpu.memory_space<vmem>> -> memref<1x128xi32, #tpu.memory_space<vmem>>
          %dma_start3A_583 = tpu.memref_squeeze %dma_start3A_582 : memref<1x128xi32, #tpu.memory_space<vmem>> -> memref<128xi32, #tpu.memory_space<vmem>>
          %dma_start3A_584 = arith.constant 0 : i32
          %dma_start3A_585 = tpu.memref_slice %arg4[%add3A_562, %dma_start3A_584] : memref<2560x128xi32, #tpu.memory_space<hbm>> -> memref<1x128xi32, #tpu.memory_space<hbm>>
          %dma_start3A_586 = tpu.memref_squeeze %dma_start3A_585 : memref<1x128xi32, #tpu.memory_space<hbm>> -> memref<128xi32, #tpu.memory_space<hbm>>
          %dma_start3A_587 = tpu.memref_slice %arg18[%dma_start3A_580] : memref<4x!tpu.dma_semaphore, #tpu.memory_space<semaphore_mem>> -> memref<1x!tpu.dma_semaphore, #tpu.memory_space<semaphore_mem>>
          %dma_start3A_588 = tpu.memref_squeeze %dma_start3A_587 : memref<1x!tpu.dma_semaphore, #tpu.memory_space<semaphore_mem>> -> memref<!tpu.dma_semaphore, #tpu.memory_space<semaphore_mem>>
          %dma_start3A_589 = arith.constant 0 : i32
          %dma_start3A_590 = tpu.memref_slice %arg10[%dma_start3A_579, %dma_start3A_589] : memref<4x128xi32, #tpu.memory_space<vmem>> -> memref<1x128xi32, #tpu.memory_space<vmem>>
          %dma_start3A_591 = tpu.memref_squeeze %dma_start3A_590 : memref<1x128xi32, #tpu.memory_space<vmem>> -> memref<128xi32, #tpu.memory_space<vmem>>
          %dma_start3A_592 = arith.constant 0 : i32
          %dma_start3A_593 = tpu.memref_slice %arg4[%add3A_562, %dma_start3A_592] : memref<2560x128xi32, #tpu.memory_space<hbm>> -> memref<1x128xi32, #tpu.memory_space<hbm>>
          %dma_start3A_594 = tpu.memref_squeeze %dma_start3A_593 : memref<1x128xi32, #tpu.memory_space<hbm>> -> memref<128xi32, #tpu.memory_space<hbm>>
          tpu.enqueue_dma source(%dma_start3A_594 : memref<128xi32, #tpu.memory_space<hbm>>) target(%dma_start3A_591 : memref<128xi32, #tpu.memory_space<vmem>>) target_semaphore(%dma_start3A_588 : memref<!tpu.dma_semaphore, #tpu.memory_space<semaphore_mem>>)
        } else {
        }
        %mul3A_320 = arith.constant 4 : i32
        %mul3A_321 = arith.muli %scan3A_241, %mul3A_320 : i32
        %add3A_322 = arith.constant 1 : i32
        %add3A_323 = arith.addi %mul3A_321, %add3A_322 : i32
        %dma_wait3A_324 = arith.constant 0 : i32
        %dma_wait3A_325 = arith.constant 1 : i32
        %dma_wait3A_326 = arith.constant 0 : i32
        %dma_wait3A_327 = tpu.memref_slice %arg9[%dma_wait3A_324, %dma_wait3A_326] : memref<4x128xi32, #tpu.memory_space<vmem>> -> memref<1x128xi32, #tpu.memory_space<vmem>>
        %dma_wait3A_328 = tpu.memref_squeeze %dma_wait3A_327 : memref<1x128xi32, #tpu.memory_space<vmem>> -> memref<128xi32, #tpu.memory_space<vmem>>
        %dma_wait3A_329 = arith.constant 0 : i32
        %dma_wait3A_330 = arith.constant 0 : i32
        %dma_wait3A_331 = tpu.memref_slice %arg2[%dma_wait3A_329, %dma_wait3A_330] : memref<10240x128xf32, #tpu.memory_space<hbm>> -> memref<10240x128xf32, #tpu.memory_space<hbm>>
        %dma_wait3A_332 = tpu.memref_slice %arg15[%dma_wait3A_325] : memref<2x!tpu.dma_semaphore, #tpu.memory_space<semaphore_mem>> -> memref<1x!tpu.dma_semaphore, #tpu.memory_space<semaphore_mem>>
        %dma_wait3A_333 = tpu.memref_squeeze %dma_wait3A_332 : memref<1x!tpu.dma_semaphore, #tpu.memory_space<semaphore_mem>> -> memref<!tpu.dma_semaphore, #tpu.memory_space<semaphore_mem>>
        tpu.wait_indirect_dma semaphore(%dma_wait3A_333 : memref<!tpu.dma_semaphore, #tpu.memory_space<semaphore_mem>>) src(%dma_wait3A_331 : memref<10240x128xf32, #tpu.memory_space<hbm>>) dst(%arg12 : memref<128x128xf32, #tpu.memory_space<vmem>>)
        %dma_start3A_334 = arith.constant 1 : i32
        %dma_start3A_335 = arith.constant 1 : i32
        %dma_start3A_336 = arith.constant 0 : i32
        %dma_start3A_337 = tpu.memref_slice %arg10[%dma_start3A_334, %dma_start3A_336] : memref<4x128xi32, #tpu.memory_space<vmem>> -> memref<1x128xi32, #tpu.memory_space<vmem>>
        %dma_start3A_338 = tpu.memref_squeeze %dma_start3A_337 : memref<1x128xi32, #tpu.memory_space<vmem>> -> memref<128xi32, #tpu.memory_space<vmem>>
        %dma_start3A_339 = arith.constant 0 : i32
        %dma_start3A_340 = arith.constant 0 : i32
        %dma_start3A_341 = tpu.memref_slice %arg14[%dma_start3A_339, %dma_start3A_340] : memref<10240x128xf32, #tpu.memory_space<vmem_shared>> -> memref<10240x128xf32, #tpu.memory_space<vmem_shared>>
        %dma_start3A_342 = tpu.memref_slice %arg16[%dma_start3A_335] : memref<2x!tpu.dma_semaphore, #tpu.memory_space<semaphore_mem>> -> memref<1x!tpu.dma_semaphore, #tpu.memory_space<semaphore_mem>>
        %dma_start3A_343 = tpu.memref_squeeze %dma_start3A_342 : memref<1x!tpu.dma_semaphore, #tpu.memory_space<semaphore_mem>> -> memref<!tpu.dma_semaphore, #tpu.memory_space<semaphore_mem>>
        tpu.enqueue_indirect_dma source(%arg12 : memref<128x128xf32, #tpu.memory_space<vmem>>) target(%dma_start3A_341 : memref<10240x128xf32, #tpu.memory_space<vmem_shared>>) offsets(%dma_start3A_338 : memref<128xi32, #tpu.memory_space<vmem>>) semaphore(%dma_start3A_343 : memref<!tpu.dma_semaphore, #tpu.memory_space<semaphore_mem>>) {add = true}
        %get3A_344 = arith.constant 1 : i32
        %get3A_345 = arith.index_cast %get3A_344 : i32 to index
        %get3A_346 = arith.constant 0 : index
        %get3A_347 = tpu.vector_load %arg10[%get3A_345, %get3A_346] {strides = array<i32>} : memref<4x128xi32, #tpu.memory_space<vmem>>, vector<16xi32>,
        tpu.vector_store_idx %arg13[%get3A_347], %broadcast_in_dim3A_3 {add = true} : memref<10240xf32, #tpu.memory_space<vmem>>[vector<16xi32>], vector<16xf32>,
        %get3A_348 = arith.constant 1 : i32
        %get3A_349 = arith.index_cast %get3A_348 : i32 to index
        %get3A_350 = arith.constant 16 : index
        %get3A_351 = tpu.vector_load %arg10[%get3A_349, %get3A_350] {strides = array<i32>} : memref<4x128xi32, #tpu.memory_space<vmem>>, vector<16xi32>,
        tpu.vector_store_idx %arg13[%get3A_351], %broadcast_in_dim3A_3 {add = true} : memref<10240xf32, #tpu.memory_space<vmem>>[vector<16xi32>], vector<16xf32>,
        %get3A_352 = arith.constant 1 : i32
        %get3A_353 = arith.index_cast %get3A_352 : i32 to index
        %get3A_354 = arith.constant 32 : index
        %get3A_355 = tpu.vector_load %arg10[%get3A_353, %get3A_354] {strides = array<i32>} : memref<4x128xi32, #tpu.memory_space<vmem>>, vector<16xi32>,
        tpu.vector_store_idx %arg13[%get3A_355], %broadcast_in_dim3A_3 {add = true} : memref<10240xf32, #tpu.memory_space<vmem>>[vector<16xi32>], vector<16xf32>,
        %get3A_356 = arith.constant 1 : i32
        %get3A_357 = arith.index_cast %get3A_356 : i32 to index
        %get3A_358 = arith.constant 48 : index
        %get3A_359 = tpu.vector_load %arg10[%get3A_357, %get3A_358] {strides = array<i32>} : memref<4x128xi32, #tpu.memory_space<vmem>>, vector<16xi32>,
        tpu.vector_store_idx %arg13[%get3A_359], %broadcast_in_dim3A_3 {add = true} : memref<10240xf32, #tpu.memory_space<vmem>>[vector<16xi32>], vector<16xf32>,
        %get3A_360 = arith.constant 1 : i32
        %get3A_361 = arith.index_cast %get3A_360 : i32 to index
        %get3A_362 = arith.constant 64 : index
        %get3A_363 = tpu.vector_load %arg10[%get3A_361, %get3A_362] {strides = array<i32>} : memref<4x128xi32, #tpu.memory_space<vmem>>, vector<16xi32>,
        tpu.vector_store_idx %arg13[%get3A_363], %broadcast_in_dim3A_3 {add = true} : memref<10240xf32, #tpu.memory_space<vmem>>[vector<16xi32>], vector<16xf32>,
        %get3A_364 = arith.constant 1 : i32
        %get3A_365 = arith.index_cast %get3A_364 : i32 to index
        %get3A_366 = arith.constant 80 : index
        %get3A_367 = tpu.vector_load %arg10[%get3A_365, %get3A_366] {strides = array<i32>} : memref<4x128xi32, #tpu.memory_space<vmem>>, vector<16xi32>,
        tpu.vector_store_idx %arg13[%get3A_367], %broadcast_in_dim3A_3 {add = true} : memref<10240xf32, #tpu.memory_space<vmem>>[vector<16xi32>], vector<16xf32>,
        %get3A_368 = arith.constant 1 : i32
        %get3A_369 = arith.index_cast %get3A_368 : i32 to index
        %get3A_370 = arith.constant 96 : index
        %get3A_371 = tpu.vector_load %arg10[%get3A_369, %get3A_370] {strides = array<i32>} : memref<4x128xi32, #tpu.memory_space<vmem>>, vector<16xi32>,
        tpu.vector_store_idx %arg13[%get3A_371], %broadcast_in_dim3A_3 {add = true} : memref<10240xf32, #tpu.memory_space<vmem>>[vector<16xi32>], vector<16xf32>,
        %get3A_372 = arith.constant 1 : i32
        %get3A_373 = arith.index_cast %get3A_372 : i32 to index
        %get3A_374 = arith.constant 112 : index
        %get3A_375 = tpu.vector_load %arg10[%get3A_373, %get3A_374] {strides = array<i32>} : memref<4x128xi32, #tpu.memory_space<vmem>>, vector<16xi32>,
        tpu.vector_store_idx %arg13[%get3A_375], %broadcast_in_dim3A_3 {add = true} : memref<10240xf32, #tpu.memory_space<vmem>>[vector<16xi32>], vector<16xf32>,
        %dma_wait3A_376 = arith.constant 0 : i32
        %dma_wait3A_377 = arith.constant 1 : i32
        %dma_wait3A_378 = arith.constant 0 : i32
        %dma_wait3A_379 = tpu.memref_slice %arg10[%dma_wait3A_376, %dma_wait3A_378] : memref<4x128xi32, #tpu.memory_space<vmem>> -> memref<1x128xi32, #tpu.memory_space<vmem>>
        %dma_wait3A_380 = tpu.memref_squeeze %dma_wait3A_379 : memref<1x128xi32, #tpu.memory_space<vmem>> -> memref<128xi32, #tpu.memory_space<vmem>>
        %dma_wait3A_381 = arith.constant 0 : i32
        %dma_wait3A_382 = arith.constant 0 : i32
        %dma_wait3A_383 = tpu.memref_slice %arg14[%dma_wait3A_381, %dma_wait3A_382] : memref<10240x128xf32, #tpu.memory_space<vmem_shared>> -> memref<10240x128xf32, #tpu.memory_space<vmem_shared>>
        %dma_wait3A_384 = tpu.memref_slice %arg16[%dma_wait3A_377] : memref<2x!tpu.dma_semaphore, #tpu.memory_space<semaphore_mem>> -> memref<1x!tpu.dma_semaphore, #tpu.memory_space<semaphore_mem>>
        %dma_wait3A_385 = tpu.memref_squeeze %dma_wait3A_384 : memref<1x!tpu.dma_semaphore, #tpu.memory_space<semaphore_mem>> -> memref<!tpu.dma_semaphore, #tpu.memory_space<semaphore_mem>>
        tpu.wait_indirect_dma semaphore(%dma_wait3A_385 : memref<!tpu.dma_semaphore, #tpu.memory_space<semaphore_mem>>) src(%arg12 : memref<128x128xf32, #tpu.memory_space<vmem>>) dst(%dma_wait3A_383 : memref<10240x128xf32, #tpu.memory_space<vmem_shared>>)
        %add3A_386 = arith.constant 2 : i32
        %add3A_387 = arith.addi %add3A_323, %add3A_386 : i32
        %lt3A_388 = arith.constant 80 : i32
        %lt3A_389 = arith.cmpi slt, %add3A_387, %lt3A_388 : i32
        %convert_element_type3A_390 = arith.extui %lt3A_389 : i1 to i32
        %cond3A_391 = arith.constant 0 : i32
        %cond3A_392 = arith.cmpi ne, %convert_element_type3A_390, %cond3A_391 : i32
        scf.if %cond3A_392 {
          %dma_wait3A_560 = arith.constant 0 : i32
          %dma_wait3A_561 = arith.constant 3 : i32
          %dma_wait3A_562 = arith.constant 3 : i32
          %dma_wait3A_563 = arith.constant 0 : i32
          %dma_wait3A_564 = tpu.memref_slice %arg9[%dma_wait3A_561, %dma_wait3A_563] : memref<4x128xi32, #tpu.memory_space<vmem>> -> memref<1x128xi32, #tpu.memory_space<vmem>>
          %dma_wait3A_565 = tpu.memref_squeeze %dma_wait3A_564 : memref<1x128xi32, #tpu.memory_space<vmem>> -> memref<128xi32, #tpu.memory_space<vmem>>
          %dma_wait3A_566 = arith.constant 0 : i32
          %dma_wait3A_567 = tpu.memref_slice %arg3[%dma_wait3A_560, %dma_wait3A_566] : memref<2560x128xi32, #tpu.memory_space<hbm>> -> memref<1x128xi32, #tpu.memory_space<hbm>>
          %dma_wait3A_568 = tpu.memref_squeeze %dma_wait3A_567 : memref<1x128xi32, #tpu.memory_space<hbm>> -> memref<128xi32, #tpu.memory_space<hbm>>
          %dma_wait3A_569 = tpu.memref_slice %arg17[%dma_wait3A_562] : memref<4x!tpu.dma_semaphore, #tpu.memory_space<semaphore_mem>> -> memref<1x!tpu.dma_semaphore, #tpu.memory_space<semaphore_mem>>
          %dma_wait3A_570 = tpu.memref_squeeze %dma_wait3A_569 : memref<1x!tpu.dma_semaphore, #tpu.memory_space<semaphore_mem>> -> memref<!tpu.dma_semaphore, #tpu.memory_space<semaphore_mem>>
          %dma_wait3A_571 = arith.constant 0 : i32
          %dma_wait3A_572 = tpu.memref_slice %arg9[%dma_wait3A_561, %dma_wait3A_571] : memref<4x128xi32, #tpu.memory_space<vmem>> -> memref<1x128xi32, #tpu.memory_space<vmem>>
          %dma_wait3A_573 = tpu.memref_squeeze %dma_wait3A_572 : memref<1x128xi32, #tpu.memory_space<vmem>> -> memref<128xi32, #tpu.memory_space<vmem>>
          %dma_wait3A_574 = arith.constant 0 : i32
          %dma_wait3A_575 = tpu.memref_slice %arg3[%dma_wait3A_560, %dma_wait3A_574] : memref<2560x128xi32, #tpu.memory_space<hbm>> -> memref<1x128xi32, #tpu.memory_space<hbm>>
          %dma_wait3A_576 = tpu.memref_squeeze %dma_wait3A_575 : memref<1x128xi32, #tpu.memory_space<hbm>> -> memref<128xi32, #tpu.memory_space<hbm>>
          tpu.wait_dma2 semaphore(%dma_wait3A_570 : memref<!tpu.dma_semaphore, #tpu.memory_space<semaphore_mem>>) src(%dma_wait3A_576 : memref<128xi32, #tpu.memory_space<hbm>>) dst(%dma_wait3A_573 : memref<128xi32, #tpu.memory_space<vmem>>)
          %dma_wait3A_577 = arith.constant 0 : i32
          %dma_wait3A_578 = arith.constant 3 : i32
          %dma_wait3A_579 = arith.constant 3 : i32
          %dma_wait3A_580 = arith.constant 0 : i32
          %dma_wait3A_581 = tpu.memref_slice %arg10[%dma_wait3A_578, %dma_wait3A_580] : memref<4x128xi32, #tpu.memory_space<vmem>> -> memref<1x128xi32, #tpu.memory_space<vmem>>
          %dma_wait3A_582 = tpu.memref_squeeze %dma_wait3A_581 : memref<1x128xi32, #tpu.memory_space<vmem>> -> memref<128xi32, #tpu.memory_space<vmem>>
          %dma_wait3A_583 = arith.constant 0 : i32
          %dma_wait3A_584 = tpu.memref_slice %arg4[%dma_wait3A_577, %dma_wait3A_583] : memref<2560x128xi32, #tpu.memory_space<hbm>> -> memref<1x128xi32, #tpu.memory_space<hbm>>
          %dma_wait3A_585 = tpu.memref_squeeze %dma_wait3A_584 : memref<1x128xi32, #tpu.memory_space<hbm>> -> memref<128xi32, #tpu.memory_space<hbm>>
          %dma_wait3A_586 = tpu.memref_slice %arg18[%dma_wait3A_579] : memref<4x!tpu.dma_semaphore, #tpu.memory_space<semaphore_mem>> -> memref<1x!tpu.dma_semaphore, #tpu.memory_space<semaphore_mem>>
          %dma_wait3A_587 = tpu.memref_squeeze %dma_wait3A_586 : memref<1x!tpu.dma_semaphore, #tpu.memory_space<semaphore_mem>> -> memref<!tpu.dma_semaphore, #tpu.memory_space<semaphore_mem>>
          %dma_wait3A_588 = arith.constant 0 : i32
          %dma_wait3A_589 = tpu.memref_slice %arg10[%dma_wait3A_578, %dma_wait3A_588] : memref<4x128xi32, #tpu.memory_space<vmem>> -> memref<1x128xi32, #tpu.memory_space<vmem>>
          %dma_wait3A_590 = tpu.memref_squeeze %dma_wait3A_589 : memref<1x128xi32, #tpu.memory_space<vmem>> -> memref<128xi32, #tpu.memory_space<vmem>>
          %dma_wait3A_591 = arith.constant 0 : i32
          %dma_wait3A_592 = tpu.memref_slice %arg4[%dma_wait3A_577, %dma_wait3A_591] : memref<2560x128xi32, #tpu.memory_space<hbm>> -> memref<1x128xi32, #tpu.memory_space<hbm>>
          %dma_wait3A_593 = tpu.memref_squeeze %dma_wait3A_592 : memref<1x128xi32, #tpu.memory_space<hbm>> -> memref<128xi32, #tpu.memory_space<hbm>>
          tpu.wait_dma2 semaphore(%dma_wait3A_587 : memref<!tpu.dma_semaphore, #tpu.memory_space<semaphore_mem>>) src(%dma_wait3A_593 : memref<128xi32, #tpu.memory_space<hbm>>) dst(%dma_wait3A_590 : memref<128xi32, #tpu.memory_space<vmem>>)
          %dma_start3A_594 = arith.constant 3 : i32
          %dma_start3A_595 = arith.constant 1 : i32
          %dma_start3A_596 = arith.constant 0 : i32
          %dma_start3A_597 = tpu.memref_slice %arg9[%dma_start3A_594, %dma_start3A_596] : memref<4x128xi32, #tpu.memory_space<vmem>> -> memref<1x128xi32, #tpu.memory_space<vmem>>
          %dma_start3A_598 = tpu.memref_squeeze %dma_start3A_597 : memref<1x128xi32, #tpu.memory_space<vmem>> -> memref<128xi32, #tpu.memory_space<vmem>>
          %dma_start3A_599 = arith.constant 0 : i32
          %dma_start3A_600 = arith.constant 0 : i32
          %dma_start3A_601 = tpu.memref_slice %arg2[%dma_start3A_599, %dma_start3A_600] : memref<10240x128xf32, #tpu.memory_space<hbm>> -> memref<10240x128xf32, #tpu.memory_space<hbm>>
          %dma_start3A_602 = tpu.memref_slice %arg15[%dma_start3A_595] : memref<2x!tpu.dma_semaphore, #tpu.memory_space<semaphore_mem>> -> memref<1x!tpu.dma_semaphore, #tpu.memory_space<semaphore_mem>>
          %dma_start3A_603 = tpu.memref_squeeze %dma_start3A_602 : memref<1x!tpu.dma_semaphore, #tpu.memory_space<semaphore_mem>> -> memref<!tpu.dma_semaphore, #tpu.memory_space<semaphore_mem>>
          tpu.enqueue_indirect_dma source(%dma_start3A_601 : memref<10240x128xf32, #tpu.memory_space<hbm>>) target(%arg12 : memref<128x128xf32, #tpu.memory_space<vmem>>) offsets(%dma_start3A_598 : memref<128xi32, #tpu.memory_space<vmem>>) semaphore(%dma_start3A_603 : memref<!tpu.dma_semaphore, #tpu.memory_space<semaphore_mem>>)
        } else {
        }
        %add3A_393 = arith.constant 4 : i32
        %add3A_394 = arith.addi %add3A_323, %add3A_393 : i32
        %lt3A_395 = arith.constant 80 : i32
        %lt3A_396 = arith.cmpi slt, %add3A_394, %lt3A_395 : i32
        %convert_element_type3A_397 = arith.extui %lt3A_396 : i1 to i32
        %cond3A_398 = arith.constant 0 : i32
        %cond3A_399 = arith.cmpi ne, %convert_element_type3A_397, %cond3A_398 : i32
        scf.if %cond3A_399 {
          %add3A_560 = arith.addi %mul3A_13, %add3A_323 : i32
          %add3A_561 = arith.constant 4 : i32
          %add3A_562 = arith.addi %add3A_560, %add3A_561 : i32
          %dma_start3A_563 = arith.constant 1 : i32
          %dma_start3A_564 = arith.constant 1 : i32
          %dma_start3A_565 = arith.constant 0 : i32
          %dma_start3A_566 = tpu.memref_slice %arg9[%dma_start3A_563, %dma_start3A_565] : memref<4x128xi32, #tpu.memory_space<vmem>> -> memref<1x128xi32, #tpu.memory_space<vmem>>
          %dma_start3A_567 = tpu.memref_squeeze %dma_start3A_566 : memref<1x128xi32, #tpu.memory_space<vmem>> -> memref<128xi32, #tpu.memory_space<vmem>>
          %dma_start3A_568 = arith.constant 0 : i32
          %dma_start3A_569 = tpu.memref_slice %arg3[%add3A_562, %dma_start3A_568] : memref<2560x128xi32, #tpu.memory_space<hbm>> -> memref<1x128xi32, #tpu.memory_space<hbm>>
          %dma_start3A_570 = tpu.memref_squeeze %dma_start3A_569 : memref<1x128xi32, #tpu.memory_space<hbm>> -> memref<128xi32, #tpu.memory_space<hbm>>
          %dma_start3A_571 = tpu.memref_slice %arg17[%dma_start3A_564] : memref<4x!tpu.dma_semaphore, #tpu.memory_space<semaphore_mem>> -> memref<1x!tpu.dma_semaphore, #tpu.memory_space<semaphore_mem>>
          %dma_start3A_572 = tpu.memref_squeeze %dma_start3A_571 : memref<1x!tpu.dma_semaphore, #tpu.memory_space<semaphore_mem>> -> memref<!tpu.dma_semaphore, #tpu.memory_space<semaphore_mem>>
          %dma_start3A_573 = arith.constant 0 : i32
          %dma_start3A_574 = tpu.memref_slice %arg9[%dma_start3A_563, %dma_start3A_573] : memref<4x128xi32, #tpu.memory_space<vmem>> -> memref<1x128xi32, #tpu.memory_space<vmem>>
          %dma_start3A_575 = tpu.memref_squeeze %dma_start3A_574 : memref<1x128xi32, #tpu.memory_space<vmem>> -> memref<128xi32, #tpu.memory_space<vmem>>
          %dma_start3A_576 = arith.constant 0 : i32
          %dma_start3A_577 = tpu.memref_slice %arg3[%add3A_562, %dma_start3A_576] : memref<2560x128xi32, #tpu.memory_space<hbm>> -> memref<1x128xi32, #tpu.memory_space<hbm>>
          %dma_start3A_578 = tpu.memref_squeeze %dma_start3A_577 : memref<1x128xi32, #tpu.memory_space<hbm>> -> memref<128xi32, #tpu.memory_space<hbm>>
          tpu.enqueue_dma source(%dma_start3A_578 : memref<128xi32, #tpu.memory_space<hbm>>) target(%dma_start3A_575 : memref<128xi32, #tpu.memory_space<vmem>>) target_semaphore(%dma_start3A_572 : memref<!tpu.dma_semaphore, #tpu.memory_space<semaphore_mem>>)
          %dma_start3A_579 = arith.constant 1 : i32
          %dma_start3A_580 = arith.constant 1 : i32
          %dma_start3A_581 = arith.constant 0 : i32
          %dma_start3A_582 = tpu.memref_slice %arg10[%dma_start3A_579, %dma_start3A_581] : memref<4x128xi32, #tpu.memory_space<vmem>> -> memref<1x128xi32, #tpu.memory_space<vmem>>
          %dma_start3A_583 = tpu.memref_squeeze %dma_start3A_582 : memref<1x128xi32, #tpu.memory_space<vmem>> -> memref<128xi32, #tpu.memory_space<vmem>>
          %dma_start3A_584 = arith.constant 0 : i32
          %dma_start3A_585 = tpu.memref_slice %arg4[%add3A_562, %dma_start3A_584] : memref<2560x128xi32, #tpu.memory_space<hbm>> -> memref<1x128xi32, #tpu.memory_space<hbm>>
          %dma_start3A_586 = tpu.memref_squeeze %dma_start3A_585 : memref<1x128xi32, #tpu.memory_space<hbm>> -> memref<128xi32, #tpu.memory_space<hbm>>
          %dma_start3A_587 = tpu.memref_slice %arg18[%dma_start3A_580] : memref<4x!tpu.dma_semaphore, #tpu.memory_space<semaphore_mem>> -> memref<1x!tpu.dma_semaphore, #tpu.memory_space<semaphore_mem>>
          %dma_start3A_588 = tpu.memref_squeeze %dma_start3A_587 : memref<1x!tpu.dma_semaphore, #tpu.memory_space<semaphore_mem>> -> memref<!tpu.dma_semaphore, #tpu.memory_space<semaphore_mem>>
          %dma_start3A_589 = arith.constant 0 : i32
          %dma_start3A_590 = tpu.memref_slice %arg10[%dma_start3A_579, %dma_start3A_589] : memref<4x128xi32, #tpu.memory_space<vmem>> -> memref<1x128xi32, #tpu.memory_space<vmem>>
          %dma_start3A_591 = tpu.memref_squeeze %dma_start3A_590 : memref<1x128xi32, #tpu.memory_space<vmem>> -> memref<128xi32, #tpu.memory_space<vmem>>
          %dma_start3A_592 = arith.constant 0 : i32
          %dma_start3A_593 = tpu.memref_slice %arg4[%add3A_562, %dma_start3A_592] : memref<2560x128xi32, #tpu.memory_space<hbm>> -> memref<1x128xi32, #tpu.memory_space<hbm>>
          %dma_start3A_594 = tpu.memref_squeeze %dma_start3A_593 : memref<1x128xi32, #tpu.memory_space<hbm>> -> memref<128xi32, #tpu.memory_space<hbm>>
          tpu.enqueue_dma source(%dma_start3A_594 : memref<128xi32, #tpu.memory_space<hbm>>) target(%dma_start3A_591 : memref<128xi32, #tpu.memory_space<vmem>>) target_semaphore(%dma_start3A_588 : memref<!tpu.dma_semaphore, #tpu.memory_space<semaphore_mem>>)
        } else {
        }
        %mul3A_400 = arith.constant 4 : i32
        %mul3A_401 = arith.muli %scan3A_241, %mul3A_400 : i32
        %add3A_402 = arith.constant 2 : i32
        %add3A_403 = arith.addi %mul3A_401, %add3A_402 : i32
        %dma_wait3A_404 = arith.constant 0 : i32
        %dma_wait3A_405 = arith.constant 0 : i32
        %dma_wait3A_406 = arith.constant 0 : i32
        %dma_wait3A_407 = tpu.memref_slice %arg9[%dma_wait3A_404, %dma_wait3A_406] : memref<4x128xi32, #tpu.memory_space<vmem>> -> memref<1x128xi32, #tpu.memory_space<vmem>>
        %dma_wait3A_408 = tpu.memref_squeeze %dma_wait3A_407 : memref<1x128xi32, #tpu.memory_space<vmem>> -> memref<128xi32, #tpu.memory_space<vmem>>
        %dma_wait3A_409 = arith.constant 0 : i32
        %dma_wait3A_410 = arith.constant 0 : i32
        %dma_wait3A_411 = tpu.memref_slice %arg2[%dma_wait3A_409, %dma_wait3A_410] : memref<10240x128xf32, #tpu.memory_space<hbm>> -> memref<10240x128xf32, #tpu.memory_space<hbm>>
        %dma_wait3A_412 = tpu.memref_slice %arg15[%dma_wait3A_405] : memref<2x!tpu.dma_semaphore, #tpu.memory_space<semaphore_mem>> -> memref<1x!tpu.dma_semaphore, #tpu.memory_space<semaphore_mem>>
        %dma_wait3A_413 = tpu.memref_squeeze %dma_wait3A_412 : memref<1x!tpu.dma_semaphore, #tpu.memory_space<semaphore_mem>> -> memref<!tpu.dma_semaphore, #tpu.memory_space<semaphore_mem>>
        tpu.wait_indirect_dma semaphore(%dma_wait3A_413 : memref<!tpu.dma_semaphore, #tpu.memory_space<semaphore_mem>>) src(%dma_wait3A_411 : memref<10240x128xf32, #tpu.memory_space<hbm>>) dst(%arg11 : memref<128x128xf32, #tpu.memory_space<vmem>>)
        %dma_start3A_414 = arith.constant 2 : i32
        %dma_start3A_415 = arith.constant 0 : i32
        %dma_start3A_416 = arith.constant 0 : i32
        %dma_start3A_417 = tpu.memref_slice %arg10[%dma_start3A_414, %dma_start3A_416] : memref<4x128xi32, #tpu.memory_space<vmem>> -> memref<1x128xi32, #tpu.memory_space<vmem>>
        %dma_start3A_418 = tpu.memref_squeeze %dma_start3A_417 : memref<1x128xi32, #tpu.memory_space<vmem>> -> memref<128xi32, #tpu.memory_space<vmem>>
        %dma_start3A_419 = arith.constant 0 : i32
        %dma_start3A_420 = arith.constant 0 : i32
        %dma_start3A_421 = tpu.memref_slice %arg14[%dma_start3A_419, %dma_start3A_420] : memref<10240x128xf32, #tpu.memory_space<vmem_shared>> -> memref<10240x128xf32, #tpu.memory_space<vmem_shared>>
        %dma_start3A_422 = tpu.memref_slice %arg16[%dma_start3A_415] : memref<2x!tpu.dma_semaphore, #tpu.memory_space<semaphore_mem>> -> memref<1x!tpu.dma_semaphore, #tpu.memory_space<semaphore_mem>>
        %dma_start3A_423 = tpu.memref_squeeze %dma_start3A_422 : memref<1x!tpu.dma_semaphore, #tpu.memory_space<semaphore_mem>> -> memref<!tpu.dma_semaphore, #tpu.memory_space<semaphore_mem>>
        tpu.enqueue_indirect_dma source(%arg11 : memref<128x128xf32, #tpu.memory_space<vmem>>) target(%dma_start3A_421 : memref<10240x128xf32, #tpu.memory_space<vmem_shared>>) offsets(%dma_start3A_418 : memref<128xi32, #tpu.memory_space<vmem>>) semaphore(%dma_start3A_423 : memref<!tpu.dma_semaphore, #tpu.memory_space<semaphore_mem>>) {add = true}
        %get3A_424 = arith.constant 2 : i32
        %get3A_425 = arith.index_cast %get3A_424 : i32 to index
        %get3A_426 = arith.constant 0 : index
        %get3A_427 = tpu.vector_load %arg10[%get3A_425, %get3A_426] {strides = array<i32>} : memref<4x128xi32, #tpu.memory_space<vmem>>, vector<16xi32>,
        tpu.vector_store_idx %arg13[%get3A_427], %broadcast_in_dim3A_3 {add = true} : memref<10240xf32, #tpu.memory_space<vmem>>[vector<16xi32>], vector<16xf32>,
        %get3A_428 = arith.constant 2 : i32
        %get3A_429 = arith.index_cast %get3A_428 : i32 to index
        %get3A_430 = arith.constant 16 : index
        %get3A_431 = tpu.vector_load %arg10[%get3A_429, %get3A_430] {strides = array<i32>} : memref<4x128xi32, #tpu.memory_space<vmem>>, vector<16xi32>,
        tpu.vector_store_idx %arg13[%get3A_431], %broadcast_in_dim3A_3 {add = true} : memref<10240xf32, #tpu.memory_space<vmem>>[vector<16xi32>], vector<16xf32>,
        %get3A_432 = arith.constant 2 : i32
        %get3A_433 = arith.index_cast %get3A_432 : i32 to index
        %get3A_434 = arith.constant 32 : index
        %get3A_435 = tpu.vector_load %arg10[%get3A_433, %get3A_434] {strides = array<i32>} : memref<4x128xi32, #tpu.memory_space<vmem>>, vector<16xi32>,
        tpu.vector_store_idx %arg13[%get3A_435], %broadcast_in_dim3A_3 {add = true} : memref<10240xf32, #tpu.memory_space<vmem>>[vector<16xi32>], vector<16xf32>,
        %get3A_436 = arith.constant 2 : i32
        %get3A_437 = arith.index_cast %get3A_436 : i32 to index
        %get3A_438 = arith.constant 48 : index
        %get3A_439 = tpu.vector_load %arg10[%get3A_437, %get3A_438] {strides = array<i32>} : memref<4x128xi32, #tpu.memory_space<vmem>>, vector<16xi32>,
        tpu.vector_store_idx %arg13[%get3A_439], %broadcast_in_dim3A_3 {add = true} : memref<10240xf32, #tpu.memory_space<vmem>>[vector<16xi32>], vector<16xf32>,
        %get3A_440 = arith.constant 2 : i32
        %get3A_441 = arith.index_cast %get3A_440 : i32 to index
        %get3A_442 = arith.constant 64 : index
        %get3A_443 = tpu.vector_load %arg10[%get3A_441, %get3A_442] {strides = array<i32>} : memref<4x128xi32, #tpu.memory_space<vmem>>, vector<16xi32>,
        tpu.vector_store_idx %arg13[%get3A_443], %broadcast_in_dim3A_3 {add = true} : memref<10240xf32, #tpu.memory_space<vmem>>[vector<16xi32>], vector<16xf32>,
        %get3A_444 = arith.constant 2 : i32
        %get3A_445 = arith.index_cast %get3A_444 : i32 to index
        %get3A_446 = arith.constant 80 : index
        %get3A_447 = tpu.vector_load %arg10[%get3A_445, %get3A_446] {strides = array<i32>} : memref<4x128xi32, #tpu.memory_space<vmem>>, vector<16xi32>,
        tpu.vector_store_idx %arg13[%get3A_447], %broadcast_in_dim3A_3 {add = true} : memref<10240xf32, #tpu.memory_space<vmem>>[vector<16xi32>], vector<16xf32>,
        %get3A_448 = arith.constant 2 : i32
        %get3A_449 = arith.index_cast %get3A_448 : i32 to index
        %get3A_450 = arith.constant 96 : index
        %get3A_451 = tpu.vector_load %arg10[%get3A_449, %get3A_450] {strides = array<i32>} : memref<4x128xi32, #tpu.memory_space<vmem>>, vector<16xi32>,
        tpu.vector_store_idx %arg13[%get3A_451], %broadcast_in_dim3A_3 {add = true} : memref<10240xf32, #tpu.memory_space<vmem>>[vector<16xi32>], vector<16xf32>,
        %get3A_452 = arith.constant 2 : i32
        %get3A_453 = arith.index_cast %get3A_452 : i32 to index
        %get3A_454 = arith.constant 112 : index
        %get3A_455 = tpu.vector_load %arg10[%get3A_453, %get3A_454] {strides = array<i32>} : memref<4x128xi32, #tpu.memory_space<vmem>>, vector<16xi32>,
        tpu.vector_store_idx %arg13[%get3A_455], %broadcast_in_dim3A_3 {add = true} : memref<10240xf32, #tpu.memory_space<vmem>>[vector<16xi32>], vector<16xf32>,
        %dma_wait3A_456 = arith.constant 0 : i32
        %dma_wait3A_457 = arith.constant 0 : i32
        %dma_wait3A_458 = arith.constant 0 : i32
        %dma_wait3A_459 = tpu.memref_slice %arg10[%dma_wait3A_456, %dma_wait3A_458] : memref<4x128xi32, #tpu.memory_space<vmem>> -> memref<1x128xi32, #tpu.memory_space<vmem>>
        %dma_wait3A_460 = tpu.memref_squeeze %dma_wait3A_459 : memref<1x128xi32, #tpu.memory_space<vmem>> -> memref<128xi32, #tpu.memory_space<vmem>>
        %dma_wait3A_461 = arith.constant 0 : i32
        %dma_wait3A_462 = arith.constant 0 : i32
        %dma_wait3A_463 = tpu.memref_slice %arg14[%dma_wait3A_461, %dma_wait3A_462] : memref<10240x128xf32, #tpu.memory_space<vmem_shared>> -> memref<10240x128xf32, #tpu.memory_space<vmem_shared>>
        %dma_wait3A_464 = tpu.memref_slice %arg16[%dma_wait3A_457] : memref<2x!tpu.dma_semaphore, #tpu.memory_space<semaphore_mem>> -> memref<1x!tpu.dma_semaphore, #tpu.memory_space<semaphore_mem>>
        %dma_wait3A_465 = tpu.memref_squeeze %dma_wait3A_464 : memref<1x!tpu.dma_semaphore, #tpu.memory_space<semaphore_mem>> -> memref<!tpu.dma_semaphore, #tpu.memory_space<semaphore_mem>>
        tpu.wait_indirect_dma semaphore(%dma_wait3A_465 : memref<!tpu.dma_semaphore, #tpu.memory_space<semaphore_mem>>) src(%arg11 : memref<128x128xf32, #tpu.memory_space<vmem>>) dst(%dma_wait3A_463 : memref<10240x128xf32, #tpu.memory_space<vmem_shared>>)
        %add3A_466 = arith.constant 2 : i32
        %add3A_467 = arith.addi %add3A_403, %add3A_466 : i32
        %lt3A_468 = arith.constant 80 : i32
        %lt3A_469 = arith.cmpi slt, %add3A_467, %lt3A_468 : i32
        %convert_element_type3A_470 = arith.extui %lt3A_469 : i1 to i32
        %cond3A_471 = arith.constant 0 : i32
        %cond3A_472 = arith.cmpi ne, %convert_element_type3A_470, %cond3A_471 : i32
        scf.if %cond3A_472 {
          %dma_wait3A_560 = arith.constant 0 : i32
          %dma_wait3A_561 = arith.constant 0 : i32
          %dma_wait3A_562 = arith.constant 0 : i32
          %dma_wait3A_563 = arith.constant 0 : i32
          %dma_wait3A_564 = tpu.memref_slice %arg9[%dma_wait3A_561, %dma_wait3A_563] : memref<4x128xi32, #tpu.memory_space<vmem>> -> memref<1x128xi32, #tpu.memory_space<vmem>>
          %dma_wait3A_565 = tpu.memref_squeeze %dma_wait3A_564 : memref<1x128xi32, #tpu.memory_space<vmem>> -> memref<128xi32, #tpu.memory_space<vmem>>
          %dma_wait3A_566 = arith.constant 0 : i32
          %dma_wait3A_567 = tpu.memref_slice %arg3[%dma_wait3A_560, %dma_wait3A_566] : memref<2560x128xi32, #tpu.memory_space<hbm>> -> memref<1x128xi32, #tpu.memory_space<hbm>>
          %dma_wait3A_568 = tpu.memref_squeeze %dma_wait3A_567 : memref<1x128xi32, #tpu.memory_space<hbm>> -> memref<128xi32, #tpu.memory_space<hbm>>
          %dma_wait3A_569 = tpu.memref_slice %arg17[%dma_wait3A_562] : memref<4x!tpu.dma_semaphore, #tpu.memory_space<semaphore_mem>> -> memref<1x!tpu.dma_semaphore, #tpu.memory_space<semaphore_mem>>
          %dma_wait3A_570 = tpu.memref_squeeze %dma_wait3A_569 : memref<1x!tpu.dma_semaphore, #tpu.memory_space<semaphore_mem>> -> memref<!tpu.dma_semaphore, #tpu.memory_space<semaphore_mem>>
          %dma_wait3A_571 = arith.constant 0 : i32
          %dma_wait3A_572 = tpu.memref_slice %arg9[%dma_wait3A_561, %dma_wait3A_571] : memref<4x128xi32, #tpu.memory_space<vmem>> -> memref<1x128xi32, #tpu.memory_space<vmem>>
          %dma_wait3A_573 = tpu.memref_squeeze %dma_wait3A_572 : memref<1x128xi32, #tpu.memory_space<vmem>> -> memref<128xi32, #tpu.memory_space<vmem>>
          %dma_wait3A_574 = arith.constant 0 : i32
          %dma_wait3A_575 = tpu.memref_slice %arg3[%dma_wait3A_560, %dma_wait3A_574] : memref<2560x128xi32, #tpu.memory_space<hbm>> -> memref<1x128xi32, #tpu.memory_space<hbm>>
          %dma_wait3A_576 = tpu.memref_squeeze %dma_wait3A_575 : memref<1x128xi32, #tpu.memory_space<hbm>> -> memref<128xi32, #tpu.memory_space<hbm>>
          tpu.wait_dma2 semaphore(%dma_wait3A_570 : memref<!tpu.dma_semaphore, #tpu.memory_space<semaphore_mem>>) src(%dma_wait3A_576 : memref<128xi32, #tpu.memory_space<hbm>>) dst(%dma_wait3A_573 : memref<128xi32, #tpu.memory_space<vmem>>)
          %dma_wait3A_577 = arith.constant 0 : i32
          %dma_wait3A_578 = arith.constant 0 : i32
          %dma_wait3A_579 = arith.constant 0 : i32
          %dma_wait3A_580 = arith.constant 0 : i32
          %dma_wait3A_581 = tpu.memref_slice %arg10[%dma_wait3A_578, %dma_wait3A_580] : memref<4x128xi32, #tpu.memory_space<vmem>> -> memref<1x128xi32, #tpu.memory_space<vmem>>
          %dma_wait3A_582 = tpu.memref_squeeze %dma_wait3A_581 : memref<1x128xi32, #tpu.memory_space<vmem>> -> memref<128xi32, #tpu.memory_space<vmem>>
          %dma_wait3A_583 = arith.constant 0 : i32
          %dma_wait3A_584 = tpu.memref_slice %arg4[%dma_wait3A_577, %dma_wait3A_583] : memref<2560x128xi32, #tpu.memory_space<hbm>> -> memref<1x128xi32, #tpu.memory_space<hbm>>
          %dma_wait3A_585 = tpu.memref_squeeze %dma_wait3A_584 : memref<1x128xi32, #tpu.memory_space<hbm>> -> memref<128xi32, #tpu.memory_space<hbm>>
          %dma_wait3A_586 = tpu.memref_slice %arg18[%dma_wait3A_579] : memref<4x!tpu.dma_semaphore, #tpu.memory_space<semaphore_mem>> -> memref<1x!tpu.dma_semaphore, #tpu.memory_space<semaphore_mem>>
          %dma_wait3A_587 = tpu.memref_squeeze %dma_wait3A_586 : memref<1x!tpu.dma_semaphore, #tpu.memory_space<semaphore_mem>> -> memref<!tpu.dma_semaphore, #tpu.memory_space<semaphore_mem>>
          %dma_wait3A_588 = arith.constant 0 : i32
          %dma_wait3A_589 = tpu.memref_slice %arg10[%dma_wait3A_578, %dma_wait3A_588] : memref<4x128xi32, #tpu.memory_space<vmem>> -> memref<1x128xi32, #tpu.memory_space<vmem>>
          %dma_wait3A_590 = tpu.memref_squeeze %dma_wait3A_589 : memref<1x128xi32, #tpu.memory_space<vmem>> -> memref<128xi32, #tpu.memory_space<vmem>>
          %dma_wait3A_591 = arith.constant 0 : i32
          %dma_wait3A_592 = tpu.memref_slice %arg4[%dma_wait3A_577, %dma_wait3A_591] : memref<2560x128xi32, #tpu.memory_space<hbm>> -> memref<1x128xi32, #tpu.memory_space<hbm>>
          %dma_wait3A_593 = tpu.memref_squeeze %dma_wait3A_592 : memref<1x128xi32, #tpu.memory_space<hbm>> -> memref<128xi32, #tpu.memory_space<hbm>>
          tpu.wait_dma2 semaphore(%dma_wait3A_587 : memref<!tpu.dma_semaphore, #tpu.memory_space<semaphore_mem>>) src(%dma_wait3A_593 : memref<128xi32, #tpu.memory_space<hbm>>) dst(%dma_wait3A_590 : memref<128xi32, #tpu.memory_space<vmem>>)
          %dma_start3A_594 = arith.constant 0 : i32
          %dma_start3A_595 = arith.constant 0 : i32
          %dma_start3A_596 = arith.constant 0 : i32
          %dma_start3A_597 = tpu.memref_slice %arg9[%dma_start3A_594, %dma_start3A_596] : memref<4x128xi32, #tpu.memory_space<vmem>> -> memref<1x128xi32, #tpu.memory_space<vmem>>
          %dma_start3A_598 = tpu.memref_squeeze %dma_start3A_597 : memref<1x128xi32, #tpu.memory_space<vmem>> -> memref<128xi32, #tpu.memory_space<vmem>>
          %dma_start3A_599 = arith.constant 0 : i32
          %dma_start3A_600 = arith.constant 0 : i32
          %dma_start3A_601 = tpu.memref_slice %arg2[%dma_start3A_599, %dma_start3A_600] : memref<10240x128xf32, #tpu.memory_space<hbm>> -> memref<10240x128xf32, #tpu.memory_space<hbm>>
          %dma_start3A_602 = tpu.memref_slice %arg15[%dma_start3A_595] : memref<2x!tpu.dma_semaphore, #tpu.memory_space<semaphore_mem>> -> memref<1x!tpu.dma_semaphore, #tpu.memory_space<semaphore_mem>>
          %dma_start3A_603 = tpu.memref_squeeze %dma_start3A_602 : memref<1x!tpu.dma_semaphore, #tpu.memory_space<semaphore_mem>> -> memref<!tpu.dma_semaphore, #tpu.memory_space<semaphore_mem>>
          tpu.enqueue_indirect_dma source(%dma_start3A_601 : memref<10240x128xf32, #tpu.memory_space<hbm>>) target(%arg11 : memref<128x128xf32, #tpu.memory_space<vmem>>) offsets(%dma_start3A_598 : memref<128xi32, #tpu.memory_space<vmem>>) semaphore(%dma_start3A_603 : memref<!tpu.dma_semaphore, #tpu.memory_space<semaphore_mem>>)
        } else {
        }
        %add3A_473 = arith.constant 4 : i32
        %add3A_474 = arith.addi %add3A_403, %add3A_473 : i32
        %lt3A_475 = arith.constant 80 : i32
        %lt3A_476 = arith.cmpi slt, %add3A_474, %lt3A_475 : i32
        %convert_element_type3A_477 = arith.extui %lt3A_476 : i1 to i32
        %cond3A_478 = arith.constant 0 : i32
        %cond3A_479 = arith.cmpi ne, %convert_element_type3A_477, %cond3A_478 : i32
        scf.if %cond3A_479 {
          %add3A_560 = arith.addi %mul3A_13, %add3A_403 : i32
          %add3A_561 = arith.constant 4 : i32
          %add3A_562 = arith.addi %add3A_560, %add3A_561 : i32
          %dma_start3A_563 = arith.constant 2 : i32
          %dma_start3A_564 = arith.constant 2 : i32
          %dma_start3A_565 = arith.constant 0 : i32
          %dma_start3A_566 = tpu.memref_slice %arg9[%dma_start3A_563, %dma_start3A_565] : memref<4x128xi32, #tpu.memory_space<vmem>> -> memref<1x128xi32, #tpu.memory_space<vmem>>
          %dma_start3A_567 = tpu.memref_squeeze %dma_start3A_566 : memref<1x128xi32, #tpu.memory_space<vmem>> -> memref<128xi32, #tpu.memory_space<vmem>>
          %dma_start3A_568 = arith.constant 0 : i32
          %dma_start3A_569 = tpu.memref_slice %arg3[%add3A_562, %dma_start3A_568] : memref<2560x128xi32, #tpu.memory_space<hbm>> -> memref<1x128xi32, #tpu.memory_space<hbm>>
          %dma_start3A_570 = tpu.memref_squeeze %dma_start3A_569 : memref<1x128xi32, #tpu.memory_space<hbm>> -> memref<128xi32, #tpu.memory_space<hbm>>
          %dma_start3A_571 = tpu.memref_slice %arg17[%dma_start3A_564] : memref<4x!tpu.dma_semaphore, #tpu.memory_space<semaphore_mem>> -> memref<1x!tpu.dma_semaphore, #tpu.memory_space<semaphore_mem>>
          %dma_start3A_572 = tpu.memref_squeeze %dma_start3A_571 : memref<1x!tpu.dma_semaphore, #tpu.memory_space<semaphore_mem>> -> memref<!tpu.dma_semaphore, #tpu.memory_space<semaphore_mem>>
          %dma_start3A_573 = arith.constant 0 : i32
          %dma_start3A_574 = tpu.memref_slice %arg9[%dma_start3A_563, %dma_start3A_573] : memref<4x128xi32, #tpu.memory_space<vmem>> -> memref<1x128xi32, #tpu.memory_space<vmem>>
          %dma_start3A_575 = tpu.memref_squeeze %dma_start3A_574 : memref<1x128xi32, #tpu.memory_space<vmem>> -> memref<128xi32, #tpu.memory_space<vmem>>
          %dma_start3A_576 = arith.constant 0 : i32
          %dma_start3A_577 = tpu.memref_slice %arg3[%add3A_562, %dma_start3A_576] : memref<2560x128xi32, #tpu.memory_space<hbm>> -> memref<1x128xi32, #tpu.memory_space<hbm>>
          %dma_start3A_578 = tpu.memref_squeeze %dma_start3A_577 : memref<1x128xi32, #tpu.memory_space<hbm>> -> memref<128xi32, #tpu.memory_space<hbm>>
          tpu.enqueue_dma source(%dma_start3A_578 : memref<128xi32, #tpu.memory_space<hbm>>) target(%dma_start3A_575 : memref<128xi32, #tpu.memory_space<vmem>>) target_semaphore(%dma_start3A_572 : memref<!tpu.dma_semaphore, #tpu.memory_space<semaphore_mem>>)
          %dma_start3A_579 = arith.constant 2 : i32
          %dma_start3A_580 = arith.constant 2 : i32
          %dma_start3A_581 = arith.constant 0 : i32
          %dma_start3A_582 = tpu.memref_slice %arg10[%dma_start3A_579, %dma_start3A_581] : memref<4x128xi32, #tpu.memory_space<vmem>> -> memref<1x128xi32, #tpu.memory_space<vmem>>
          %dma_start3A_583 = tpu.memref_squeeze %dma_start3A_582 : memref<1x128xi32, #tpu.memory_space<vmem>> -> memref<128xi32, #tpu.memory_space<vmem>>
          %dma_start3A_584 = arith.constant 0 : i32
          %dma_start3A_585 = tpu.memref_slice %arg4[%add3A_562, %dma_start3A_584] : memref<2560x128xi32, #tpu.memory_space<hbm>> -> memref<1x128xi32, #tpu.memory_space<hbm>>
          %dma_start3A_586 = tpu.memref_squeeze %dma_start3A_585 : memref<1x128xi32, #tpu.memory_space<hbm>> -> memref<128xi32, #tpu.memory_space<hbm>>
          %dma_start3A_587 = tpu.memref_slice %arg18[%dma_start3A_580] : memref<4x!tpu.dma_semaphore, #tpu.memory_space<semaphore_mem>> -> memref<1x!tpu.dma_semaphore, #tpu.memory_space<semaphore_mem>>
          %dma_start3A_588 = tpu.memref_squeeze %dma_start3A_587 : memref<1x!tpu.dma_semaphore, #tpu.memory_space<semaphore_mem>> -> memref<!tpu.dma_semaphore, #tpu.memory_space<semaphore_mem>>
          %dma_start3A_589 = arith.constant 0 : i32
          %dma_start3A_590 = tpu.memref_slice %arg10[%dma_start3A_579, %dma_start3A_589] : memref<4x128xi32, #tpu.memory_space<vmem>> -> memref<1x128xi32, #tpu.memory_space<vmem>>
          %dma_start3A_591 = tpu.memref_squeeze %dma_start3A_590 : memref<1x128xi32, #tpu.memory_space<vmem>> -> memref<128xi32, #tpu.memory_space<vmem>>
          %dma_start3A_592 = arith.constant 0 : i32
          %dma_start3A_593 = tpu.memref_slice %arg4[%add3A_562, %dma_start3A_592] : memref<2560x128xi32, #tpu.memory_space<hbm>> -> memref<1x128xi32, #tpu.memory_space<hbm>>
          %dma_start3A_594 = tpu.memref_squeeze %dma_start3A_593 : memref<1x128xi32, #tpu.memory_space<hbm>> -> memref<128xi32, #tpu.memory_space<hbm>>
          tpu.enqueue_dma source(%dma_start3A_594 : memref<128xi32, #tpu.memory_space<hbm>>) target(%dma_start3A_591 : memref<128xi32, #tpu.memory_space<vmem>>) target_semaphore(%dma_start3A_588 : memref<!tpu.dma_semaphore, #tpu.memory_space<semaphore_mem>>)
        } else {
        }
        %mul3A_480 = arith.constant 4 : i32
        %mul3A_481 = arith.muli %scan3A_241, %mul3A_480 : i32
        %add3A_482 = arith.constant 3 : i32
        %add3A_483 = arith.addi %mul3A_481, %add3A_482 : i32
        %dma_wait3A_484 = arith.constant 0 : i32
        %dma_wait3A_485 = arith.constant 1 : i32
        %dma_wait3A_486 = arith.constant 0 : i32
        %dma_wait3A_487 = tpu.memref_slice %arg9[%dma_wait3A_484, %dma_wait3A_486] : memref<4x128xi32, #tpu.memory_space<vmem>> -> memref<1x128xi32, #tpu.memory_space<vmem>>
        %dma_wait3A_488 = tpu.memref_squeeze %dma_wait3A_487 : memref<1x128xi32, #tpu.memory_space<vmem>> -> memref<128xi32, #tpu.memory_space<vmem>>
        %dma_wait3A_489 = arith.constant 0 : i32
        %dma_wait3A_490 = arith.constant 0 : i32
        %dma_wait3A_491 = tpu.memref_slice %arg2[%dma_wait3A_489, %dma_wait3A_490] : memref<10240x128xf32, #tpu.memory_space<hbm>> -> memref<10240x128xf32, #tpu.memory_space<hbm>>
        %dma_wait3A_492 = tpu.memref_slice %arg15[%dma_wait3A_485] : memref<2x!tpu.dma_semaphore, #tpu.memory_space<semaphore_mem>> -> memref<1x!tpu.dma_semaphore, #tpu.memory_space<semaphore_mem>>
        %dma_wait3A_493 = tpu.memref_squeeze %dma_wait3A_492 : memref<1x!tpu.dma_semaphore, #tpu.memory_space<semaphore_mem>> -> memref<!tpu.dma_semaphore, #tpu.memory_space<semaphore_mem>>
        tpu.wait_indirect_dma semaphore(%dma_wait3A_493 : memref<!tpu.dma_semaphore, #tpu.memory_space<semaphore_mem>>) src(%dma_wait3A_491 : memref<10240x128xf32, #tpu.memory_space<hbm>>) dst(%arg12 : memref<128x128xf32, #tpu.memory_space<vmem>>)
        %dma_start3A_494 = arith.constant 3 : i32
        %dma_start3A_495 = arith.constant 1 : i32
        %dma_start3A_496 = arith.constant 0 : i32
        %dma_start3A_497 = tpu.memref_slice %arg10[%dma_start3A_494, %dma_start3A_496] : memref<4x128xi32, #tpu.memory_space<vmem>> -> memref<1x128xi32, #tpu.memory_space<vmem>>
        %dma_start3A_498 = tpu.memref_squeeze %dma_start3A_497 : memref<1x128xi32, #tpu.memory_space<vmem>> -> memref<128xi32, #tpu.memory_space<vmem>>
        %dma_start3A_499 = arith.constant 0 : i32
        %dma_start3A_500 = arith.constant 0 : i32
        %dma_start3A_501 = tpu.memref_slice %arg14[%dma_start3A_499, %dma_start3A_500] : memref<10240x128xf32, #tpu.memory_space<vmem_shared>> -> memref<10240x128xf32, #tpu.memory_space<vmem_shared>>
        %dma_start3A_502 = tpu.memref_slice %arg16[%dma_start3A_495] : memref<2x!tpu.dma_semaphore, #tpu.memory_space<semaphore_mem>> -> memref<1x!tpu.dma_semaphore, #tpu.memory_space<semaphore_mem>>
        %dma_start3A_503 = tpu.memref_squeeze %dma_start3A_502 : memref<1x!tpu.dma_semaphore, #tpu.memory_space<semaphore_mem>> -> memref<!tpu.dma_semaphore, #tpu.memory_space<semaphore_mem>>
        tpu.enqueue_indirect_dma source(%arg12 : memref<128x128xf32, #tpu.memory_space<vmem>>) target(%dma_start3A_501 : memref<10240x128xf32, #tpu.memory_space<vmem_shared>>) offsets(%dma_start3A_498 : memref<128xi32, #tpu.memory_space<vmem>>) semaphore(%dma_start3A_503 : memref<!tpu.dma_semaphore, #tpu.memory_space<semaphore_mem>>) {add = true}
        %get3A_504 = arith.constant 3 : i32
        %get3A_505 = arith.index_cast %get3A_504 : i32 to index
        %get3A_506 = arith.constant 0 : index
        %get3A_507 = tpu.vector_load %arg10[%get3A_505, %get3A_506] {strides = array<i32>} : memref<4x128xi32, #tpu.memory_space<vmem>>, vector<16xi32>,
        tpu.vector_store_idx %arg13[%get3A_507], %broadcast_in_dim3A_3 {add = true} : memref<10240xf32, #tpu.memory_space<vmem>>[vector<16xi32>], vector<16xf32>,
        %get3A_508 = arith.constant 3 : i32
        %get3A_509 = arith.index_cast %get3A_508 : i32 to index
        %get3A_510 = arith.constant 16 : index
        %get3A_511 = tpu.vector_load %arg10[%get3A_509, %get3A_510] {strides = array<i32>} : memref<4x128xi32, #tpu.memory_space<vmem>>, vector<16xi32>,
        tpu.vector_store_idx %arg13[%get3A_511], %broadcast_in_dim3A_3 {add = true} : memref<10240xf32, #tpu.memory_space<vmem>>[vector<16xi32>], vector<16xf32>,
        %get3A_512 = arith.constant 3 : i32
        %get3A_513 = arith.index_cast %get3A_512 : i32 to index
        %get3A_514 = arith.constant 32 : index
        %get3A_515 = tpu.vector_load %arg10[%get3A_513, %get3A_514] {strides = array<i32>} : memref<4x128xi32, #tpu.memory_space<vmem>>, vector<16xi32>,
        tpu.vector_store_idx %arg13[%get3A_515], %broadcast_in_dim3A_3 {add = true} : memref<10240xf32, #tpu.memory_space<vmem>>[vector<16xi32>], vector<16xf32>,
        %get3A_516 = arith.constant 3 : i32
        %get3A_517 = arith.index_cast %get3A_516 : i32 to index
        %get3A_518 = arith.constant 48 : index
        %get3A_519 = tpu.vector_load %arg10[%get3A_517, %get3A_518] {strides = array<i32>} : memref<4x128xi32, #tpu.memory_space<vmem>>, vector<16xi32>,
        tpu.vector_store_idx %arg13[%get3A_519], %broadcast_in_dim3A_3 {add = true} : memref<10240xf32, #tpu.memory_space<vmem>>[vector<16xi32>], vector<16xf32>,
        %get3A_520 = arith.constant 3 : i32
        %get3A_521 = arith.index_cast %get3A_520 : i32 to index
        %get3A_522 = arith.constant 64 : index
        %get3A_523 = tpu.vector_load %arg10[%get3A_521, %get3A_522] {strides = array<i32>} : memref<4x128xi32, #tpu.memory_space<vmem>>, vector<16xi32>,
        tpu.vector_store_idx %arg13[%get3A_523], %broadcast_in_dim3A_3 {add = true} : memref<10240xf32, #tpu.memory_space<vmem>>[vector<16xi32>], vector<16xf32>,
        %get3A_524 = arith.constant 3 : i32
        %get3A_525 = arith.index_cast %get3A_524 : i32 to index
        %get3A_526 = arith.constant 80 : index
        %get3A_527 = tpu.vector_load %arg10[%get3A_525, %get3A_526] {strides = array<i32>} : memref<4x128xi32, #tpu.memory_space<vmem>>, vector<16xi32>,
        tpu.vector_store_idx %arg13[%get3A_527], %broadcast_in_dim3A_3 {add = true} : memref<10240xf32, #tpu.memory_space<vmem>>[vector<16xi32>], vector<16xf32>,
        %get3A_528 = arith.constant 3 : i32
        %get3A_529 = arith.index_cast %get3A_528 : i32 to index
        %get3A_530 = arith.constant 96 : index
        %get3A_531 = tpu.vector_load %arg10[%get3A_529, %get3A_530] {strides = array<i32>} : memref<4x128xi32, #tpu.memory_space<vmem>>, vector<16xi32>,
        tpu.vector_store_idx %arg13[%get3A_531], %broadcast_in_dim3A_3 {add = true} : memref<10240xf32, #tpu.memory_space<vmem>>[vector<16xi32>], vector<16xf32>,
        %get3A_532 = arith.constant 3 : i32
        %get3A_533 = arith.index_cast %get3A_532 : i32 to index
        %get3A_534 = arith.constant 112 : index
        %get3A_535 = tpu.vector_load %arg10[%get3A_533, %get3A_534] {strides = array<i32>} : memref<4x128xi32, #tpu.memory_space<vmem>>, vector<16xi32>,
        tpu.vector_store_idx %arg13[%get3A_535], %broadcast_in_dim3A_3 {add = true} : memref<10240xf32, #tpu.memory_space<vmem>>[vector<16xi32>], vector<16xf32>,
        %dma_wait3A_536 = arith.constant 0 : i32
        %dma_wait3A_537 = arith.constant 1 : i32
        %dma_wait3A_538 = arith.constant 0 : i32
        %dma_wait3A_539 = tpu.memref_slice %arg10[%dma_wait3A_536, %dma_wait3A_538] : memref<4x128xi32, #tpu.memory_space<vmem>> -> memref<1x128xi32, #tpu.memory_space<vmem>>
        %dma_wait3A_540 = tpu.memref_squeeze %dma_wait3A_539 : memref<1x128xi32, #tpu.memory_space<vmem>> -> memref<128xi32, #tpu.memory_space<vmem>>
        %dma_wait3A_541 = arith.constant 0 : i32
        %dma_wait3A_542 = arith.constant 0 : i32
        %dma_wait3A_543 = tpu.memref_slice %arg14[%dma_wait3A_541, %dma_wait3A_542] : memref<10240x128xf32, #tpu.memory_space<vmem_shared>> -> memref<10240x128xf32, #tpu.memory_space<vmem_shared>>
        %dma_wait3A_544 = tpu.memref_slice %arg16[%dma_wait3A_537] : memref<2x!tpu.dma_semaphore, #tpu.memory_space<semaphore_mem>> -> memref<1x!tpu.dma_semaphore, #tpu.memory_space<semaphore_mem>>
        %dma_wait3A_545 = tpu.memref_squeeze %dma_wait3A_544 : memref<1x!tpu.dma_semaphore, #tpu.memory_space<semaphore_mem>> -> memref<!tpu.dma_semaphore, #tpu.memory_space<semaphore_mem>>
        tpu.wait_indirect_dma semaphore(%dma_wait3A_545 : memref<!tpu.dma_semaphore, #tpu.memory_space<semaphore_mem>>) src(%arg12 : memref<128x128xf32, #tpu.memory_space<vmem>>) dst(%dma_wait3A_543 : memref<10240x128xf32, #tpu.memory_space<vmem_shared>>)
        %add3A_546 = arith.constant 2 : i32
        %add3A_547 = arith.addi %add3A_483, %add3A_546 : i32
        %lt3A_548 = arith.constant 80 : i32
        %lt3A_549 = arith.cmpi slt, %add3A_547, %lt3A_548 : i32
        %convert_element_type3A_550 = arith.extui %lt3A_549 : i1 to i32
        %cond3A_551 = arith.constant 0 : i32
        %cond3A_552 = arith.cmpi ne, %convert_element_type3A_550, %cond3A_551 : i32
        scf.if %cond3A_552 {
          %dma_wait3A_560 = arith.constant 0 : i32
          %dma_wait3A_561 = arith.constant 1 : i32
          %dma_wait3A_562 = arith.constant 1 : i32
          %dma_wait3A_563 = arith.constant 0 : i32
          %dma_wait3A_564 = tpu.memref_slice %arg9[%dma_wait3A_561, %dma_wait3A_563] : memref<4x128xi32, #tpu.memory_space<vmem>> -> memref<1x128xi32, #tpu.memory_space<vmem>>
          %dma_wait3A_565 = tpu.memref_squeeze %dma_wait3A_564 : memref<1x128xi32, #tpu.memory_space<vmem>> -> memref<128xi32, #tpu.memory_space<vmem>>
          %dma_wait3A_566 = arith.constant 0 : i32
          %dma_wait3A_567 = tpu.memref_slice %arg3[%dma_wait3A_560, %dma_wait3A_566] : memref<2560x128xi32, #tpu.memory_space<hbm>> -> memref<1x128xi32, #tpu.memory_space<hbm>>
          %dma_wait3A_568 = tpu.memref_squeeze %dma_wait3A_567 : memref<1x128xi32, #tpu.memory_space<hbm>> -> memref<128xi32, #tpu.memory_space<hbm>>
          %dma_wait3A_569 = tpu.memref_slice %arg17[%dma_wait3A_562] : memref<4x!tpu.dma_semaphore, #tpu.memory_space<semaphore_mem>> -> memref<1x!tpu.dma_semaphore, #tpu.memory_space<semaphore_mem>>
          %dma_wait3A_570 = tpu.memref_squeeze %dma_wait3A_569 : memref<1x!tpu.dma_semaphore, #tpu.memory_space<semaphore_mem>> -> memref<!tpu.dma_semaphore, #tpu.memory_space<semaphore_mem>>
          %dma_wait3A_571 = arith.constant 0 : i32
          %dma_wait3A_572 = tpu.memref_slice %arg9[%dma_wait3A_561, %dma_wait3A_571] : memref<4x128xi32, #tpu.memory_space<vmem>> -> memref<1x128xi32, #tpu.memory_space<vmem>>
          %dma_wait3A_573 = tpu.memref_squeeze %dma_wait3A_572 : memref<1x128xi32, #tpu.memory_space<vmem>> -> memref<128xi32, #tpu.memory_space<vmem>>
          %dma_wait3A_574 = arith.constant 0 : i32
          %dma_wait3A_575 = tpu.memref_slice %arg3[%dma_wait3A_560, %dma_wait3A_574] : memref<2560x128xi32, #tpu.memory_space<hbm>> -> memref<1x128xi32, #tpu.memory_space<hbm>>
          %dma_wait3A_576 = tpu.memref_squeeze %dma_wait3A_575 : memref<1x128xi32, #tpu.memory_space<hbm>> -> memref<128xi32, #tpu.memory_space<hbm>>
          tpu.wait_dma2 semaphore(%dma_wait3A_570 : memref<!tpu.dma_semaphore, #tpu.memory_space<semaphore_mem>>) src(%dma_wait3A_576 : memref<128xi32, #tpu.memory_space<hbm>>) dst(%dma_wait3A_573 : memref<128xi32, #tpu.memory_space<vmem>>)
          %dma_wait3A_577 = arith.constant 0 : i32
          %dma_wait3A_578 = arith.constant 1 : i32
          %dma_wait3A_579 = arith.constant 1 : i32
          %dma_wait3A_580 = arith.constant 0 : i32
          %dma_wait3A_581 = tpu.memref_slice %arg10[%dma_wait3A_578, %dma_wait3A_580] : memref<4x128xi32, #tpu.memory_space<vmem>> -> memref<1x128xi32, #tpu.memory_space<vmem>>
          %dma_wait3A_582 = tpu.memref_squeeze %dma_wait3A_581 : memref<1x128xi32, #tpu.memory_space<vmem>> -> memref<128xi32, #tpu.memory_space<vmem>>
          %dma_wait3A_583 = arith.constant 0 : i32
          %dma_wait3A_584 = tpu.memref_slice %arg4[%dma_wait3A_577, %dma_wait3A_583] : memref<2560x128xi32, #tpu.memory_space<hbm>> -> memref<1x128xi32, #tpu.memory_space<hbm>>
          %dma_wait3A_585 = tpu.memref_squeeze %dma_wait3A_584 : memref<1x128xi32, #tpu.memory_space<hbm>> -> memref<128xi32, #tpu.memory_space<hbm>>
          %dma_wait3A_586 = tpu.memref_slice %arg18[%dma_wait3A_579] : memref<4x!tpu.dma_semaphore, #tpu.memory_space<semaphore_mem>> -> memref<1x!tpu.dma_semaphore, #tpu.memory_space<semaphore_mem>>
          %dma_wait3A_587 = tpu.memref_squeeze %dma_wait3A_586 : memref<1x!tpu.dma_semaphore, #tpu.memory_space<semaphore_mem>> -> memref<!tpu.dma_semaphore, #tpu.memory_space<semaphore_mem>>
          %dma_wait3A_588 = arith.constant 0 : i32
          %dma_wait3A_589 = tpu.memref_slice %arg10[%dma_wait3A_578, %dma_wait3A_588] : memref<4x128xi32, #tpu.memory_space<vmem>> -> memref<1x128xi32, #tpu.memory_space<vmem>>
          %dma_wait3A_590 = tpu.memref_squeeze %dma_wait3A_589 : memref<1x128xi32, #tpu.memory_space<vmem>> -> memref<128xi32, #tpu.memory_space<vmem>>
          %dma_wait3A_591 = arith.constant 0 : i32
          %dma_wait3A_592 = tpu.memref_slice %arg4[%dma_wait3A_577, %dma_wait3A_591] : memref<2560x128xi32, #tpu.memory_space<hbm>> -> memref<1x128xi32, #tpu.memory_space<hbm>>
          %dma_wait3A_593 = tpu.memref_squeeze %dma_wait3A_592 : memref<1x128xi32, #tpu.memory_space<hbm>> -> memref<128xi32, #tpu.memory_space<hbm>>
          tpu.wait_dma2 semaphore(%dma_wait3A_587 : memref<!tpu.dma_semaphore, #tpu.memory_space<semaphore_mem>>) src(%dma_wait3A_593 : memref<128xi32, #tpu.memory_space<hbm>>) dst(%dma_wait3A_590 : memref<128xi32, #tpu.memory_space<vmem>>)
          %dma_start3A_594 = arith.constant 1 : i32
          %dma_start3A_595 = arith.constant 1 : i32
          %dma_start3A_596 = arith.constant 0 : i32
          %dma_start3A_597 = tpu.memref_slice %arg9[%dma_start3A_594, %dma_start3A_596] : memref<4x128xi32, #tpu.memory_space<vmem>> -> memref<1x128xi32, #tpu.memory_space<vmem>>
          %dma_start3A_598 = tpu.memref_squeeze %dma_start3A_597 : memref<1x128xi32, #tpu.memory_space<vmem>> -> memref<128xi32, #tpu.memory_space<vmem>>
          %dma_start3A_599 = arith.constant 0 : i32
          %dma_start3A_600 = arith.constant 0 : i32
          %dma_start3A_601 = tpu.memref_slice %arg2[%dma_start3A_599, %dma_start3A_600] : memref<10240x128xf32, #tpu.memory_space<hbm>> -> memref<10240x128xf32, #tpu.memory_space<hbm>>
          %dma_start3A_602 = tpu.memref_slice %arg15[%dma_start3A_595] : memref<2x!tpu.dma_semaphore, #tpu.memory_space<semaphore_mem>> -> memref<1x!tpu.dma_semaphore, #tpu.memory_space<semaphore_mem>>
          %dma_start3A_603 = tpu.memref_squeeze %dma_start3A_602 : memref<1x!tpu.dma_semaphore, #tpu.memory_space<semaphore_mem>> -> memref<!tpu.dma_semaphore, #tpu.memory_space<semaphore_mem>>
          tpu.enqueue_indirect_dma source(%dma_start3A_601 : memref<10240x128xf32, #tpu.memory_space<hbm>>) target(%arg12 : memref<128x128xf32, #tpu.memory_space<vmem>>) offsets(%dma_start3A_598 : memref<128xi32, #tpu.memory_space<vmem>>) semaphore(%dma_start3A_603 : memref<!tpu.dma_semaphore, #tpu.memory_space<semaphore_mem>>)
        } else {
        }
        %add3A_553 = arith.constant 4 : i32
        %add3A_554 = arith.addi %add3A_483, %add3A_553 : i32
        %lt3A_555 = arith.constant 80 : i32
        %lt3A_556 = arith.cmpi slt, %add3A_554, %lt3A_555 : i32
        %convert_element_type3A_557 = arith.extui %lt3A_556 : i1 to i32
        %cond3A_558 = arith.constant 0 : i32
        %cond3A_559 = arith.cmpi ne, %convert_element_type3A_557, %cond3A_558 : i32
        scf.if %cond3A_559 {
          %add3A_560 = arith.addi %mul3A_13, %add3A_483 : i32
          %add3A_561 = arith.constant 4 : i32
          %add3A_562 = arith.addi %add3A_560, %add3A_561 : i32
          %dma_start3A_563 = arith.constant 3 : i32
          %dma_start3A_564 = arith.constant 3 : i32
          %dma_start3A_565 = arith.constant 0 : i32
          %dma_start3A_566 = tpu.memref_slice %arg9[%dma_start3A_563, %dma_start3A_565] : memref<4x128xi32, #tpu.memory_space<vmem>> -> memref<1x128xi32, #tpu.memory_space<vmem>>
          %dma_start3A_567 = tpu.memref_squeeze %dma_start3A_566 : memref<1x128xi32, #tpu.memory_space<vmem>> -> memref<128xi32, #tpu.memory_space<vmem>>
          %dma_start3A_568 = arith.constant 0 : i32
          %dma_start3A_569 = tpu.memref_slice %arg3[%add3A_562, %dma_start3A_568] : memref<2560x128xi32, #tpu.memory_space<hbm>> -> memref<1x128xi32, #tpu.memory_space<hbm>>
          %dma_start3A_570 = tpu.memref_squeeze %dma_start3A_569 : memref<1x128xi32, #tpu.memory_space<hbm>> -> memref<128xi32, #tpu.memory_space<hbm>>
          %dma_start3A_571 = tpu.memref_slice %arg17[%dma_start3A_564] : memref<4x!tpu.dma_semaphore, #tpu.memory_space<semaphore_mem>> -> memref<1x!tpu.dma_semaphore, #tpu.memory_space<semaphore_mem>>
          %dma_start3A_572 = tpu.memref_squeeze %dma_start3A_571 : memref<1x!tpu.dma_semaphore, #tpu.memory_space<semaphore_mem>> -> memref<!tpu.dma_semaphore, #tpu.memory_space<semaphore_mem>>
          %dma_start3A_573 = arith.constant 0 : i32
          %dma_start3A_574 = tpu.memref_slice %arg9[%dma_start3A_563, %dma_start3A_573] : memref<4x128xi32, #tpu.memory_space<vmem>> -> memref<1x128xi32, #tpu.memory_space<vmem>>
          %dma_start3A_575 = tpu.memref_squeeze %dma_start3A_574 : memref<1x128xi32, #tpu.memory_space<vmem>> -> memref<128xi32, #tpu.memory_space<vmem>>
          %dma_start3A_576 = arith.constant 0 : i32
          %dma_start3A_577 = tpu.memref_slice %arg3[%add3A_562, %dma_start3A_576] : memref<2560x128xi32, #tpu.memory_space<hbm>> -> memref<1x128xi32, #tpu.memory_space<hbm>>
          %dma_start3A_578 = tpu.memref_squeeze %dma_start3A_577 : memref<1x128xi32, #tpu.memory_space<hbm>> -> memref<128xi32, #tpu.memory_space<hbm>>
          tpu.enqueue_dma source(%dma_start3A_578 : memref<128xi32, #tpu.memory_space<hbm>>) target(%dma_start3A_575 : memref<128xi32, #tpu.memory_space<vmem>>) target_semaphore(%dma_start3A_572 : memref<!tpu.dma_semaphore, #tpu.memory_space<semaphore_mem>>)
          %dma_start3A_579 = arith.constant 3 : i32
          %dma_start3A_580 = arith.constant 3 : i32
          %dma_start3A_581 = arith.constant 0 : i32
          %dma_start3A_582 = tpu.memref_slice %arg10[%dma_start3A_579, %dma_start3A_581] : memref<4x128xi32, #tpu.memory_space<vmem>> -> memref<1x128xi32, #tpu.memory_space<vmem>>
          %dma_start3A_583 = tpu.memref_squeeze %dma_start3A_582 : memref<1x128xi32, #tpu.memory_space<vmem>> -> memref<128xi32, #tpu.memory_space<vmem>>
          %dma_start3A_584 = arith.constant 0 : i32
          %dma_start3A_585 = tpu.memref_slice %arg4[%add3A_562, %dma_start3A_584] : memref<2560x128xi32, #tpu.memory_space<hbm>> -> memref<1x128xi32, #tpu.memory_space<hbm>>
          %dma_start3A_586 = tpu.memref_squeeze %dma_start3A_585 : memref<1x128xi32, #tpu.memory_space<hbm>> -> memref<128xi32, #tpu.memory_space<hbm>>
          %dma_start3A_587 = tpu.memref_slice %arg18[%dma_start3A_580] : memref<4x!tpu.dma_semaphore, #tpu.memory_space<semaphore_mem>> -> memref<1x!tpu.dma_semaphore, #tpu.memory_space<semaphore_mem>>
          %dma_start3A_588 = tpu.memref_squeeze %dma_start3A_587 : memref<1x!tpu.dma_semaphore, #tpu.memory_space<semaphore_mem>> -> memref<!tpu.dma_semaphore, #tpu.memory_space<semaphore_mem>>
          %dma_start3A_589 = arith.constant 0 : i32
          %dma_start3A_590 = tpu.memref_slice %arg10[%dma_start3A_579, %dma_start3A_589] : memref<4x128xi32, #tpu.memory_space<vmem>> -> memref<1x128xi32, #tpu.memory_space<vmem>>
          %dma_start3A_591 = tpu.memref_squeeze %dma_start3A_590 : memref<1x128xi32, #tpu.memory_space<vmem>> -> memref<128xi32, #tpu.memory_space<vmem>>
          %dma_start3A_592 = arith.constant 0 : i32
          %dma_start3A_593 = tpu.memref_slice %arg4[%add3A_562, %dma_start3A_592] : memref<2560x128xi32, #tpu.memory_space<hbm>> -> memref<1x128xi32, #tpu.memory_space<hbm>>
          %dma_start3A_594 = tpu.memref_squeeze %dma_start3A_593 : memref<1x128xi32, #tpu.memory_space<hbm>> -> memref<128xi32, #tpu.memory_space<hbm>>
          tpu.enqueue_dma source(%dma_start3A_594 : memref<128xi32, #tpu.memory_space<hbm>>) target(%dma_start3A_591 : memref<128xi32, #tpu.memory_space<vmem>>) target_semaphore(%dma_start3A_588 : memref<!tpu.dma_semaphore, #tpu.memory_space<semaphore_mem>>)
        } else {
        }
      }
      %scan3A_240 = arith.constant 20 : i32
    } else {
    }
    %eq3A_6 = arith.constant 1 : i32
    %eq3A_7 = arith.cmpi eq, %arg0, %eq3A_6 : i32
    %convert_element_type3A_8 = arith.extui %eq3A_7 : i1 to i32
    %cond3A_9 = arith.constant 0 : i32
    %cond3A_10 = arith.cmpi ne, %convert_element_type3A_8, %cond3A_9 : i32
    scf.if %cond3A_10 {
      %mul3A_12 = arith.constant 80 : i32
      %mul3A_13 = arith.muli %arg1, %mul3A_12 : i32
      %add3A_14 = arith.constant 1280 : i32
      %add3A_15 = arith.addi %add3A_14, %mul3A_13 : i32
      %add3A_16 = arith.constant 0 : i32
      %add3A_17 = arith.addi %add3A_15, %add3A_16 : i32
      %dma_start3A = arith.constant 0 : i32
      %dma_start3A_18 = arith.constant 0 : i32
      %dma_start3A_19 = arith.constant 0 : i32
      %dma_start3A_20 = tpu.memref_slice %arg9[%dma_start3A, %dma_start3A_19] : memref<4x128xi32, #tpu.memory_space<vmem>> -> memref<1x128xi32, #tpu.memory_space<vmem>>
      %dma_start3A_21 = tpu.memref_squeeze %dma_start3A_20 : memref<1x128xi32, #tpu.memory_space<vmem>> -> memref<128xi32, #tpu.memory_space<vmem>>
      %dma_start3A_22 = arith.constant 0 : i32
      %dma_start3A_23 = tpu.memref_slice %arg3[%add3A_17, %dma_start3A_22] : memref<2560x128xi32, #tpu.memory_space<hbm>> -> memref<1x128xi32, #tpu.memory_space<hbm>>
      %dma_start3A_24 = tpu.memref_squeeze %dma_start3A_23 : memref<1x128xi32, #tpu.memory_space<hbm>> -> memref<128xi32, #tpu.memory_space<hbm>>
      %dma_start3A_25 = tpu.memref_slice %arg17[%dma_start3A_18] : memref<4x!tpu.dma_semaphore, #tpu.memory_space<semaphore_mem>> -> memref<1x!tpu.dma_semaphore, #tpu.memory_space<semaphore_mem>>
      %dma_start3A_26 = tpu.memref_squeeze %dma_start3A_25 : memref<1x!tpu.dma_semaphore, #tpu.memory_space<semaphore_mem>> -> memref<!tpu.dma_semaphore, #tpu.memory_space<semaphore_mem>>
      %dma_start3A_27 = arith.constant 0 : i32
      %dma_start3A_28 = tpu.memref_slice %arg9[%dma_start3A, %dma_start3A_27] : memref<4x128xi32, #tpu.memory_space<vmem>> -> memref<1x128xi32, #tpu.memory_space<vmem>>
      %dma_start3A_29 = tpu.memref_squeeze %dma_start3A_28 : memref<1x128xi32, #tpu.memory_space<vmem>> -> memref<128xi32, #tpu.memory_space<vmem>>
      %dma_start3A_30 = arith.constant 0 : i32
      %dma_start3A_31 = tpu.memref_slice %arg3[%add3A_17, %dma_start3A_30] : memref<2560x128xi32, #tpu.memory_space<hbm>> -> memref<1x128xi32, #tpu.memory_space<hbm>>
      %dma_start3A_32 = tpu.memref_squeeze %dma_start3A_31 : memref<1x128xi32, #tpu.memory_space<hbm>> -> memref<128xi32, #tpu.memory_space<hbm>>
      tpu.enqueue_dma source(%dma_start3A_32 : memref<128xi32, #tpu.memory_space<hbm>>) target(%dma_start3A_29 : memref<128xi32, #tpu.memory_space<vmem>>) target_semaphore(%dma_start3A_26 : memref<!tpu.dma_semaphore, #tpu.memory_space<semaphore_mem>>)
      %dma_start3A_33 = arith.constant 0 : i32
      %dma_start3A_34 = arith.constant 0 : i32
      %dma_start3A_35 = arith.constant 0 : i32
      %dma_start3A_36 = tpu.memref_slice %arg10[%dma_start3A_33, %dma_start3A_35] : memref<4x128xi32, #tpu.memory_space<vmem>> -> memref<1x128xi32, #tpu.memory_space<vmem>>
      %dma_start3A_37 = tpu.memref_squeeze %dma_start3A_36 : memref<1x128xi32, #tpu.memory_space<vmem>> -> memref<128xi32, #tpu.memory_space<vmem>>
      %dma_start3A_38 = arith.constant 0 : i32
      %dma_start3A_39 = tpu.memref_slice %arg4[%add3A_17, %dma_start3A_38] : memref<2560x128xi32, #tpu.memory_space<hbm>> -> memref<1x128xi32, #tpu.memory_space<hbm>>
      %dma_start3A_40 = tpu.memref_squeeze %dma_start3A_39 : memref<1x128xi32, #tpu.memory_space<hbm>> -> memref<128xi32, #tpu.memory_space<hbm>>
      %dma_start3A_41 = tpu.memref_slice %arg18[%dma_start3A_34] : memref<4x!tpu.dma_semaphore, #tpu.memory_space<semaphore_mem>> -> memref<1x!tpu.dma_semaphore, #tpu.memory_space<semaphore_mem>>
      %dma_start3A_42 = tpu.memref_squeeze %dma_start3A_41 : memref<1x!tpu.dma_semaphore, #tpu.memory_space<semaphore_mem>> -> memref<!tpu.dma_semaphore, #tpu.memory_space<semaphore_mem>>
      %dma_start3A_43 = arith.constant 0 : i32
      %dma_start3A_44 = tpu.memref_slice %arg10[%dma_start3A_33, %dma_start3A_43] : memref<4x128xi32, #tpu.memory_space<vmem>> -> memref<1x128xi32, #tpu.memory_space<vmem>>
      %dma_start3A_45 = tpu.memref_squeeze %dma_start3A_44 : memref<1x128xi32, #tpu.memory_space<vmem>> -> memref<128xi32, #tpu.memory_space<vmem>>
      %dma_start3A_46 = arith.constant 0 : i32
      %dma_start3A_47 = tpu.memref_slice %arg4[%add3A_17, %dma_start3A_46] : memref<2560x128xi32, #tpu.memory_space<hbm>> -> memref<1x128xi32, #tpu.memory_space<hbm>>
      %dma_start3A_48 = tpu.memref_squeeze %dma_start3A_47 : memref<1x128xi32, #tpu.memory_space<hbm>> -> memref<128xi32, #tpu.memory_space<hbm>>
      tpu.enqueue_dma source(%dma_start3A_48 : memref<128xi32, #tpu.memory_space<hbm>>) target(%dma_start3A_45 : memref<128xi32, #tpu.memory_space<vmem>>) target_semaphore(%dma_start3A_42 : memref<!tpu.dma_semaphore, #tpu.memory_space<semaphore_mem>>)
      %add3A_49 = arith.constant 1 : i32
      %add3A_50 = arith.addi %add3A_15, %add3A_49 : i32
      %dma_start3A_51 = arith.constant 1 : i32
      %dma_start3A_52 = arith.constant 1 : i32
      %dma_start3A_53 = arith.constant 0 : i32
      %dma_start3A_54 = tpu.memref_slice %arg9[%dma_start3A_51, %dma_start3A_53] : memref<4x128xi32, #tpu.memory_space<vmem>> -> memref<1x128xi32, #tpu.memory_space<vmem>>
      %dma_start3A_55 = tpu.memref_squeeze %dma_start3A_54 : memref<1x128xi32, #tpu.memory_space<vmem>> -> memref<128xi32, #tpu.memory_space<vmem>>
      %dma_start3A_56 = arith.constant 0 : i32
      %dma_start3A_57 = tpu.memref_slice %arg3[%add3A_50, %dma_start3A_56] : memref<2560x128xi32, #tpu.memory_space<hbm>> -> memref<1x128xi32, #tpu.memory_space<hbm>>
      %dma_start3A_58 = tpu.memref_squeeze %dma_start3A_57 : memref<1x128xi32, #tpu.memory_space<hbm>> -> memref<128xi32, #tpu.memory_space<hbm>>
      %dma_start3A_59 = tpu.memref_slice %arg17[%dma_start3A_52] : memref<4x!tpu.dma_semaphore, #tpu.memory_space<semaphore_mem>> -> memref<1x!tpu.dma_semaphore, #tpu.memory_space<semaphore_mem>>
      %dma_start3A_60 = tpu.memref_squeeze %dma_start3A_59 : memref<1x!tpu.dma_semaphore, #tpu.memory_space<semaphore_mem>> -> memref<!tpu.dma_semaphore, #tpu.memory_space<semaphore_mem>>
      %dma_start3A_61 = arith.constant 0 : i32
      %dma_start3A_62 = tpu.memref_slice %arg9[%dma_start3A_51, %dma_start3A_61] : memref<4x128xi32, #tpu.memory_space<vmem>> -> memref<1x128xi32, #tpu.memory_space<vmem>>
      %dma_start3A_63 = tpu.memref_squeeze %dma_start3A_62 : memref<1x128xi32, #tpu.memory_space<vmem>> -> memref<128xi32, #tpu.memory_space<vmem>>
      %dma_start3A_64 = arith.constant 0 : i32
      %dma_start3A_65 = tpu.memref_slice %arg3[%add3A_50, %dma_start3A_64] : memref<2560x128xi32, #tpu.memory_space<hbm>> -> memref<1x128xi32, #tpu.memory_space<hbm>>
      %dma_start3A_66 = tpu.memref_squeeze %dma_start3A_65 : memref<1x128xi32, #tpu.memory_space<hbm>> -> memref<128xi32, #tpu.memory_space<hbm>>
      tpu.enqueue_dma source(%dma_start3A_66 : memref<128xi32, #tpu.memory_space<hbm>>) target(%dma_start3A_63 : memref<128xi32, #tpu.memory_space<vmem>>) target_semaphore(%dma_start3A_60 : memref<!tpu.dma_semaphore, #tpu.memory_space<semaphore_mem>>)
      %dma_start3A_67 = arith.constant 1 : i32
      %dma_start3A_68 = arith.constant 1 : i32
      %dma_start3A_69 = arith.constant 0 : i32
      %dma_start3A_70 = tpu.memref_slice %arg10[%dma_start3A_67, %dma_start3A_69] : memref<4x128xi32, #tpu.memory_space<vmem>> -> memref<1x128xi32, #tpu.memory_space<vmem>>
      %dma_start3A_71 = tpu.memref_squeeze %dma_start3A_70 : memref<1x128xi32, #tpu.memory_space<vmem>> -> memref<128xi32, #tpu.memory_space<vmem>>
      %dma_start3A_72 = arith.constant 0 : i32
      %dma_start3A_73 = tpu.memref_slice %arg4[%add3A_50, %dma_start3A_72] : memref<2560x128xi32, #tpu.memory_space<hbm>> -> memref<1x128xi32, #tpu.memory_space<hbm>>
      %dma_start3A_74 = tpu.memref_squeeze %dma_start3A_73 : memref<1x128xi32, #tpu.memory_space<hbm>> -> memref<128xi32, #tpu.memory_space<hbm>>
      %dma_start3A_75 = tpu.memref_slice %arg18[%dma_start3A_68] : memref<4x!tpu.dma_semaphore, #tpu.memory_space<semaphore_mem>> -> memref<1x!tpu.dma_semaphore, #tpu.memory_space<semaphore_mem>>
      %dma_start3A_76 = tpu.memref_squeeze %dma_start3A_75 : memref<1x!tpu.dma_semaphore, #tpu.memory_space<semaphore_mem>> -> memref<!tpu.dma_semaphore, #tpu.memory_space<semaphore_mem>>
      %dma_start3A_77 = arith.constant 0 : i32
      %dma_start3A_78 = tpu.memref_slice %arg10[%dma_start3A_67, %dma_start3A_77] : memref<4x128xi32, #tpu.memory_space<vmem>> -> memref<1x128xi32, #tpu.memory_space<vmem>>
      %dma_start3A_79 = tpu.memref_squeeze %dma_start3A_78 : memref<1x128xi32, #tpu.memory_space<vmem>> -> memref<128xi32, #tpu.memory_space<vmem>>
      %dma_start3A_80 = arith.constant 0 : i32
      %dma_start3A_81 = tpu.memref_slice %arg4[%add3A_50, %dma_start3A_80] : memref<2560x128xi32, #tpu.memory_space<hbm>> -> memref<1x128xi32, #tpu.memory_space<hbm>>
      %dma_start3A_82 = tpu.memref_squeeze %dma_start3A_81 : memref<1x128xi32, #tpu.memory_space<hbm>> -> memref<128xi32, #tpu.memory_space<hbm>>
      tpu.enqueue_dma source(%dma_start3A_82 : memref<128xi32, #tpu.memory_space<hbm>>) target(%dma_start3A_79 : memref<128xi32, #tpu.memory_space<vmem>>) target_semaphore(%dma_start3A_76 : memref<!tpu.dma_semaphore, #tpu.memory_space<semaphore_mem>>)
      %add3A_83 = arith.constant 2 : i32
      %add3A_84 = arith.addi %add3A_15, %add3A_83 : i32
      %dma_start3A_85 = arith.constant 2 : i32
      %dma_start3A_86 = arith.constant 2 : i32
      %dma_start3A_87 = arith.constant 0 : i32
      %dma_start3A_88 = tpu.memref_slice %arg9[%dma_start3A_85, %dma_start3A_87] : memref<4x128xi32, #tpu.memory_space<vmem>> -> memref<1x128xi32, #tpu.memory_space<vmem>>
      %dma_start3A_89 = tpu.memref_squeeze %dma_start3A_88 : memref<1x128xi32, #tpu.memory_space<vmem>> -> memref<128xi32, #tpu.memory_space<vmem>>
      %dma_start3A_90 = arith.constant 0 : i32
      %dma_start3A_91 = tpu.memref_slice %arg3[%add3A_84, %dma_start3A_90] : memref<2560x128xi32, #tpu.memory_space<hbm>> -> memref<1x128xi32, #tpu.memory_space<hbm>>
      %dma_start3A_92 = tpu.memref_squeeze %dma_start3A_91 : memref<1x128xi32, #tpu.memory_space<hbm>> -> memref<128xi32, #tpu.memory_space<hbm>>
      %dma_start3A_93 = tpu.memref_slice %arg17[%dma_start3A_86] : memref<4x!tpu.dma_semaphore, #tpu.memory_space<semaphore_mem>> -> memref<1x!tpu.dma_semaphore, #tpu.memory_space<semaphore_mem>>
      %dma_start3A_94 = tpu.memref_squeeze %dma_start3A_93 : memref<1x!tpu.dma_semaphore, #tpu.memory_space<semaphore_mem>> -> memref<!tpu.dma_semaphore, #tpu.memory_space<semaphore_mem>>
      %dma_start3A_95 = arith.constant 0 : i32
      %dma_start3A_96 = tpu.memref_slice %arg9[%dma_start3A_85, %dma_start3A_95] : memref<4x128xi32, #tpu.memory_space<vmem>> -> memref<1x128xi32, #tpu.memory_space<vmem>>
      %dma_start3A_97 = tpu.memref_squeeze %dma_start3A_96 : memref<1x128xi32, #tpu.memory_space<vmem>> -> memref<128xi32, #tpu.memory_space<vmem>>
      %dma_start3A_98 = arith.constant 0 : i32
      %dma_start3A_99 = tpu.memref_slice %arg3[%add3A_84, %dma_start3A_98] : memref<2560x128xi32, #tpu.memory_space<hbm>> -> memref<1x128xi32, #tpu.memory_space<hbm>>
      %dma_start3A_100 = tpu.memref_squeeze %dma_start3A_99 : memref<1x128xi32, #tpu.memory_space<hbm>> -> memref<128xi32, #tpu.memory_space<hbm>>
      tpu.enqueue_dma source(%dma_start3A_100 : memref<128xi32, #tpu.memory_space<hbm>>) target(%dma_start3A_97 : memref<128xi32, #tpu.memory_space<vmem>>) target_semaphore(%dma_start3A_94 : memref<!tpu.dma_semaphore, #tpu.memory_space<semaphore_mem>>)
      %dma_start3A_101 = arith.constant 2 : i32
      %dma_start3A_102 = arith.constant 2 : i32
      %dma_start3A_103 = arith.constant 0 : i32
      %dma_start3A_104 = tpu.memref_slice %arg10[%dma_start3A_101, %dma_start3A_103] : memref<4x128xi32, #tpu.memory_space<vmem>> -> memref<1x128xi32, #tpu.memory_space<vmem>>
      %dma_start3A_105 = tpu.memref_squeeze %dma_start3A_104 : memref<1x128xi32, #tpu.memory_space<vmem>> -> memref<128xi32, #tpu.memory_space<vmem>>
      %dma_start3A_106 = arith.constant 0 : i32
      %dma_start3A_107 = tpu.memref_slice %arg4[%add3A_84, %dma_start3A_106] : memref<2560x128xi32, #tpu.memory_space<hbm>> -> memref<1x128xi32, #tpu.memory_space<hbm>>
      %dma_start3A_108 = tpu.memref_squeeze %dma_start3A_107 : memref<1x128xi32, #tpu.memory_space<hbm>> -> memref<128xi32, #tpu.memory_space<hbm>>
      %dma_start3A_109 = tpu.memref_slice %arg18[%dma_start3A_102] : memref<4x!tpu.dma_semaphore, #tpu.memory_space<semaphore_mem>> -> memref<1x!tpu.dma_semaphore, #tpu.memory_space<semaphore_mem>>
      %dma_start3A_110 = tpu.memref_squeeze %dma_start3A_109 : memref<1x!tpu.dma_semaphore, #tpu.memory_space<semaphore_mem>> -> memref<!tpu.dma_semaphore, #tpu.memory_space<semaphore_mem>>
      %dma_start3A_111 = arith.constant 0 : i32
      %dma_start3A_112 = tpu.memref_slice %arg10[%dma_start3A_101, %dma_start3A_111] : memref<4x128xi32, #tpu.memory_space<vmem>> -> memref<1x128xi32, #tpu.memory_space<vmem>>
      %dma_start3A_113 = tpu.memref_squeeze %dma_start3A_112 : memref<1x128xi32, #tpu.memory_space<vmem>> -> memref<128xi32, #tpu.memory_space<vmem>>
      %dma_start3A_114 = arith.constant 0 : i32
      %dma_start3A_115 = tpu.memref_slice %arg4[%add3A_84, %dma_start3A_114] : memref<2560x128xi32, #tpu.memory_space<hbm>> -> memref<1x128xi32, #tpu.memory_space<hbm>>
      %dma_start3A_116 = tpu.memref_squeeze %dma_start3A_115 : memref<1x128xi32, #tpu.memory_space<hbm>> -> memref<128xi32, #tpu.memory_space<hbm>>
      tpu.enqueue_dma source(%dma_start3A_116 : memref<128xi32, #tpu.memory_space<hbm>>) target(%dma_start3A_113 : memref<128xi32, #tpu.memory_space<vmem>>) target_semaphore(%dma_start3A_110 : memref<!tpu.dma_semaphore, #tpu.memory_space<semaphore_mem>>)
      %add3A_117 = arith.constant 3 : i32
      %add3A_118 = arith.addi %add3A_15, %add3A_117 : i32
      %dma_start3A_119 = arith.constant 3 : i32
      %dma_start3A_120 = arith.constant 3 : i32
      %dma_start3A_121 = arith.constant 0 : i32
      %dma_start3A_122 = tpu.memref_slice %arg9[%dma_start3A_119, %dma_start3A_121] : memref<4x128xi32, #tpu.memory_space<vmem>> -> memref<1x128xi32, #tpu.memory_space<vmem>>
      %dma_start3A_123 = tpu.memref_squeeze %dma_start3A_122 : memref<1x128xi32, #tpu.memory_space<vmem>> -> memref<128xi32, #tpu.memory_space<vmem>>
      %dma_start3A_124 = arith.constant 0 : i32
      %dma_start3A_125 = tpu.memref_slice %arg3[%add3A_118, %dma_start3A_124] : memref<2560x128xi32, #tpu.memory_space<hbm>> -> memref<1x128xi32, #tpu.memory_space<hbm>>
      %dma_start3A_126 = tpu.memref_squeeze %dma_start3A_125 : memref<1x128xi32, #tpu.memory_space<hbm>> -> memref<128xi32, #tpu.memory_space<hbm>>
      %dma_start3A_127 = tpu.memref_slice %arg17[%dma_start3A_120] : memref<4x!tpu.dma_semaphore, #tpu.memory_space<semaphore_mem>> -> memref<1x!tpu.dma_semaphore, #tpu.memory_space<semaphore_mem>>
      %dma_start3A_128 = tpu.memref_squeeze %dma_start3A_127 : memref<1x!tpu.dma_semaphore, #tpu.memory_space<semaphore_mem>> -> memref<!tpu.dma_semaphore, #tpu.memory_space<semaphore_mem>>
      %dma_start3A_129 = arith.constant 0 : i32
      %dma_start3A_130 = tpu.memref_slice %arg9[%dma_start3A_119, %dma_start3A_129] : memref<4x128xi32, #tpu.memory_space<vmem>> -> memref<1x128xi32, #tpu.memory_space<vmem>>
      %dma_start3A_131 = tpu.memref_squeeze %dma_start3A_130 : memref<1x128xi32, #tpu.memory_space<vmem>> -> memref<128xi32, #tpu.memory_space<vmem>>
      %dma_start3A_132 = arith.constant 0 : i32
      %dma_start3A_133 = tpu.memref_slice %arg3[%add3A_118, %dma_start3A_132] : memref<2560x128xi32, #tpu.memory_space<hbm>> -> memref<1x128xi32, #tpu.memory_space<hbm>>
      %dma_start3A_134 = tpu.memref_squeeze %dma_start3A_133 : memref<1x128xi32, #tpu.memory_space<hbm>> -> memref<128xi32, #tpu.memory_space<hbm>>
      tpu.enqueue_dma source(%dma_start3A_134 : memref<128xi32, #tpu.memory_space<hbm>>) target(%dma_start3A_131 : memref<128xi32, #tpu.memory_space<vmem>>) target_semaphore(%dma_start3A_128 : memref<!tpu.dma_semaphore, #tpu.memory_space<semaphore_mem>>)
      %dma_start3A_135 = arith.constant 3 : i32
      %dma_start3A_136 = arith.constant 3 : i32
      %dma_start3A_137 = arith.constant 0 : i32
      %dma_start3A_138 = tpu.memref_slice %arg10[%dma_start3A_135, %dma_start3A_137] : memref<4x128xi32, #tpu.memory_space<vmem>> -> memref<1x128xi32, #tpu.memory_space<vmem>>
      %dma_start3A_139 = tpu.memref_squeeze %dma_start3A_138 : memref<1x128xi32, #tpu.memory_space<vmem>> -> memref<128xi32, #tpu.memory_space<vmem>>
      %dma_start3A_140 = arith.constant 0 : i32
      %dma_start3A_141 = tpu.memref_slice %arg4[%add3A_118, %dma_start3A_140] : memref<2560x128xi32, #tpu.memory_space<hbm>> -> memref<1x128xi32, #tpu.memory_space<hbm>>
      %dma_start3A_142 = tpu.memref_squeeze %dma_start3A_141 : memref<1x128xi32, #tpu.memory_space<hbm>> -> memref<128xi32, #tpu.memory_space<hbm>>
      %dma_start3A_143 = tpu.memref_slice %arg18[%dma_start3A_136] : memref<4x!tpu.dma_semaphore, #tpu.memory_space<semaphore_mem>> -> memref<1x!tpu.dma_semaphore, #tpu.memory_space<semaphore_mem>>
      %dma_start3A_144 = tpu.memref_squeeze %dma_start3A_143 : memref<1x!tpu.dma_semaphore, #tpu.memory_space<semaphore_mem>> -> memref<!tpu.dma_semaphore, #tpu.memory_space<semaphore_mem>>
      %dma_start3A_145 = arith.constant 0 : i32
      %dma_start3A_146 = tpu.memref_slice %arg10[%dma_start3A_135, %dma_start3A_145] : memref<4x128xi32, #tpu.memory_space<vmem>> -> memref<1x128xi32, #tpu.memory_space<vmem>>
      %dma_start3A_147 = tpu.memref_squeeze %dma_start3A_146 : memref<1x128xi32, #tpu.memory_space<vmem>> -> memref<128xi32, #tpu.memory_space<vmem>>
      %dma_start3A_148 = arith.constant 0 : i32
      %dma_start3A_149 = tpu.memref_slice %arg4[%add3A_118, %dma_start3A_148] : memref<2560x128xi32, #tpu.memory_space<hbm>> -> memref<1x128xi32, #tpu.memory_space<hbm>>
      %dma_start3A_150 = tpu.memref_squeeze %dma_start3A_149 : memref<1x128xi32, #tpu.memory_space<hbm>> -> memref<128xi32, #tpu.memory_space<hbm>>
      tpu.enqueue_dma source(%dma_start3A_150 : memref<128xi32, #tpu.memory_space<hbm>>) target(%dma_start3A_147 : memref<128xi32, #tpu.memory_space<vmem>>) target_semaphore(%dma_start3A_144 : memref<!tpu.dma_semaphore, #tpu.memory_space<semaphore_mem>>)
      %dma_wait3A = arith.constant 0 : i32
      %dma_wait3A_151 = arith.constant 0 : i32
      %dma_wait3A_152 = arith.constant 0 : i32
      %dma_wait3A_153 = arith.constant 0 : i32
      %dma_wait3A_154 = tpu.memref_slice %arg9[%dma_wait3A_151, %dma_wait3A_153] : memref<4x128xi32, #tpu.memory_space<vmem>> -> memref<1x128xi32, #tpu.memory_space<vmem>>
      %dma_wait3A_155 = tpu.memref_squeeze %dma_wait3A_154 : memref<1x128xi32, #tpu.memory_space<vmem>> -> memref<128xi32, #tpu.memory_space<vmem>>
      %dma_wait3A_156 = arith.constant 0 : i32
      %dma_wait3A_157 = tpu.memref_slice %arg3[%dma_wait3A, %dma_wait3A_156] : memref<2560x128xi32, #tpu.memory_space<hbm>> -> memref<1x128xi32, #tpu.memory_space<hbm>>
      %dma_wait3A_158 = tpu.memref_squeeze %dma_wait3A_157 : memref<1x128xi32, #tpu.memory_space<hbm>> -> memref<128xi32, #tpu.memory_space<hbm>>
      %dma_wait3A_159 = tpu.memref_slice %arg17[%dma_wait3A_152] : memref<4x!tpu.dma_semaphore, #tpu.memory_space<semaphore_mem>> -> memref<1x!tpu.dma_semaphore, #tpu.memory_space<semaphore_mem>>
      %dma_wait3A_160 = tpu.memref_squeeze %dma_wait3A_159 : memref<1x!tpu.dma_semaphore, #tpu.memory_space<semaphore_mem>> -> memref<!tpu.dma_semaphore, #tpu.memory_space<semaphore_mem>>
      %dma_wait3A_161 = arith.constant 0 : i32
      %dma_wait3A_162 = tpu.memref_slice %arg9[%dma_wait3A_151, %dma_wait3A_161] : memref<4x128xi32, #tpu.memory_space<vmem>> -> memref<1x128xi32, #tpu.memory_space<vmem>>
      %dma_wait3A_163 = tpu.memref_squeeze %dma_wait3A_162 : memref<1x128xi32, #tpu.memory_space<vmem>> -> memref<128xi32, #tpu.memory_space<vmem>>
      %dma_wait3A_164 = arith.constant 0 : i32
      %dma_wait3A_165 = tpu.memref_slice %arg3[%dma_wait3A, %dma_wait3A_164] : memref<2560x128xi32, #tpu.memory_space<hbm>> -> memref<1x128xi32, #tpu.memory_space<hbm>>
      %dma_wait3A_166 = tpu.memref_squeeze %dma_wait3A_165 : memref<1x128xi32, #tpu.memory_space<hbm>> -> memref<128xi32, #tpu.memory_space<hbm>>
      tpu.wait_dma2 semaphore(%dma_wait3A_160 : memref<!tpu.dma_semaphore, #tpu.memory_space<semaphore_mem>>) src(%dma_wait3A_166 : memref<128xi32, #tpu.memory_space<hbm>>) dst(%dma_wait3A_163 : memref<128xi32, #tpu.memory_space<vmem>>)
      %dma_wait3A_167 = arith.constant 0 : i32
      %dma_wait3A_168 = arith.constant 0 : i32
      %dma_wait3A_169 = arith.constant 0 : i32
      %dma_wait3A_170 = arith.constant 0 : i32
      %dma_wait3A_171 = tpu.memref_slice %arg10[%dma_wait3A_168, %dma_wait3A_170] : memref<4x128xi32, #tpu.memory_space<vmem>> -> memref<1x128xi32, #tpu.memory_space<vmem>>
      %dma_wait3A_172 = tpu.memref_squeeze %dma_wait3A_171 : memref<1x128xi32, #tpu.memory_space<vmem>> -> memref<128xi32, #tpu.memory_space<vmem>>
      %dma_wait3A_173 = arith.constant 0 : i32
      %dma_wait3A_174 = tpu.memref_slice %arg4[%dma_wait3A_167, %dma_wait3A_173] : memref<2560x128xi32, #tpu.memory_space<hbm>> -> memref<1x128xi32, #tpu.memory_space<hbm>>
      %dma_wait3A_175 = tpu.memref_squeeze %dma_wait3A_174 : memref<1x128xi32, #tpu.memory_space<hbm>> -> memref<128xi32, #tpu.memory_space<hbm>>
      %dma_wait3A_176 = tpu.memref_slice %arg18[%dma_wait3A_169] : memref<4x!tpu.dma_semaphore, #tpu.memory_space<semaphore_mem>> -> memref<1x!tpu.dma_semaphore, #tpu.memory_space<semaphore_mem>>
      %dma_wait3A_177 = tpu.memref_squeeze %dma_wait3A_176 : memref<1x!tpu.dma_semaphore, #tpu.memory_space<semaphore_mem>> -> memref<!tpu.dma_semaphore, #tpu.memory_space<semaphore_mem>>
      %dma_wait3A_178 = arith.constant 0 : i32
      %dma_wait3A_179 = tpu.memref_slice %arg10[%dma_wait3A_168, %dma_wait3A_178] : memref<4x128xi32, #tpu.memory_space<vmem>> -> memref<1x128xi32, #tpu.memory_space<vmem>>
      %dma_wait3A_180 = tpu.memref_squeeze %dma_wait3A_179 : memref<1x128xi32, #tpu.memory_space<vmem>> -> memref<128xi32, #tpu.memory_space<vmem>>
      %dma_wait3A_181 = arith.constant 0 : i32
      %dma_wait3A_182 = tpu.memref_slice %arg4[%dma_wait3A_167, %dma_wait3A_181] : memref<2560x128xi32, #tpu.memory_space<hbm>> -> memref<1x128xi32, #tpu.memory_space<hbm>>
      %dma_wait3A_183 = tpu.memref_squeeze %dma_wait3A_182 : memref<1x128xi32, #tpu.memory_space<hbm>> -> memref<128xi32, #tpu.memory_space<hbm>>
      tpu.wait_dma2 semaphore(%dma_wait3A_177 : memref<!tpu.dma_semaphore, #tpu.memory_space<semaphore_mem>>) src(%dma_wait3A_183 : memref<128xi32, #tpu.memory_space<hbm>>) dst(%dma_wait3A_180 : memref<128xi32, #tpu.memory_space<vmem>>)
      %dma_start3A_184 = arith.constant 0 : i32
      %dma_start3A_185 = arith.constant 0 : i32
      %dma_start3A_186 = arith.constant 0 : i32
      %dma_start3A_187 = tpu.memref_slice %arg9[%dma_start3A_184, %dma_start3A_186] : memref<4x128xi32, #tpu.memory_space<vmem>> -> memref<1x128xi32, #tpu.memory_space<vmem>>
      %dma_start3A_188 = tpu.memref_squeeze %dma_start3A_187 : memref<1x128xi32, #tpu.memory_space<vmem>> -> memref<128xi32, #tpu.memory_space<vmem>>
      %dma_start3A_189 = arith.constant 0 : i32
      %dma_start3A_190 = arith.constant 0 : i32
      %dma_start3A_191 = tpu.memref_slice %arg2[%dma_start3A_189, %dma_start3A_190] : memref<10240x128xf32, #tpu.memory_space<hbm>> -> memref<10240x128xf32, #tpu.memory_space<hbm>>
      %dma_start3A_192 = tpu.memref_slice %arg15[%dma_start3A_185] : memref<2x!tpu.dma_semaphore, #tpu.memory_space<semaphore_mem>> -> memref<1x!tpu.dma_semaphore, #tpu.memory_space<semaphore_mem>>
      %dma_start3A_193 = tpu.memref_squeeze %dma_start3A_192 : memref<1x!tpu.dma_semaphore, #tpu.memory_space<semaphore_mem>> -> memref<!tpu.dma_semaphore, #tpu.memory_space<semaphore_mem>>
      tpu.enqueue_indirect_dma source(%dma_start3A_191 : memref<10240x128xf32, #tpu.memory_space<hbm>>) target(%arg11 : memref<128x128xf32, #tpu.memory_space<vmem>>) offsets(%dma_start3A_188 : memref<128xi32, #tpu.memory_space<vmem>>) semaphore(%dma_start3A_193 : memref<!tpu.dma_semaphore, #tpu.memory_space<semaphore_mem>>)
      %dma_wait3A_194 = arith.constant 0 : i32
      %dma_wait3A_195 = arith.constant 1 : i32
      %dma_wait3A_196 = arith.constant 1 : i32
      %dma_wait3A_197 = arith.constant 0 : i32
      %dma_wait3A_198 = tpu.memref_slice %arg9[%dma_wait3A_195, %dma_wait3A_197] : memref<4x128xi32, #tpu.memory_space<vmem>> -> memref<1x128xi32, #tpu.memory_space<vmem>>
      %dma_wait3A_199 = tpu.memref_squeeze %dma_wait3A_198 : memref<1x128xi32, #tpu.memory_space<vmem>> -> memref<128xi32, #tpu.memory_space<vmem>>
      %dma_wait3A_200 = arith.constant 0 : i32
      %dma_wait3A_201 = tpu.memref_slice %arg3[%dma_wait3A_194, %dma_wait3A_200] : memref<2560x128xi32, #tpu.memory_space<hbm>> -> memref<1x128xi32, #tpu.memory_space<hbm>>
      %dma_wait3A_202 = tpu.memref_squeeze %dma_wait3A_201 : memref<1x128xi32, #tpu.memory_space<hbm>> -> memref<128xi32, #tpu.memory_space<hbm>>
      %dma_wait3A_203 = tpu.memref_slice %arg17[%dma_wait3A_196] : memref<4x!tpu.dma_semaphore, #tpu.memory_space<semaphore_mem>> -> memref<1x!tpu.dma_semaphore, #tpu.memory_space<semaphore_mem>>
      %dma_wait3A_204 = tpu.memref_squeeze %dma_wait3A_203 : memref<1x!tpu.dma_semaphore, #tpu.memory_space<semaphore_mem>> -> memref<!tpu.dma_semaphore, #tpu.memory_space<semaphore_mem>>
      %dma_wait3A_205 = arith.constant 0 : i32
      %dma_wait3A_206 = tpu.memref_slice %arg9[%dma_wait3A_195, %dma_wait3A_205] : memref<4x128xi32, #tpu.memory_space<vmem>> -> memref<1x128xi32, #tpu.memory_space<vmem>>
      %dma_wait3A_207 = tpu.memref_squeeze %dma_wait3A_206 : memref<1x128xi32, #tpu.memory_space<vmem>> -> memref<128xi32, #tpu.memory_space<vmem>>
      %dma_wait3A_208 = arith.constant 0 : i32
      %dma_wait3A_209 = tpu.memref_slice %arg3[%dma_wait3A_194, %dma_wait3A_208] : memref<2560x128xi32, #tpu.memory_space<hbm>> -> memref<1x128xi32, #tpu.memory_space<hbm>>
      %dma_wait3A_210 = tpu.memref_squeeze %dma_wait3A_209 : memref<1x128xi32, #tpu.memory_space<hbm>> -> memref<128xi32, #tpu.memory_space<hbm>>
      tpu.wait_dma2 semaphore(%dma_wait3A_204 : memref<!tpu.dma_semaphore, #tpu.memory_space<semaphore_mem>>) src(%dma_wait3A_210 : memref<128xi32, #tpu.memory_space<hbm>>) dst(%dma_wait3A_207 : memref<128xi32, #tpu.memory_space<vmem>>)
      %dma_wait3A_211 = arith.constant 0 : i32
      %dma_wait3A_212 = arith.constant 1 : i32
      %dma_wait3A_213 = arith.constant 1 : i32
      %dma_wait3A_214 = arith.constant 0 : i32
      %dma_wait3A_215 = tpu.memref_slice %arg10[%dma_wait3A_212, %dma_wait3A_214] : memref<4x128xi32, #tpu.memory_space<vmem>> -> memref<1x128xi32, #tpu.memory_space<vmem>>
      %dma_wait3A_216 = tpu.memref_squeeze %dma_wait3A_215 : memref<1x128xi32, #tpu.memory_space<vmem>> -> memref<128xi32, #tpu.memory_space<vmem>>
      %dma_wait3A_217 = arith.constant 0 : i32
      %dma_wait3A_218 = tpu.memref_slice %arg4[%dma_wait3A_211, %dma_wait3A_217] : memref<2560x128xi32, #tpu.memory_space<hbm>> -> memref<1x128xi32, #tpu.memory_space<hbm>>
      %dma_wait3A_219 = tpu.memref_squeeze %dma_wait3A_218 : memref<1x128xi32, #tpu.memory_space<hbm>> -> memref<128xi32, #tpu.memory_space<hbm>>
      %dma_wait3A_220 = tpu.memref_slice %arg18[%dma_wait3A_213] : memref<4x!tpu.dma_semaphore, #tpu.memory_space<semaphore_mem>> -> memref<1x!tpu.dma_semaphore, #tpu.memory_space<semaphore_mem>>
      %dma_wait3A_221 = tpu.memref_squeeze %dma_wait3A_220 : memref<1x!tpu.dma_semaphore, #tpu.memory_space<semaphore_mem>> -> memref<!tpu.dma_semaphore, #tpu.memory_space<semaphore_mem>>
      %dma_wait3A_222 = arith.constant 0 : i32
      %dma_wait3A_223 = tpu.memref_slice %arg10[%dma_wait3A_212, %dma_wait3A_222] : memref<4x128xi32, #tpu.memory_space<vmem>> -> memref<1x128xi32, #tpu.memory_space<vmem>>
      %dma_wait3A_224 = tpu.memref_squeeze %dma_wait3A_223 : memref<1x128xi32, #tpu.memory_space<vmem>> -> memref<128xi32, #tpu.memory_space<vmem>>
      %dma_wait3A_225 = arith.constant 0 : i32
      %dma_wait3A_226 = tpu.memref_slice %arg4[%dma_wait3A_211, %dma_wait3A_225] : memref<2560x128xi32, #tpu.memory_space<hbm>> -> memref<1x128xi32, #tpu.memory_space<hbm>>
      %dma_wait3A_227 = tpu.memref_squeeze %dma_wait3A_226 : memref<1x128xi32, #tpu.memory_space<hbm>> -> memref<128xi32, #tpu.memory_space<hbm>>
      tpu.wait_dma2 semaphore(%dma_wait3A_221 : memref<!tpu.dma_semaphore, #tpu.memory_space<semaphore_mem>>) src(%dma_wait3A_227 : memref<128xi32, #tpu.memory_space<hbm>>) dst(%dma_wait3A_224 : memref<128xi32, #tpu.memory_space<vmem>>)
      %dma_start3A_228 = arith.constant 1 : i32
      %dma_start3A_229 = arith.constant 1 : i32
      %dma_start3A_230 = arith.constant 0 : i32
      %dma_start3A_231 = tpu.memref_slice %arg9[%dma_start3A_228, %dma_start3A_230] : memref<4x128xi32, #tpu.memory_space<vmem>> -> memref<1x128xi32, #tpu.memory_space<vmem>>
      %dma_start3A_232 = tpu.memref_squeeze %dma_start3A_231 : memref<1x128xi32, #tpu.memory_space<vmem>> -> memref<128xi32, #tpu.memory_space<vmem>>
      %dma_start3A_233 = arith.constant 0 : i32
      %dma_start3A_234 = arith.constant 0 : i32
      %dma_start3A_235 = tpu.memref_slice %arg2[%dma_start3A_233, %dma_start3A_234] : memref<10240x128xf32, #tpu.memory_space<hbm>> -> memref<10240x128xf32, #tpu.memory_space<hbm>>
      %dma_start3A_236 = tpu.memref_slice %arg15[%dma_start3A_229] : memref<2x!tpu.dma_semaphore, #tpu.memory_space<semaphore_mem>> -> memref<1x!tpu.dma_semaphore, #tpu.memory_space<semaphore_mem>>
      %dma_start3A_237 = tpu.memref_squeeze %dma_start3A_236 : memref<1x!tpu.dma_semaphore, #tpu.memory_space<semaphore_mem>> -> memref<!tpu.dma_semaphore, #tpu.memory_space<semaphore_mem>>
      tpu.enqueue_indirect_dma source(%dma_start3A_235 : memref<10240x128xf32, #tpu.memory_space<hbm>>) target(%arg12 : memref<128x128xf32, #tpu.memory_space<vmem>>) offsets(%dma_start3A_232 : memref<128xi32, #tpu.memory_space<vmem>>) semaphore(%dma_start3A_237 : memref<!tpu.dma_semaphore, #tpu.memory_space<semaphore_mem>>)
      %scan3A = arith.constant 0 : i32
      %scan3A_238 = arith.constant 0 : i32
      %scan3A_239 = arith.constant 20 : i32
      %scan3A_240 = arith.addi %scan3A_238, %scan3A_239 : i32
      %scan3A_241 = arith.constant 1 : i32
      scf.for %scan3A_243 = %scan3A_238 to %scan3A_240 step %scan3A_241  : i32 {
        %mul3A_244 = arith.constant 4 : i32
        %mul3A_245 = arith.muli %scan3A_243, %mul3A_244 : i32
        %add3A_246 = arith.constant 0 : i32
        %add3A_247 = arith.addi %mul3A_245, %add3A_246 : i32
        %dma_wait3A_248 = arith.constant 0 : i32
        %dma_wait3A_249 = arith.constant 0 : i32
        %dma_wait3A_250 = arith.constant 0 : i32
        %dma_wait3A_251 = tpu.memref_slice %arg9[%dma_wait3A_248, %dma_wait3A_250] : memref<4x128xi32, #tpu.memory_space<vmem>> -> memref<1x128xi32, #tpu.memory_space<vmem>>
        %dma_wait3A_252 = tpu.memref_squeeze %dma_wait3A_251 : memref<1x128xi32, #tpu.memory_space<vmem>> -> memref<128xi32, #tpu.memory_space<vmem>>
        %dma_wait3A_253 = arith.constant 0 : i32
        %dma_wait3A_254 = arith.constant 0 : i32
        %dma_wait3A_255 = tpu.memref_slice %arg2[%dma_wait3A_253, %dma_wait3A_254] : memref<10240x128xf32, #tpu.memory_space<hbm>> -> memref<10240x128xf32, #tpu.memory_space<hbm>>
        %dma_wait3A_256 = tpu.memref_slice %arg15[%dma_wait3A_249] : memref<2x!tpu.dma_semaphore, #tpu.memory_space<semaphore_mem>> -> memref<1x!tpu.dma_semaphore, #tpu.memory_space<semaphore_mem>>
        %dma_wait3A_257 = tpu.memref_squeeze %dma_wait3A_256 : memref<1x!tpu.dma_semaphore, #tpu.memory_space<semaphore_mem>> -> memref<!tpu.dma_semaphore, #tpu.memory_space<semaphore_mem>>
        tpu.wait_indirect_dma semaphore(%dma_wait3A_257 : memref<!tpu.dma_semaphore, #tpu.memory_space<semaphore_mem>>) src(%dma_wait3A_255 : memref<10240x128xf32, #tpu.memory_space<hbm>>) dst(%arg11 : memref<128x128xf32, #tpu.memory_space<vmem>>)
        %dma_start3A_258 = arith.constant 0 : i32
        %dma_start3A_259 = arith.constant 0 : i32
        %dma_start3A_260 = arith.constant 0 : i32
        %dma_start3A_261 = tpu.memref_slice %arg10[%dma_start3A_258, %dma_start3A_260] : memref<4x128xi32, #tpu.memory_space<vmem>> -> memref<1x128xi32, #tpu.memory_space<vmem>>
        %dma_start3A_262 = tpu.memref_squeeze %dma_start3A_261 : memref<1x128xi32, #tpu.memory_space<vmem>> -> memref<128xi32, #tpu.memory_space<vmem>>
        %dma_start3A_263 = arith.constant 0 : i32
        %dma_start3A_264 = arith.constant 0 : i32
        %dma_start3A_265 = tpu.memref_slice %arg14[%dma_start3A_263, %dma_start3A_264] : memref<10240x128xf32, #tpu.memory_space<vmem_shared>> -> memref<10240x128xf32, #tpu.memory_space<vmem_shared>>
        %dma_start3A_266 = tpu.memref_slice %arg16[%dma_start3A_259] : memref<2x!tpu.dma_semaphore, #tpu.memory_space<semaphore_mem>> -> memref<1x!tpu.dma_semaphore, #tpu.memory_space<semaphore_mem>>
        %dma_start3A_267 = tpu.memref_squeeze %dma_start3A_266 : memref<1x!tpu.dma_semaphore, #tpu.memory_space<semaphore_mem>> -> memref<!tpu.dma_semaphore, #tpu.memory_space<semaphore_mem>>
        tpu.enqueue_indirect_dma source(%arg11 : memref<128x128xf32, #tpu.memory_space<vmem>>) target(%dma_start3A_265 : memref<10240x128xf32, #tpu.memory_space<vmem_shared>>) offsets(%dma_start3A_262 : memref<128xi32, #tpu.memory_space<vmem>>) semaphore(%dma_start3A_267 : memref<!tpu.dma_semaphore, #tpu.memory_space<semaphore_mem>>) {add = true}
        %get3A = arith.constant 0 : i32
        %get3A_268 = arith.index_cast %get3A : i32 to index
        %get3A_269 = arith.constant 0 : index
        %get3A_270 = tpu.vector_load %arg10[%get3A_268, %get3A_269] {strides = array<i32>} : memref<4x128xi32, #tpu.memory_space<vmem>>, vector<16xi32>,
        tpu.vector_store_idx %arg13[%get3A_270], %broadcast_in_dim3A_3 {add = true} : memref<10240xf32, #tpu.memory_space<vmem>>[vector<16xi32>], vector<16xf32>,
        %get3A_271 = arith.constant 0 : i32
        %get3A_272 = arith.index_cast %get3A_271 : i32 to index
        %get3A_273 = arith.constant 16 : index
        %get3A_274 = tpu.vector_load %arg10[%get3A_272, %get3A_273] {strides = array<i32>} : memref<4x128xi32, #tpu.memory_space<vmem>>, vector<16xi32>,
        tpu.vector_store_idx %arg13[%get3A_274], %broadcast_in_dim3A_3 {add = true} : memref<10240xf32, #tpu.memory_space<vmem>>[vector<16xi32>], vector<16xf32>,
        %get3A_275 = arith.constant 0 : i32
        %get3A_276 = arith.index_cast %get3A_275 : i32 to index
        %get3A_277 = arith.constant 32 : index
        %get3A_278 = tpu.vector_load %arg10[%get3A_276, %get3A_277] {strides = array<i32>} : memref<4x128xi32, #tpu.memory_space<vmem>>, vector<16xi32>,
        tpu.vector_store_idx %arg13[%get3A_278], %broadcast_in_dim3A_3 {add = true} : memref<10240xf32, #tpu.memory_space<vmem>>[vector<16xi32>], vector<16xf32>,
        %get3A_279 = arith.constant 0 : i32
        %get3A_280 = arith.index_cast %get3A_279 : i32 to index
        %get3A_281 = arith.constant 48 : index
        %get3A_282 = tpu.vector_load %arg10[%get3A_280, %get3A_281] {strides = array<i32>} : memref<4x128xi32, #tpu.memory_space<vmem>>, vector<16xi32>,
        tpu.vector_store_idx %arg13[%get3A_282], %broadcast_in_dim3A_3 {add = true} : memref<10240xf32, #tpu.memory_space<vmem>>[vector<16xi32>], vector<16xf32>,
        %get3A_283 = arith.constant 0 : i32
        %get3A_284 = arith.index_cast %get3A_283 : i32 to index
        %get3A_285 = arith.constant 64 : index
        %get3A_286 = tpu.vector_load %arg10[%get3A_284, %get3A_285] {strides = array<i32>} : memref<4x128xi32, #tpu.memory_space<vmem>>, vector<16xi32>,
        tpu.vector_store_idx %arg13[%get3A_286], %broadcast_in_dim3A_3 {add = true} : memref<10240xf32, #tpu.memory_space<vmem>>[vector<16xi32>], vector<16xf32>,
        %get3A_287 = arith.constant 0 : i32
        %get3A_288 = arith.index_cast %get3A_287 : i32 to index
        %get3A_289 = arith.constant 80 : index
        %get3A_290 = tpu.vector_load %arg10[%get3A_288, %get3A_289] {strides = array<i32>} : memref<4x128xi32, #tpu.memory_space<vmem>>, vector<16xi32>,
        tpu.vector_store_idx %arg13[%get3A_290], %broadcast_in_dim3A_3 {add = true} : memref<10240xf32, #tpu.memory_space<vmem>>[vector<16xi32>], vector<16xf32>,
        %get3A_291 = arith.constant 0 : i32
        %get3A_292 = arith.index_cast %get3A_291 : i32 to index
        %get3A_293 = arith.constant 96 : index
        %get3A_294 = tpu.vector_load %arg10[%get3A_292, %get3A_293] {strides = array<i32>} : memref<4x128xi32, #tpu.memory_space<vmem>>, vector<16xi32>,
        tpu.vector_store_idx %arg13[%get3A_294], %broadcast_in_dim3A_3 {add = true} : memref<10240xf32, #tpu.memory_space<vmem>>[vector<16xi32>], vector<16xf32>,
        %get3A_295 = arith.constant 0 : i32
        %get3A_296 = arith.index_cast %get3A_295 : i32 to index
        %get3A_297 = arith.constant 112 : index
        %get3A_298 = tpu.vector_load %arg10[%get3A_296, %get3A_297] {strides = array<i32>} : memref<4x128xi32, #tpu.memory_space<vmem>>, vector<16xi32>,
        tpu.vector_store_idx %arg13[%get3A_298], %broadcast_in_dim3A_3 {add = true} : memref<10240xf32, #tpu.memory_space<vmem>>[vector<16xi32>], vector<16xf32>,
        %dma_wait3A_299 = arith.constant 0 : i32
        %dma_wait3A_300 = arith.constant 0 : i32
        %dma_wait3A_301 = arith.constant 0 : i32
        %dma_wait3A_302 = tpu.memref_slice %arg10[%dma_wait3A_299, %dma_wait3A_301] : memref<4x128xi32, #tpu.memory_space<vmem>> -> memref<1x128xi32, #tpu.memory_space<vmem>>
        %dma_wait3A_303 = tpu.memref_squeeze %dma_wait3A_302 : memref<1x128xi32, #tpu.memory_space<vmem>> -> memref<128xi32, #tpu.memory_space<vmem>>
        %dma_wait3A_304 = arith.constant 0 : i32
        %dma_wait3A_305 = arith.constant 0 : i32
        %dma_wait3A_306 = tpu.memref_slice %arg14[%dma_wait3A_304, %dma_wait3A_305] : memref<10240x128xf32, #tpu.memory_space<vmem_shared>> -> memref<10240x128xf32, #tpu.memory_space<vmem_shared>>
        %dma_wait3A_307 = tpu.memref_slice %arg16[%dma_wait3A_300] : memref<2x!tpu.dma_semaphore, #tpu.memory_space<semaphore_mem>> -> memref<1x!tpu.dma_semaphore, #tpu.memory_space<semaphore_mem>>
        %dma_wait3A_308 = tpu.memref_squeeze %dma_wait3A_307 : memref<1x!tpu.dma_semaphore, #tpu.memory_space<semaphore_mem>> -> memref<!tpu.dma_semaphore, #tpu.memory_space<semaphore_mem>>
        tpu.wait_indirect_dma semaphore(%dma_wait3A_308 : memref<!tpu.dma_semaphore, #tpu.memory_space<semaphore_mem>>) src(%arg11 : memref<128x128xf32, #tpu.memory_space<vmem>>) dst(%dma_wait3A_306 : memref<10240x128xf32, #tpu.memory_space<vmem_shared>>)
        %add3A_309 = arith.constant 2 : i32
        %add3A_310 = arith.addi %add3A_247, %add3A_309 : i32
        %lt3A = arith.constant 80 : i32
        %lt3A_311 = arith.cmpi slt, %add3A_310, %lt3A : i32
        %convert_element_type3A_312 = arith.extui %lt3A_311 : i1 to i32
        %cond3A_313 = arith.constant 0 : i32
        %cond3A_314 = arith.cmpi ne, %convert_element_type3A_312, %cond3A_313 : i32
        scf.if %cond3A_314 {
          %dma_wait3A_562 = arith.constant 0 : i32
          %dma_wait3A_563 = arith.constant 2 : i32
          %dma_wait3A_564 = arith.constant 2 : i32
          %dma_wait3A_565 = arith.constant 0 : i32
          %dma_wait3A_566 = tpu.memref_slice %arg9[%dma_wait3A_563, %dma_wait3A_565] : memref<4x128xi32, #tpu.memory_space<vmem>> -> memref<1x128xi32, #tpu.memory_space<vmem>>
          %dma_wait3A_567 = tpu.memref_squeeze %dma_wait3A_566 : memref<1x128xi32, #tpu.memory_space<vmem>> -> memref<128xi32, #tpu.memory_space<vmem>>
          %dma_wait3A_568 = arith.constant 0 : i32
          %dma_wait3A_569 = tpu.memref_slice %arg3[%dma_wait3A_562, %dma_wait3A_568] : memref<2560x128xi32, #tpu.memory_space<hbm>> -> memref<1x128xi32, #tpu.memory_space<hbm>>
          %dma_wait3A_570 = tpu.memref_squeeze %dma_wait3A_569 : memref<1x128xi32, #tpu.memory_space<hbm>> -> memref<128xi32, #tpu.memory_space<hbm>>
          %dma_wait3A_571 = tpu.memref_slice %arg17[%dma_wait3A_564] : memref<4x!tpu.dma_semaphore, #tpu.memory_space<semaphore_mem>> -> memref<1x!tpu.dma_semaphore, #tpu.memory_space<semaphore_mem>>
          %dma_wait3A_572 = tpu.memref_squeeze %dma_wait3A_571 : memref<1x!tpu.dma_semaphore, #tpu.memory_space<semaphore_mem>> -> memref<!tpu.dma_semaphore, #tpu.memory_space<semaphore_mem>>
          %dma_wait3A_573 = arith.constant 0 : i32
          %dma_wait3A_574 = tpu.memref_slice %arg9[%dma_wait3A_563, %dma_wait3A_573] : memref<4x128xi32, #tpu.memory_space<vmem>> -> memref<1x128xi32, #tpu.memory_space<vmem>>
          %dma_wait3A_575 = tpu.memref_squeeze %dma_wait3A_574 : memref<1x128xi32, #tpu.memory_space<vmem>> -> memref<128xi32, #tpu.memory_space<vmem>>
          %dma_wait3A_576 = arith.constant 0 : i32
          %dma_wait3A_577 = tpu.memref_slice %arg3[%dma_wait3A_562, %dma_wait3A_576] : memref<2560x128xi32, #tpu.memory_space<hbm>> -> memref<1x128xi32, #tpu.memory_space<hbm>>
          %dma_wait3A_578 = tpu.memref_squeeze %dma_wait3A_577 : memref<1x128xi32, #tpu.memory_space<hbm>> -> memref<128xi32, #tpu.memory_space<hbm>>
          tpu.wait_dma2 semaphore(%dma_wait3A_572 : memref<!tpu.dma_semaphore, #tpu.memory_space<semaphore_mem>>) src(%dma_wait3A_578 : memref<128xi32, #tpu.memory_space<hbm>>) dst(%dma_wait3A_575 : memref<128xi32, #tpu.memory_space<vmem>>)
          %dma_wait3A_579 = arith.constant 0 : i32
          %dma_wait3A_580 = arith.constant 2 : i32
          %dma_wait3A_581 = arith.constant 2 : i32
          %dma_wait3A_582 = arith.constant 0 : i32
          %dma_wait3A_583 = tpu.memref_slice %arg10[%dma_wait3A_580, %dma_wait3A_582] : memref<4x128xi32, #tpu.memory_space<vmem>> -> memref<1x128xi32, #tpu.memory_space<vmem>>
          %dma_wait3A_584 = tpu.memref_squeeze %dma_wait3A_583 : memref<1x128xi32, #tpu.memory_space<vmem>> -> memref<128xi32, #tpu.memory_space<vmem>>
          %dma_wait3A_585 = arith.constant 0 : i32
          %dma_wait3A_586 = tpu.memref_slice %arg4[%dma_wait3A_579, %dma_wait3A_585] : memref<2560x128xi32, #tpu.memory_space<hbm>> -> memref<1x128xi32, #tpu.memory_space<hbm>>
          %dma_wait3A_587 = tpu.memref_squeeze %dma_wait3A_586 : memref<1x128xi32, #tpu.memory_space<hbm>> -> memref<128xi32, #tpu.memory_space<hbm>>
          %dma_wait3A_588 = tpu.memref_slice %arg18[%dma_wait3A_581] : memref<4x!tpu.dma_semaphore, #tpu.memory_space<semaphore_mem>> -> memref<1x!tpu.dma_semaphore, #tpu.memory_space<semaphore_mem>>
          %dma_wait3A_589 = tpu.memref_squeeze %dma_wait3A_588 : memref<1x!tpu.dma_semaphore, #tpu.memory_space<semaphore_mem>> -> memref<!tpu.dma_semaphore, #tpu.memory_space<semaphore_mem>>
          %dma_wait3A_590 = arith.constant 0 : i32
          %dma_wait3A_591 = tpu.memref_slice %arg10[%dma_wait3A_580, %dma_wait3A_590] : memref<4x128xi32, #tpu.memory_space<vmem>> -> memref<1x128xi32, #tpu.memory_space<vmem>>
          %dma_wait3A_592 = tpu.memref_squeeze %dma_wait3A_591 : memref<1x128xi32, #tpu.memory_space<vmem>> -> memref<128xi32, #tpu.memory_space<vmem>>
          %dma_wait3A_593 = arith.constant 0 : i32
          %dma_wait3A_594 = tpu.memref_slice %arg4[%dma_wait3A_579, %dma_wait3A_593] : memref<2560x128xi32, #tpu.memory_space<hbm>> -> memref<1x128xi32, #tpu.memory_space<hbm>>
          %dma_wait3A_595 = tpu.memref_squeeze %dma_wait3A_594 : memref<1x128xi32, #tpu.memory_space<hbm>> -> memref<128xi32, #tpu.memory_space<hbm>>
          tpu.wait_dma2 semaphore(%dma_wait3A_589 : memref<!tpu.dma_semaphore, #tpu.memory_space<semaphore_mem>>) src(%dma_wait3A_595 : memref<128xi32, #tpu.memory_space<hbm>>) dst(%dma_wait3A_592 : memref<128xi32, #tpu.memory_space<vmem>>)
          %dma_start3A_596 = arith.constant 2 : i32
          %dma_start3A_597 = arith.constant 0 : i32
          %dma_start3A_598 = arith.constant 0 : i32
          %dma_start3A_599 = tpu.memref_slice %arg9[%dma_start3A_596, %dma_start3A_598] : memref<4x128xi32, #tpu.memory_space<vmem>> -> memref<1x128xi32, #tpu.memory_space<vmem>>
          %dma_start3A_600 = tpu.memref_squeeze %dma_start3A_599 : memref<1x128xi32, #tpu.memory_space<vmem>> -> memref<128xi32, #tpu.memory_space<vmem>>
          %dma_start3A_601 = arith.constant 0 : i32
          %dma_start3A_602 = arith.constant 0 : i32
          %dma_start3A_603 = tpu.memref_slice %arg2[%dma_start3A_601, %dma_start3A_602] : memref<10240x128xf32, #tpu.memory_space<hbm>> -> memref<10240x128xf32, #tpu.memory_space<hbm>>
          %dma_start3A_604 = tpu.memref_slice %arg15[%dma_start3A_597] : memref<2x!tpu.dma_semaphore, #tpu.memory_space<semaphore_mem>> -> memref<1x!tpu.dma_semaphore, #tpu.memory_space<semaphore_mem>>
          %dma_start3A_605 = tpu.memref_squeeze %dma_start3A_604 : memref<1x!tpu.dma_semaphore, #tpu.memory_space<semaphore_mem>> -> memref<!tpu.dma_semaphore, #tpu.memory_space<semaphore_mem>>
          tpu.enqueue_indirect_dma source(%dma_start3A_603 : memref<10240x128xf32, #tpu.memory_space<hbm>>) target(%arg11 : memref<128x128xf32, #tpu.memory_space<vmem>>) offsets(%dma_start3A_600 : memref<128xi32, #tpu.memory_space<vmem>>) semaphore(%dma_start3A_605 : memref<!tpu.dma_semaphore, #tpu.memory_space<semaphore_mem>>)
        } else {
        }
        %add3A_315 = arith.constant 4 : i32
        %add3A_316 = arith.addi %add3A_247, %add3A_315 : i32
        %lt3A_317 = arith.constant 80 : i32
        %lt3A_318 = arith.cmpi slt, %add3A_316, %lt3A_317 : i32
        %convert_element_type3A_319 = arith.extui %lt3A_318 : i1 to i32
        %cond3A_320 = arith.constant 0 : i32
        %cond3A_321 = arith.cmpi ne, %convert_element_type3A_319, %cond3A_320 : i32
        scf.if %cond3A_321 {
          %add3A_562 = arith.addi %add3A_15, %add3A_247 : i32
          %add3A_563 = arith.constant 4 : i32
          %add3A_564 = arith.addi %add3A_562, %add3A_563 : i32
          %dma_start3A_565 = arith.constant 0 : i32
          %dma_start3A_566 = arith.constant 0 : i32
          %dma_start3A_567 = arith.constant 0 : i32
          %dma_start3A_568 = tpu.memref_slice %arg9[%dma_start3A_565, %dma_start3A_567] : memref<4x128xi32, #tpu.memory_space<vmem>> -> memref<1x128xi32, #tpu.memory_space<vmem>>
          %dma_start3A_569 = tpu.memref_squeeze %dma_start3A_568 : memref<1x128xi32, #tpu.memory_space<vmem>> -> memref<128xi32, #tpu.memory_space<vmem>>
          %dma_start3A_570 = arith.constant 0 : i32
          %dma_start3A_571 = tpu.memref_slice %arg3[%add3A_564, %dma_start3A_570] : memref<2560x128xi32, #tpu.memory_space<hbm>> -> memref<1x128xi32, #tpu.memory_space<hbm>>
          %dma_start3A_572 = tpu.memref_squeeze %dma_start3A_571 : memref<1x128xi32, #tpu.memory_space<hbm>> -> memref<128xi32, #tpu.memory_space<hbm>>
          %dma_start3A_573 = tpu.memref_slice %arg17[%dma_start3A_566] : memref<4x!tpu.dma_semaphore, #tpu.memory_space<semaphore_mem>> -> memref<1x!tpu.dma_semaphore, #tpu.memory_space<semaphore_mem>>
          %dma_start3A_574 = tpu.memref_squeeze %dma_start3A_573 : memref<1x!tpu.dma_semaphore, #tpu.memory_space<semaphore_mem>> -> memref<!tpu.dma_semaphore, #tpu.memory_space<semaphore_mem>>
          %dma_start3A_575 = arith.constant 0 : i32
          %dma_start3A_576 = tpu.memref_slice %arg9[%dma_start3A_565, %dma_start3A_575] : memref<4x128xi32, #tpu.memory_space<vmem>> -> memref<1x128xi32, #tpu.memory_space<vmem>>
          %dma_start3A_577 = tpu.memref_squeeze %dma_start3A_576 : memref<1x128xi32, #tpu.memory_space<vmem>> -> memref<128xi32, #tpu.memory_space<vmem>>
          %dma_start3A_578 = arith.constant 0 : i32
          %dma_start3A_579 = tpu.memref_slice %arg3[%add3A_564, %dma_start3A_578] : memref<2560x128xi32, #tpu.memory_space<hbm>> -> memref<1x128xi32, #tpu.memory_space<hbm>>
          %dma_start3A_580 = tpu.memref_squeeze %dma_start3A_579 : memref<1x128xi32, #tpu.memory_space<hbm>> -> memref<128xi32, #tpu.memory_space<hbm>>
          tpu.enqueue_dma source(%dma_start3A_580 : memref<128xi32, #tpu.memory_space<hbm>>) target(%dma_start3A_577 : memref<128xi32, #tpu.memory_space<vmem>>) target_semaphore(%dma_start3A_574 : memref<!tpu.dma_semaphore, #tpu.memory_space<semaphore_mem>>)
          %dma_start3A_581 = arith.constant 0 : i32
          %dma_start3A_582 = arith.constant 0 : i32
          %dma_start3A_583 = arith.constant 0 : i32
          %dma_start3A_584 = tpu.memref_slice %arg10[%dma_start3A_581, %dma_start3A_583] : memref<4x128xi32, #tpu.memory_space<vmem>> -> memref<1x128xi32, #tpu.memory_space<vmem>>
          %dma_start3A_585 = tpu.memref_squeeze %dma_start3A_584 : memref<1x128xi32, #tpu.memory_space<vmem>> -> memref<128xi32, #tpu.memory_space<vmem>>
          %dma_start3A_586 = arith.constant 0 : i32
          %dma_start3A_587 = tpu.memref_slice %arg4[%add3A_564, %dma_start3A_586] : memref<2560x128xi32, #tpu.memory_space<hbm>> -> memref<1x128xi32, #tpu.memory_space<hbm>>
          %dma_start3A_588 = tpu.memref_squeeze %dma_start3A_587 : memref<1x128xi32, #tpu.memory_space<hbm>> -> memref<128xi32, #tpu.memory_space<hbm>>
          %dma_start3A_589 = tpu.memref_slice %arg18[%dma_start3A_582] : memref<4x!tpu.dma_semaphore, #tpu.memory_space<semaphore_mem>> -> memref<1x!tpu.dma_semaphore, #tpu.memory_space<semaphore_mem>>
          %dma_start3A_590 = tpu.memref_squeeze %dma_start3A_589 : memref<1x!tpu.dma_semaphore, #tpu.memory_space<semaphore_mem>> -> memref<!tpu.dma_semaphore, #tpu.memory_space<semaphore_mem>>
          %dma_start3A_591 = arith.constant 0 : i32
          %dma_start3A_592 = tpu.memref_slice %arg10[%dma_start3A_581, %dma_start3A_591] : memref<4x128xi32, #tpu.memory_space<vmem>> -> memref<1x128xi32, #tpu.memory_space<vmem>>
          %dma_start3A_593 = tpu.memref_squeeze %dma_start3A_592 : memref<1x128xi32, #tpu.memory_space<vmem>> -> memref<128xi32, #tpu.memory_space<vmem>>
          %dma_start3A_594 = arith.constant 0 : i32
          %dma_start3A_595 = tpu.memref_slice %arg4[%add3A_564, %dma_start3A_594] : memref<2560x128xi32, #tpu.memory_space<hbm>> -> memref<1x128xi32, #tpu.memory_space<hbm>>
          %dma_start3A_596 = tpu.memref_squeeze %dma_start3A_595 : memref<1x128xi32, #tpu.memory_space<hbm>> -> memref<128xi32, #tpu.memory_space<hbm>>
          tpu.enqueue_dma source(%dma_start3A_596 : memref<128xi32, #tpu.memory_space<hbm>>) target(%dma_start3A_593 : memref<128xi32, #tpu.memory_space<vmem>>) target_semaphore(%dma_start3A_590 : memref<!tpu.dma_semaphore, #tpu.memory_space<semaphore_mem>>)
        } else {
        }
        %mul3A_322 = arith.constant 4 : i32
        %mul3A_323 = arith.muli %scan3A_243, %mul3A_322 : i32
        %add3A_324 = arith.constant 1 : i32
        %add3A_325 = arith.addi %mul3A_323, %add3A_324 : i32
        %dma_wait3A_326 = arith.constant 0 : i32
        %dma_wait3A_327 = arith.constant 1 : i32
        %dma_wait3A_328 = arith.constant 0 : i32
        %dma_wait3A_329 = tpu.memref_slice %arg9[%dma_wait3A_326, %dma_wait3A_328] : memref<4x128xi32, #tpu.memory_space<vmem>> -> memref<1x128xi32, #tpu.memory_space<vmem>>
        %dma_wait3A_330 = tpu.memref_squeeze %dma_wait3A_329 : memref<1x128xi32, #tpu.memory_space<vmem>> -> memref<128xi32, #tpu.memory_space<vmem>>
        %dma_wait3A_331 = arith.constant 0 : i32
        %dma_wait3A_332 = arith.constant 0 : i32
        %dma_wait3A_333 = tpu.memref_slice %arg2[%dma_wait3A_331, %dma_wait3A_332] : memref<10240x128xf32, #tpu.memory_space<hbm>> -> memref<10240x128xf32, #tpu.memory_space<hbm>>
        %dma_wait3A_334 = tpu.memref_slice %arg15[%dma_wait3A_327] : memref<2x!tpu.dma_semaphore, #tpu.memory_space<semaphore_mem>> -> memref<1x!tpu.dma_semaphore, #tpu.memory_space<semaphore_mem>>
        %dma_wait3A_335 = tpu.memref_squeeze %dma_wait3A_334 : memref<1x!tpu.dma_semaphore, #tpu.memory_space<semaphore_mem>> -> memref<!tpu.dma_semaphore, #tpu.memory_space<semaphore_mem>>
        tpu.wait_indirect_dma semaphore(%dma_wait3A_335 : memref<!tpu.dma_semaphore, #tpu.memory_space<semaphore_mem>>) src(%dma_wait3A_333 : memref<10240x128xf32, #tpu.memory_space<hbm>>) dst(%arg12 : memref<128x128xf32, #tpu.memory_space<vmem>>)
        %dma_start3A_336 = arith.constant 1 : i32
        %dma_start3A_337 = arith.constant 1 : i32
        %dma_start3A_338 = arith.constant 0 : i32
        %dma_start3A_339 = tpu.memref_slice %arg10[%dma_start3A_336, %dma_start3A_338] : memref<4x128xi32, #tpu.memory_space<vmem>> -> memref<1x128xi32, #tpu.memory_space<vmem>>
        %dma_start3A_340 = tpu.memref_squeeze %dma_start3A_339 : memref<1x128xi32, #tpu.memory_space<vmem>> -> memref<128xi32, #tpu.memory_space<vmem>>
        %dma_start3A_341 = arith.constant 0 : i32
        %dma_start3A_342 = arith.constant 0 : i32
        %dma_start3A_343 = tpu.memref_slice %arg14[%dma_start3A_341, %dma_start3A_342] : memref<10240x128xf32, #tpu.memory_space<vmem_shared>> -> memref<10240x128xf32, #tpu.memory_space<vmem_shared>>
        %dma_start3A_344 = tpu.memref_slice %arg16[%dma_start3A_337] : memref<2x!tpu.dma_semaphore, #tpu.memory_space<semaphore_mem>> -> memref<1x!tpu.dma_semaphore, #tpu.memory_space<semaphore_mem>>
        %dma_start3A_345 = tpu.memref_squeeze %dma_start3A_344 : memref<1x!tpu.dma_semaphore, #tpu.memory_space<semaphore_mem>> -> memref<!tpu.dma_semaphore, #tpu.memory_space<semaphore_mem>>
        tpu.enqueue_indirect_dma source(%arg12 : memref<128x128xf32, #tpu.memory_space<vmem>>) target(%dma_start3A_343 : memref<10240x128xf32, #tpu.memory_space<vmem_shared>>) offsets(%dma_start3A_340 : memref<128xi32, #tpu.memory_space<vmem>>) semaphore(%dma_start3A_345 : memref<!tpu.dma_semaphore, #tpu.memory_space<semaphore_mem>>) {add = true}
        %get3A_346 = arith.constant 1 : i32
        %get3A_347 = arith.index_cast %get3A_346 : i32 to index
        %get3A_348 = arith.constant 0 : index
        %get3A_349 = tpu.vector_load %arg10[%get3A_347, %get3A_348] {strides = array<i32>} : memref<4x128xi32, #tpu.memory_space<vmem>>, vector<16xi32>,
        tpu.vector_store_idx %arg13[%get3A_349], %broadcast_in_dim3A_3 {add = true} : memref<10240xf32, #tpu.memory_space<vmem>>[vector<16xi32>], vector<16xf32>,
        %get3A_350 = arith.constant 1 : i32
        %get3A_351 = arith.index_cast %get3A_350 : i32 to index
        %get3A_352 = arith.constant 16 : index
        %get3A_353 = tpu.vector_load %arg10[%get3A_351, %get3A_352] {strides = array<i32>} : memref<4x128xi32, #tpu.memory_space<vmem>>, vector<16xi32>,
        tpu.vector_store_idx %arg13[%get3A_353], %broadcast_in_dim3A_3 {add = true} : memref<10240xf32, #tpu.memory_space<vmem>>[vector<16xi32>], vector<16xf32>,
        %get3A_354 = arith.constant 1 : i32
        %get3A_355 = arith.index_cast %get3A_354 : i32 to index
        %get3A_356 = arith.constant 32 : index
        %get3A_357 = tpu.vector_load %arg10[%get3A_355, %get3A_356] {strides = array<i32>} : memref<4x128xi32, #tpu.memory_space<vmem>>, vector<16xi32>,
        tpu.vector_store_idx %arg13[%get3A_357], %broadcast_in_dim3A_3 {add = true} : memref<10240xf32, #tpu.memory_space<vmem>>[vector<16xi32>], vector<16xf32>,
        %get3A_358 = arith.constant 1 : i32
        %get3A_359 = arith.index_cast %get3A_358 : i32 to index
        %get3A_360 = arith.constant 48 : index
        %get3A_361 = tpu.vector_load %arg10[%get3A_359, %get3A_360] {strides = array<i32>} : memref<4x128xi32, #tpu.memory_space<vmem>>, vector<16xi32>,
        tpu.vector_store_idx %arg13[%get3A_361], %broadcast_in_dim3A_3 {add = true} : memref<10240xf32, #tpu.memory_space<vmem>>[vector<16xi32>], vector<16xf32>,
        %get3A_362 = arith.constant 1 : i32
        %get3A_363 = arith.index_cast %get3A_362 : i32 to index
        %get3A_364 = arith.constant 64 : index
        %get3A_365 = tpu.vector_load %arg10[%get3A_363, %get3A_364] {strides = array<i32>} : memref<4x128xi32, #tpu.memory_space<vmem>>, vector<16xi32>,
        tpu.vector_store_idx %arg13[%get3A_365], %broadcast_in_dim3A_3 {add = true} : memref<10240xf32, #tpu.memory_space<vmem>>[vector<16xi32>], vector<16xf32>,
        %get3A_366 = arith.constant 1 : i32
        %get3A_367 = arith.index_cast %get3A_366 : i32 to index
        %get3A_368 = arith.constant 80 : index
        %get3A_369 = tpu.vector_load %arg10[%get3A_367, %get3A_368] {strides = array<i32>} : memref<4x128xi32, #tpu.memory_space<vmem>>, vector<16xi32>,
        tpu.vector_store_idx %arg13[%get3A_369], %broadcast_in_dim3A_3 {add = true} : memref<10240xf32, #tpu.memory_space<vmem>>[vector<16xi32>], vector<16xf32>,
        %get3A_370 = arith.constant 1 : i32
        %get3A_371 = arith.index_cast %get3A_370 : i32 to index
        %get3A_372 = arith.constant 96 : index
        %get3A_373 = tpu.vector_load %arg10[%get3A_371, %get3A_372] {strides = array<i32>} : memref<4x128xi32, #tpu.memory_space<vmem>>, vector<16xi32>,
        tpu.vector_store_idx %arg13[%get3A_373], %broadcast_in_dim3A_3 {add = true} : memref<10240xf32, #tpu.memory_space<vmem>>[vector<16xi32>], vector<16xf32>,
        %get3A_374 = arith.constant 1 : i32
        %get3A_375 = arith.index_cast %get3A_374 : i32 to index
        %get3A_376 = arith.constant 112 : index
        %get3A_377 = tpu.vector_load %arg10[%get3A_375, %get3A_376] {strides = array<i32>} : memref<4x128xi32, #tpu.memory_space<vmem>>, vector<16xi32>,
        tpu.vector_store_idx %arg13[%get3A_377], %broadcast_in_dim3A_3 {add = true} : memref<10240xf32, #tpu.memory_space<vmem>>[vector<16xi32>], vector<16xf32>,
        %dma_wait3A_378 = arith.constant 0 : i32
        %dma_wait3A_379 = arith.constant 1 : i32
        %dma_wait3A_380 = arith.constant 0 : i32
        %dma_wait3A_381 = tpu.memref_slice %arg10[%dma_wait3A_378, %dma_wait3A_380] : memref<4x128xi32, #tpu.memory_space<vmem>> -> memref<1x128xi32, #tpu.memory_space<vmem>>
        %dma_wait3A_382 = tpu.memref_squeeze %dma_wait3A_381 : memref<1x128xi32, #tpu.memory_space<vmem>> -> memref<128xi32, #tpu.memory_space<vmem>>
        %dma_wait3A_383 = arith.constant 0 : i32
        %dma_wait3A_384 = arith.constant 0 : i32
        %dma_wait3A_385 = tpu.memref_slice %arg14[%dma_wait3A_383, %dma_wait3A_384] : memref<10240x128xf32, #tpu.memory_space<vmem_shared>> -> memref<10240x128xf32, #tpu.memory_space<vmem_shared>>
        %dma_wait3A_386 = tpu.memref_slice %arg16[%dma_wait3A_379] : memref<2x!tpu.dma_semaphore, #tpu.memory_space<semaphore_mem>> -> memref<1x!tpu.dma_semaphore, #tpu.memory_space<semaphore_mem>>
        %dma_wait3A_387 = tpu.memref_squeeze %dma_wait3A_386 : memref<1x!tpu.dma_semaphore, #tpu.memory_space<semaphore_mem>> -> memref<!tpu.dma_semaphore, #tpu.memory_space<semaphore_mem>>
        tpu.wait_indirect_dma semaphore(%dma_wait3A_387 : memref<!tpu.dma_semaphore, #tpu.memory_space<semaphore_mem>>) src(%arg12 : memref<128x128xf32, #tpu.memory_space<vmem>>) dst(%dma_wait3A_385 : memref<10240x128xf32, #tpu.memory_space<vmem_shared>>)
        %add3A_388 = arith.constant 2 : i32
        %add3A_389 = arith.addi %add3A_325, %add3A_388 : i32
        %lt3A_390 = arith.constant 80 : i32
        %lt3A_391 = arith.cmpi slt, %add3A_389, %lt3A_390 : i32
        %convert_element_type3A_392 = arith.extui %lt3A_391 : i1 to i32
        %cond3A_393 = arith.constant 0 : i32
        %cond3A_394 = arith.cmpi ne, %convert_element_type3A_392, %cond3A_393 : i32
        scf.if %cond3A_394 {
          %dma_wait3A_562 = arith.constant 0 : i32
          %dma_wait3A_563 = arith.constant 3 : i32
          %dma_wait3A_564 = arith.constant 3 : i32
          %dma_wait3A_565 = arith.constant 0 : i32
          %dma_wait3A_566 = tpu.memref_slice %arg9[%dma_wait3A_563, %dma_wait3A_565] : memref<4x128xi32, #tpu.memory_space<vmem>> -> memref<1x128xi32, #tpu.memory_space<vmem>>
          %dma_wait3A_567 = tpu.memref_squeeze %dma_wait3A_566 : memref<1x128xi32, #tpu.memory_space<vmem>> -> memref<128xi32, #tpu.memory_space<vmem>>
          %dma_wait3A_568 = arith.constant 0 : i32
          %dma_wait3A_569 = tpu.memref_slice %arg3[%dma_wait3A_562, %dma_wait3A_568] : memref<2560x128xi32, #tpu.memory_space<hbm>> -> memref<1x128xi32, #tpu.memory_space<hbm>>
          %dma_wait3A_570 = tpu.memref_squeeze %dma_wait3A_569 : memref<1x128xi32, #tpu.memory_space<hbm>> -> memref<128xi32, #tpu.memory_space<hbm>>
          %dma_wait3A_571 = tpu.memref_slice %arg17[%dma_wait3A_564] : memref<4x!tpu.dma_semaphore, #tpu.memory_space<semaphore_mem>> -> memref<1x!tpu.dma_semaphore, #tpu.memory_space<semaphore_mem>>
          %dma_wait3A_572 = tpu.memref_squeeze %dma_wait3A_571 : memref<1x!tpu.dma_semaphore, #tpu.memory_space<semaphore_mem>> -> memref<!tpu.dma_semaphore, #tpu.memory_space<semaphore_mem>>
          %dma_wait3A_573 = arith.constant 0 : i32
          %dma_wait3A_574 = tpu.memref_slice %arg9[%dma_wait3A_563, %dma_wait3A_573] : memref<4x128xi32, #tpu.memory_space<vmem>> -> memref<1x128xi32, #tpu.memory_space<vmem>>
          %dma_wait3A_575 = tpu.memref_squeeze %dma_wait3A_574 : memref<1x128xi32, #tpu.memory_space<vmem>> -> memref<128xi32, #tpu.memory_space<vmem>>
          %dma_wait3A_576 = arith.constant 0 : i32
          %dma_wait3A_577 = tpu.memref_slice %arg3[%dma_wait3A_562, %dma_wait3A_576] : memref<2560x128xi32, #tpu.memory_space<hbm>> -> memref<1x128xi32, #tpu.memory_space<hbm>>
          %dma_wait3A_578 = tpu.memref_squeeze %dma_wait3A_577 : memref<1x128xi32, #tpu.memory_space<hbm>> -> memref<128xi32, #tpu.memory_space<hbm>>
          tpu.wait_dma2 semaphore(%dma_wait3A_572 : memref<!tpu.dma_semaphore, #tpu.memory_space<semaphore_mem>>) src(%dma_wait3A_578 : memref<128xi32, #tpu.memory_space<hbm>>) dst(%dma_wait3A_575 : memref<128xi32, #tpu.memory_space<vmem>>)
          %dma_wait3A_579 = arith.constant 0 : i32
          %dma_wait3A_580 = arith.constant 3 : i32
          %dma_wait3A_581 = arith.constant 3 : i32
          %dma_wait3A_582 = arith.constant 0 : i32
          %dma_wait3A_583 = tpu.memref_slice %arg10[%dma_wait3A_580, %dma_wait3A_582] : memref<4x128xi32, #tpu.memory_space<vmem>> -> memref<1x128xi32, #tpu.memory_space<vmem>>
          %dma_wait3A_584 = tpu.memref_squeeze %dma_wait3A_583 : memref<1x128xi32, #tpu.memory_space<vmem>> -> memref<128xi32, #tpu.memory_space<vmem>>
          %dma_wait3A_585 = arith.constant 0 : i32
          %dma_wait3A_586 = tpu.memref_slice %arg4[%dma_wait3A_579, %dma_wait3A_585] : memref<2560x128xi32, #tpu.memory_space<hbm>> -> memref<1x128xi32, #tpu.memory_space<hbm>>
          %dma_wait3A_587 = tpu.memref_squeeze %dma_wait3A_586 : memref<1x128xi32, #tpu.memory_space<hbm>> -> memref<128xi32, #tpu.memory_space<hbm>>
          %dma_wait3A_588 = tpu.memref_slice %arg18[%dma_wait3A_581] : memref<4x!tpu.dma_semaphore, #tpu.memory_space<semaphore_mem>> -> memref<1x!tpu.dma_semaphore, #tpu.memory_space<semaphore_mem>>
          %dma_wait3A_589 = tpu.memref_squeeze %dma_wait3A_588 : memref<1x!tpu.dma_semaphore, #tpu.memory_space<semaphore_mem>> -> memref<!tpu.dma_semaphore, #tpu.memory_space<semaphore_mem>>
          %dma_wait3A_590 = arith.constant 0 : i32
          %dma_wait3A_591 = tpu.memref_slice %arg10[%dma_wait3A_580, %dma_wait3A_590] : memref<4x128xi32, #tpu.memory_space<vmem>> -> memref<1x128xi32, #tpu.memory_space<vmem>>
          %dma_wait3A_592 = tpu.memref_squeeze %dma_wait3A_591 : memref<1x128xi32, #tpu.memory_space<vmem>> -> memref<128xi32, #tpu.memory_space<vmem>>
          %dma_wait3A_593 = arith.constant 0 : i32
          %dma_wait3A_594 = tpu.memref_slice %arg4[%dma_wait3A_579, %dma_wait3A_593] : memref<2560x128xi32, #tpu.memory_space<hbm>> -> memref<1x128xi32, #tpu.memory_space<hbm>>
          %dma_wait3A_595 = tpu.memref_squeeze %dma_wait3A_594 : memref<1x128xi32, #tpu.memory_space<hbm>> -> memref<128xi32, #tpu.memory_space<hbm>>
          tpu.wait_dma2 semaphore(%dma_wait3A_589 : memref<!tpu.dma_semaphore, #tpu.memory_space<semaphore_mem>>) src(%dma_wait3A_595 : memref<128xi32, #tpu.memory_space<hbm>>) dst(%dma_wait3A_592 : memref<128xi32, #tpu.memory_space<vmem>>)
          %dma_start3A_596 = arith.constant 3 : i32
          %dma_start3A_597 = arith.constant 1 : i32
          %dma_start3A_598 = arith.constant 0 : i32
          %dma_start3A_599 = tpu.memref_slice %arg9[%dma_start3A_596, %dma_start3A_598] : memref<4x128xi32, #tpu.memory_space<vmem>> -> memref<1x128xi32, #tpu.memory_space<vmem>>
          %dma_start3A_600 = tpu.memref_squeeze %dma_start3A_599 : memref<1x128xi32, #tpu.memory_space<vmem>> -> memref<128xi32, #tpu.memory_space<vmem>>
          %dma_start3A_601 = arith.constant 0 : i32
          %dma_start3A_602 = arith.constant 0 : i32
          %dma_start3A_603 = tpu.memref_slice %arg2[%dma_start3A_601, %dma_start3A_602] : memref<10240x128xf32, #tpu.memory_space<hbm>> -> memref<10240x128xf32, #tpu.memory_space<hbm>>
          %dma_start3A_604 = tpu.memref_slice %arg15[%dma_start3A_597] : memref<2x!tpu.dma_semaphore, #tpu.memory_space<semaphore_mem>> -> memref<1x!tpu.dma_semaphore, #tpu.memory_space<semaphore_mem>>
          %dma_start3A_605 = tpu.memref_squeeze %dma_start3A_604 : memref<1x!tpu.dma_semaphore, #tpu.memory_space<semaphore_mem>> -> memref<!tpu.dma_semaphore, #tpu.memory_space<semaphore_mem>>
          tpu.enqueue_indirect_dma source(%dma_start3A_603 : memref<10240x128xf32, #tpu.memory_space<hbm>>) target(%arg12 : memref<128x128xf32, #tpu.memory_space<vmem>>) offsets(%dma_start3A_600 : memref<128xi32, #tpu.memory_space<vmem>>) semaphore(%dma_start3A_605 : memref<!tpu.dma_semaphore, #tpu.memory_space<semaphore_mem>>)
        } else {
        }
        %add3A_395 = arith.constant 4 : i32
        %add3A_396 = arith.addi %add3A_325, %add3A_395 : i32
        %lt3A_397 = arith.constant 80 : i32
        %lt3A_398 = arith.cmpi slt, %add3A_396, %lt3A_397 : i32
        %convert_element_type3A_399 = arith.extui %lt3A_398 : i1 to i32
        %cond3A_400 = arith.constant 0 : i32
        %cond3A_401 = arith.cmpi ne, %convert_element_type3A_399, %cond3A_400 : i32
        scf.if %cond3A_401 {
          %add3A_562 = arith.addi %add3A_15, %add3A_325 : i32
          %add3A_563 = arith.constant 4 : i32
          %add3A_564 = arith.addi %add3A_562, %add3A_563 : i32
          %dma_start3A_565 = arith.constant 1 : i32
          %dma_start3A_566 = arith.constant 1 : i32
          %dma_start3A_567 = arith.constant 0 : i32
          %dma_start3A_568 = tpu.memref_slice %arg9[%dma_start3A_565, %dma_start3A_567] : memref<4x128xi32, #tpu.memory_space<vmem>> -> memref<1x128xi32, #tpu.memory_space<vmem>>
          %dma_start3A_569 = tpu.memref_squeeze %dma_start3A_568 : memref<1x128xi32, #tpu.memory_space<vmem>> -> memref<128xi32, #tpu.memory_space<vmem>>
          %dma_start3A_570 = arith.constant 0 : i32
          %dma_start3A_571 = tpu.memref_slice %arg3[%add3A_564, %dma_start3A_570] : memref<2560x128xi32, #tpu.memory_space<hbm>> -> memref<1x128xi32, #tpu.memory_space<hbm>>
          %dma_start3A_572 = tpu.memref_squeeze %dma_start3A_571 : memref<1x128xi32, #tpu.memory_space<hbm>> -> memref<128xi32, #tpu.memory_space<hbm>>
          %dma_start3A_573 = tpu.memref_slice %arg17[%dma_start3A_566] : memref<4x!tpu.dma_semaphore, #tpu.memory_space<semaphore_mem>> -> memref<1x!tpu.dma_semaphore, #tpu.memory_space<semaphore_mem>>
          %dma_start3A_574 = tpu.memref_squeeze %dma_start3A_573 : memref<1x!tpu.dma_semaphore, #tpu.memory_space<semaphore_mem>> -> memref<!tpu.dma_semaphore, #tpu.memory_space<semaphore_mem>>
          %dma_start3A_575 = arith.constant 0 : i32
          %dma_start3A_576 = tpu.memref_slice %arg9[%dma_start3A_565, %dma_start3A_575] : memref<4x128xi32, #tpu.memory_space<vmem>> -> memref<1x128xi32, #tpu.memory_space<vmem>>
          %dma_start3A_577 = tpu.memref_squeeze %dma_start3A_576 : memref<1x128xi32, #tpu.memory_space<vmem>> -> memref<128xi32, #tpu.memory_space<vmem>>
          %dma_start3A_578 = arith.constant 0 : i32
          %dma_start3A_579 = tpu.memref_slice %arg3[%add3A_564, %dma_start3A_578] : memref<2560x128xi32, #tpu.memory_space<hbm>> -> memref<1x128xi32, #tpu.memory_space<hbm>>
          %dma_start3A_580 = tpu.memref_squeeze %dma_start3A_579 : memref<1x128xi32, #tpu.memory_space<hbm>> -> memref<128xi32, #tpu.memory_space<hbm>>
          tpu.enqueue_dma source(%dma_start3A_580 : memref<128xi32, #tpu.memory_space<hbm>>) target(%dma_start3A_577 : memref<128xi32, #tpu.memory_space<vmem>>) target_semaphore(%dma_start3A_574 : memref<!tpu.dma_semaphore, #tpu.memory_space<semaphore_mem>>)
          %dma_start3A_581 = arith.constant 1 : i32
          %dma_start3A_582 = arith.constant 1 : i32
          %dma_start3A_583 = arith.constant 0 : i32
          %dma_start3A_584 = tpu.memref_slice %arg10[%dma_start3A_581, %dma_start3A_583] : memref<4x128xi32, #tpu.memory_space<vmem>> -> memref<1x128xi32, #tpu.memory_space<vmem>>
          %dma_start3A_585 = tpu.memref_squeeze %dma_start3A_584 : memref<1x128xi32, #tpu.memory_space<vmem>> -> memref<128xi32, #tpu.memory_space<vmem>>
          %dma_start3A_586 = arith.constant 0 : i32
          %dma_start3A_587 = tpu.memref_slice %arg4[%add3A_564, %dma_start3A_586] : memref<2560x128xi32, #tpu.memory_space<hbm>> -> memref<1x128xi32, #tpu.memory_space<hbm>>
          %dma_start3A_588 = tpu.memref_squeeze %dma_start3A_587 : memref<1x128xi32, #tpu.memory_space<hbm>> -> memref<128xi32, #tpu.memory_space<hbm>>
          %dma_start3A_589 = tpu.memref_slice %arg18[%dma_start3A_582] : memref<4x!tpu.dma_semaphore, #tpu.memory_space<semaphore_mem>> -> memref<1x!tpu.dma_semaphore, #tpu.memory_space<semaphore_mem>>
          %dma_start3A_590 = tpu.memref_squeeze %dma_start3A_589 : memref<1x!tpu.dma_semaphore, #tpu.memory_space<semaphore_mem>> -> memref<!tpu.dma_semaphore, #tpu.memory_space<semaphore_mem>>
          %dma_start3A_591 = arith.constant 0 : i32
          %dma_start3A_592 = tpu.memref_slice %arg10[%dma_start3A_581, %dma_start3A_591] : memref<4x128xi32, #tpu.memory_space<vmem>> -> memref<1x128xi32, #tpu.memory_space<vmem>>
          %dma_start3A_593 = tpu.memref_squeeze %dma_start3A_592 : memref<1x128xi32, #tpu.memory_space<vmem>> -> memref<128xi32, #tpu.memory_space<vmem>>
          %dma_start3A_594 = arith.constant 0 : i32
          %dma_start3A_595 = tpu.memref_slice %arg4[%add3A_564, %dma_start3A_594] : memref<2560x128xi32, #tpu.memory_space<hbm>> -> memref<1x128xi32, #tpu.memory_space<hbm>>
          %dma_start3A_596 = tpu.memref_squeeze %dma_start3A_595 : memref<1x128xi32, #tpu.memory_space<hbm>> -> memref<128xi32, #tpu.memory_space<hbm>>
          tpu.enqueue_dma source(%dma_start3A_596 : memref<128xi32, #tpu.memory_space<hbm>>) target(%dma_start3A_593 : memref<128xi32, #tpu.memory_space<vmem>>) target_semaphore(%dma_start3A_590 : memref<!tpu.dma_semaphore, #tpu.memory_space<semaphore_mem>>)
        } else {
        }
        %mul3A_402 = arith.constant 4 : i32
        %mul3A_403 = arith.muli %scan3A_243, %mul3A_402 : i32
        %add3A_404 = arith.constant 2 : i32
        %add3A_405 = arith.addi %mul3A_403, %add3A_404 : i32
        %dma_wait3A_406 = arith.constant 0 : i32
        %dma_wait3A_407 = arith.constant 0 : i32
        %dma_wait3A_408 = arith.constant 0 : i32
        %dma_wait3A_409 = tpu.memref_slice %arg9[%dma_wait3A_406, %dma_wait3A_408] : memref<4x128xi32, #tpu.memory_space<vmem>> -> memref<1x128xi32, #tpu.memory_space<vmem>>
        %dma_wait3A_410 = tpu.memref_squeeze %dma_wait3A_409 : memref<1x128xi32, #tpu.memory_space<vmem>> -> memref<128xi32, #tpu.memory_space<vmem>>
        %dma_wait3A_411 = arith.constant 0 : i32
        %dma_wait3A_412 = arith.constant 0 : i32
        %dma_wait3A_413 = tpu.memref_slice %arg2[%dma_wait3A_411, %dma_wait3A_412] : memref<10240x128xf32, #tpu.memory_space<hbm>> -> memref<10240x128xf32, #tpu.memory_space<hbm>>
        %dma_wait3A_414 = tpu.memref_slice %arg15[%dma_wait3A_407] : memref<2x!tpu.dma_semaphore, #tpu.memory_space<semaphore_mem>> -> memref<1x!tpu.dma_semaphore, #tpu.memory_space<semaphore_mem>>
        %dma_wait3A_415 = tpu.memref_squeeze %dma_wait3A_414 : memref<1x!tpu.dma_semaphore, #tpu.memory_space<semaphore_mem>> -> memref<!tpu.dma_semaphore, #tpu.memory_space<semaphore_mem>>
        tpu.wait_indirect_dma semaphore(%dma_wait3A_415 : memref<!tpu.dma_semaphore, #tpu.memory_space<semaphore_mem>>) src(%dma_wait3A_413 : memref<10240x128xf32, #tpu.memory_space<hbm>>) dst(%arg11 : memref<128x128xf32, #tpu.memory_space<vmem>>)
        %dma_start3A_416 = arith.constant 2 : i32
        %dma_start3A_417 = arith.constant 0 : i32
        %dma_start3A_418 = arith.constant 0 : i32
        %dma_start3A_419 = tpu.memref_slice %arg10[%dma_start3A_416, %dma_start3A_418] : memref<4x128xi32, #tpu.memory_space<vmem>> -> memref<1x128xi32, #tpu.memory_space<vmem>>
        %dma_start3A_420 = tpu.memref_squeeze %dma_start3A_419 : memref<1x128xi32, #tpu.memory_space<vmem>> -> memref<128xi32, #tpu.memory_space<vmem>>
        %dma_start3A_421 = arith.constant 0 : i32
        %dma_start3A_422 = arith.constant 0 : i32
        %dma_start3A_423 = tpu.memref_slice %arg14[%dma_start3A_421, %dma_start3A_422] : memref<10240x128xf32, #tpu.memory_space<vmem_shared>> -> memref<10240x128xf32, #tpu.memory_space<vmem_shared>>
        %dma_start3A_424 = tpu.memref_slice %arg16[%dma_start3A_417] : memref<2x!tpu.dma_semaphore, #tpu.memory_space<semaphore_mem>> -> memref<1x!tpu.dma_semaphore, #tpu.memory_space<semaphore_mem>>
        %dma_start3A_425 = tpu.memref_squeeze %dma_start3A_424 : memref<1x!tpu.dma_semaphore, #tpu.memory_space<semaphore_mem>> -> memref<!tpu.dma_semaphore, #tpu.memory_space<semaphore_mem>>
        tpu.enqueue_indirect_dma source(%arg11 : memref<128x128xf32, #tpu.memory_space<vmem>>) target(%dma_start3A_423 : memref<10240x128xf32, #tpu.memory_space<vmem_shared>>) offsets(%dma_start3A_420 : memref<128xi32, #tpu.memory_space<vmem>>) semaphore(%dma_start3A_425 : memref<!tpu.dma_semaphore, #tpu.memory_space<semaphore_mem>>) {add = true}
        %get3A_426 = arith.constant 2 : i32
        %get3A_427 = arith.index_cast %get3A_426 : i32 to index
        %get3A_428 = arith.constant 0 : index
        %get3A_429 = tpu.vector_load %arg10[%get3A_427, %get3A_428] {strides = array<i32>} : memref<4x128xi32, #tpu.memory_space<vmem>>, vector<16xi32>,
        tpu.vector_store_idx %arg13[%get3A_429], %broadcast_in_dim3A_3 {add = true} : memref<10240xf32, #tpu.memory_space<vmem>>[vector<16xi32>], vector<16xf32>,
        %get3A_430 = arith.constant 2 : i32
        %get3A_431 = arith.index_cast %get3A_430 : i32 to index
        %get3A_432 = arith.constant 16 : index
        %get3A_433 = tpu.vector_load %arg10[%get3A_431, %get3A_432] {strides = array<i32>} : memref<4x128xi32, #tpu.memory_space<vmem>>, vector<16xi32>,
        tpu.vector_store_idx %arg13[%get3A_433], %broadcast_in_dim3A_3 {add = true} : memref<10240xf32, #tpu.memory_space<vmem>>[vector<16xi32>], vector<16xf32>,
        %get3A_434 = arith.constant 2 : i32
        %get3A_435 = arith.index_cast %get3A_434 : i32 to index
        %get3A_436 = arith.constant 32 : index
        %get3A_437 = tpu.vector_load %arg10[%get3A_435, %get3A_436] {strides = array<i32>} : memref<4x128xi32, #tpu.memory_space<vmem>>, vector<16xi32>,
        tpu.vector_store_idx %arg13[%get3A_437], %broadcast_in_dim3A_3 {add = true} : memref<10240xf32, #tpu.memory_space<vmem>>[vector<16xi32>], vector<16xf32>,
        %get3A_438 = arith.constant 2 : i32
        %get3A_439 = arith.index_cast %get3A_438 : i32 to index
        %get3A_440 = arith.constant 48 : index
        %get3A_441 = tpu.vector_load %arg10[%get3A_439, %get3A_440] {strides = array<i32>} : memref<4x128xi32, #tpu.memory_space<vmem>>, vector<16xi32>,
        tpu.vector_store_idx %arg13[%get3A_441], %broadcast_in_dim3A_3 {add = true} : memref<10240xf32, #tpu.memory_space<vmem>>[vector<16xi32>], vector<16xf32>,
        %get3A_442 = arith.constant 2 : i32
        %get3A_443 = arith.index_cast %get3A_442 : i32 to index
        %get3A_444 = arith.constant 64 : index
        %get3A_445 = tpu.vector_load %arg10[%get3A_443, %get3A_444] {strides = array<i32>} : memref<4x128xi32, #tpu.memory_space<vmem>>, vector<16xi32>,
        tpu.vector_store_idx %arg13[%get3A_445], %broadcast_in_dim3A_3 {add = true} : memref<10240xf32, #tpu.memory_space<vmem>>[vector<16xi32>], vector<16xf32>,
        %get3A_446 = arith.constant 2 : i32
        %get3A_447 = arith.index_cast %get3A_446 : i32 to index
        %get3A_448 = arith.constant 80 : index
        %get3A_449 = tpu.vector_load %arg10[%get3A_447, %get3A_448] {strides = array<i32>} : memref<4x128xi32, #tpu.memory_space<vmem>>, vector<16xi32>,
        tpu.vector_store_idx %arg13[%get3A_449], %broadcast_in_dim3A_3 {add = true} : memref<10240xf32, #tpu.memory_space<vmem>>[vector<16xi32>], vector<16xf32>,
        %get3A_450 = arith.constant 2 : i32
        %get3A_451 = arith.index_cast %get3A_450 : i32 to index
        %get3A_452 = arith.constant 96 : index
        %get3A_453 = tpu.vector_load %arg10[%get3A_451, %get3A_452] {strides = array<i32>} : memref<4x128xi32, #tpu.memory_space<vmem>>, vector<16xi32>,
        tpu.vector_store_idx %arg13[%get3A_453], %broadcast_in_dim3A_3 {add = true} : memref<10240xf32, #tpu.memory_space<vmem>>[vector<16xi32>], vector<16xf32>,
        %get3A_454 = arith.constant 2 : i32
        %get3A_455 = arith.index_cast %get3A_454 : i32 to index
        %get3A_456 = arith.constant 112 : index
        %get3A_457 = tpu.vector_load %arg10[%get3A_455, %get3A_456] {strides = array<i32>} : memref<4x128xi32, #tpu.memory_space<vmem>>, vector<16xi32>,
        tpu.vector_store_idx %arg13[%get3A_457], %broadcast_in_dim3A_3 {add = true} : memref<10240xf32, #tpu.memory_space<vmem>>[vector<16xi32>], vector<16xf32>,
        %dma_wait3A_458 = arith.constant 0 : i32
        %dma_wait3A_459 = arith.constant 0 : i32
        %dma_wait3A_460 = arith.constant 0 : i32
        %dma_wait3A_461 = tpu.memref_slice %arg10[%dma_wait3A_458, %dma_wait3A_460] : memref<4x128xi32, #tpu.memory_space<vmem>> -> memref<1x128xi32, #tpu.memory_space<vmem>>
        %dma_wait3A_462 = tpu.memref_squeeze %dma_wait3A_461 : memref<1x128xi32, #tpu.memory_space<vmem>> -> memref<128xi32, #tpu.memory_space<vmem>>
        %dma_wait3A_463 = arith.constant 0 : i32
        %dma_wait3A_464 = arith.constant 0 : i32
        %dma_wait3A_465 = tpu.memref_slice %arg14[%dma_wait3A_463, %dma_wait3A_464] : memref<10240x128xf32, #tpu.memory_space<vmem_shared>> -> memref<10240x128xf32, #tpu.memory_space<vmem_shared>>
        %dma_wait3A_466 = tpu.memref_slice %arg16[%dma_wait3A_459] : memref<2x!tpu.dma_semaphore, #tpu.memory_space<semaphore_mem>> -> memref<1x!tpu.dma_semaphore, #tpu.memory_space<semaphore_mem>>
        %dma_wait3A_467 = tpu.memref_squeeze %dma_wait3A_466 : memref<1x!tpu.dma_semaphore, #tpu.memory_space<semaphore_mem>> -> memref<!tpu.dma_semaphore, #tpu.memory_space<semaphore_mem>>
        tpu.wait_indirect_dma semaphore(%dma_wait3A_467 : memref<!tpu.dma_semaphore, #tpu.memory_space<semaphore_mem>>) src(%arg11 : memref<128x128xf32, #tpu.memory_space<vmem>>) dst(%dma_wait3A_465 : memref<10240x128xf32, #tpu.memory_space<vmem_shared>>)
        %add3A_468 = arith.constant 2 : i32
        %add3A_469 = arith.addi %add3A_405, %add3A_468 : i32
        %lt3A_470 = arith.constant 80 : i32
        %lt3A_471 = arith.cmpi slt, %add3A_469, %lt3A_470 : i32
        %convert_element_type3A_472 = arith.extui %lt3A_471 : i1 to i32
        %cond3A_473 = arith.constant 0 : i32
        %cond3A_474 = arith.cmpi ne, %convert_element_type3A_472, %cond3A_473 : i32
        scf.if %cond3A_474 {
          %dma_wait3A_562 = arith.constant 0 : i32
          %dma_wait3A_563 = arith.constant 0 : i32
          %dma_wait3A_564 = arith.constant 0 : i32
          %dma_wait3A_565 = arith.constant 0 : i32
          %dma_wait3A_566 = tpu.memref_slice %arg9[%dma_wait3A_563, %dma_wait3A_565] : memref<4x128xi32, #tpu.memory_space<vmem>> -> memref<1x128xi32, #tpu.memory_space<vmem>>
          %dma_wait3A_567 = tpu.memref_squeeze %dma_wait3A_566 : memref<1x128xi32, #tpu.memory_space<vmem>> -> memref<128xi32, #tpu.memory_space<vmem>>
          %dma_wait3A_568 = arith.constant 0 : i32
          %dma_wait3A_569 = tpu.memref_slice %arg3[%dma_wait3A_562, %dma_wait3A_568] : memref<2560x128xi32, #tpu.memory_space<hbm>> -> memref<1x128xi32, #tpu.memory_space<hbm>>
          %dma_wait3A_570 = tpu.memref_squeeze %dma_wait3A_569 : memref<1x128xi32, #tpu.memory_space<hbm>> -> memref<128xi32, #tpu.memory_space<hbm>>
          %dma_wait3A_571 = tpu.memref_slice %arg17[%dma_wait3A_564] : memref<4x!tpu.dma_semaphore, #tpu.memory_space<semaphore_mem>> -> memref<1x!tpu.dma_semaphore, #tpu.memory_space<semaphore_mem>>
          %dma_wait3A_572 = tpu.memref_squeeze %dma_wait3A_571 : memref<1x!tpu.dma_semaphore, #tpu.memory_space<semaphore_mem>> -> memref<!tpu.dma_semaphore, #tpu.memory_space<semaphore_mem>>
          %dma_wait3A_573 = arith.constant 0 : i32
          %dma_wait3A_574 = tpu.memref_slice %arg9[%dma_wait3A_563, %dma_wait3A_573] : memref<4x128xi32, #tpu.memory_space<vmem>> -> memref<1x128xi32, #tpu.memory_space<vmem>>
          %dma_wait3A_575 = tpu.memref_squeeze %dma_wait3A_574 : memref<1x128xi32, #tpu.memory_space<vmem>> -> memref<128xi32, #tpu.memory_space<vmem>>
          %dma_wait3A_576 = arith.constant 0 : i32
          %dma_wait3A_577 = tpu.memref_slice %arg3[%dma_wait3A_562, %dma_wait3A_576] : memref<2560x128xi32, #tpu.memory_space<hbm>> -> memref<1x128xi32, #tpu.memory_space<hbm>>
          %dma_wait3A_578 = tpu.memref_squeeze %dma_wait3A_577 : memref<1x128xi32, #tpu.memory_space<hbm>> -> memref<128xi32, #tpu.memory_space<hbm>>
          tpu.wait_dma2 semaphore(%dma_wait3A_572 : memref<!tpu.dma_semaphore, #tpu.memory_space<semaphore_mem>>) src(%dma_wait3A_578 : memref<128xi32, #tpu.memory_space<hbm>>) dst(%dma_wait3A_575 : memref<128xi32, #tpu.memory_space<vmem>>)
          %dma_wait3A_579 = arith.constant 0 : i32
          %dma_wait3A_580 = arith.constant 0 : i32
          %dma_wait3A_581 = arith.constant 0 : i32
          %dma_wait3A_582 = arith.constant 0 : i32
          %dma_wait3A_583 = tpu.memref_slice %arg10[%dma_wait3A_580, %dma_wait3A_582] : memref<4x128xi32, #tpu.memory_space<vmem>> -> memref<1x128xi32, #tpu.memory_space<vmem>>
          %dma_wait3A_584 = tpu.memref_squeeze %dma_wait3A_583 : memref<1x128xi32, #tpu.memory_space<vmem>> -> memref<128xi32, #tpu.memory_space<vmem>>
          %dma_wait3A_585 = arith.constant 0 : i32
          %dma_wait3A_586 = tpu.memref_slice %arg4[%dma_wait3A_579, %dma_wait3A_585] : memref<2560x128xi32, #tpu.memory_space<hbm>> -> memref<1x128xi32, #tpu.memory_space<hbm>>
          %dma_wait3A_587 = tpu.memref_squeeze %dma_wait3A_586 : memref<1x128xi32, #tpu.memory_space<hbm>> -> memref<128xi32, #tpu.memory_space<hbm>>
          %dma_wait3A_588 = tpu.memref_slice %arg18[%dma_wait3A_581] : memref<4x!tpu.dma_semaphore, #tpu.memory_space<semaphore_mem>> -> memref<1x!tpu.dma_semaphore, #tpu.memory_space<semaphore_mem>>
          %dma_wait3A_589 = tpu.memref_squeeze %dma_wait3A_588 : memref<1x!tpu.dma_semaphore, #tpu.memory_space<semaphore_mem>> -> memref<!tpu.dma_semaphore, #tpu.memory_space<semaphore_mem>>
          %dma_wait3A_590 = arith.constant 0 : i32
          %dma_wait3A_591 = tpu.memref_slice %arg10[%dma_wait3A_580, %dma_wait3A_590] : memref<4x128xi32, #tpu.memory_space<vmem>> -> memref<1x128xi32, #tpu.memory_space<vmem>>
          %dma_wait3A_592 = tpu.memref_squeeze %dma_wait3A_591 : memref<1x128xi32, #tpu.memory_space<vmem>> -> memref<128xi32, #tpu.memory_space<vmem>>
          %dma_wait3A_593 = arith.constant 0 : i32
          %dma_wait3A_594 = tpu.memref_slice %arg4[%dma_wait3A_579, %dma_wait3A_593] : memref<2560x128xi32, #tpu.memory_space<hbm>> -> memref<1x128xi32, #tpu.memory_space<hbm>>
          %dma_wait3A_595 = tpu.memref_squeeze %dma_wait3A_594 : memref<1x128xi32, #tpu.memory_space<hbm>> -> memref<128xi32, #tpu.memory_space<hbm>>
          tpu.wait_dma2 semaphore(%dma_wait3A_589 : memref<!tpu.dma_semaphore, #tpu.memory_space<semaphore_mem>>) src(%dma_wait3A_595 : memref<128xi32, #tpu.memory_space<hbm>>) dst(%dma_wait3A_592 : memref<128xi32, #tpu.memory_space<vmem>>)
          %dma_start3A_596 = arith.constant 0 : i32
          %dma_start3A_597 = arith.constant 0 : i32
          %dma_start3A_598 = arith.constant 0 : i32
          %dma_start3A_599 = tpu.memref_slice %arg9[%dma_start3A_596, %dma_start3A_598] : memref<4x128xi32, #tpu.memory_space<vmem>> -> memref<1x128xi32, #tpu.memory_space<vmem>>
          %dma_start3A_600 = tpu.memref_squeeze %dma_start3A_599 : memref<1x128xi32, #tpu.memory_space<vmem>> -> memref<128xi32, #tpu.memory_space<vmem>>
          %dma_start3A_601 = arith.constant 0 : i32
          %dma_start3A_602 = arith.constant 0 : i32
          %dma_start3A_603 = tpu.memref_slice %arg2[%dma_start3A_601, %dma_start3A_602] : memref<10240x128xf32, #tpu.memory_space<hbm>> -> memref<10240x128xf32, #tpu.memory_space<hbm>>
          %dma_start3A_604 = tpu.memref_slice %arg15[%dma_start3A_597] : memref<2x!tpu.dma_semaphore, #tpu.memory_space<semaphore_mem>> -> memref<1x!tpu.dma_semaphore, #tpu.memory_space<semaphore_mem>>
          %dma_start3A_605 = tpu.memref_squeeze %dma_start3A_604 : memref<1x!tpu.dma_semaphore, #tpu.memory_space<semaphore_mem>> -> memref<!tpu.dma_semaphore, #tpu.memory_space<semaphore_mem>>
          tpu.enqueue_indirect_dma source(%dma_start3A_603 : memref<10240x128xf32, #tpu.memory_space<hbm>>) target(%arg11 : memref<128x128xf32, #tpu.memory_space<vmem>>) offsets(%dma_start3A_600 : memref<128xi32, #tpu.memory_space<vmem>>) semaphore(%dma_start3A_605 : memref<!tpu.dma_semaphore, #tpu.memory_space<semaphore_mem>>)
        } else {
        }
        %add3A_475 = arith.constant 4 : i32
        %add3A_476 = arith.addi %add3A_405, %add3A_475 : i32
        %lt3A_477 = arith.constant 80 : i32
        %lt3A_478 = arith.cmpi slt, %add3A_476, %lt3A_477 : i32
        %convert_element_type3A_479 = arith.extui %lt3A_478 : i1 to i32
        %cond3A_480 = arith.constant 0 : i32
        %cond3A_481 = arith.cmpi ne, %convert_element_type3A_479, %cond3A_480 : i32
        scf.if %cond3A_481 {
          %add3A_562 = arith.addi %add3A_15, %add3A_405 : i32
          %add3A_563 = arith.constant 4 : i32
          %add3A_564 = arith.addi %add3A_562, %add3A_563 : i32
          %dma_start3A_565 = arith.constant 2 : i32
          %dma_start3A_566 = arith.constant 2 : i32
          %dma_start3A_567 = arith.constant 0 : i32
          %dma_start3A_568 = tpu.memref_slice %arg9[%dma_start3A_565, %dma_start3A_567] : memref<4x128xi32, #tpu.memory_space<vmem>> -> memref<1x128xi32, #tpu.memory_space<vmem>>
          %dma_start3A_569 = tpu.memref_squeeze %dma_start3A_568 : memref<1x128xi32, #tpu.memory_space<vmem>> -> memref<128xi32, #tpu.memory_space<vmem>>
          %dma_start3A_570 = arith.constant 0 : i32
          %dma_start3A_571 = tpu.memref_slice %arg3[%add3A_564, %dma_start3A_570] : memref<2560x128xi32, #tpu.memory_space<hbm>> -> memref<1x128xi32, #tpu.memory_space<hbm>>
          %dma_start3A_572 = tpu.memref_squeeze %dma_start3A_571 : memref<1x128xi32, #tpu.memory_space<hbm>> -> memref<128xi32, #tpu.memory_space<hbm>>
          %dma_start3A_573 = tpu.memref_slice %arg17[%dma_start3A_566] : memref<4x!tpu.dma_semaphore, #tpu.memory_space<semaphore_mem>> -> memref<1x!tpu.dma_semaphore, #tpu.memory_space<semaphore_mem>>
          %dma_start3A_574 = tpu.memref_squeeze %dma_start3A_573 : memref<1x!tpu.dma_semaphore, #tpu.memory_space<semaphore_mem>> -> memref<!tpu.dma_semaphore, #tpu.memory_space<semaphore_mem>>
          %dma_start3A_575 = arith.constant 0 : i32
          %dma_start3A_576 = tpu.memref_slice %arg9[%dma_start3A_565, %dma_start3A_575] : memref<4x128xi32, #tpu.memory_space<vmem>> -> memref<1x128xi32, #tpu.memory_space<vmem>>
          %dma_start3A_577 = tpu.memref_squeeze %dma_start3A_576 : memref<1x128xi32, #tpu.memory_space<vmem>> -> memref<128xi32, #tpu.memory_space<vmem>>
          %dma_start3A_578 = arith.constant 0 : i32
          %dma_start3A_579 = tpu.memref_slice %arg3[%add3A_564, %dma_start3A_578] : memref<2560x128xi32, #tpu.memory_space<hbm>> -> memref<1x128xi32, #tpu.memory_space<hbm>>
          %dma_start3A_580 = tpu.memref_squeeze %dma_start3A_579 : memref<1x128xi32, #tpu.memory_space<hbm>> -> memref<128xi32, #tpu.memory_space<hbm>>
          tpu.enqueue_dma source(%dma_start3A_580 : memref<128xi32, #tpu.memory_space<hbm>>) target(%dma_start3A_577 : memref<128xi32, #tpu.memory_space<vmem>>) target_semaphore(%dma_start3A_574 : memref<!tpu.dma_semaphore, #tpu.memory_space<semaphore_mem>>)
          %dma_start3A_581 = arith.constant 2 : i32
          %dma_start3A_582 = arith.constant 2 : i32
          %dma_start3A_583 = arith.constant 0 : i32
          %dma_start3A_584 = tpu.memref_slice %arg10[%dma_start3A_581, %dma_start3A_583] : memref<4x128xi32, #tpu.memory_space<vmem>> -> memref<1x128xi32, #tpu.memory_space<vmem>>
          %dma_start3A_585 = tpu.memref_squeeze %dma_start3A_584 : memref<1x128xi32, #tpu.memory_space<vmem>> -> memref<128xi32, #tpu.memory_space<vmem>>
          %dma_start3A_586 = arith.constant 0 : i32
          %dma_start3A_587 = tpu.memref_slice %arg4[%add3A_564, %dma_start3A_586] : memref<2560x128xi32, #tpu.memory_space<hbm>> -> memref<1x128xi32, #tpu.memory_space<hbm>>
          %dma_start3A_588 = tpu.memref_squeeze %dma_start3A_587 : memref<1x128xi32, #tpu.memory_space<hbm>> -> memref<128xi32, #tpu.memory_space<hbm>>
          %dma_start3A_589 = tpu.memref_slice %arg18[%dma_start3A_582] : memref<4x!tpu.dma_semaphore, #tpu.memory_space<semaphore_mem>> -> memref<1x!tpu.dma_semaphore, #tpu.memory_space<semaphore_mem>>
          %dma_start3A_590 = tpu.memref_squeeze %dma_start3A_589 : memref<1x!tpu.dma_semaphore, #tpu.memory_space<semaphore_mem>> -> memref<!tpu.dma_semaphore, #tpu.memory_space<semaphore_mem>>
          %dma_start3A_591 = arith.constant 0 : i32
          %dma_start3A_592 = tpu.memref_slice %arg10[%dma_start3A_581, %dma_start3A_591] : memref<4x128xi32, #tpu.memory_space<vmem>> -> memref<1x128xi32, #tpu.memory_space<vmem>>
          %dma_start3A_593 = tpu.memref_squeeze %dma_start3A_592 : memref<1x128xi32, #tpu.memory_space<vmem>> -> memref<128xi32, #tpu.memory_space<vmem>>
          %dma_start3A_594 = arith.constant 0 : i32
          %dma_start3A_595 = tpu.memref_slice %arg4[%add3A_564, %dma_start3A_594] : memref<2560x128xi32, #tpu.memory_space<hbm>> -> memref<1x128xi32, #tpu.memory_space<hbm>>
          %dma_start3A_596 = tpu.memref_squeeze %dma_start3A_595 : memref<1x128xi32, #tpu.memory_space<hbm>> -> memref<128xi32, #tpu.memory_space<hbm>>
          tpu.enqueue_dma source(%dma_start3A_596 : memref<128xi32, #tpu.memory_space<hbm>>) target(%dma_start3A_593 : memref<128xi32, #tpu.memory_space<vmem>>) target_semaphore(%dma_start3A_590 : memref<!tpu.dma_semaphore, #tpu.memory_space<semaphore_mem>>)
        } else {
        }
        %mul3A_482 = arith.constant 4 : i32
        %mul3A_483 = arith.muli %scan3A_243, %mul3A_482 : i32
        %add3A_484 = arith.constant 3 : i32
        %add3A_485 = arith.addi %mul3A_483, %add3A_484 : i32
        %dma_wait3A_486 = arith.constant 0 : i32
        %dma_wait3A_487 = arith.constant 1 : i32
        %dma_wait3A_488 = arith.constant 0 : i32
        %dma_wait3A_489 = tpu.memref_slice %arg9[%dma_wait3A_486, %dma_wait3A_488] : memref<4x128xi32, #tpu.memory_space<vmem>> -> memref<1x128xi32, #tpu.memory_space<vmem>>
        %dma_wait3A_490 = tpu.memref_squeeze %dma_wait3A_489 : memref<1x128xi32, #tpu.memory_space<vmem>> -> memref<128xi32, #tpu.memory_space<vmem>>
        %dma_wait3A_491 = arith.constant 0 : i32
        %dma_wait3A_492 = arith.constant 0 : i32
        %dma_wait3A_493 = tpu.memref_slice %arg2[%dma_wait3A_491, %dma_wait3A_492] : memref<10240x128xf32, #tpu.memory_space<hbm>> -> memref<10240x128xf32, #tpu.memory_space<hbm>>
        %dma_wait3A_494 = tpu.memref_slice %arg15[%dma_wait3A_487] : memref<2x!tpu.dma_semaphore, #tpu.memory_space<semaphore_mem>> -> memref<1x!tpu.dma_semaphore, #tpu.memory_space<semaphore_mem>>
        %dma_wait3A_495 = tpu.memref_squeeze %dma_wait3A_494 : memref<1x!tpu.dma_semaphore, #tpu.memory_space<semaphore_mem>> -> memref<!tpu.dma_semaphore, #tpu.memory_space<semaphore_mem>>
        tpu.wait_indirect_dma semaphore(%dma_wait3A_495 : memref<!tpu.dma_semaphore, #tpu.memory_space<semaphore_mem>>) src(%dma_wait3A_493 : memref<10240x128xf32, #tpu.memory_space<hbm>>) dst(%arg12 : memref<128x128xf32, #tpu.memory_space<vmem>>)
        %dma_start3A_496 = arith.constant 3 : i32
        %dma_start3A_497 = arith.constant 1 : i32
        %dma_start3A_498 = arith.constant 0 : i32
        %dma_start3A_499 = tpu.memref_slice %arg10[%dma_start3A_496, %dma_start3A_498] : memref<4x128xi32, #tpu.memory_space<vmem>> -> memref<1x128xi32, #tpu.memory_space<vmem>>
        %dma_start3A_500 = tpu.memref_squeeze %dma_start3A_499 : memref<1x128xi32, #tpu.memory_space<vmem>> -> memref<128xi32, #tpu.memory_space<vmem>>
        %dma_start3A_501 = arith.constant 0 : i32
        %dma_start3A_502 = arith.constant 0 : i32
        %dma_start3A_503 = tpu.memref_slice %arg14[%dma_start3A_501, %dma_start3A_502] : memref<10240x128xf32, #tpu.memory_space<vmem_shared>> -> memref<10240x128xf32, #tpu.memory_space<vmem_shared>>
        %dma_start3A_504 = tpu.memref_slice %arg16[%dma_start3A_497] : memref<2x!tpu.dma_semaphore, #tpu.memory_space<semaphore_mem>> -> memref<1x!tpu.dma_semaphore, #tpu.memory_space<semaphore_mem>>
        %dma_start3A_505 = tpu.memref_squeeze %dma_start3A_504 : memref<1x!tpu.dma_semaphore, #tpu.memory_space<semaphore_mem>> -> memref<!tpu.dma_semaphore, #tpu.memory_space<semaphore_mem>>
        tpu.enqueue_indirect_dma source(%arg12 : memref<128x128xf32, #tpu.memory_space<vmem>>) target(%dma_start3A_503 : memref<10240x128xf32, #tpu.memory_space<vmem_shared>>) offsets(%dma_start3A_500 : memref<128xi32, #tpu.memory_space<vmem>>) semaphore(%dma_start3A_505 : memref<!tpu.dma_semaphore, #tpu.memory_space<semaphore_mem>>) {add = true}
        %get3A_506 = arith.constant 3 : i32
        %get3A_507 = arith.index_cast %get3A_506 : i32 to index
        %get3A_508 = arith.constant 0 : index
        %get3A_509 = tpu.vector_load %arg10[%get3A_507, %get3A_508] {strides = array<i32>} : memref<4x128xi32, #tpu.memory_space<vmem>>, vector<16xi32>,
        tpu.vector_store_idx %arg13[%get3A_509], %broadcast_in_dim3A_3 {add = true} : memref<10240xf32, #tpu.memory_space<vmem>>[vector<16xi32>], vector<16xf32>,
        %get3A_510 = arith.constant 3 : i32
        %get3A_511 = arith.index_cast %get3A_510 : i32 to index
        %get3A_512 = arith.constant 16 : index
        %get3A_513 = tpu.vector_load %arg10[%get3A_511, %get3A_512] {strides = array<i32>} : memref<4x128xi32, #tpu.memory_space<vmem>>, vector<16xi32>,
        tpu.vector_store_idx %arg13[%get3A_513], %broadcast_in_dim3A_3 {add = true} : memref<10240xf32, #tpu.memory_space<vmem>>[vector<16xi32>], vector<16xf32>,
        %get3A_514 = arith.constant 3 : i32
        %get3A_515 = arith.index_cast %get3A_514 : i32 to index
        %get3A_516 = arith.constant 32 : index
        %get3A_517 = tpu.vector_load %arg10[%get3A_515, %get3A_516] {strides = array<i32>} : memref<4x128xi32, #tpu.memory_space<vmem>>, vector<16xi32>,
        tpu.vector_store_idx %arg13[%get3A_517], %broadcast_in_dim3A_3 {add = true} : memref<10240xf32, #tpu.memory_space<vmem>>[vector<16xi32>], vector<16xf32>,
        %get3A_518 = arith.constant 3 : i32
        %get3A_519 = arith.index_cast %get3A_518 : i32 to index
        %get3A_520 = arith.constant 48 : index
        %get3A_521 = tpu.vector_load %arg10[%get3A_519, %get3A_520] {strides = array<i32>} : memref<4x128xi32, #tpu.memory_space<vmem>>, vector<16xi32>,
        tpu.vector_store_idx %arg13[%get3A_521], %broadcast_in_dim3A_3 {add = true} : memref<10240xf32, #tpu.memory_space<vmem>>[vector<16xi32>], vector<16xf32>,
        %get3A_522 = arith.constant 3 : i32
        %get3A_523 = arith.index_cast %get3A_522 : i32 to index
        %get3A_524 = arith.constant 64 : index
        %get3A_525 = tpu.vector_load %arg10[%get3A_523, %get3A_524] {strides = array<i32>} : memref<4x128xi32, #tpu.memory_space<vmem>>, vector<16xi32>,
        tpu.vector_store_idx %arg13[%get3A_525], %broadcast_in_dim3A_3 {add = true} : memref<10240xf32, #tpu.memory_space<vmem>>[vector<16xi32>], vector<16xf32>,
        %get3A_526 = arith.constant 3 : i32
        %get3A_527 = arith.index_cast %get3A_526 : i32 to index
        %get3A_528 = arith.constant 80 : index
        %get3A_529 = tpu.vector_load %arg10[%get3A_527, %get3A_528] {strides = array<i32>} : memref<4x128xi32, #tpu.memory_space<vmem>>, vector<16xi32>,
        tpu.vector_store_idx %arg13[%get3A_529], %broadcast_in_dim3A_3 {add = true} : memref<10240xf32, #tpu.memory_space<vmem>>[vector<16xi32>], vector<16xf32>,
        %get3A_530 = arith.constant 3 : i32
        %get3A_531 = arith.index_cast %get3A_530 : i32 to index
        %get3A_532 = arith.constant 96 : index
        %get3A_533 = tpu.vector_load %arg10[%get3A_531, %get3A_532] {strides = array<i32>} : memref<4x128xi32, #tpu.memory_space<vmem>>, vector<16xi32>,
        tpu.vector_store_idx %arg13[%get3A_533], %broadcast_in_dim3A_3 {add = true} : memref<10240xf32, #tpu.memory_space<vmem>>[vector<16xi32>], vector<16xf32>,
        %get3A_534 = arith.constant 3 : i32
        %get3A_535 = arith.index_cast %get3A_534 : i32 to index
        %get3A_536 = arith.constant 112 : index
        %get3A_537 = tpu.vector_load %arg10[%get3A_535, %get3A_536] {strides = array<i32>} : memref<4x128xi32, #tpu.memory_space<vmem>>, vector<16xi32>,
        tpu.vector_store_idx %arg13[%get3A_537], %broadcast_in_dim3A_3 {add = true} : memref<10240xf32, #tpu.memory_space<vmem>>[vector<16xi32>], vector<16xf32>,
        %dma_wait3A_538 = arith.constant 0 : i32
        %dma_wait3A_539 = arith.constant 1 : i32
        %dma_wait3A_540 = arith.constant 0 : i32
        %dma_wait3A_541 = tpu.memref_slice %arg10[%dma_wait3A_538, %dma_wait3A_540] : memref<4x128xi32, #tpu.memory_space<vmem>> -> memref<1x128xi32, #tpu.memory_space<vmem>>
        %dma_wait3A_542 = tpu.memref_squeeze %dma_wait3A_541 : memref<1x128xi32, #tpu.memory_space<vmem>> -> memref<128xi32, #tpu.memory_space<vmem>>
        %dma_wait3A_543 = arith.constant 0 : i32
        %dma_wait3A_544 = arith.constant 0 : i32
        %dma_wait3A_545 = tpu.memref_slice %arg14[%dma_wait3A_543, %dma_wait3A_544] : memref<10240x128xf32, #tpu.memory_space<vmem_shared>> -> memref<10240x128xf32, #tpu.memory_space<vmem_shared>>
        %dma_wait3A_546 = tpu.memref_slice %arg16[%dma_wait3A_539] : memref<2x!tpu.dma_semaphore, #tpu.memory_space<semaphore_mem>> -> memref<1x!tpu.dma_semaphore, #tpu.memory_space<semaphore_mem>>
        %dma_wait3A_547 = tpu.memref_squeeze %dma_wait3A_546 : memref<1x!tpu.dma_semaphore, #tpu.memory_space<semaphore_mem>> -> memref<!tpu.dma_semaphore, #tpu.memory_space<semaphore_mem>>
        tpu.wait_indirect_dma semaphore(%dma_wait3A_547 : memref<!tpu.dma_semaphore, #tpu.memory_space<semaphore_mem>>) src(%arg12 : memref<128x128xf32, #tpu.memory_space<vmem>>) dst(%dma_wait3A_545 : memref<10240x128xf32, #tpu.memory_space<vmem_shared>>)
        %add3A_548 = arith.constant 2 : i32
        %add3A_549 = arith.addi %add3A_485, %add3A_548 : i32
        %lt3A_550 = arith.constant 80 : i32
        %lt3A_551 = arith.cmpi slt, %add3A_549, %lt3A_550 : i32
        %convert_element_type3A_552 = arith.extui %lt3A_551 : i1 to i32
        %cond3A_553 = arith.constant 0 : i32
        %cond3A_554 = arith.cmpi ne, %convert_element_type3A_552, %cond3A_553 : i32
        scf.if %cond3A_554 {
          %dma_wait3A_562 = arith.constant 0 : i32
          %dma_wait3A_563 = arith.constant 1 : i32
          %dma_wait3A_564 = arith.constant 1 : i32
          %dma_wait3A_565 = arith.constant 0 : i32
          %dma_wait3A_566 = tpu.memref_slice %arg9[%dma_wait3A_563, %dma_wait3A_565] : memref<4x128xi32, #tpu.memory_space<vmem>> -> memref<1x128xi32, #tpu.memory_space<vmem>>
          %dma_wait3A_567 = tpu.memref_squeeze %dma_wait3A_566 : memref<1x128xi32, #tpu.memory_space<vmem>> -> memref<128xi32, #tpu.memory_space<vmem>>
          %dma_wait3A_568 = arith.constant 0 : i32
          %dma_wait3A_569 = tpu.memref_slice %arg3[%dma_wait3A_562, %dma_wait3A_568] : memref<2560x128xi32, #tpu.memory_space<hbm>> -> memref<1x128xi32, #tpu.memory_space<hbm>>
          %dma_wait3A_570 = tpu.memref_squeeze %dma_wait3A_569 : memref<1x128xi32, #tpu.memory_space<hbm>> -> memref<128xi32, #tpu.memory_space<hbm>>
          %dma_wait3A_571 = tpu.memref_slice %arg17[%dma_wait3A_564] : memref<4x!tpu.dma_semaphore, #tpu.memory_space<semaphore_mem>> -> memref<1x!tpu.dma_semaphore, #tpu.memory_space<semaphore_mem>>
          %dma_wait3A_572 = tpu.memref_squeeze %dma_wait3A_571 : memref<1x!tpu.dma_semaphore, #tpu.memory_space<semaphore_mem>> -> memref<!tpu.dma_semaphore, #tpu.memory_space<semaphore_mem>>
          %dma_wait3A_573 = arith.constant 0 : i32
          %dma_wait3A_574 = tpu.memref_slice %arg9[%dma_wait3A_563, %dma_wait3A_573] : memref<4x128xi32, #tpu.memory_space<vmem>> -> memref<1x128xi32, #tpu.memory_space<vmem>>
          %dma_wait3A_575 = tpu.memref_squeeze %dma_wait3A_574 : memref<1x128xi32, #tpu.memory_space<vmem>> -> memref<128xi32, #tpu.memory_space<vmem>>
          %dma_wait3A_576 = arith.constant 0 : i32
          %dma_wait3A_577 = tpu.memref_slice %arg3[%dma_wait3A_562, %dma_wait3A_576] : memref<2560x128xi32, #tpu.memory_space<hbm>> -> memref<1x128xi32, #tpu.memory_space<hbm>>
          %dma_wait3A_578 = tpu.memref_squeeze %dma_wait3A_577 : memref<1x128xi32, #tpu.memory_space<hbm>> -> memref<128xi32, #tpu.memory_space<hbm>>
          tpu.wait_dma2 semaphore(%dma_wait3A_572 : memref<!tpu.dma_semaphore, #tpu.memory_space<semaphore_mem>>) src(%dma_wait3A_578 : memref<128xi32, #tpu.memory_space<hbm>>) dst(%dma_wait3A_575 : memref<128xi32, #tpu.memory_space<vmem>>)
          %dma_wait3A_579 = arith.constant 0 : i32
          %dma_wait3A_580 = arith.constant 1 : i32
          %dma_wait3A_581 = arith.constant 1 : i32
          %dma_wait3A_582 = arith.constant 0 : i32
          %dma_wait3A_583 = tpu.memref_slice %arg10[%dma_wait3A_580, %dma_wait3A_582] : memref<4x128xi32, #tpu.memory_space<vmem>> -> memref<1x128xi32, #tpu.memory_space<vmem>>
          %dma_wait3A_584 = tpu.memref_squeeze %dma_wait3A_583 : memref<1x128xi32, #tpu.memory_space<vmem>> -> memref<128xi32, #tpu.memory_space<vmem>>
          %dma_wait3A_585 = arith.constant 0 : i32
          %dma_wait3A_586 = tpu.memref_slice %arg4[%dma_wait3A_579, %dma_wait3A_585] : memref<2560x128xi32, #tpu.memory_space<hbm>> -> memref<1x128xi32, #tpu.memory_space<hbm>>
          %dma_wait3A_587 = tpu.memref_squeeze %dma_wait3A_586 : memref<1x128xi32, #tpu.memory_space<hbm>> -> memref<128xi32, #tpu.memory_space<hbm>>
          %dma_wait3A_588 = tpu.memref_slice %arg18[%dma_wait3A_581] : memref<4x!tpu.dma_semaphore, #tpu.memory_space<semaphore_mem>> -> memref<1x!tpu.dma_semaphore, #tpu.memory_space<semaphore_mem>>
          %dma_wait3A_589 = tpu.memref_squeeze %dma_wait3A_588 : memref<1x!tpu.dma_semaphore, #tpu.memory_space<semaphore_mem>> -> memref<!tpu.dma_semaphore, #tpu.memory_space<semaphore_mem>>
          %dma_wait3A_590 = arith.constant 0 : i32
          %dma_wait3A_591 = tpu.memref_slice %arg10[%dma_wait3A_580, %dma_wait3A_590] : memref<4x128xi32, #tpu.memory_space<vmem>> -> memref<1x128xi32, #tpu.memory_space<vmem>>
          %dma_wait3A_592 = tpu.memref_squeeze %dma_wait3A_591 : memref<1x128xi32, #tpu.memory_space<vmem>> -> memref<128xi32, #tpu.memory_space<vmem>>
          %dma_wait3A_593 = arith.constant 0 : i32
          %dma_wait3A_594 = tpu.memref_slice %arg4[%dma_wait3A_579, %dma_wait3A_593] : memref<2560x128xi32, #tpu.memory_space<hbm>> -> memref<1x128xi32, #tpu.memory_space<hbm>>
          %dma_wait3A_595 = tpu.memref_squeeze %dma_wait3A_594 : memref<1x128xi32, #tpu.memory_space<hbm>> -> memref<128xi32, #tpu.memory_space<hbm>>
          tpu.wait_dma2 semaphore(%dma_wait3A_589 : memref<!tpu.dma_semaphore, #tpu.memory_space<semaphore_mem>>) src(%dma_wait3A_595 : memref<128xi32, #tpu.memory_space<hbm>>) dst(%dma_wait3A_592 : memref<128xi32, #tpu.memory_space<vmem>>)
          %dma_start3A_596 = arith.constant 1 : i32
          %dma_start3A_597 = arith.constant 1 : i32
          %dma_start3A_598 = arith.constant 0 : i32
          %dma_start3A_599 = tpu.memref_slice %arg9[%dma_start3A_596, %dma_start3A_598] : memref<4x128xi32, #tpu.memory_space<vmem>> -> memref<1x128xi32, #tpu.memory_space<vmem>>
          %dma_start3A_600 = tpu.memref_squeeze %dma_start3A_599 : memref<1x128xi32, #tpu.memory_space<vmem>> -> memref<128xi32, #tpu.memory_space<vmem>>
          %dma_start3A_601 = arith.constant 0 : i32
          %dma_start3A_602 = arith.constant 0 : i32
          %dma_start3A_603 = tpu.memref_slice %arg2[%dma_start3A_601, %dma_start3A_602] : memref<10240x128xf32, #tpu.memory_space<hbm>> -> memref<10240x128xf32, #tpu.memory_space<hbm>>
          %dma_start3A_604 = tpu.memref_slice %arg15[%dma_start3A_597] : memref<2x!tpu.dma_semaphore, #tpu.memory_space<semaphore_mem>> -> memref<1x!tpu.dma_semaphore, #tpu.memory_space<semaphore_mem>>
          %dma_start3A_605 = tpu.memref_squeeze %dma_start3A_604 : memref<1x!tpu.dma_semaphore, #tpu.memory_space<semaphore_mem>> -> memref<!tpu.dma_semaphore, #tpu.memory_space<semaphore_mem>>
          tpu.enqueue_indirect_dma source(%dma_start3A_603 : memref<10240x128xf32, #tpu.memory_space<hbm>>) target(%arg12 : memref<128x128xf32, #tpu.memory_space<vmem>>) offsets(%dma_start3A_600 : memref<128xi32, #tpu.memory_space<vmem>>) semaphore(%dma_start3A_605 : memref<!tpu.dma_semaphore, #tpu.memory_space<semaphore_mem>>)
        } else {
        }
        %add3A_555 = arith.constant 4 : i32
        %add3A_556 = arith.addi %add3A_485, %add3A_555 : i32
        %lt3A_557 = arith.constant 80 : i32
        %lt3A_558 = arith.cmpi slt, %add3A_556, %lt3A_557 : i32
        %convert_element_type3A_559 = arith.extui %lt3A_558 : i1 to i32
        %cond3A_560 = arith.constant 0 : i32
        %cond3A_561 = arith.cmpi ne, %convert_element_type3A_559, %cond3A_560 : i32
        scf.if %cond3A_561 {
          %add3A_562 = arith.addi %add3A_15, %add3A_485 : i32
          %add3A_563 = arith.constant 4 : i32
          %add3A_564 = arith.addi %add3A_562, %add3A_563 : i32
          %dma_start3A_565 = arith.constant 3 : i32
          %dma_start3A_566 = arith.constant 3 : i32
          %dma_start3A_567 = arith.constant 0 : i32
          %dma_start3A_568 = tpu.memref_slice %arg9[%dma_start3A_565, %dma_start3A_567] : memref<4x128xi32, #tpu.memory_space<vmem>> -> memref<1x128xi32, #tpu.memory_space<vmem>>
          %dma_start3A_569 = tpu.memref_squeeze %dma_start3A_568 : memref<1x128xi32, #tpu.memory_space<vmem>> -> memref<128xi32, #tpu.memory_space<vmem>>
          %dma_start3A_570 = arith.constant 0 : i32
          %dma_start3A_571 = tpu.memref_slice %arg3[%add3A_564, %dma_start3A_570] : memref<2560x128xi32, #tpu.memory_space<hbm>> -> memref<1x128xi32, #tpu.memory_space<hbm>>
          %dma_start3A_572 = tpu.memref_squeeze %dma_start3A_571 : memref<1x128xi32, #tpu.memory_space<hbm>> -> memref<128xi32, #tpu.memory_space<hbm>>
          %dma_start3A_573 = tpu.memref_slice %arg17[%dma_start3A_566] : memref<4x!tpu.dma_semaphore, #tpu.memory_space<semaphore_mem>> -> memref<1x!tpu.dma_semaphore, #tpu.memory_space<semaphore_mem>>
          %dma_start3A_574 = tpu.memref_squeeze %dma_start3A_573 : memref<1x!tpu.dma_semaphore, #tpu.memory_space<semaphore_mem>> -> memref<!tpu.dma_semaphore, #tpu.memory_space<semaphore_mem>>
          %dma_start3A_575 = arith.constant 0 : i32
          %dma_start3A_576 = tpu.memref_slice %arg9[%dma_start3A_565, %dma_start3A_575] : memref<4x128xi32, #tpu.memory_space<vmem>> -> memref<1x128xi32, #tpu.memory_space<vmem>>
          %dma_start3A_577 = tpu.memref_squeeze %dma_start3A_576 : memref<1x128xi32, #tpu.memory_space<vmem>> -> memref<128xi32, #tpu.memory_space<vmem>>
          %dma_start3A_578 = arith.constant 0 : i32
          %dma_start3A_579 = tpu.memref_slice %arg3[%add3A_564, %dma_start3A_578] : memref<2560x128xi32, #tpu.memory_space<hbm>> -> memref<1x128xi32, #tpu.memory_space<hbm>>
          %dma_start3A_580 = tpu.memref_squeeze %dma_start3A_579 : memref<1x128xi32, #tpu.memory_space<hbm>> -> memref<128xi32, #tpu.memory_space<hbm>>
          tpu.enqueue_dma source(%dma_start3A_580 : memref<128xi32, #tpu.memory_space<hbm>>) target(%dma_start3A_577 : memref<128xi32, #tpu.memory_space<vmem>>) target_semaphore(%dma_start3A_574 : memref<!tpu.dma_semaphore, #tpu.memory_space<semaphore_mem>>)
          %dma_start3A_581 = arith.constant 3 : i32
          %dma_start3A_582 = arith.constant 3 : i32
          %dma_start3A_583 = arith.constant 0 : i32
          %dma_start3A_584 = tpu.memref_slice %arg10[%dma_start3A_581, %dma_start3A_583] : memref<4x128xi32, #tpu.memory_space<vmem>> -> memref<1x128xi32, #tpu.memory_space<vmem>>
          %dma_start3A_585 = tpu.memref_squeeze %dma_start3A_584 : memref<1x128xi32, #tpu.memory_space<vmem>> -> memref<128xi32, #tpu.memory_space<vmem>>
          %dma_start3A_586 = arith.constant 0 : i32
          %dma_start3A_587 = tpu.memref_slice %arg4[%add3A_564, %dma_start3A_586] : memref<2560x128xi32, #tpu.memory_space<hbm>> -> memref<1x128xi32, #tpu.memory_space<hbm>>
          %dma_start3A_588 = tpu.memref_squeeze %dma_start3A_587 : memref<1x128xi32, #tpu.memory_space<hbm>> -> memref<128xi32, #tpu.memory_space<hbm>>
          %dma_start3A_589 = tpu.memref_slice %arg18[%dma_start3A_582] : memref<4x!tpu.dma_semaphore, #tpu.memory_space<semaphore_mem>> -> memref<1x!tpu.dma_semaphore, #tpu.memory_space<semaphore_mem>>
          %dma_start3A_590 = tpu.memref_squeeze %dma_start3A_589 : memref<1x!tpu.dma_semaphore, #tpu.memory_space<semaphore_mem>> -> memref<!tpu.dma_semaphore, #tpu.memory_space<semaphore_mem>>
          %dma_start3A_591 = arith.constant 0 : i32
          %dma_start3A_592 = tpu.memref_slice %arg10[%dma_start3A_581, %dma_start3A_591] : memref<4x128xi32, #tpu.memory_space<vmem>> -> memref<1x128xi32, #tpu.memory_space<vmem>>
          %dma_start3A_593 = tpu.memref_squeeze %dma_start3A_592 : memref<1x128xi32, #tpu.memory_space<vmem>> -> memref<128xi32, #tpu.memory_space<vmem>>
          %dma_start3A_594 = arith.constant 0 : i32
          %dma_start3A_595 = tpu.memref_slice %arg4[%add3A_564, %dma_start3A_594] : memref<2560x128xi32, #tpu.memory_space<hbm>> -> memref<1x128xi32, #tpu.memory_space<hbm>>
          %dma_start3A_596 = tpu.memref_squeeze %dma_start3A_595 : memref<1x128xi32, #tpu.memory_space<hbm>> -> memref<128xi32, #tpu.memory_space<hbm>>
          tpu.enqueue_dma source(%dma_start3A_596 : memref<128xi32, #tpu.memory_space<hbm>>) target(%dma_start3A_593 : memref<128xi32, #tpu.memory_space<vmem>>) target_semaphore(%dma_start3A_590 : memref<!tpu.dma_semaphore, #tpu.memory_space<semaphore_mem>>)
        } else {
        }
      }
      %scan3A_242 = arith.constant 20 : i32
    } else {
    }
    %barrier3A_11 = arith.constant 0 : index
    tpu.barrier barrier_id(%barrier3A_11)
    "tpu.region"() ({
      %run_scoped3A = tpu.sem_alloc : memref<!tpu.dma_semaphore, #tpu.memory_space<semaphore_mem>>
      %dma_start3A = arith.constant 0 : i32
      %dma_start3A_12 = tpu.memref_slice %arg7[%arg0, %mul3A_2, %dma_start3A] : memref<2x10240x128xf32, #tpu.memory_space<hbm>> -> memref<1x640x128xf32, #tpu.memory_space<hbm>>
      %dma_start3A_13 = tpu.memref_squeeze %dma_start3A_12 : memref<1x640x128xf32, #tpu.memory_space<hbm>> -> memref<640x128xf32, #tpu.memory_space<hbm>>
      %dma_start3A_14 = arith.constant 0 : i32
      %dma_start3A_15 = tpu.memref_slice %arg14[%mul3A_2, %dma_start3A_14] : memref<10240x128xf32, #tpu.memory_space<vmem_shared>> -> memref<640x128xf32, #tpu.memory_space<vmem_shared>>
      tpu.enqueue_dma source(%dma_start3A_15 : memref<640x128xf32, #tpu.memory_space<vmem_shared>>) target(%dma_start3A_13 : memref<640x128xf32, #tpu.memory_space<hbm>>) target_semaphore(%run_scoped3A : memref<!tpu.dma_semaphore, #tpu.memory_space<semaphore_mem>>)
      %dma_wait3A = arith.constant 0 : i32
      %dma_wait3A_16 = tpu.memref_slice %arg7[%arg0, %mul3A_2, %dma_wait3A] : memref<2x10240x128xf32, #tpu.memory_space<hbm>> -> memref<1x640x128xf32, #tpu.memory_space<hbm>>
      %dma_wait3A_17 = tpu.memref_squeeze %dma_wait3A_16 : memref<1x640x128xf32, #tpu.memory_space<hbm>> -> memref<640x128xf32, #tpu.memory_space<hbm>>
      %dma_wait3A_18 = arith.constant 0 : i32
      %dma_wait3A_19 = tpu.memref_slice %arg14[%mul3A_2, %dma_wait3A_18] : memref<10240x128xf32, #tpu.memory_space<vmem_shared>> -> memref<640x128xf32, #tpu.memory_space<vmem_shared>>
      tpu.wait_dma2 semaphore(%run_scoped3A : memref<!tpu.dma_semaphore, #tpu.memory_space<semaphore_mem>>) src(%dma_wait3A_19 : memref<640x128xf32, #tpu.memory_space<vmem_shared>>) dst(%dma_wait3A_17 : memref<640x128xf32, #tpu.memory_space<hbm>>)
      tpu.yield
    }) : () -> ()
    "tpu.region"() ({
      %run_scoped3A = tpu.sem_alloc : memref<!tpu.dma_semaphore, #tpu.memory_space<semaphore_mem>>
      %dma_start3A = arith.constant 0 : i32
      %dma_start3A_12 = tpu.memref_slice %arg8[%add3A, %dma_start3A] : memref<32x10240xf32, #tpu.memory_space<hbm>> -> memref<1x10240xf32, #tpu.memory_space<hbm>>
      %dma_start3A_13 = tpu.memref_squeeze %dma_start3A_12 : memref<1x10240xf32, #tpu.memory_space<hbm>> -> memref<10240xf32, #tpu.memory_space<hbm>>
      %dma_start3A_14 = arith.constant 0 : i32
      %dma_start3A_15 = tpu.memref_slice %arg8[%add3A, %dma_start3A_14] : memref<32x10240xf32, #tpu.memory_space<hbm>> -> memref<1x10240xf32, #tpu.memory_space<hbm>>
      %dma_start3A_16 = tpu.memref_squeeze %dma_start3A_15 : memref<1x10240xf32, #tpu.memory_space<hbm>> -> memref<10240xf32, #tpu.memory_space<hbm>>
      tpu.enqueue_dma source(%arg13 : memref<10240xf32, #tpu.memory_space<vmem>>) target(%dma_start3A_16 : memref<10240xf32, #tpu.memory_space<hbm>>) target_semaphore(%run_scoped3A : memref<!tpu.dma_semaphore, #tpu.memory_space<semaphore_mem>>)
      %dma_wait3A = arith.constant 0 : i32
      %dma_wait3A_17 = tpu.memref_slice %arg8[%add3A, %dma_wait3A] : memref<32x10240xf32, #tpu.memory_space<hbm>> -> memref<1x10240xf32, #tpu.memory_space<hbm>>
      %dma_wait3A_18 = tpu.memref_squeeze %dma_wait3A_17 : memref<1x10240xf32, #tpu.memory_space<hbm>> -> memref<10240xf32, #tpu.memory_space<hbm>>
      %dma_wait3A_19 = arith.constant 0 : i32
      %dma_wait3A_20 = tpu.memref_slice %arg8[%add3A, %dma_wait3A_19] : memref<32x10240xf32, #tpu.memory_space<hbm>> -> memref<1x10240xf32, #tpu.memory_space<hbm>>
      %dma_wait3A_21 = tpu.memref_squeeze %dma_wait3A_20 : memref<1x10240xf32, #tpu.memory_space<hbm>> -> memref<10240xf32, #tpu.memory_space<hbm>>
      tpu.wait_dma2 semaphore(%run_scoped3A : memref<!tpu.dma_semaphore, #tpu.memory_space<semaphore_mem>>) src(%arg13 : memref<10240xf32, #tpu.memory_space<vmem>>) dst(%dma_wait3A_21 : memref<10240xf32, #tpu.memory_space<hbm>>)
      tpu.yield
    }) : () -> ()
    return
  }
}

module attributes {stable_mosaic.version = 14 : i64} {
  func.func @_tc_main_body(%arg0: i32, %arg1: memref<512x128xf32, #tpu.memory_space<vmem>>, %arg2: memref<2x512x128xf32, #tpu.memory_space<vmem>>, %arg3: memref<32x512xf32, #tpu.memory_space<vmem>>, %arg4: memref<128x256xf32, #tpu.memory_space<vmem>>, %arg5: memref<128x256xf32, #tpu.memory_space<vmem>>, %arg6: memref<1x256xf32, #tpu.memory_space<vmem>>, %arg7: memref<256x256xf32, #tpu.memory_space<vmem>>, %arg8: memref<256x256xf32, #tpu.memory_space<vmem>>, %arg9: memref<512x256xf32, #tpu.memory_space<vmem>>, %arg10: memref<256x256xf32, #tpu.memory_space<vmem>>, %arg11: memref<256x1xf32, #tpu.memory_space<vmem>>, %arg12: memref<4x512xf32, #tpu.memory_space<vmem>>, %arg13: memref<256x4xf32, #tpu.memory_space<vmem>>) attributes {dimension_semantics = [#tpu.dimension_semantics<arbitrary>], iteration_bounds = array<i64: 20>, scalar_prefetch = 0 : i64, scratch_operands = 1 : i64, tpu.core_type = #tpu.core_type<tc>, window_params = [{transform_indices = @transform_0, window_bounds = array<i64: 512, 128>}, {transform_indices = @transform_1, window_bounds = array<i64: 2, 512, 128>}, {transform_indices = @transform_2, window_bounds = array<i64: 32, 512>}, {pipeline_mode = #tpu.pipeline_mode<synchronous>, transform_indices = @transform_3, window_bounds = array<i64: 128, 256>}, {pipeline_mode = #tpu.pipeline_mode<synchronous>, transform_indices = @transform_4, window_bounds = array<i64: 128, 256>}, {pipeline_mode = #tpu.pipeline_mode<synchronous>, transform_indices = @transform_5, window_bounds = array<i64: 1, 256>}, {pipeline_mode = #tpu.pipeline_mode<synchronous>, transform_indices = @transform_6, window_bounds = array<i64: 256, 256>}, {pipeline_mode = #tpu.pipeline_mode<synchronous>, transform_indices = @transform_7, window_bounds = array<i64: 256, 256>}, {pipeline_mode = #tpu.pipeline_mode<synchronous>, transform_indices = @transform_8, window_bounds = array<i64: 512, 256>}, {pipeline_mode = #tpu.pipeline_mode<synchronous>, transform_indices = @transform_9, window_bounds = array<i64: 256, 256>}, {pipeline_mode = #tpu.pipeline_mode<synchronous>, transform_indices = @transform_10, window_bounds = array<i64: 256, 1>}, {transform_indices = @transform_11, window_bounds = array<i64: 4, 512>}]} {
    %eq3A = arith.constant 0 : i32
    %eq3A_0 = arith.cmpi eq, %arg0, %eq3A : i32
    %convert_element_type3A = arith.extui %eq3A_0 : i1 to i32
    %cond3A = arith.constant 0 : i32
    %cond3A_1 = arith.cmpi ne, %convert_element_type3A, %cond3A : i32
    scf.if %cond3A_1 {
      %get3A_46 = arith.constant 0 : index
      %get3A_47 = arith.constant 0 : index
      %get3A_48 = vector.load %arg10[%get3A_46, %get3A_47] : memref<256x256xf32, #tpu.memory_space<vmem>>, vector<256x256xf32>
      %get3A_49 = arith.constant 0 : index
      %get3A_50 = arith.constant 0 : index
      %get3A_51 = vector.load %arg11[%get3A_49, %get3A_50] : memref<256x1xf32, #tpu.memory_space<vmem>>, vector<256x1xf32>
      %dot_general3A_52 = arith.constant dense<0.000000e+00> : vector<256x1xf32>
      %dot_general3A_53 = tpu.matmul %get3A_48, %get3A_51, %dot_general3A_52 {dimension_numbers = #tpu.dot_dimension_numbers<[1], [0], [0], [1], [0, 0, 1, 1], [], []>, precision = #tpu.contract_precision<fp32>, transpose_lhs_hint = false} : vector<256x256xf32>, vector<256x1xf32>, vector<256x1xf32> -> vector<256x1xf32>
      %get3A_54 = arith.constant 0 : index
      %get3A_55 = arith.constant 0 : index
      %get3A_56 = vector.load %arg9[%get3A_54, %get3A_55] : memref<512x256xf32, #tpu.memory_space<vmem>>, vector<512x256xf32>
      %dot_general3A_57 = arith.constant dense<0.000000e+00> : vector<512x1xf32>
      %dot_general3A_58 = tpu.matmul %get3A_56, %dot_general3A_53, %dot_general3A_57 {dimension_numbers = #tpu.dot_dimension_numbers<[1], [0], [0], [1], [0, 0, 1, 1], [], []>, precision = #tpu.contract_precision<fp32>, transpose_lhs_hint = false} : vector<512x256xf32>, vector<256x1xf32>, vector<512x1xf32> -> vector<512x1xf32>
      %slice3A = vector.extract_strided_slice %dot_general3A_58 {offsets = [0, 0], sizes = [256, 1], strides = [1, 1]} : vector<512x1xf32> to vector<256x1xf32>
      %slice3A_59 = vector.extract_strided_slice %dot_general3A_58 {offsets = [256, 0], sizes = [256, 1], strides = [1, 1]} : vector<512x1xf32> to vector<256x1xf32>
      %get3A_60 = arith.constant 0 : index
      %get3A_61 = arith.constant 0 : index
      %get3A_62 = vector.load %arg8[%get3A_60, %get3A_61] : memref<256x256xf32, #tpu.memory_space<vmem>>, vector<256x256xf32>
      %dot_general3A_63 = arith.constant dense<0.000000e+00> : vector<256x1xf32>
      %dot_general3A_64 = tpu.matmul %get3A_62, %slice3A, %dot_general3A_63 {dimension_numbers = #tpu.dot_dimension_numbers<[1], [0], [0], [1], [0, 0, 1, 1], [], []>, precision = #tpu.contract_precision<fp32>, transpose_lhs_hint = false} : vector<256x256xf32>, vector<256x1xf32>, vector<256x1xf32> -> vector<256x1xf32>
      %get3A_65 = arith.constant 0 : index
      %get3A_66 = arith.constant 0 : index
      %get3A_67 = vector.load %arg8[%get3A_65, %get3A_66] : memref<256x256xf32, #tpu.memory_space<vmem>>, vector<256x256xf32>
      %dot_general3A_68 = arith.constant dense<0.000000e+00> : vector<256x1xf32>
      %dot_general3A_69 = tpu.matmul %get3A_67, %slice3A_59, %dot_general3A_68 {dimension_numbers = #tpu.dot_dimension_numbers<[1], [0], [0], [1], [0, 0, 1, 1], [], []>, precision = #tpu.contract_precision<fp32>, transpose_lhs_hint = false} : vector<256x256xf32>, vector<256x1xf32>, vector<256x1xf32> -> vector<256x1xf32>
      %get3A_70 = arith.constant 0 : index
      %get3A_71 = arith.constant 0 : index
      %get3A_72 = vector.load %arg7[%get3A_70, %get3A_71] : memref<256x256xf32, #tpu.memory_space<vmem>>, vector<256x256xf32>
      %dot_general3A_73 = arith.constant dense<0.000000e+00> : vector<256x1xf32>
      %dot_general3A_74 = tpu.matmul %get3A_72, %slice3A, %dot_general3A_73 {dimension_numbers = #tpu.dot_dimension_numbers<[1], [0], [0], [1], [0, 0, 1, 1], [], []>, precision = #tpu.contract_precision<fp32>, transpose_lhs_hint = false} : vector<256x256xf32>, vector<256x1xf32>, vector<256x1xf32> -> vector<256x1xf32>
      %get3A_75 = arith.constant 0 : index
      %get3A_76 = arith.constant 0 : index
      %get3A_77 = vector.load %arg7[%get3A_75, %get3A_76] : memref<256x256xf32, #tpu.memory_space<vmem>>, vector<256x256xf32>
      %dot_general3A_78 = arith.constant dense<0.000000e+00> : vector<256x1xf32>
      %dot_general3A_79 = tpu.matmul %get3A_77, %slice3A_59, %dot_general3A_78 {dimension_numbers = #tpu.dot_dimension_numbers<[1], [0], [0], [1], [0, 0, 1, 1], [], []>, precision = #tpu.contract_precision<fp32>, transpose_lhs_hint = false} : vector<256x256xf32>, vector<256x1xf32>, vector<256x1xf32> -> vector<256x1xf32>
      %concatenate3A = tpu.concatenate %dot_general3A_64, %dot_general3A_69, %dot_general3A_74, %dot_general3A_79 in 1 : vector<256x1xf32>, vector<256x1xf32>, vector<256x1xf32>, vector<256x1xf32> -> vector<256x4xf32>
      %swap3A_80 = arith.constant 0 : index
      %swap3A_81 = arith.constant 0 : index
      %swap3A_82 = vector.load %arg13[%swap3A_80, %swap3A_81] : memref<256x4xf32, #tpu.memory_space<vmem>>, vector<256x4xf32>
      tpu.vector_store %arg13[%swap3A_80, %swap3A_81], %concatenate3A {strides = array<i32>} : memref<256x4xf32, #tpu.memory_space<vmem>>, vector<256x4xf32>,
    } else {
    }
    %get3A = arith.constant 0 : index
    %get3A_2 = arith.constant 0 : index
    %get3A_3 = arith.constant 0 : index
    %get3A_4 = vector.load %arg2[%get3A, %get3A_2, %get3A_3] : memref<2x512x128xf32, #tpu.memory_space<vmem>>, vector<1x512x128xf32>
    %get3A_5 = vector.shape_cast %get3A_4 : vector<1x512x128xf32> to vector<512x128xf32>
    %get3A_6 = arith.constant 1 : index
    %get3A_7 = arith.constant 0 : index
    %get3A_8 = arith.constant 0 : index
    %get3A_9 = vector.load %arg2[%get3A_6, %get3A_7, %get3A_8] : memref<2x512x128xf32, #tpu.memory_space<vmem>>, vector<1x512x128xf32>
    %get3A_10 = vector.shape_cast %get3A_9 : vector<1x512x128xf32> to vector<512x128xf32>
    %add3A = arith.addf %get3A_5, %get3A_10 : vector<512x128xf32>
    %get3A_11 = arith.constant 0 : index
    %get3A_12 = arith.constant 0 : index
    %get3A_13 = vector.load %arg3[%get3A_11, %get3A_12] : memref<32x512xf32, #tpu.memory_space<vmem>>, vector<32x512xf32>
    %reduce_sum3A = arith.constant dense<0.000000e+00> : vector<512xf32>
    %reduce_sum3A_14 = vector.multi_reduction <add>, %get3A_13, %reduce_sum3A [0] : vector<32x512xf32> to vector<512xf32>
    %broadcast_in_dim3A = vector.shape_cast %reduce_sum3A_14 : vector<512xf32> to vector<512x1xf32>
    %max3A = arith.constant 1.000000e+00 : f32
    %max3A_15 = vector.broadcast %max3A : f32 to vector<512x1xf32>
    %max3A_16 = arith.maximumf %broadcast_in_dim3A, %max3A_15 : vector<512x1xf32>
    %div3A = vector.broadcast %max3A_16 : vector<512x1xf32> to vector<512x128xf32>
    %div3A_17 = arith.divf %add3A, %div3A : vector<512x128xf32>
    %get3A_18 = arith.constant 0 : index
    %get3A_19 = arith.constant 0 : index
    %get3A_20 = vector.load %arg4[%get3A_18, %get3A_19] : memref<128x256xf32, #tpu.memory_space<vmem>>, vector<128x256xf32>
    %dot_general3A = arith.constant dense<0.000000e+00> : vector<512x256xf32>
    %dot_general3A_21 = tpu.matmul %div3A_17, %get3A_20, %dot_general3A {dimension_numbers = #tpu.dot_dimension_numbers<[1], [0], [0], [1], [0, 0, 1, 1], [], []>, precision = #tpu.contract_precision<fp32>, transpose_lhs_hint = false} : vector<512x128xf32>, vector<128x256xf32>, vector<512x256xf32> -> vector<512x256xf32>
    %get3A_22 = arith.constant 0 : index
    %get3A_23 = arith.constant 0 : index
    %get3A_24 = vector.load %arg1[%get3A_22, %get3A_23] : memref<512x128xf32, #tpu.memory_space<vmem>>, vector<512x128xf32>
    %get3A_25 = arith.constant 0 : index
    %get3A_26 = arith.constant 0 : index
    %get3A_27 = vector.load %arg5[%get3A_25, %get3A_26] : memref<128x256xf32, #tpu.memory_space<vmem>>, vector<128x256xf32>
    %dot_general3A_28 = arith.constant dense<0.000000e+00> : vector<512x256xf32>
    %dot_general3A_29 = tpu.matmul %get3A_24, %get3A_27, %dot_general3A_28 {dimension_numbers = #tpu.dot_dimension_numbers<[1], [0], [0], [1], [0, 0, 1, 1], [], []>, precision = #tpu.contract_precision<fp32>, transpose_lhs_hint = false} : vector<512x128xf32>, vector<128x256xf32>, vector<512x256xf32> -> vector<512x256xf32>
    %add3A_30 = arith.addf %dot_general3A_21, %dot_general3A_29 : vector<512x256xf32>
    %get3A_31 = arith.constant 0 : index
    %get3A_32 = arith.constant 0 : index
    %get3A_33 = vector.load %arg6[%get3A_31, %get3A_32] : memref<1x256xf32, #tpu.memory_space<vmem>>, vector<1x256xf32>
    %add3A_34 = vector.broadcast %get3A_33 : vector<1x256xf32> to vector<512x256xf32>
    %add3A_35 = arith.addf %add3A_30, %add3A_34 : vector<512x256xf32>
    %max3A_36 = arith.constant 0.000000e+00 : f32
    %max3A_37 = vector.broadcast %max3A_36 : f32 to vector<512x256xf32>
    %max3A_38 = arith.maximumf %add3A_35, %max3A_37 : vector<512x256xf32>
    %get3A_39 = arith.constant 0 : index
    %get3A_40 = arith.constant 0 : index
    %get3A_41 = vector.load %arg13[%get3A_39, %get3A_40] : memref<256x4xf32, #tpu.memory_space<vmem>>, vector<256x4xf32>
    %dot_general3A_42 = arith.constant dense<0.000000e+00> : vector<512x4xf32>
    %dot_general3A_43 = tpu.matmul %max3A_38, %get3A_41, %dot_general3A_42 {dimension_numbers = #tpu.dot_dimension_numbers<[1], [0], [0], [1], [0, 0, 1, 1], [], []>, precision = #tpu.contract_precision<fp32>, transpose_lhs_hint = false} : vector<512x256xf32>, vector<256x4xf32>, vector<512x4xf32> -> vector<512x4xf32>
    %transpose3A = tpu.transpose %dot_general3A_43, [1, 0] : vector<512x4xf32> -> vector<4x512xf32>
    %swap3A = arith.constant 0 : index
    %swap3A_44 = arith.constant 0 : index
    %swap3A_45 = vector.load %arg12[%swap3A, %swap3A_44] : memref<4x512xf32, #tpu.memory_space<vmem>>, vector<4x512xf32>
    tpu.vector_store %arg12[%swap3A, %swap3A_44], %transpose3A {strides = array<i32>} : memref<4x512xf32, #tpu.memory_space<vmem>>, vector<4x512xf32>,
    return
  }
  func.func @transform_0(%arg0: i32) -> (i32, i32) {
    %c0_i32 = arith.constant 0 : i32
    %c0_i32_0 = arith.constant 0 : i32
    return %arg0, %c0_i32 : i32, i32
  }
  func.func @transform_1(%arg0: i32) -> (i32, i32, i32) {
    %c0_i32 = arith.constant 0 : i32
    %c0_i32_0 = arith.constant 0 : i32
    %c0_i32_1 = arith.constant 0 : i32
    return %c0_i32, %arg0, %c0_i32_0 : i32, i32, i32
  }
  func.func @transform_2(%arg0: i32) -> (i32, i32) {
    %c0_i32 = arith.constant 0 : i32
    %c0_i32_0 = arith.constant 0 : i32
    return %c0_i32, %arg0 : i32, i32
  }
  func.func @transform_3(%arg0: i32) -> (i32, i32) {
    %c0_i32 = arith.constant 0 : i32
    %c0_i32_0 = arith.constant 0 : i32
    %c0_i32_1 = arith.constant 0 : i32
    return %c0_i32, %c0_i32_0 : i32, i32
  }
  func.func @transform_4(%arg0: i32) -> (i32, i32) {
    %c0_i32 = arith.constant 0 : i32
    %c0_i32_0 = arith.constant 0 : i32
    %c0_i32_1 = arith.constant 0 : i32
    return %c0_i32, %c0_i32_0 : i32, i32
  }
  func.func @transform_5(%arg0: i32) -> (i32, i32) {
    %c0_i32 = arith.constant 0 : i32
    %c0_i32_0 = arith.constant 0 : i32
    %c0_i32_1 = arith.constant 0 : i32
    return %c0_i32, %c0_i32_0 : i32, i32
  }
  func.func @transform_6(%arg0: i32) -> (i32, i32) {
    %c0_i32 = arith.constant 0 : i32
    %c0_i32_0 = arith.constant 0 : i32
    %c0_i32_1 = arith.constant 0 : i32
    return %c0_i32, %c0_i32_0 : i32, i32
  }
  func.func @transform_7(%arg0: i32) -> (i32, i32) {
    %c0_i32 = arith.constant 0 : i32
    %c0_i32_0 = arith.constant 0 : i32
    %c0_i32_1 = arith.constant 0 : i32
    return %c0_i32, %c0_i32_0 : i32, i32
  }
  func.func @transform_8(%arg0: i32) -> (i32, i32) {
    %c0_i32 = arith.constant 0 : i32
    %c0_i32_0 = arith.constant 0 : i32
    %c0_i32_1 = arith.constant 0 : i32
    return %c0_i32, %c0_i32_0 : i32, i32
  }
  func.func @transform_9(%arg0: i32) -> (i32, i32) {
    %c0_i32 = arith.constant 0 : i32
    %c0_i32_0 = arith.constant 0 : i32
    %c0_i32_1 = arith.constant 0 : i32
    return %c0_i32, %c0_i32_0 : i32, i32
  }
  func.func @transform_10(%arg0: i32) -> (i32, i32) {
    %c0_i32 = arith.constant 0 : i32
    %c0_i32_0 = arith.constant 0 : i32
    %c0_i32_1 = arith.constant 0 : i32
    return %c0_i32, %c0_i32_0 : i32, i32
  }
  func.func @transform_11(%arg0: i32) -> (i32, i32) {
    %c0_i32 = arith.constant 0 : i32
    %c0_i32_0 = arith.constant 0 : i32
    return %c0_i32, %arg0 : i32, i32
  }
}

module attributes {stable_mosaic.version = 14 : i64} {
  func.func @_tc_fin_body(%arg0: memref<32x2x10240xf32, #tpu.memory_space<vmem>>, %arg1: memref<32x10240xf32, #tpu.memory_space<vmem>>, %arg2: memref<4x10240xf32, #tpu.memory_space<vmem>>, %arg3: memref<512x256xf32, #tpu.memory_space<vmem>>, %arg4: memref<256x256xf32, #tpu.memory_space<vmem>>, %arg5: memref<256x1xf32, #tpu.memory_space<vmem>>, %arg6: memref<1x256xf32, #tpu.memory_space<vmem>>, %arg7: memref<1x256xf32, #tpu.memory_space<vmem>>, %arg8: memref<1x256xf32, #tpu.memory_space<vmem>>, %arg9: memref<1x1xf32, #tpu.memory_space<vmem>>, %arg10: memref<2x10240xf32, #tpu.memory_space<vmem>>) attributes {dimension_semantics = [], scalar_prefetch = 0 : i64, scratch_operands = 0 : i64, tpu.core_type = #tpu.core_type<tc>} {
    %get3A = arith.constant 0 : index
    %get3A_0 = arith.constant 0 : index
    %get3A_1 = vector.load %arg4[%get3A, %get3A_0] : memref<256x256xf32, #tpu.memory_space<vmem>>, vector<256x256xf32>
    %get3A_2 = arith.constant 0 : index
    %get3A_3 = arith.constant 0 : index
    %get3A_4 = vector.load %arg5[%get3A_2, %get3A_3] : memref<256x1xf32, #tpu.memory_space<vmem>>, vector<256x1xf32>
    %dot_general3A = arith.constant dense<0.000000e+00> : vector<256x1xf32>
    %dot_general3A_5 = tpu.matmul %get3A_1, %get3A_4, %dot_general3A {dimension_numbers = #tpu.dot_dimension_numbers<[1], [0], [0], [1], [0, 0, 1, 1], [], []>, precision = #tpu.contract_precision<fp32>, transpose_lhs_hint = false} : vector<256x256xf32>, vector<256x1xf32>, vector<256x1xf32> -> vector<256x1xf32>
    %get3A_6 = arith.constant 0 : index
    %get3A_7 = arith.constant 0 : index
    %get3A_8 = vector.load %arg3[%get3A_6, %get3A_7] : memref<512x256xf32, #tpu.memory_space<vmem>>, vector<512x256xf32>
    %dot_general3A_9 = arith.constant dense<0.000000e+00> : vector<512x1xf32>
    %dot_general3A_10 = tpu.matmul %get3A_8, %dot_general3A_5, %dot_general3A_9 {dimension_numbers = #tpu.dot_dimension_numbers<[1], [0], [0], [1], [0, 0, 1, 1], [], []>, precision = #tpu.contract_precision<fp32>, transpose_lhs_hint = false} : vector<512x256xf32>, vector<256x1xf32>, vector<512x1xf32> -> vector<512x1xf32>
    %slice3A = vector.extract_strided_slice %dot_general3A_10 {offsets = [0, 0], sizes = [256, 1], strides = [1, 1]} : vector<512x1xf32> to vector<256x1xf32>
    %squeeze3A = vector.shape_cast %slice3A : vector<256x1xf32> to vector<256xf32>
    %slice3A_11 = vector.extract_strided_slice %dot_general3A_10 {offsets = [256, 0], sizes = [256, 1], strides = [1, 1]} : vector<512x1xf32> to vector<256x1xf32>
    %squeeze3A_12 = vector.shape_cast %slice3A_11 : vector<256x1xf32> to vector<256xf32>
    %get3A_13 = arith.constant 0 : index
    %get3A_14 = arith.constant 0 : index
    %get3A_15 = vector.load %arg7[%get3A_13, %get3A_14] : memref<1x256xf32, #tpu.memory_space<vmem>>, vector<1x256xf32>
    %get3A_16 = vector.shape_cast %get3A_15 : vector<1x256xf32> to vector<256xf32>
    %squeeze3A_17 = vector.shape_cast %dot_general3A_5 : vector<256x1xf32> to vector<256xf32>
    %mul3A = arith.mulf %get3A_16, %squeeze3A_17 : vector<256xf32>
    %reduce_sum3A = vector.shape_cast %mul3A : vector<256xf32> to vector<1x256xf32>
    %reduce_sum3A_18 = arith.constant dense<0.000000e+00> : vector<1xf32>
    %reduce_sum3A_19 = vector.multi_reduction <add>, %reduce_sum3A, %reduce_sum3A_18 [1] : vector<1x256xf32> to vector<1xf32>
    %reduce_sum3A_20 = vector.shape_cast %reduce_sum3A_19 : vector<1xf32> to vector<1x1xf32>
    %reduce_sum3A_21 = vector.extract %reduce_sum3A_20[0, 0] : f32 from vector<1x1xf32>
    %get3A_22 = arith.constant 0 : index
    %get3A_23 = arith.constant 0 : index
    %get3A_24 = vector.load %arg8[%get3A_22, %get3A_23] : memref<1x256xf32, #tpu.memory_space<vmem>>, vector<1x256xf32>
    %get3A_25 = vector.shape_cast %get3A_24 : vector<1x256xf32> to vector<256xf32>
    %get3A_26 = arith.constant 0 : index
    %get3A_27 = arith.constant 0 : index
    %get3A_28 = vector.load %arg5[%get3A_26, %get3A_27] : memref<256x1xf32, #tpu.memory_space<vmem>>, vector<256x1xf32>
    %get3A_29 = vector.shape_cast %get3A_28 : vector<256x1xf32> to vector<256xf32>
    %mul3A_30 = arith.mulf %get3A_25, %get3A_29 : vector<256xf32>
    %reduce_sum3A_31 = vector.shape_cast %mul3A_30 : vector<256xf32> to vector<1x256xf32>
    %reduce_sum3A_32 = arith.constant dense<0.000000e+00> : vector<1xf32>
    %reduce_sum3A_33 = vector.multi_reduction <add>, %reduce_sum3A_31, %reduce_sum3A_32 [1] : vector<1x256xf32> to vector<1xf32>
    %reduce_sum3A_34 = vector.shape_cast %reduce_sum3A_33 : vector<1xf32> to vector<1x1xf32>
    %reduce_sum3A_35 = vector.extract %reduce_sum3A_34[0, 0] : f32 from vector<1x1xf32>
    %add3A = arith.addf %reduce_sum3A_21, %reduce_sum3A_35 : f32
    %get3A_36 = arith.constant 0 : index
    %get3A_37 = arith.constant 0 : index
    %get3A_38 = vector.load %arg9[%get3A_36, %get3A_37] : memref<1x1xf32, #tpu.memory_space<vmem>>, vector<1x1xf32>
    %get3A_39 = vector.extract %get3A_38[0, 0] : f32 from vector<1x1xf32>
    %add3A_40 = arith.addf %add3A, %get3A_39 : f32
    %get3A_41 = arith.constant 0 : index
    %get3A_42 = arith.constant 0 : index
    %get3A_43 = vector.load %arg6[%get3A_41, %get3A_42] : memref<1x256xf32, #tpu.memory_space<vmem>>, vector<1x256xf32>
    %get3A_44 = vector.shape_cast %get3A_43 : vector<1x256xf32> to vector<256xf32>
    %mul3A_45 = arith.mulf %get3A_44, %squeeze3A : vector<256xf32>
    %reduce_sum3A_46 = vector.shape_cast %mul3A_45 : vector<256xf32> to vector<1x256xf32>
    %reduce_sum3A_47 = arith.constant dense<0.000000e+00> : vector<1xf32>
    %reduce_sum3A_48 = vector.multi_reduction <add>, %reduce_sum3A_46, %reduce_sum3A_47 [1] : vector<1x256xf32> to vector<1xf32>
    %reduce_sum3A_49 = vector.shape_cast %reduce_sum3A_48 : vector<1xf32> to vector<1x1xf32>
    %reduce_sum3A_50 = vector.extract %reduce_sum3A_49[0, 0] : f32 from vector<1x1xf32>
    %get3A_51 = arith.constant 0 : index
    %get3A_52 = arith.constant 0 : index
    %get3A_53 = vector.load %arg6[%get3A_51, %get3A_52] : memref<1x256xf32, #tpu.memory_space<vmem>>, vector<1x256xf32>
    %get3A_54 = vector.shape_cast %get3A_53 : vector<1x256xf32> to vector<256xf32>
    %mul3A_55 = arith.mulf %get3A_54, %squeeze3A_12 : vector<256xf32>
    %reduce_sum3A_56 = vector.shape_cast %mul3A_55 : vector<256xf32> to vector<1x256xf32>
    %reduce_sum3A_57 = arith.constant dense<0.000000e+00> : vector<1xf32>
    %reduce_sum3A_58 = vector.multi_reduction <add>, %reduce_sum3A_56, %reduce_sum3A_57 [1] : vector<1x256xf32> to vector<1xf32>
    %reduce_sum3A_59 = vector.shape_cast %reduce_sum3A_58 : vector<1xf32> to vector<1x1xf32>
    %reduce_sum3A_60 = vector.extract %reduce_sum3A_59[0, 0] : f32 from vector<1x1xf32>
    %get3A_61 = arith.constant 0 : index
    %get3A_62 = arith.constant 0 : index
    %get3A_63 = vector.load %arg1[%get3A_61, %get3A_62] : memref<32x10240xf32, #tpu.memory_space<vmem>>, vector<32x10240xf32>
    %reduce_sum3A_64 = arith.constant dense<0.000000e+00> : vector<10240xf32>
    %reduce_sum3A_65 = vector.multi_reduction <add>, %get3A_63, %reduce_sum3A_64 [0] : vector<32x10240xf32> to vector<10240xf32>
    %max3A = arith.constant 1.000000e+00 : f32
    %max3A_66 = vector.broadcast %max3A : f32 to vector<10240xf32>
    %max3A_67 = arith.maximumf %reduce_sum3A_65, %max3A_66 : vector<10240xf32>
    %get3A_68 = arith.constant 0 : index
    %get3A_69 = arith.constant 0 : index
    %get3A_70 = arith.constant 0 : index
    %get3A_71 = vector.load %arg0[%get3A_68, %get3A_69, %get3A_70] : memref<32x2x10240xf32, #tpu.memory_space<vmem>>, vector<32x1x10240xf32>
    %get3A_72 = vector.shape_cast %get3A_71 : vector<32x1x10240xf32> to vector<32x10240xf32>
    %reduce_sum3A_73 = arith.constant dense<0.000000e+00> : vector<10240xf32>
    %reduce_sum3A_74 = vector.multi_reduction <add>, %get3A_72, %reduce_sum3A_73 [0] : vector<32x10240xf32> to vector<10240xf32>
    %div3A = arith.divf %reduce_sum3A_74, %max3A_67 : vector<10240xf32>
    %get3A_75 = arith.constant 0 : index
    %get3A_76 = arith.constant 1 : index
    %get3A_77 = arith.constant 0 : index
    %get3A_78 = vector.load %arg0[%get3A_75, %get3A_76, %get3A_77] : memref<32x2x10240xf32, #tpu.memory_space<vmem>>, vector<32x1x10240xf32>
    %get3A_79 = vector.shape_cast %get3A_78 : vector<32x1x10240xf32> to vector<32x10240xf32>
    %reduce_sum3A_80 = arith.constant dense<0.000000e+00> : vector<10240xf32>
    %reduce_sum3A_81 = vector.multi_reduction <add>, %get3A_79, %reduce_sum3A_80 [0] : vector<32x10240xf32> to vector<10240xf32>
    %div3A_82 = arith.divf %reduce_sum3A_81, %max3A_67 : vector<10240xf32>
    %get3A_83 = arith.constant 0 : index
    %get3A_84 = arith.constant 0 : index
    %get3A_85 = vector.load %arg2[%get3A_83, %get3A_84] : memref<4x10240xf32, #tpu.memory_space<vmem>>, vector<1x10240xf32>
    %get3A_86 = vector.shape_cast %get3A_85 : vector<1x10240xf32> to vector<10240xf32>
    %add3A_87 = arith.addf %div3A, %get3A_86 : vector<10240xf32>
    %add3A_88 = vector.broadcast %reduce_sum3A_50 : f32 to vector<10240xf32>
    %add3A_89 = arith.addf %add3A_87, %add3A_88 : vector<10240xf32>
    %add3A_90 = vector.broadcast %add3A_40 : f32 to vector<10240xf32>
    %add3A_91 = arith.addf %add3A_89, %add3A_90 : vector<10240xf32>
    %swap3A = arith.constant 0 : index
    %swap3A_92 = arith.constant 0 : index
    %swap3A_93 = vector.load %arg10[%swap3A, %swap3A_92] : memref<2x10240xf32, #tpu.memory_space<vmem>>, vector<1x10240xf32>
    %swap3A_94 = vector.shape_cast %swap3A_93 : vector<1x10240xf32> to vector<10240xf32>
    %swap3A_95 = vector.shape_cast %add3A_91 : vector<10240xf32> to vector<1x10240xf32>
    tpu.vector_store %arg10[%swap3A, %swap3A_92], %swap3A_95 {strides = array<i32>} : memref<2x10240xf32, #tpu.memory_space<vmem>>, vector<1x10240xf32>,
    %get3A_96 = arith.constant 1 : index
    %get3A_97 = arith.constant 0 : index
    %get3A_98 = vector.load %arg2[%get3A_96, %get3A_97] : memref<4x10240xf32, #tpu.memory_space<vmem>>, vector<1x10240xf32>
    %get3A_99 = vector.shape_cast %get3A_98 : vector<1x10240xf32> to vector<10240xf32>
    %add3A_100 = arith.addf %div3A_82, %get3A_99 : vector<10240xf32>
    %add3A_101 = vector.broadcast %reduce_sum3A_60 : f32 to vector<10240xf32>
    %add3A_102 = arith.addf %add3A_100, %add3A_101 : vector<10240xf32>
    %swap3A_103 = arith.constant 1 : index
    %swap3A_104 = arith.constant 0 : index
    %swap3A_105 = vector.load %arg10[%swap3A_103, %swap3A_104] : memref<2x10240xf32, #tpu.memory_space<vmem>>, vector<1x10240xf32>
    %swap3A_106 = vector.shape_cast %swap3A_105 : vector<1x10240xf32> to vector<10240xf32>
    %swap3A_107 = vector.shape_cast %add3A_102 : vector<10240xf32> to vector<1x10240xf32>
    tpu.vector_store %arg10[%swap3A_103, %swap3A_104], %swap3A_107 {strides = array<i32>} : memref<2x10240xf32, #tpu.memory_space<vmem>>, vector<1x10240xf32>,
    return
  }
}

</mosaic_0001>

<sc_bundles>
// kernel: kernel.10.cloned.1.call-start
scs
__scs_entry_jumppad:
0x0: {  	(pc) =	sbr.rel $0x88, $3  }
0x1: {  	(tag) =	ssettag $0x0;
	lr =	simm.s32 $0x1  }
0x2: {  	[smem:$0x3F92] =	sst lr;
	_ =	strace $0xD0000000  }
0x3: {  	_ = 	snop  }
0x4: {  	_ = 	snop  }
0x5: {  	_ = 	snop  }
0x6: {  	_ = 	snop  }
0x7: {  	_ = 	snop  }
__scs_overlays_trampoline_lowered:
0x8: {  	[smem:$0x3FA1] =	sst s0  }
0x9: {  	[smem:$0x3FA2] =	sst s1  }
0xa: {  	[smem:$0x3FA3] =	sst s2  }
0xb: {  	[smem:$0x3FA4] =	sst s3  }
0xc: {  	[smem:$0x3FA5] =	sst s4  }
0xd: {  	[smem:$0x3FA6] =	sst s5  }
0xe: {  	[smem:$0x3FA7] =	sst s6  }
0xf: {  	[smem:$0x3FA8] =	sst s7  }
0x10: {  	[smem:$0x3FA9] =	sst s8  }
0x11: {  	[smem:$0x3FAA] =	sst s9;
	s0 =	simm.s32 @!p0 $0x0  }
0x12: {  	s1 =	sld [smem:$0x3F90];
	s0 =	simm.s32 @p0 $0x1  }
0x13: {  	[smem:$0x3FAB] =	sst s0;
	s0 =	simm.s32 @!p1 $0x0  }
0x14: {  	s2 =	sld [smem:$0x3F8F];
	s0 =	simm.s32 @p1 $0x1  }
0x15: {  	[smem:$0x3FAC] =	sst s0;
	s0 =	simm.s32 @!p2 $0x0  }
0x16: {  	s3 =	sld [smem:$0x3FDB];
	s0 =	simm.s32 @p2 $0x1  }
0x17: {  	s4 =	simm.s32 $0x1BF5;
	[smem:$0x3FAE] =	sst s0  }
0x18: {  	s0 =	sld [smem:$0x3F91];
	_ =	swait.ge [sflag:s4], $0x0  }
0x19: {  	s7 =	sld [smem:$0x3F92]  }
0x1a: {  	s8 =	sadd.s32 $0xFFFFE003, lr  }
0x1b: {  	s9 =	sadd.s32 $0xFFFFFEF7, lr;
	s5 =	simm.s32 $0xFFFFFFFF;
	p2 =	slt.u32 s8, $0xFFFFF086  }
0x1c: {  	p1 =	slt.u32 s9, $0xF7A;
	s5 =	simm.s32 @!p2 $0x0  }
0x1d: {  	s5 =	simm.s32 @p1 $0x1;
	p0 =	seq.s32 s7, s2  }
0x1e: {  	s7 =	smul.u32 @!p0 $0xF7A, s2;
	p2 =	seq.s32 @!p0 s5, $0x0  }
0x1f: {  	s9 =	smul.u32 $0xF7A, s1;
	s8 =	simm.s32 @!p0 $0x1BF5;
	p2 =	por !p2, p0  }
0x20: {  	[sflag:s8] =	ssyncset.s32 @!p0 $0xFFFFF086;
	s6 =	sadd.s32 @!p0 s3, s7;
	s7 =	simm.s32 @!p0 $0x108  }
0x21: {  	s3 =	sadd.s32 s3, s9;
	s6 =	sadd.s32 @!p0 $0x88, s6;
	s7 =	simm.s32 @p2 $0x1082  }
0x22: {  	[simem:s7], [sflag:s8] =	dma.local @!p0 [hbm:s6], $0xF7A  }
0x23: {  	s9 =	sor.u32 $0xD0000000, s2;
	s6 =	simm.s32 $0x108;
	_ =	swait.ge @!p0 [sflag:s8], $0x0  }
0x24: {  	s3 =	sadd.s32 $0x88, s3;
	s6 =	simm.s32 @!p1 $0x1082;
	[sflag:s4] =	ssyncset.s32 $0xFFFFF086  }
0x25: {  	[simem:s6], [sflag:s4] =	dma.local [hbm:s3], $0xF7A  }
0x26: {  	[smem:$0x3F92] =	sst s1;
	(tag) =	ssettag s2;
	_ =	strace s9  }
0x27: {  	s1 =	sld [smem:$0x3FA2]  }
0x28: {  	s2 =	sld [smem:$0x3FA3]  }
0x29: {  	s4 =	sld [smem:$0x3FA5]  }
0x2a: {  	p0 =	seq.s32 s5, $0x0;
	s5 =	sld [smem:$0x3FA6]  }
0x2b: {  	s6 =	sld [smem:$0x3FA7]  }
0x2c: {  	s7 =	sld [smem:$0x3FA8]  }
0x2d: {  	s3 =	simm.s32 $0x108;
	s8 =	sld [smem:$0x3FA9]  }
0x2e: {  	s3 =	simm.s32 @!p0 $0x1082;
	s9 =	sld [smem:$0x3FAA]  }
0x2f: {  	lr =	sadd.s32 s0, s3;
	s0 =	sld [smem:$0x3FA1]  }
0x30: {  	s3 =	sld [smem:$0x3FA4]  }
0x31: {  	[smem:$0x3FAD] =	sst s10  }
0x32: {  	s10 =	sld [smem:$0x3FAB];
	_ =	sdelay $0x3  }
0x33: {  	p0 =	seq.s32 s10, $0x1;
	s10 =	sld [smem:$0x3FAD];
	_ =	sdelay $0x3  }
0x34: {  	[smem:$0x3FAD] =	sst s10  }
0x35: {  	s10 =	sld [smem:$0x3FAC];
	_ =	sdelay $0x3  }
0x36: {  	p1 =	seq.s32 s10, $0x1;
	s10 =	sld [smem:$0x3FAD];
	_ =	sdelay $0x3  }
0x37: {  	[smem:$0x3FAD] =	sst s10  }
0x38: {  	s10 =	sld [smem:$0x3FAE]  }
0x39: {  	_ = 	snop;
	(pc) =	sbr.ind lr, $3  }
0x3a: {  	_ = 	snop  }
0x3b: {  	_ = 	snop  }
0x3c: {  	p2 =	seq.s32 s10, $0x1;
	s10 =	sld [smem:$0x3FAD]  }
0x3d: {  	_ =	shalt  }
0x3e: {  	_ =	shalt  }
0x3f: {  	_ =	shalt  }
0x40: {  	_ =	shalt  }
0x41: {  	_ =	shalt  }
0x42: {  	_ =	shalt  }
0x43: {  	_ =	shalt  }
0x44: {  	_ =	shalt  }
0x45: {  	_ =	shalt  }
0x46: {  	_ =	shalt  }
0x47: {  	_ =	shalt  }
0x48: {  	_ =	shalt  }
0x49: {  	_ =	shalt  }
0x4a: {  	_ =	shalt  }
0x4b: {  	_ =	shalt  }
0x4c: {  	_ =	shalt  }
0x4d: {  	_ =	shalt  }
0x4e: {  	_ =	shalt  }
0x4f: {  	_ =	shalt  }
0x50: {  	_ =	shalt  }
0x51: {  	_ =	shalt  }
0x52: {  	_ =	shalt  }
0x53: {  	_ =	shalt  }
0x54: {  	_ =	shalt  }
0x55: {  	_ =	shalt  }
0x56: {  	_ =	shalt  }
0x57: {  	_ =	shalt  }
0x58: {  	_ =	shalt  }
0x59: {  	_ =	shalt  }
0x5a: {  	_ =	shalt  }
0x5b: {  	_ =	shalt  }
0x5c: {  	_ =	shalt  }
0x5d: {  	_ =	shalt  }
0x5e: {  	_ =	shalt  }
0x5f: {  	_ =	shalt  }
0x60: {  	_ =	shalt  }
0x61: {  	_ =	shalt  }
0x62: {  	_ =	shalt  }
0x63: {  	_ =	shalt  }
0x64: {  	_ =	shalt  }
0x65: {  	_ =	shalt  }
0x66: {  	_ =	shalt  }
0x67: {  	_ =	shalt  }
0x68: {  	_ =	shalt  }
0x69: {  	_ =	shalt  }
0x6a: {  	_ =	shalt  }
0x6b: {  	_ =	shalt  }
0x6c: {  	_ =	shalt  }
0x6d: {  	_ =	shalt  }
0x6e: {  	_ =	shalt  }
0x6f: {  	_ =	shalt  }
0x70: {  	_ =	shalt  }
0x71: {  	_ =	shalt  }
0x72: {  	_ =	shalt  }
0x73: {  	_ =	shalt  }
0x74: {  	_ =	shalt  }
0x75: {  	_ =	shalt  }
0x76: {  	_ =	shalt  }
0x77: {  	_ =	shalt  }
0x78: {  	_ =	shalt  }
0x79: {  	_ =	shalt  }
0x7a: {  	_ =	shalt  }
0x7b: {  	_ =	shalt  }
0x7c: {  	_ =	shalt  }
0x7d: {  	_ =	shalt  }
0x7e: {  	_ =	shalt  }
0x7f: {  	_ =	shalt  }
0x80: {  	_ =	shalt  }
0x81: {  	_ =	shalt  }
0x82: {  	_ =	shalt  }
0x83: {  	_ =	shalt  }
0x84: {  	_ =	shalt  }
0x85: {  	_ =	shalt  }
0x86: {  	_ =	shalt  }
0x87: {  	_ =	shalt  }
.Lfunc_end0:
.L_simem_size_0:
called_computation.1_lowered:
.L_overlay_start_0:
0x88: {  	s2 =	sld [smem:$0x3FD9]  }
0x89: {  	s3 =	sld [smem:$0x3FFE];
	_ =	sdelay $0x1  }
0x8a: {  	s1 =	srdreg.scid  }
0x8b: {  	s0 =	sand.u32 $0x1, s1  }
0x8c: {  	s17 =	sshll.u32 s0, $0xA;
	s2 =	sadd.s32 s3, s2  }
0x8d: {  	s2 =	sadd.s32 s2, s17  }
0x8e: {  	[smem:$0x3FB9] =	sst s2  }
0x8f: {  	_ = 	snop  }
0x90: {  	s2 =	sld [smem:$0x3FD0];
	(tm) =	ssettm $0x1  }
0x91: {  	s18 =	sld [smem:$0x3FFB];
	_ =	sdelay $0x3  }
0x92: {  	_ =	strace s18  }
0x93: {  	s3 =	sld [smem:$0x3FFC];
	_ =	sdelay $0x3  }
0x94: {  	_ =	strace s3  }
0x95: {  	s3 =	sld [smem:$0x3FFD];
	_ =	sdelay $0x3  }
0x96: {  	_ =	strace s3  }
0x97: {  	_ =	strace $0x8FFFFFFF  }
0x98: {  	s19 =	sld [smem:$0x3FDB];
	_ =	sdelay $0x1  }
0x99: {  	s4 =	simm.s32 $_scs_section_size  }
0x9a: {  	s5 =	simm.s32 $_size__tile_overlayer_lowered;
	s6 =	simm.s32 $_tile_overlayer_lowered  }
0x9b: {  	s22 =	simm.s32 $0x1BFF;
	s21 =	sshll.u32 s6, $0x1;
	s3 =	sadd.s32 s4, s19  }
0x9c: {  	s7 =	simm.s32 $0x0;
	s20 =	sshll.u32 s5, $0x1;
	s5 =	sadd.s32 s21, s3  }
0x9d: {  	[timem:s7], [sflag:s22] =	dma.local [hbm:s5], s20  }
0x9e: {  	_ =	swait.ge [sflag:s22], s20  }
0x9f: {  	s4 =	ssub.s32 $0x0, s20;
	[sflag:s22] =	ssyncset.done $0x0  }
0xa0: {  	[sflag:s22] =	ssyncadd.s32 s4;
	_ =	sdelay $0x1  }
0xa1: {  	s23 =	simm.s32 $0x1B8B  }
0xa2: {  	_ =	swait.ge [sflag:s23], $0x1  }
0xa3: {  	[sflag:s23] =	ssyncset.done $0x0  }
0xa4: {  	s25 =	simm.s32 $0x1B8E;
	s24 =	sld [smem:$0x3FFE];
	[sflag:s23] =	ssyncadd.s32 $0xFFFFFFFF  }
0xa5: {  	s26 =	simm.s32 $execute0_lowered;
	[smem:$0x3FD2] =	sst s25  }
0xa6: {  	s5 =	sshll.u32 s26, $0x1;
	_ =	strace $0x80000049;
	[dreg:$0x1] =	wrdreg $0xFFFFFFFF  }
0xa7: {  	s28 =	simm.s32 $_size_execute0_lowered;
	s3 =	sadd.s32 s3, s5;
	[dreg:$0x0] =	wrdreg $0x0  }
0xa8: {  	s5 =	sshll.u32 s28, $0x1;
	[dreg:$0x2] =	wrdreg s3  }
0xa9: {  	[dreg:$0x3] =	wrdreg s5  }
0xaa: {  	[dreg:$0x4] =	wrdreg $0xC0  }
0xab: {  	_ =	task [dreg:s7], $0x5FFFF  }
0xac: {  	[dreg:$0x1] =	wrdreg $0xFFFFFFFF  }
0xad: {  	[dreg:$0x0] =	wrdreg $0x60  }
0xae: {  	[dreg:$0x2] =	wrdreg s2  }
0xaf: {  	[dreg:$0x3] =	wrdreg s24  }
0xb0: {  	[dreg:$0x4] =	wrdreg $0x9  }
0xb1: {  	_ =	task.clear_ibuf [dreg:s7], $0x5FFFF;
	_ =	strace $0x90000049  }
0xb2: {  	s29 =	simm.s32 $0x9;
	_ =	strace $0x8000004B  }
0xb3: {  	_ =	swait.ge [sflag:s29], $0x1  }
0xb4: {  	[sflag:s29] =	ssyncadd.s32 $0xFFFFFFFF  }
0xb5: {  	_ =	strace $0x9000004B  }
0xb6: {  	_ =	sfence  }
0xb7: {  	s30 =	sld [smem:$0x0];
	_ =	sdelay $0x2  }
0xb8: {  	s31 =	sshll.u32 s1, $0xD;
	s1 =	sshrl.u32 s1, $0x2  }
0xb9: {  	s3 =	sand.u32 $0x4000, s31;
	s1 =	sadd.s32 s1, s30  }
0xba: {  	s0 =	sor.u32 s3, s0;
	s1 =	sshll.u32 s1, $0x11  }
0xbb: {  	s0 =	sor.u32 s1, s0  }
0xbc: {  	s0 =	sadd.s32 $0x8F2B, s0  }
0xbd: {  	[sflag:s0] =	ssyncadd.remote.s32 $0x1  }
0xbe: {  	_ =	sfence.sel $0xFFFF  }
0xbf: {  	[dreg:$0x0] =	wrdreg $0xFFFFFFFF;
	(pc) =	sbr.abs _section_cstart, $3  }
0xc0: {  	[dreg:$0x1] =	wrdreg $0xFFFFFFFF  }
0xc1: {  	_ =	task.clear_ibuf [dreg:s7], $0x2FFFF;
	_ =	strace $0x9FFFFFFF  }
0xc2: {  	(tm) =	ssettm $0x7FFFFFFF  }
0xc3: {  	_ =	shalt  }
tec
execute0_lowered:
.L_overlay_start_1:
0x0: {  	(tag) =	ssettag $0x1  }
0x1: {  	s1 =	srdreg.scid  }
0x2: {  	s0 =	stileid.u32;
	s5 =	rddreg [dreg:$0x0]  }
0x3: {  	s6 =	rddreg [dreg:$0x1];
	s2 =	simm.s32 $0x0;
	s12 =	simm.s32 $0x1  }
0x4: {  	s13 =	simm.s32 $0xC800;
	s14 =	simm.s32 $0x80;
	s15 =	simm.s32 $0x200  }
0x5: {  	s16 =	simm.s32 $0x5000;
	s17 =	simm.s32 $0x7800;
	s18 =	simm.s32 $0x400  }
0x6: {  	s19 =	simm.s32 $0x2800;
	s20 =	simm.s32 $0x100;
	s21 =	simm.s32 $0x0  }
0x7: {  	s3 =	sand.u32 $0x1, s1;
	s29 =	sshll.u32 s0, $0x1;
	s1 =	rddreg [dreg:$0x2]  }
0x8: {  	s30 =	sshrl.u32 s0, $0x2;
	[smem:$0x7FF] =	sst s2;
	s4 =	sor.u32 s3, s29  }
0x9: {  	s7 =	smul.u32 $0x14000, s30;
	s31 =	ssub.s32 $0x2, s3;
	_ =	strace $0x8000004A  }
0xa: {  	s8 =	sshll.u32 s4, $0x7;
	s4 =	smul.u32 $0xA00, s4;
	s9 =	sshrl.u32 s31, $0x1  }
0xb: {  	s3 =	sadd.s32 $0x3F200, s6;
	s8 =	sand.u32 $0x380, s8;
	s11 =	ssub.s32 s31, s9  }
0xc: {  	s7 =	sor.u32 s7, s8;
	s10 =	sadd.s32 s4, s6;
	s4 =	sadd.s32 $0x20, s5  }
0xd: {  	s5 =	sadd.s32 $0x30, s5;
	s7 =	sshrl.u32 s7, $0x3;
	s8 =	sadd.s32 $0x3200, s10  }
0xe: {  	s9 =	sadd.s32 $0x3210, s10;
	s10 =	smax.u32 s11, $0x1;
	s7 =	sadd.s32 s7, s6  }
0xf: {  	s11 =	simm.s32 $0xA000;
	s6 =	sadd.s32 $0xC1800, s7;
	s7 =	sadd.s32 $0xCB800, s7  }
.LBB2_1:
0x10: {  	[tilespmem:s11], [sflag:$0x1] =	stream.linear.gather [hbm4b:s3+s2], $0x2800, $0x38;
	[tilespmem:$0xF000] =	vst v63  }
0x11: {  	_ =	swait.ge [sflag:s12], $0x2800  }
0x12: {  	[sflag:s12] =	ssyncset.done $0x0  }
0x13: {  	[sflag:s12] =	ssyncadd.s32 $0xFFFFD800  }
0x14: {  	[tilespmem:s13], [sflag:$0x1] =	stream.linear.gather [hbm4b:s3+s2], $0x2800, $0x38;
	[tilespmem:$0xF000] =	vst v63  }
0x15: {  	_ =	swait.ge [sflag:s12], $0x2800  }
0x16: {  	[sflag:s12] =	ssyncset.done $0x0  }
0x17: {  	[sflag:s12] =	ssyncadd.s32 $0xFFFFD800  }
0x18: {  	[tilespmem:s16], [sflag:$0x1] =	stream.strided.gather [hbm4b:s4+s14], $0x2800, s15, s14, $0x38;
	[tilespmem:$0xF000] =	vst v63  }
0x19: {  	_ =	swait.ge [sflag:s12], $0x2800  }
0x1a: {  	[sflag:s12] =	ssyncset.done $0x0  }
0x1b: {  	[sflag:s12] =	ssyncadd.s32 $0xFFFFD800  }
0x1c: {  	[tilespmem:s17], [sflag:$0x1] =	stream.strided.gather [hbm4b:s5+s14], $0x2800, s15, s14, $0x38;
	[tilespmem:$0xF000] =	vst v63  }
0x1d: {  	_ =	swait.ge [sflag:s12], $0x2800  }
0x1e: {  	[sflag:s12] =	ssyncset.done $0x0  }
0x1f: {  	[sflag:s12] =	ssyncadd.s32 $0xFFFFD800  }
0x20: {  	[tilespmem:s2], [sflag:$0x1] =	stream.strided.gather [hbm4b:s6+s14], $0x2800, s18, s14, $0x38;
	[tilespmem:$0xF000] =	vst v63  }
0x21: {  	_ =	swait.ge [sflag:s12], $0x2800  }
0x22: {  	[sflag:s12] =	ssyncset.done $0x0  }
0x23: {  	[sflag:s12] =	ssyncadd.s32 $0xFFFFD800  }
0x24: {  	[tilespmem:s19], [sflag:$0x1] =	stream.strided.gather [hbm4b:s7+s14], $0x2800, s18, s14, $0x38;
	[tilespmem:$0xF000] =	vst v63  }
0x25: {  	_ =	swait.ge [sflag:s12], $0x2800  }
0x26: {  	[sflag:s12] =	ssyncset.done $0x0  }
0x27: {  	s23 =	simm.s32 $0x0;
	[sflag:s12] =	ssyncadd.s32 $0xFFFFD800  }
0x28: {  	s22 =	simm.s32 $0x40;
	v0 =	vld [tilespmem:s23+$0x0]  }
.LBB2_2:
0x29: {  	p0 =	sne.s32 s22, $0x9FC0;
	_ =	sdelay $0x4  }
0x2a: {  	v1 =	vld [tilespmem:s23+$0x2800];
	_ =	sdelay $0x1  }
0x2b: {  	v2 =	vld.idx.msk [tilespmem:v0+s16+$0x0], $0xffff  }
0x2c: {  	v0 =	vld.idx.msk [tilespmem:v0+s17+$0x0], $0xffff;
	_ =	sdelay $0x2  }
.Ltmp0:
0x2d: {  	(pc) =	sbr.rel @p0 .LBB2_2-.Ltmp0, $4  }
0x2e: {  	_ = 	snop  }
0x2f: {  	[tilespmem:v1+s11+$0x0] =	vst.idx.add.f32.msk $0xffff, v2  }
0x30: {  	s23 =	sshra.s32 s22, $0x2;
	[tilespmem:v1+s13+$0x0] =	vst.idx.add.f32.msk $0xffff, v0  }
0x31: {  	s22 =	sadd.s32 $0x40, s22;
	v0 =	vld [tilespmem:s23+$0x0]  }
0x32: {  	_ =	sdelay $0x4  }
0x33: {  	v1 =	vld [tilespmem:s23+$0x2800];
	_ =	sdelay $0x2  }
0x34: {  	v2 =	vld.idx.msk [tilespmem:v0+s16+$0x0], $0xffff  }
0x35: {  	v63 =	vld.idx.msk [tilespmem:v0+s17+$0x0], $0xffff;
	_ =	sdelay $0x3  }
0x36: {  	[tilespmem:v1+s11+$0x0] =	vst.idx.add.f32.msk $0xffff, v2  }
0x37: {  	[tilespmem:v1+s13+$0x0] =	vst.idx.add.f32.msk $0xffff, v63  }
0x38: {  	[hbm4b:s8+s14] =	stream.strided.scatter [tilespmem:s11], [sflag:$0x1], $0x2800, s20, s14, $0x38;
	[tilespmem:$0xF000] =	vst v63  }
0x39: {  	s21 =	sadd.s32 $0x1, s21;
	_ =	swait.ge [sflag:s12], $0x2800  }
0x3a: {  	p0 =	sne.s32 s21, s10;
	[sflag:s12] =	ssyncset.done $0x0  }
.Ltmp1:
0x3b: {  	[sflag:s12] =	ssyncadd.s32 $0xFFFFD800;
	(pc) =	sbr.rel @p0 .LBB2_1-.Ltmp1, $4  }
0x3c: {  	[hbm4b:s9+s14] =	stream.strided.scatter [tilespmem:s13], [sflag:$0x1], $0x2800, s20, s14, $0x38;
	[tilespmem:$0xF000] =	vst v63  }
0x3d: {  	_ =	swait.ge [sflag:s12], $0x2800  }
0x3e: {  	[sflag:s12] =	ssyncset.done $0x0  }
0x3f: {  	[sflag:s12] =	ssyncadd.s32 $0xFFFFD800  }
0x40: {  	_ =	sfence.sel $0x180000  }
0x41: {  	[bflag:$0x0] =	sbarrier.arrive $0xFFFF  }
0x42: {  	p0 =	sne.s32 s0, $0x0;
	_ =	strace $0x9000004A  }
0x43: {  	s0 =	sadd.s32 @!p0 $0x100000, s1;
	[bflag:$0x2] =	sbarrier.arrive $0xFFFF  }
0x44: {  	[sflag:s0] =	ssyncadd.tile.s32 @!p0 $0x1;
	_ =	shalt  }
.Lfunc_end2:
_tile_overlayer_lowered:
.L_overlay_start_2:
0x45: {  	(tag) =	ssettag $0x2  }
0x46: {  	s0 =	rddreg [dreg:$0x0];
	s2 =	stileid.u32  }
0x47: {  	s1 =	rddreg [dreg:$0x1];
	p0 =	sne.s32 s2, $0x0  }
0x48: {  	s3 =	rddreg [dreg:$0x2];
	[bflag:$0x3] =	sbarrier.arrive $0xFFFF;
	s2 =	simm.s32 @!p0 $0x1C01  }
0x49: {  	[timem:s3], [sflag:s2] =	dma.local @!p0 [hbm:s0], s1  }
0x4a: {  	s0 =	simm.s32 @!p0 $0x1  }
0x4b: {  	_ =	swait.ge @!p0 [sflag:s0], s1  }
0x4c: {  	s1 =	ssub.s32 @!p0 $0x0, s1;
	[sflag:s0] =	ssyncset.done @!p0 $0x0  }
0x4d: {  	[sflag:s0] =	ssyncadd.s32 @!p0 s1  }
0x4e: {  	[bflag:$0x3] =	sbarrier.arrive $0xFFFF  }
0x4f: {  	_ =	shalt  }

// kernel: kernel.13.cloned.1.call-start
scs
__scs_entry_jumppad:
0x0: {  	(pc) =	sbr.rel $0x88, $3  }
0x1: {  	(tag) =	ssettag $0x0;
	lr =	simm.s32 $0x1  }
0x2: {  	[smem:$0x3F92] =	sst lr;
	_ =	strace $0xD0000000  }
0x3: {  	_ = 	snop  }
0x4: {  	_ = 	snop  }
0x5: {  	_ = 	snop  }
0x6: {  	_ = 	snop  }
0x7: {  	_ = 	snop  }
__scs_overlays_trampoline_lowered:
0x8: {  	[smem:$0x3FA1] =	sst s0  }
0x9: {  	[smem:$0x3FA2] =	sst s1  }
0xa: {  	[smem:$0x3FA3] =	sst s2  }
0xb: {  	[smem:$0x3FA4] =	sst s3  }
0xc: {  	[smem:$0x3FA5] =	sst s4  }
0xd: {  	[smem:$0x3FA6] =	sst s5  }
0xe: {  	[smem:$0x3FA7] =	sst s6  }
0xf: {  	[smem:$0x3FA8] =	sst s7  }
0x10: {  	[smem:$0x3FA9] =	sst s8  }
0x11: {  	[smem:$0x3FAA] =	sst s9;
	s0 =	simm.s32 @!p0 $0x0  }
0x12: {  	s1 =	sld [smem:$0x3F90];
	s0 =	simm.s32 @p0 $0x1  }
0x13: {  	[smem:$0x3FAB] =	sst s0;
	s0 =	simm.s32 @!p1 $0x0  }
0x14: {  	s2 =	sld [smem:$0x3F8F];
	s0 =	simm.s32 @p1 $0x1  }
0x15: {  	[smem:$0x3FAC] =	sst s0;
	s0 =	simm.s32 @!p2 $0x0  }
0x16: {  	s3 =	sld [smem:$0x3FDB];
	s0 =	simm.s32 @p2 $0x1  }
0x17: {  	s4 =	simm.s32 $0x1BF5;
	[smem:$0x3FAE] =	sst s0  }
0x18: {  	s0 =	sld [smem:$0x3F91];
	_ =	swait.ge [sflag:s4], $0x0  }
0x19: {  	s7 =	sld [smem:$0x3F92]  }
0x1a: {  	s8 =	sadd.s32 $0xFFFFE003, lr  }
0x1b: {  	s9 =	sadd.s32 $0xFFFFFEF7, lr;
	s5 =	simm.s32 $0xFFFFFFFF;
	p2 =	slt.u32 s8, $0xFFFFF086  }
0x1c: {  	p1 =	slt.u32 s9, $0xF7A;
	s5 =	simm.s32 @!p2 $0x0  }
0x1d: {  	s5 =	simm.s32 @p1 $0x1;
	p0 =	seq.s32 s7, s2  }
0x1e: {  	s7 =	smul.u32 @!p0 $0xF7A, s2;
	p2 =	seq.s32 @!p0 s5, $0x0  }
0x1f: {  	s9 =	smul.u32 $0xF7A, s1;
	s8 =	simm.s32 @!p0 $0x1BF5;
	p2 =	por !p2, p0  }
0x20: {  	[sflag:s8] =	ssyncset.s32 @!p0 $0xFFFFF086;
	s6 =	sadd.s32 @!p0 s3, s7;
	s7 =	simm.s32 @!p0 $0x108  }
0x21: {  	s3 =	sadd.s32 s3, s9;
	s6 =	sadd.s32 @!p0 $0x88, s6;
	s7 =	simm.s32 @p2 $0x1082  }
0x22: {  	[simem:s7], [sflag:s8] =	dma.local @!p0 [hbm:s6], $0xF7A  }
0x23: {  	s9 =	sor.u32 $0xD0000000, s2;
	s6 =	simm.s32 $0x108;
	_ =	swait.ge @!p0 [sflag:s8], $0x0  }
0x24: {  	s3 =	sadd.s32 $0x88, s3;
	s6 =	simm.s32 @!p1 $0x1082;
	[sflag:s4] =	ssyncset.s32 $0xFFFFF086  }
0x25: {  	[simem:s6], [sflag:s4] =	dma.local [hbm:s3], $0xF7A  }
0x26: {  	[smem:$0x3F92] =	sst s1;
	(tag) =	ssettag s2;
	_ =	strace s9  }
0x27: {  	s1 =	sld [smem:$0x3FA2]  }
0x28: {  	s2 =	sld [smem:$0x3FA3]  }
0x29: {  	s4 =	sld [smem:$0x3FA5]  }
0x2a: {  	p0 =	seq.s32 s5, $0x0;
	s5 =	sld [smem:$0x3FA6]  }
0x2b: {  	s6 =	sld [smem:$0x3FA7]  }
0x2c: {  	s7 =	sld [smem:$0x3FA8]  }
0x2d: {  	s3 =	simm.s32 $0x108;
	s8 =	sld [smem:$0x3FA9]  }
0x2e: {  	s3 =	simm.s32 @!p0 $0x1082;
	s9 =	sld [smem:$0x3FAA]  }
0x2f: {  	lr =	sadd.s32 s0, s3;
	s0 =	sld [smem:$0x3FA1]  }
0x30: {  	s3 =	sld [smem:$0x3FA4]  }
0x31: {  	[smem:$0x3FAD] =	sst s10  }
0x32: {  	s10 =	sld [smem:$0x3FAB];
	_ =	sdelay $0x3  }
0x33: {  	p0 =	seq.s32 s10, $0x1;
	s10 =	sld [smem:$0x3FAD];
	_ =	sdelay $0x3  }
0x34: {  	[smem:$0x3FAD] =	sst s10  }
0x35: {  	s10 =	sld [smem:$0x3FAC];
	_ =	sdelay $0x3  }
0x36: {  	p1 =	seq.s32 s10, $0x1;
	s10 =	sld [smem:$0x3FAD];
	_ =	sdelay $0x3  }
0x37: {  	[smem:$0x3FAD] =	sst s10  }
0x38: {  	s10 =	sld [smem:$0x3FAE]  }
0x39: {  	_ = 	snop;
	(pc) =	sbr.ind lr, $3  }
0x3a: {  	_ = 	snop  }
0x3b: {  	_ = 	snop  }
0x3c: {  	p2 =	seq.s32 s10, $0x1;
	s10 =	sld [smem:$0x3FAD]  }
0x3d: {  	_ =	shalt  }
0x3e: {  	_ =	shalt  }
0x3f: {  	_ =	shalt  }
0x40: {  	_ =	shalt  }
0x41: {  	_ =	shalt  }
0x42: {  	_ =	shalt  }
0x43: {  	_ =	shalt  }
0x44: {  	_ =	shalt  }
0x45: {  	_ =	shalt  }
0x46: {  	_ =	shalt  }
0x47: {  	_ =	shalt  }
0x48: {  	_ =	shalt  }
0x49: {  	_ =	shalt  }
0x4a: {  	_ =	shalt  }
0x4b: {  	_ =	shalt  }
0x4c: {  	_ =	shalt  }
0x4d: {  	_ =	shalt  }
0x4e: {  	_ =	shalt  }
0x4f: {  	_ =	shalt  }
0x50: {  	_ =	shalt  }
0x51: {  	_ =	shalt  }
0x52: {  	_ =	shalt  }
0x53: {  	_ =	shalt  }
0x54: {  	_ =	shalt  }
0x55: {  	_ =	shalt  }
0x56: {  	_ =	shalt  }
0x57: {  	_ =	shalt  }
0x58: {  	_ =	shalt  }
0x59: {  	_ =	shalt  }
0x5a: {  	_ =	shalt  }
0x5b: {  	_ =	shalt  }
0x5c: {  	_ =	shalt  }
0x5d: {  	_ =	shalt  }
0x5e: {  	_ =	shalt  }
0x5f: {  	_ =	shalt  }
0x60: {  	_ =	shalt  }
0x61: {  	_ =	shalt  }
0x62: {  	_ =	shalt  }
0x63: {  	_ =	shalt  }
0x64: {  	_ =	shalt  }
0x65: {  	_ =	shalt  }
0x66: {  	_ =	shalt  }
0x67: {  	_ =	shalt  }
0x68: {  	_ =	shalt  }
0x69: {  	_ =	shalt  }
0x6a: {  	_ =	shalt  }
0x6b: {  	_ =	shalt  }
0x6c: {  	_ =	shalt  }
0x6d: {  	_ =	shalt  }
0x6e: {  	_ =	shalt  }
0x6f: {  	_ =	shalt  }
0x70: {  	_ =	shalt  }
0x71: {  	_ =	shalt  }
0x72: {  	_ =	shalt  }
0x73: {  	_ =	shalt  }
0x74: {  	_ =	shalt  }
0x75: {  	_ =	shalt  }
0x76: {  	_ =	shalt  }
0x77: {  	_ =	shalt  }
0x78: {  	_ =	shalt  }
0x79: {  	_ =	shalt  }
0x7a: {  	_ =	shalt  }
0x7b: {  	_ =	shalt  }
0x7c: {  	_ =	shalt  }
0x7d: {  	_ =	shalt  }
0x7e: {  	_ =	shalt  }
0x7f: {  	_ =	shalt  }
0x80: {  	_ =	shalt  }
0x81: {  	_ =	shalt  }
0x82: {  	_ =	shalt  }
0x83: {  	_ =	shalt  }
0x84: {  	_ =	shalt  }
0x85: {  	_ =	shalt  }
0x86: {  	_ =	shalt  }
0x87: {  	_ =	shalt  }
.Lfunc_end0:
.L_simem_size_0:
called_computation.2_lowered:
.L_overlay_start_0:
0x88: {  	s2 =	sld [smem:$0x3FD9]  }
0x89: {  	s3 =	sld [smem:$0x3FFE];
	_ =	sdelay $0x1  }
0x8a: {  	s1 =	srdreg.scid  }
0x8b: {  	s0 =	sand.u32 $0x1, s1  }
0x8c: {  	s17 =	sshll.u32 s0, $0xA;
	s2 =	sadd.s32 s3, s2  }
0x8d: {  	s2 =	sadd.s32 s2, s17  }
0x8e: {  	[smem:$0x3FB9] =	sst s2  }
0x8f: {  	_ = 	snop  }
0x90: {  	s2 =	sld [smem:$0x3FD0];
	(tm) =	ssettm $0x1  }
0x91: {  	s18 =	sld [smem:$0x3FFB];
	_ =	sdelay $0x3  }
0x92: {  	_ =	strace s18  }
0x93: {  	s3 =	sld [smem:$0x3FFC];
	_ =	sdelay $0x3  }
0x94: {  	_ =	strace s3  }
0x95: {  	s3 =	sld [smem:$0x3FFD];
	_ =	sdelay $0x3  }
0x96: {  	_ =	strace s3  }
0x97: {  	_ =	strace $0x8FFFFFFF  }
0x98: {  	s19 =	sld [smem:$0x3FDB];
	_ =	sdelay $0x1  }
0x99: {  	s4 =	simm.s32 $_scs_section_size  }
0x9a: {  	s5 =	simm.s32 $_size__tile_overlayer_lowered;
	s6 =	simm.s32 $_tile_overlayer_lowered  }
0x9b: {  	s22 =	simm.s32 $0x1BFF;
	s21 =	sshll.u32 s6, $0x1;
	s3 =	sadd.s32 s4, s19  }
0x9c: {  	s7 =	simm.s32 $0x0;
	s20 =	sshll.u32 s5, $0x1;
	s5 =	sadd.s32 s21, s3  }
0x9d: {  	[timem:s7], [sflag:s22] =	dma.local [hbm:s5], s20  }
0x9e: {  	_ =	swait.ge [sflag:s22], s20  }
0x9f: {  	s4 =	ssub.s32 $0x0, s20;
	[sflag:s22] =	ssyncset.done $0x0  }
0xa0: {  	[sflag:s22] =	ssyncadd.s32 s4;
	_ =	sdelay $0x1  }
0xa1: {  	s23 =	simm.s32 $0x1B8B  }
0xa2: {  	_ =	swait.ge [sflag:s23], $0x1  }
0xa3: {  	[sflag:s23] =	ssyncset.done $0x0  }
0xa4: {  	s25 =	simm.s32 $0x1B8E;
	s24 =	sld [smem:$0x3FFE];
	[sflag:s23] =	ssyncadd.s32 $0xFFFFFFFF  }
0xa5: {  	s26 =	simm.s32 $execute0_lowered;
	[smem:$0x3FD2] =	sst s25  }
0xa6: {  	s5 =	sshll.u32 s26, $0x1;
	_ =	strace $0x8000004C;
	[dreg:$0x1] =	wrdreg $0xFFFFFFFF  }
0xa7: {  	s28 =	simm.s32 $_size_execute0_lowered;
	s3 =	sadd.s32 s3, s5;
	[dreg:$0x0] =	wrdreg $0x0  }
0xa8: {  	s5 =	sshll.u32 s28, $0x1;
	[dreg:$0x2] =	wrdreg s3  }
0xa9: {  	[dreg:$0x3] =	wrdreg s5  }
0xaa: {  	[dreg:$0x4] =	wrdreg $0xC0  }
0xab: {  	_ =	task [dreg:s7], $0x5FFFF  }
0xac: {  	[dreg:$0x1] =	wrdreg $0xFFFFFFFF  }
0xad: {  	[dreg:$0x0] =	wrdreg $0x60  }
0xae: {  	[dreg:$0x2] =	wrdreg s2  }
0xaf: {  	[dreg:$0x3] =	wrdreg s24  }
0xb0: {  	[dreg:$0x4] =	wrdreg $0x9  }
0xb1: {  	_ =	task.clear_ibuf [dreg:s7], $0x5FFFF;
	_ =	strace $0x9000004C  }
0xb2: {  	s29 =	simm.s32 $0x9;
	_ =	strace $0x8000004E  }
0xb3: {  	_ =	swait.ge [sflag:s29], $0x1  }
0xb4: {  	[sflag:s29] =	ssyncadd.s32 $0xFFFFFFFF  }
0xb5: {  	_ =	strace $0x9000004E  }
0xb6: {  	_ =	sfence  }
0xb7: {  	s30 =	sld [smem:$0x0];
	_ =	sdelay $0x2  }
0xb8: {  	s31 =	sshll.u32 s1, $0xD;
	s1 =	sshrl.u32 s1, $0x2  }
0xb9: {  	s3 =	sand.u32 $0x4000, s31;
	s1 =	sadd.s32 s1, s30  }
0xba: {  	s0 =	sor.u32 s3, s0;
	s1 =	sshll.u32 s1, $0x11  }
0xbb: {  	s0 =	sor.u32 s1, s0  }
0xbc: {  	s0 =	sadd.s32 $0x8F2B, s0  }
0xbd: {  	[sflag:s0] =	ssyncadd.remote.s32 $0x1  }
0xbe: {  	_ =	sfence.sel $0xFFFF  }
0xbf: {  	[dreg:$0x0] =	wrdreg $0xFFFFFFFF;
	(pc) =	sbr.abs _section_cstart, $3  }
0xc0: {  	[dreg:$0x1] =	wrdreg $0xFFFFFFFF  }
0xc1: {  	_ =	task.clear_ibuf [dreg:s7], $0x2FFFF;
	_ =	strace $0x9FFFFFFF  }
0xc2: {  	(tm) =	ssettm $0x7FFFFFFF  }
0xc3: {  	_ =	shalt  }
tec
execute0_lowered:
.L_overlay_start_1:
0x0: {  	(tag) =	ssettag $0x1  }
0x1: {  	s1 =	srdreg.scid;
	s2 =	rddreg [dreg:$0x0]  }
0x2: {  	s0 =	stileid.u32;
	s6 =	rddreg [dreg:$0x1]  }
0x3: {  	s3 =	simm.s32 $0x0;
	s10 =	simm.s32 $0x100;
	s11 =	simm.s32 $0x1  }
0x4: {  	s12 =	simm.s32 $0x2800;
	s13 =	simm.s32 $0x400;
	s14 =	simm.s32 $0x5000  }
0x5: {  	s15 =	simm.s32 $0x5C80;
	s16 =	simm.s32 $0x6900;
	s17 =	simm.s32 $0x0  }
0x6: {  	s4 =	sand.u32 $0x1, s1;
	s28 =	sshll.u32 s0, $0x1;
	s1 =	rddreg [dreg:$0x2]  }
0x7: {  	s29 =	sshrl.u32 s0, $0x2;
	[smem:$0x7FF] =	sst s3;
	s5 =	sor.u32 s4, s28  }
0x8: {  	s7 =	smul.u32 $0x6400, s29;
	s4 =	ssub.s32 $0x2, s4;
	s8 =	sshll.u32 s5, $0x7  }
0x9: {  	s5 =	smul.u32 $0x188, s5;
	s31 =	sshrl.u32 s4, $0x1;
	s8 =	sand.u32 $0x380, s8  }
0xa: {  	_ =	strace $0x8000004D;
	s9 =	ssub.s32 s4, s31;
	s7 =	sor.u32 s7, s8  }
0xb: {  	s4 =	sadd.s32 $0x10, s2;
	s30 =	sadd.s32 s5, s6;
	s7 =	sshrl.u32 s7, $0x3  }
0xc: {  	s8 =	smax.u32 s9, $0x1;
	s9 =	simm.s32 $0x80;
	s7 =	sadd.s32 s7, s6  }
0xd: {  	s5 =	sadd.s32 $0x17400, s7;
	s6 =	sadd.s32 $0x1A600, s7;
	s7 =	sadd.s32 $0x3200, s30  }
.LBB2_1:
0xe: {  	[tilespmem:s3], [sflag:$0x1] =	stream.strided.gather [hbm4b:s2+s9], $0x2800, s10, s9, $0x38;
	[tilespmem:$0x7580] =	vst v63  }
0xf: {  	_ =	swait.ge [sflag:s11], $0x2800  }
0x10: {  	[sflag:s11] =	ssyncset.done $0x0  }
0x11: {  	[sflag:s11] =	ssyncadd.s32 $0xFFFFD800  }
0x12: {  	[tilespmem:s12], [sflag:$0x1] =	stream.strided.gather [hbm4b:s4+s9], $0x2800, s10, s9, $0x38;
	[tilespmem:$0x7580] =	vst v63  }
0x13: {  	_ =	swait.ge [sflag:s11], $0x2800  }
0x14: {  	[sflag:s11] =	ssyncset.done $0x0  }
0x15: {  	[sflag:s11] =	ssyncadd.s32 $0xFFFFD800  }
0x16: {  	[tilespmem:s14], [sflag:$0x1] =	stream.strided.gather [hbm4b:s5+s9], $0xC80, s13, s9, $0x38;
	[tilespmem:$0x7580] =	vst v63  }
0x17: {  	_ =	swait.ge [sflag:s11], $0xC80  }
0x18: {  	[sflag:s11] =	ssyncset.done $0x0  }
0x19: {  	[sflag:s11] =	ssyncadd.s32 $0xFFFFF380  }
0x1a: {  	[tilespmem:s15], [sflag:$0x1] =	stream.strided.gather [hbm4b:s6+s9], $0xC80, s13, s9, $0x38;
	[tilespmem:$0x7580] =	vst v63  }
0x1b: {  	_ =	swait.ge [sflag:s11], $0xC80  }
0x1c: {  	[sflag:s11] =	ssyncset.done $0x0  }
0x1d: {  	s18 =	simm.s32 $0x0;
	[sflag:s11] =	ssyncadd.s32 $0xFFFFF380  }
0x1e: {  	v0 =	vld [tilespmem:s18+$0x5C80]  }
0x1f: {  	v1 =	vld [tilespmem:s18+$0x5000];
	_ =	sdelay $0x6  }
0x20: {  	v0 =	vld.idx.msk [tilespmem:v0+s12+$0x0], $0xffff  }
0x21: {  	s19 =	simm.s32 $0x10;
	v2 =	vld.idx.msk [tilespmem:v1+s3+$0x0], $0xffff  }
0x22: {  	s20 =	simm.s32 $0x80;
	v1 =	vld [tilespmem:s19+$0x5C80]  }
.LBB2_2:
0x23: {  	p0 =	sne.s32 s20, $0x30C0;
	v3 =	vld [tilespmem:s19+$0x5000];
	_ =	sdelay $0x3  }
0x24: {  	v0 =	vadd.f32 v0, v2  }
.Ltmp0:
0x25: {  	(pc) =	sbr.rel @p0 .LBB2_2-.Ltmp0, $4  }
0x26: {  	[tilespmem:s18+$0x6900] =	vst v0;
	s18 =	smov.u32 s19  }
0x27: {  	v0 =	vld.idx.msk [tilespmem:v1+s12+$0x0], $0xffff  }
0x28: {  	s19 =	sshra.s32 s20, $0x2;
	v2 =	vld.idx.msk [tilespmem:v3+s3+$0x0], $0xffff  }
0x29: {  	s20 =	sadd.s32 $0x40, s20;
	v1 =	vld [tilespmem:s19+$0x5C80]  }
0x2a: {  	_ = 	snop  }
0x2b: {  	v3 =	vld [tilespmem:s19+$0x5000];
	_ =	sdelay $0x3  }
0x2c: {  	v0 =	vadd.f32 v0, v2;
	_ =	sdelay $0x1  }
0x2d: {  	[tilespmem:s18+$0x6900] =	vst v0  }
0x2e: {  	v0 =	vld.idx.msk [tilespmem:v1+s12+$0x0], $0xffff  }
0x2f: {  	v63 =	vld.idx.msk [tilespmem:v3+s3+$0x0], $0xffff;
	_ =	sdelay $0x4  }
0x30: {  	s17 =	sadd.s32 $0x1, s17;
	v0 =	vadd.f32 v0, v63  }
0x31: {  	p0 =	sne.s32 s17, s8  }
.Ltmp1:
0x32: {  	[tilespmem:s19+$0x6900] =	vst v0;
	(pc) =	sbr.rel @p0 .LBB2_1-.Ltmp1, $4  }
0x33: {  	[hbm4b:s7+s3] =	stream.linear.scatter [tilespmem:s16], [sflag:$0x1], $0xC40, $0x38;
	[tilespmem:$0x7580] =	vst v63  }
0x34: {  	_ =	swait.ge [sflag:s11], $0xC40  }
0x35: {  	[sflag:s11] =	ssyncset.done $0x0  }
0x36: {  	[sflag:s11] =	ssyncadd.s32 $0xFFFFF3C0  }
0x37: {  	_ =	sfence.sel $0x180000  }
0x38: {  	[bflag:$0x0] =	sbarrier.arrive $0xFFFF  }
0x39: {  	p0 =	sne.s32 s0, $0x0;
	_ =	strace $0x9000004D  }
0x3a: {  	s0 =	sadd.s32 @!p0 $0x100000, s1;
	[bflag:$0x2] =	sbarrier.arrive $0xFFFF  }
0x3b: {  	[sflag:s0] =	ssyncadd.tile.s32 @!p0 $0x1;
	_ =	shalt  }
.Lfunc_end2:
_tile_overlayer_lowered:
.L_overlay_start_2:
0x3c: {  	(tag) =	ssettag $0x2  }
0x3d: {  	s0 =	rddreg [dreg:$0x0];
	s2 =	stileid.u32  }
0x3e: {  	s1 =	rddreg [dreg:$0x1];
	p0 =	sne.s32 s2, $0x0  }
0x3f: {  	s3 =	rddreg [dreg:$0x2];
	[bflag:$0x3] =	sbarrier.arrive $0xFFFF;
	s2 =	simm.s32 @!p0 $0x1C01  }
0x40: {  	[timem:s3], [sflag:s2] =	dma.local @!p0 [hbm:s0], s1  }
0x41: {  	s0 =	simm.s32 @!p0 $0x1  }
0x42: {  	_ =	swait.ge @!p0 [sflag:s0], s1  }
0x43: {  	s1 =	ssub.s32 @!p0 $0x0, s1;
	[sflag:s0] =	ssyncset.done @!p0 $0x0  }
0x44: {  	[sflag:s0] =	ssyncadd.s32 @!p0 s1  }
0x45: {  	[bflag:$0x3] =	sbarrier.arrive $0xFFFF  }
0x46: {  	_ =	shalt  }

// kernel: kernel.7.cloned.1.call-start
scs
__scs_entry_jumppad:
0x0: {  	(pc) =	sbr.rel $0x88, $3  }
0x1: {  	(tag) =	ssettag $0x0;
	lr =	simm.s32 $0x1  }
0x2: {  	[smem:$0x3F92] =	sst lr;
	_ =	strace $0xD0000000  }
0x3: {  	_ = 	snop  }
0x4: {  	_ = 	snop  }
0x5: {  	_ = 	snop  }
0x6: {  	_ = 	snop  }
0x7: {  	_ = 	snop  }
__scs_overlays_trampoline_lowered:
0x8: {  	[smem:$0x3FA1] =	sst s0  }
0x9: {  	[smem:$0x3FA2] =	sst s1  }
0xa: {  	[smem:$0x3FA3] =	sst s2  }
0xb: {  	[smem:$0x3FA4] =	sst s3  }
0xc: {  	[smem:$0x3FA5] =	sst s4  }
0xd: {  	[smem:$0x3FA6] =	sst s5  }
0xe: {  	[smem:$0x3FA7] =	sst s6  }
0xf: {  	[smem:$0x3FA8] =	sst s7  }
0x10: {  	[smem:$0x3FA9] =	sst s8  }
0x11: {  	[smem:$0x3FAA] =	sst s9;
	s0 =	simm.s32 @!p0 $0x0  }
0x12: {  	s1 =	sld [smem:$0x3F90];
	s0 =	simm.s32 @p0 $0x1  }
0x13: {  	[smem:$0x3FAB] =	sst s0;
	s0 =	simm.s32 @!p1 $0x0  }
0x14: {  	s2 =	sld [smem:$0x3F8F];
	s0 =	simm.s32 @p1 $0x1  }
0x15: {  	[smem:$0x3FAC] =	sst s0;
	s0 =	simm.s32 @!p2 $0x0  }
0x16: {  	s3 =	sld [smem:$0x3FDB];
	s0 =	simm.s32 @p2 $0x1  }
0x17: {  	s4 =	simm.s32 $0x1BF5;
	[smem:$0x3FAE] =	sst s0  }
0x18: {  	s0 =	sld [smem:$0x3F91];
	_ =	swait.ge [sflag:s4], $0x0  }
0x19: {  	s7 =	sld [smem:$0x3F92]  }
0x1a: {  	s8 =	sadd.s32 $0xFFFFE003, lr  }
0x1b: {  	s9 =	sadd.s32 $0xFFFFFEF7, lr;
	s5 =	simm.s32 $0xFFFFFFFF;
	p2 =	slt.u32 s8, $0xFFFFF086  }
0x1c: {  	p1 =	slt.u32 s9, $0xF7A;
	s5 =	simm.s32 @!p2 $0x0  }
0x1d: {  	s5 =	simm.s32 @p1 $0x1;
	p0 =	seq.s32 s7, s2  }
0x1e: {  	s7 =	smul.u32 @!p0 $0xF7A, s2;
	p2 =	seq.s32 @!p0 s5, $0x0  }
0x1f: {  	s9 =	smul.u32 $0xF7A, s1;
	s8 =	simm.s32 @!p0 $0x1BF5;
	p2 =	por !p2, p0  }
0x20: {  	[sflag:s8] =	ssyncset.s32 @!p0 $0xFFFFF086;
	s6 =	sadd.s32 @!p0 s3, s7;
	s7 =	simm.s32 @!p0 $0x108  }
0x21: {  	s3 =	sadd.s32 s3, s9;
	s6 =	sadd.s32 @!p0 $0x88, s6;
	s7 =	simm.s32 @p2 $0x1082  }
0x22: {  	[simem:s7], [sflag:s8] =	dma.local @!p0 [hbm:s6], $0xF7A  }
0x23: {  	s9 =	sor.u32 $0xD0000000, s2;
	s6 =	simm.s32 $0x108;
	_ =	swait.ge @!p0 [sflag:s8], $0x0  }
0x24: {  	s3 =	sadd.s32 $0x88, s3;
	s6 =	simm.s32 @!p1 $0x1082;
	[sflag:s4] =	ssyncset.s32 $0xFFFFF086  }
0x25: {  	[simem:s6], [sflag:s4] =	dma.local [hbm:s3], $0xF7A  }
0x26: {  	[smem:$0x3F92] =	sst s1;
	(tag) =	ssettag s2;
	_ =	strace s9  }
0x27: {  	s1 =	sld [smem:$0x3FA2]  }
0x28: {  	s2 =	sld [smem:$0x3FA3]  }
0x29: {  	s4 =	sld [smem:$0x3FA5]  }
0x2a: {  	p0 =	seq.s32 s5, $0x0;
	s5 =	sld [smem:$0x3FA6]  }
0x2b: {  	s6 =	sld [smem:$0x3FA7]  }
0x2c: {  	s7 =	sld [smem:$0x3FA8]  }
0x2d: {  	s3 =	simm.s32 $0x108;
	s8 =	sld [smem:$0x3FA9]  }
0x2e: {  	s3 =	simm.s32 @!p0 $0x1082;
	s9 =	sld [smem:$0x3FAA]  }
0x2f: {  	lr =	sadd.s32 s0, s3;
	s0 =	sld [smem:$0x3FA1]  }
0x30: {  	s3 =	sld [smem:$0x3FA4]  }
0x31: {  	[smem:$0x3FAD] =	sst s10  }
0x32: {  	s10 =	sld [smem:$0x3FAB];
	_ =	sdelay $0x3  }
0x33: {  	p0 =	seq.s32 s10, $0x1;
	s10 =	sld [smem:$0x3FAD];
	_ =	sdelay $0x3  }
0x34: {  	[smem:$0x3FAD] =	sst s10  }
0x35: {  	s10 =	sld [smem:$0x3FAC];
	_ =	sdelay $0x3  }
0x36: {  	p1 =	seq.s32 s10, $0x1;
	s10 =	sld [smem:$0x3FAD];
	_ =	sdelay $0x3  }
0x37: {  	[smem:$0x3FAD] =	sst s10  }
0x38: {  	s10 =	sld [smem:$0x3FAE]  }
0x39: {  	_ = 	snop;
	(pc) =	sbr.ind lr, $3  }
0x3a: {  	_ = 	snop  }
0x3b: {  	_ = 	snop  }
0x3c: {  	p2 =	seq.s32 s10, $0x1;
	s10 =	sld [smem:$0x3FAD]  }
0x3d: {  	_ =	shalt  }
0x3e: {  	_ =	shalt  }
0x3f: {  	_ =	shalt  }
0x40: {  	_ =	shalt  }
0x41: {  	_ =	shalt  }
0x42: {  	_ =	shalt  }
0x43: {  	_ =	shalt  }
0x44: {  	_ =	shalt  }
0x45: {  	_ =	shalt  }
0x46: {  	_ =	shalt  }
0x47: {  	_ =	shalt  }
0x48: {  	_ =	shalt  }
0x49: {  	_ =	shalt  }
0x4a: {  	_ =	shalt  }
0x4b: {  	_ =	shalt  }
0x4c: {  	_ =	shalt  }
0x4d: {  	_ =	shalt  }
0x4e: {  	_ =	shalt  }
0x4f: {  	_ =	shalt  }
0x50: {  	_ =	shalt  }
0x51: {  	_ =	shalt  }
0x52: {  	_ =	shalt  }
0x53: {  	_ =	shalt  }
0x54: {  	_ =	shalt  }
0x55: {  	_ =	shalt  }
0x56: {  	_ =	shalt  }
0x57: {  	_ =	shalt  }
0x58: {  	_ =	shalt  }
0x59: {  	_ =	shalt  }
0x5a: {  	_ =	shalt  }
0x5b: {  	_ =	shalt  }
0x5c: {  	_ =	shalt  }
0x5d: {  	_ =	shalt  }
0x5e: {  	_ =	shalt  }
0x5f: {  	_ =	shalt  }
0x60: {  	_ =	shalt  }
0x61: {  	_ =	shalt  }
0x62: {  	_ =	shalt  }
0x63: {  	_ =	shalt  }
0x64: {  	_ =	shalt  }
0x65: {  	_ =	shalt  }
0x66: {  	_ =	shalt  }
0x67: {  	_ =	shalt  }
0x68: {  	_ =	shalt  }
0x69: {  	_ =	shalt  }
0x6a: {  	_ =	shalt  }
0x6b: {  	_ =	shalt  }
0x6c: {  	_ =	shalt  }
0x6d: {  	_ =	shalt  }
0x6e: {  	_ =	shalt  }
0x6f: {  	_ =	shalt  }
0x70: {  	_ =	shalt  }
0x71: {  	_ =	shalt  }
0x72: {  	_ =	shalt  }
0x73: {  	_ =	shalt  }
0x74: {  	_ =	shalt  }
0x75: {  	_ =	shalt  }
0x76: {  	_ =	shalt  }
0x77: {  	_ =	shalt  }
0x78: {  	_ =	shalt  }
0x79: {  	_ =	shalt  }
0x7a: {  	_ =	shalt  }
0x7b: {  	_ =	shalt  }
0x7c: {  	_ =	shalt  }
0x7d: {  	_ =	shalt  }
0x7e: {  	_ =	shalt  }
0x7f: {  	_ =	shalt  }
0x80: {  	_ =	shalt  }
0x81: {  	_ =	shalt  }
0x82: {  	_ =	shalt  }
0x83: {  	_ =	shalt  }
0x84: {  	_ =	shalt  }
0x85: {  	_ =	shalt  }
0x86: {  	_ =	shalt  }
0x87: {  	_ =	shalt  }
.Lfunc_end0:
.L_simem_size_0:
called_computation_lowered:
.L_overlay_start_0:
0x88: {  	s2 =	sld [smem:$0x3FD9]  }
0x89: {  	s3 =	sld [smem:$0x3FFE];
	_ =	sdelay $0x1  }
0x8a: {  	s1 =	srdreg.scid  }
0x8b: {  	s0 =	sand.u32 $0x1, s1  }
0x8c: {  	s16 =	sshll.u32 s0, $0xA;
	s2 =	sadd.s32 s3, s2  }
0x8d: {  	s2 =	sadd.s32 s2, s16  }
0x8e: {  	[smem:$0x3FB9] =	sst s2  }
0x8f: {  	_ = 	snop  }
0x90: {  	(tm) =	ssettm $0x1  }
0x91: {  	s17 =	sld [smem:$0x3FFB];
	_ =	sdelay $0x3  }
0x92: {  	_ =	strace s17  }
0x93: {  	s2 =	sld [smem:$0x3FFC];
	_ =	sdelay $0x3  }
0x94: {  	_ =	strace s2  }
0x95: {  	s2 =	sld [smem:$0x3FFD];
	_ =	sdelay $0x3  }
0x96: {  	_ =	strace s2  }
0x97: {  	_ =	strace $0x8FFFFFFF  }
0x98: {  	s18 =	sld [smem:$0x3FDB];
	_ =	sdelay $0x1  }
0x99: {  	s19 =	simm.s32 $_scs_section_size  }
0x9a: {  	s4 =	simm.s32 $_size__tile_overlayer_lowered;
	s5 =	simm.s32 $_tile_overlayer_lowered  }
0x9b: {  	s22 =	simm.s32 $0x1BFF;
	s21 =	sshll.u32 s5, $0x1;
	s2 =	sadd.s32 s19, s18  }
0x9c: {  	s6 =	simm.s32 $0x0;
	s20 =	sshll.u32 s4, $0x1;
	s4 =	sadd.s32 s21, s2  }
0x9d: {  	[timem:s6], [sflag:s22] =	dma.local [hbm:s4], s20  }
0x9e: {  	_ =	swait.ge [sflag:s22], s20  }
0x9f: {  	s3 =	ssub.s32 $0x0, s20;
	[sflag:s22] =	ssyncset.done $0x0  }
0xa0: {  	[sflag:s22] =	ssyncadd.s32 s3;
	_ =	sdelay $0x1  }
0xa1: {  	s23 =	simm.s32 $0x1B8B  }
0xa2: {  	_ =	swait.ge [sflag:s23], $0x1  }
0xa3: {  	[sflag:s23] =	ssyncset.done $0x0  }
0xa4: {  	s25 =	simm.s32 $0x1B8E;
	s24 =	sld [smem:$0x3FFE];
	[sflag:s23] =	ssyncadd.s32 $0xFFFFFFFF  }
0xa5: {  	s26 =	simm.s32 $execute0_lowered;
	[smem:$0x3FD2] =	sst s25  }
0xa6: {  	s4 =	sshll.u32 s26, $0x1;
	_ =	strace $0x80000046;
	[dreg:$0x1] =	wrdreg $0xFFFFFFFF  }
0xa7: {  	s28 =	simm.s32 $_size_execute0_lowered;
	s2 =	sadd.s32 s2, s4;
	[dreg:$0x0] =	wrdreg $0x0  }
0xa8: {  	s4 =	sshll.u32 s28, $0x1;
	[dreg:$0x2] =	wrdreg s2  }
0xa9: {  	[dreg:$0x3] =	wrdreg s4  }
0xaa: {  	[dreg:$0x4] =	wrdreg $0xC0  }
0xab: {  	_ =	task [dreg:s6], $0x5FFFF  }
0xac: {  	[dreg:$0x1] =	wrdreg $0xFFFFFFFF  }
0xad: {  	[dreg:$0x0] =	wrdreg $0x60  }
0xae: {  	[dreg:$0x2] =	wrdreg s24  }
0xaf: {  	[dreg:$0x3] =	wrdreg $0xAC000  }
0xb0: {  	[dreg:$0x4] =	wrdreg $0x9  }
0xb1: {  	_ =	task.clear_ibuf [dreg:s6], $0x5FFFF;
	_ =	strace $0x90000046  }
0xb2: {  	s29 =	simm.s32 $0x9;
	_ =	strace $0x80000048  }
0xb3: {  	_ =	swait.ge [sflag:s29], $0x1  }
0xb4: {  	[sflag:s29] =	ssyncadd.s32 $0xFFFFFFFF  }
0xb5: {  	_ =	strace $0x90000048  }
0xb6: {  	_ =	sfence  }
0xb7: {  	s30 =	sld [smem:$0x0];
	_ =	sdelay $0x2  }
0xb8: {  	s31 =	sshll.u32 s1, $0xD;
	s1 =	sshrl.u32 s1, $0x2  }
0xb9: {  	s3 =	sand.u32 $0x4000, s31;
	s1 =	sadd.s32 s1, s30  }
0xba: {  	s0 =	sor.u32 s3, s0;
	s1 =	sshll.u32 s1, $0x11  }
0xbb: {  	s0 =	sor.u32 s1, s0  }
0xbc: {  	s0 =	sadd.s32 $0x8F2B, s0  }
0xbd: {  	[sflag:s0] =	ssyncadd.remote.s32 $0x1  }
0xbe: {  	_ =	sfence.sel $0xFFFF  }
0xbf: {  	[dreg:$0x0] =	wrdreg $0xFFFFFFFF;
	(pc) =	sbr.abs _section_cstart, $3  }
0xc0: {  	[dreg:$0x1] =	wrdreg $0xFFFFFFFF  }
0xc1: {  	_ =	task.clear_ibuf [dreg:s6], $0x2FFFF;
	_ =	strace $0x9FFFFFFF  }
0xc2: {  	(tm) =	ssettm $0x7FFFFFFF  }
0xc3: {  	_ =	shalt  }
tec
execute0_lowered:
.L_overlay_start_1:
0x0: {  	(tag) =	ssettag $0x1  }
0x1: {  	s0 =	rddreg [dreg:$0x0]  }
0x2: {  	s2 =	rddreg [dreg:$0x1]  }
0x3: {  	s3 =	simm.s32 $0x0;
	s15 =	stileid.u32;
	s5 =	srdreg.scid  }
0x4: {  	s30 =	simm.s32 $0x8400;
	[smem:$0x7FF] =	sst s3;
	s1 =	smul.u32 $0x14000, s15  }
0x5: {  	s6 =	sadd.s32 $0x2B200, s0;
	s7 =	sadd.s32 $0x35200, s0;
	s22 =	smul.u32 $0x500, s15  }
0x6: {  	s18 =	sand.u32 $0x1, s5;
	s9 =	sshrl.u32 s15, $0x2;
	s14 =	smul.u32 $0x2800, s15  }
0x7: {  	s10 =	sshll.u32 s15, $0x8;
	_ =	strace $0x80000047;
	s5 =	smul.u32 $0x140000, s18  }
0x8: {  	s9 =	smul.u32 $0x14000, s9;
	s11 =	sshll.u32 s18, $0x7;
	s10 =	sand.u32 $0x300, s10  }
0x9: {  	s20 =	ssub.s32 $0x2, s18;
	p0 =	seq.s32 s18, $0x1;
	s4 =	sshrl.u32 s1, $0x3  }
0xa: {  	s19 =	sor.u32 s11, s10;
	s21 =	sshrl.u32 s20, $0x1;
	s23 =	sor.u32 $0x10, s22  }
0xb: {  	s24 =	sor.u32 $0x20, s22;
	s25 =	sor.u32 $0x30, s22;
	s29 =	sadd.s32 $0x5000, s22  }
0xc: {  	s31 =	sshrl.u32 s14, $0x3;
	s8 =	sadd.s32 s4, s0;
	s1 =	sadd.s32 s1, s5  }
0xd: {  	s5 =	sor.u32 s9, s19;
	s9 =	ssub.s32 s20, s21;
	s4 =	sadd.s32 s6, s22  }
0xe: {  	s13 =	sadd.s32 s6, s23;
	s10 =	sadd.s32 s7, s23;
	s16 =	sadd.s32 s6, s24  }
0xf: {  	s26 =	sadd.s32 s6, s25;
	s28 =	sadd.s32 s7, s25;
	[dreg:$0x3] =	wrdreg s13  }
0x10: {  	s14 =	sadd.s32 s6, s29;
	s18 =	sadd.s32 $0x5020, s31;
	[dreg:$0x4] =	wrdreg s10  }
0x11: {  	s20 =	sadd.s32 $0x5030, s31;
	s25 =	sshll.u32 s15, $0x6;
	[dreg:$0x5] =	wrdreg s16  }
0x12: {  	s1 =	sshrl.u32 s1, $0x3;
	s12 =	sshrl.u32 s5, $0x3;
	[dreg:$0x7] =	wrdreg s26  }
0x13: {  	s5 =	sadd.s32 s7, s22;
	s10 =	sadd.s32 s7, s24;
	[dreg:$0x8] =	wrdreg s28  }
0x14: {  	[dreg:$0x9] =	wrdreg s14;
	s16 =	sadd.s32 $0x5010, s31;
	s19 =	sadd.s32 s6, s18  }
0x15: {  	s21 =	sadd.s32 s7, s20;
	s22 =	smul.u32 $0x50000, s15;
	s26 =	sadd.s32 $0x3F800, s8  }
0x16: {  	s11 =	sor.u32 $0x1C0D, s25;
	s31 =	smax.u32 s9, $0x1;
	[dreg:$0x6] =	wrdreg s10  }
0x17: {  	s8 =	simm.s32 $0x180;
	s9 =	simm.s32 $0x380;
	[dreg:$0xd] =	wrdreg s19  }
0x18: {  	s13 =	simm.s32 $0x6;
	s14 =	simm.s32 $0xA;
	[dreg:$0x10] =	wrdreg s21  }
0x19: {  	s15 =	simm.s32 $0x4400;
	s25 =	simm.s32 $0xC;
	[dreg:$0x13] =	wrdreg s26  }
0x1a: {  	s10 =	sadd.s32 s7, s29;
	s17 =	sadd.s32 s6, s16;
	[dreg:$0x17] =	wrdreg s31  }
0x1b: {  	s6 =	sadd.s32 s6, s20;
	s1 =	sadd.s32 s1, s0;
	[dreg:$0x14] =	wrdreg s11  }
0x1c: {  	s23 =	sadd.s32 s12, s0;
	s20 =	sadd.s32 $0x3200, s0;
	[dreg:$0xa] =	wrdreg s10  }
0x1d: {  	s0 =	sadd.s32 $0x3F200, s0;
	s12 =	simm.s32 $0x400;
	[dreg:$0xb] =	wrdreg s17  }
0x1e: {  	s19 =	simm.s32 $0xB;
	s21 =	simm.s32 $0x2;
	[dreg:$0xf] =	wrdreg s6  }
0x1f: {  	s26 =	simm.s32 $0x0;
	s10 =	sadd.s32 s7, s16;
	[dreg:$0x11] =	wrdreg s0  }
0x20: {  	s24 =	sshrl.u32 s22, $0x2;
	s28 =	sadd.s32 $0x67800, s1;
	s29 =	sadd.s32 $0xB7800, s23  }
0x21: {  	s1 =	simm.s32 $0x280;
	s6 =	simm.s32 $0x100;
	s16 =	simm.s32 $0x1  }
.Ltmp0:
0x22: {  	s17 =	simm.s32 $0x3;
	[dreg:$0xc] =	wrdreg s10;
	(pc) =	sbr.rel .LBB2_1-.Ltmp0, $4  }
0x23: {  	s22 =	simm.s32 $0x4;
	s23 =	simm.s32 $0x8;
	[dreg:$0x15] =	wrdreg s28  }
0x24: {  	s10 =	sadd.s32 s7, s18;
	s0 =	sadd.s32 s24, s2;
	[dreg:$0x16] =	wrdreg s29  }
0x25: {  	s24 =	simm.s32 $0xD;
	s7 =	simm.s32 $0x300;
	[dreg:$0xe] =	wrdreg s10  }
0x26: {  	v0 =	vimm.f32 $1.000000000e+00;
	s18 =	simm.s32 $0x7;
	[dreg:$0x12] =	wrdreg s0;
	s0 =	simm.s32 $0x80  }
.LBB2_8:
0x27: {  	[bflag:$0x0] =	sbarrier.arrive $0xFFFF  }
0x28: {  	s11 =	rddreg [dreg:$0x14]  }
0x29: {  	s10 =	rddreg [dreg:$0x15]  }
0x2a: {  	s24 =	rddreg [dreg:$0x19]  }
0x2b: {  	[hbm:s10], [sflag:s11] =	dma.local [spmem:s24], $0x2800  }
0x2c: {  	s24 =	simm.s32 $0xD  }
0x2d: {  	_ =	swait.ge [sflag:s24], $0x2800  }
0x2e: {  	[sflag:s24] =	ssyncset.done $0x0  }
0x2f: {  	s29 =	rddreg [dreg:$0x16];
	[sflag:s24] =	ssyncadd.s32 $0xFFFFD800  }
0x30: {  	[hbm4b:s29+s0] =	stream.strided.scatter [tilespmem:s30], [sflag:$0xD], $0x2800, s12, s0, $0x38;
	[tilespmem:$0x1EC00] =	vst v63  }
0x31: {  	_ =	swait.ge [sflag:s24], $0x2800  }
0x32: {  	s26 =	rddreg [dreg:$0x18]  }
0x33: {  	s31 =	rddreg [dreg:$0x17];
	s26 =	sadd.s32 $0x1, s26  }
0x34: {  	p1 =	sne.s32 s26, s31  }
.Ltmp1:
0x35: {  	_ = 	snop;
	(pc) =	sbr.rel @!p1 .LBB2_9-.Ltmp1, $3  }
0x36: {  	_ =	sdelay $0x1  }
0x37: {  	[sflag:s24] =	ssyncset.done $0x0  }
0x38: {  	[sflag:s24] =	ssyncadd.s32 $0xFFFFD800  }
.LBB2_1:
0x39: {  	[dreg:$0x18] =	wrdreg s26  }
0x3a: {  	s10 =	rddreg [dreg:$0x12]  }
0x3b: {  	s29 =	rddreg [dreg:$0x13];
	s28 =	sshrl.u32 s10, $0x3  }
0x3c: {  	[dreg:$0x19] =	wrdreg s28  }
0x3d: {  	[spmem:s28], [sflag:s11] =	dma.local [hbm:s29], $0x2800  }
0x3e: {  	_ =	swait.ge [sflag:s24], $0x2800  }
0x3f: {  	[sflag:s24] =	ssyncset.done $0x0  }
0x40: {  	s31 =	rddreg [dreg:$0x11];
	[sflag:s24] =	ssyncadd.s32 $0xFFFFD800  }
0x41: {  	[tilespmem:s30], [sflag:$0xD] =	stream.linear.gather [hbm4b:s31+s3], $0x2800, $0x38;
	[tilespmem:$0x1EC00] =	vst v63  }
.Ltmp2:
0x42: {  	_ =	swait.ge [sflag:s24], $0x2800;
	(pc) =	sbr.rel @!p0 .LBB2_2-.Ltmp2, $4  }
0x43: {  	[sflag:s24] =	ssyncset.done $0x0  }
0x44: {  	[sflag:s24] =	ssyncadd.s32 $0xFFFFD800  }
0x45: {  	[bflag:$0x0] =	sbarrier.arrive $0xFFFF  }
0x46: {  	s10 =	simm.s32 $0x0  }
0x47: {  	s11 =	rddreg [dreg:$0x9]  }
0x48: {  	[tilespmem:s10], [sflag:$0x5] =	stream.linear.gather [hbm4b:s11+s10], $0x80, $0x38;
	[tilespmem:$0x1EC00] =	vst v63  }
0x49: {  	s26 =	rddreg [dreg:$0xa];
	s24 =	simm.s32 $0x200  }
0x4a: {  	[tilespmem:s24], [sflag:$0x9] =	stream.linear.gather [hbm4b:s26+s10], $0x80, $0x38;
	[tilespmem:$0x1EC00] =	vst v63  }
0x4b: {  	s28 =	rddreg [dreg:$0xb]  }
0x4c: {  	[tilespmem:s0], [sflag:$0x6] =	stream.linear.gather [hbm4b:s28+s10], $0x80, $0x38;
	[tilespmem:$0x1EC00] =	vst v63  }
0x4d: {  	s29 =	rddreg [dreg:$0xc]  }
0x4e: {  	[tilespmem:s1], [sflag:$0xA] =	stream.linear.gather [hbm4b:s29+s10], $0x80, $0x38;
	[tilespmem:$0x1EC00] =	vst v63  }
0x4f: {  	s31 =	rddreg [dreg:$0xd]  }
0x50: {  	[tilespmem:s6], [sflag:$0x7] =	stream.linear.gather [hbm4b:s31+s10], $0x80, $0x38;
	[tilespmem:$0x1EC00] =	vst v63  }
0x51: {  	s24 =	rddreg [dreg:$0xe]  }
0x52: {  	[tilespmem:s7], [sflag:$0xB] =	stream.linear.gather [hbm4b:s24+s10], $0x80, $0x38;
	[tilespmem:$0x1EC00] =	vst v63  }
0x53: {  	s26 =	rddreg [dreg:$0xf]  }
0x54: {  	[tilespmem:s8], [sflag:$0x8] =	stream.linear.gather [hbm4b:s26+s10], $0x80, $0x38;
	[tilespmem:$0x1EC00] =	vst v63  }
0x55: {  	s28 =	rddreg [dreg:$0x10];
	s29 =	simm.s32 $0x5  }
0x56: {  	[tilespmem:s9], [sflag:$0xC] =	stream.linear.gather [hbm4b:s28+s10], $0x80, $0x38;
	[tilespmem:$0x1EC00] =	vst v63  }
0x57: {  	_ =	swait.ge [sflag:s29], $0x80  }
0x58: {  	[sflag:s29] =	ssyncset.done $0x0  }
0x59: {  	s31 =	simm.s32 $0x9;
	[sflag:s29] =	ssyncadd.s32 $0xFFFFFF80  }
0x5a: {  	_ =	swait.ge [sflag:s31], $0x80  }
0x5b: {  	[sflag:s31] =	ssyncset.done $0x0  }
0x5c: {  	[sflag:s31] =	ssyncadd.s32 $0xFFFFFF80  }
0x5d: {  	[tilespmem:s12], [sflag:$0x1] =	stream.indirect.gather [hbm4b:s20+s0], $0x80, s10, s0, $0xb8;
	[tilespmem:$0x1EC00] =	vst v63  }
0x5e: {  	_ =	swait.ge [sflag:s13], $0x80  }
0x5f: {  	[sflag:s13] =	ssyncset.done $0x0  }
0x60: {  	[sflag:s13] =	ssyncadd.s32 $0xFFFFFF80  }
0x61: {  	_ =	swait.ge [sflag:s14], $0x80  }
0x62: {  	[sflag:s14] =	ssyncset.done $0x0  }
0x63: {  	[sflag:s14] =	ssyncadd.s32 $0xFFFFFF80  }
0x64: {  	[tilespmem:s15], [sflag:$0x2] =	stream.indirect.gather [hbm4b:s20+s0], $0x80, s0, s0, $0xb8;
	[tilespmem:$0x1EC00] =	vst v63  }
.LBB2_6:
0x65: {  	_ =	swait.ge [sflag:s16], $0x4000  }
0x66: {  	[sflag:s16] =	ssyncset.done $0x0  }
0x67: {  	s11 =	simm.s32 $0x200;
	[sflag:s16] =	ssyncadd.s32 $0xFFFFC000  }
0x68: {  	[spmem:s2] =	stream.indirect.scatter.add.f32 [tilespmem:s12], [sflag:$0x3], $0x80, s11, s0, $0xb8;
	[tilespmem:$0x1EC00] =	vst v63  }
0x69: {  	v1 =	vld [tilespmem:$0x200];
	_ =	sdelay $0x7  }
0x6a: {  	[tilespmem:v1+s30+$0x0] =	vst.idx.add.f32.msk $0xffff, v0  }
0x6b: {  	v1 =	vld [tilespmem:$0x210];
	_ =	sdelay $0x7  }
0x6c: {  	[tilespmem:v1+s30+$0x0] =	vst.idx.add.f32.msk $0xffff, v0  }
0x6d: {  	v1 =	vld [tilespmem:$0x220];
	_ =	sdelay $0x7  }
0x6e: {  	[tilespmem:v1+s30+$0x0] =	vst.idx.add.f32.msk $0xffff, v0  }
0x6f: {  	v1 =	vld [tilespmem:$0x230];
	_ =	sdelay $0x7  }
0x70: {  	[tilespmem:v1+s30+$0x0] =	vst.idx.add.f32.msk $0xffff, v0  }
0x71: {  	v1 =	vld [tilespmem:$0x240];
	_ =	sdelay $0x7  }
0x72: {  	[tilespmem:v1+s30+$0x0] =	vst.idx.add.f32.msk $0xffff, v0  }
0x73: {  	v1 =	vld [tilespmem:$0x250];
	_ =	sdelay $0x7  }
0x74: {  	[tilespmem:v1+s30+$0x0] =	vst.idx.add.f32.msk $0xffff, v0  }
0x75: {  	v1 =	vld [tilespmem:$0x260];
	_ =	sdelay $0x7  }
0x76: {  	[tilespmem:v1+s30+$0x0] =	vst.idx.add.f32.msk $0xffff, v0  }
0x77: {  	v1 =	vld [tilespmem:$0x270];
	_ =	sdelay $0x7  }
0x78: {  	[tilespmem:v1+s30+$0x0] =	vst.idx.add.f32.msk $0xffff, v0  }
0x79: {  	_ =	swait.ge [sflag:s17], $0x4000  }
0x7a: {  	[sflag:s17] =	ssyncset.done $0x0  }
0x7b: {  	[sflag:s17] =	ssyncadd.s32 $0xFFFFC000  }
0x7c: {  	_ =	swait.ge [sflag:s18], $0x80  }
0x7d: {  	[sflag:s18] =	ssyncset.done $0x0  }
0x7e: {  	[sflag:s18] =	ssyncadd.s32 $0xFFFFFF80  }
0x7f: {  	_ =	swait.ge [sflag:s19], $0x80  }
0x80: {  	p1 =	seq.s32 s10, $0x4C0;
	[sflag:s19] =	ssyncset.done $0x0  }
0x81: {  	s24 =	sadd.s32 @!p1 s10, s4;
	[sflag:s19] =	ssyncadd.s32 $0xFFFFFF80  }
0x82: {  	[tilespmem:s12], [sflag:$0x1] =	stream.indirect.gather [hbm4b:s20+s0], $0x80, s6, s0, $0xb8;
	[tilespmem:$0x1EC00] =	vst v63  }
0x83: {  	s28 =	sadd.s32 @!p1 s10, s5;
	s26 =	sadd.s32 @!p1 $0x5040, s24;
	s11 =	simm.s32 @!p1 $0x0  }
0x84: {  	[tilespmem:s11], [sflag:$0x5] =	stream.linear.gather @!p1 [hbm4b:s26+s11], $0x80, $0x38;
	[tilespmem:$0x1EC00] =	vst v63  }
0x85: {  	s29 =	simm.s32 @!p1 $0x200;
	s26 =	sadd.s32 @!p1 $0x5040, s28  }
0x86: {  	[tilespmem:s29], [sflag:$0x9] =	stream.linear.gather @!p1 [hbm4b:s26+s11], $0x80, $0x38;
	[tilespmem:$0x1EC00] =	vst v63  }
0x87: {  	_ =	swait.ge [sflag:s21], $0x4000  }
0x88: {  	[sflag:s21] =	ssyncset.done $0x0  }
0x89: {  	[sflag:s21] =	ssyncadd.s32 $0xFFFFC000  }
0x8a: {  	[spmem:s2] =	stream.indirect.scatter.add.f32 [tilespmem:s15], [sflag:$0x4], $0x80, s1, s0, $0xb8;
	[tilespmem:$0x1EC00] =	vst v63  }
0x8b: {  	v1 =	vld [tilespmem:$0x280];
	_ =	sdelay $0x7  }
0x8c: {  	[tilespmem:v1+s30+$0x0] =	vst.idx.add.f32.msk $0xffff, v0  }
0x8d: {  	v1 =	vld [tilespmem:$0x290];
	_ =	sdelay $0x7  }
0x8e: {  	[tilespmem:v1+s30+$0x0] =	vst.idx.add.f32.msk $0xffff, v0  }
0x8f: {  	v1 =	vld [tilespmem:$0x2A0];
	_ =	sdelay $0x7  }
0x90: {  	[tilespmem:v1+s30+$0x0] =	vst.idx.add.f32.msk $0xffff, v0  }
0x91: {  	v1 =	vld [tilespmem:$0x2B0];
	_ =	sdelay $0x7  }
0x92: {  	[tilespmem:v1+s30+$0x0] =	vst.idx.add.f32.msk $0xffff, v0  }
0x93: {  	v1 =	vld [tilespmem:$0x2C0];
	_ =	sdelay $0x7  }
0x94: {  	[tilespmem:v1+s30+$0x0] =	vst.idx.add.f32.msk $0xffff, v0  }
0x95: {  	v1 =	vld [tilespmem:$0x2D0];
	_ =	sdelay $0x7  }
0x96: {  	[tilespmem:v1+s30+$0x0] =	vst.idx.add.f32.msk $0xffff, v0  }
0x97: {  	v1 =	vld [tilespmem:$0x2E0];
	_ =	sdelay $0x7  }
0x98: {  	[tilespmem:v1+s30+$0x0] =	vst.idx.add.f32.msk $0xffff, v0  }
0x99: {  	v1 =	vld [tilespmem:$0x2F0];
	_ =	sdelay $0x7  }
0x9a: {  	[tilespmem:v1+s30+$0x0] =	vst.idx.add.f32.msk $0xffff, v0  }
0x9b: {  	_ =	swait.ge [sflag:s22], $0x4000  }
0x9c: {  	[sflag:s22] =	ssyncset.done $0x0  }
0x9d: {  	[sflag:s22] =	ssyncadd.s32 $0xFFFFC000  }
0x9e: {  	_ =	swait.ge [sflag:s23], $0x80  }
0x9f: {  	[sflag:s23] =	ssyncset.done $0x0  }
0xa0: {  	[sflag:s23] =	ssyncadd.s32 $0xFFFFFF80  }
0xa1: {  	_ =	swait.ge [sflag:s25], $0x80  }
0xa2: {  	[sflag:s25] =	ssyncset.done $0x0  }
0xa3: {  	[sflag:s25] =	ssyncadd.s32 $0xFFFFFF80  }
0xa4: {  	[tilespmem:s15], [sflag:$0x2] =	stream.indirect.gather [hbm4b:s20+s0], $0x80, s8, s0, $0xb8;
	[tilespmem:$0x1EC00] =	vst v63  }
0xa5: {  	s26 =	sadd.s32 @!p1 $0x5050, s24;
	s29 =	simm.s32 @!p1 $0x80  }
0xa6: {  	[tilespmem:s29], [sflag:$0x6] =	stream.linear.gather @!p1 [hbm4b:s26+s11], $0x80, $0x38;
	[tilespmem:$0x1EC00] =	vst v63  }
0xa7: {  	s31 =	simm.s32 @!p1 $0x280;
	s26 =	sadd.s32 @!p1 $0x5050, s28  }
0xa8: {  	[tilespmem:s31], [sflag:$0xA] =	stream.linear.gather @!p1 [hbm4b:s26+s11], $0x80, $0x38;
	[tilespmem:$0x1EC00] =	vst v63  }
0xa9: {  	_ =	swait.ge [sflag:s16], $0x4000  }
0xaa: {  	[sflag:s16] =	ssyncset.done $0x0  }
0xab: {  	[sflag:s16] =	ssyncadd.s32 $0xFFFFC000  }
0xac: {  	[spmem:s2] =	stream.indirect.scatter.add.f32 [tilespmem:s12], [sflag:$0x3], $0x80, s7, s0, $0xb8;
	[tilespmem:$0x1EC00] =	vst v63  }
0xad: {  	v1 =	vld [tilespmem:$0x300];
	_ =	sdelay $0x7  }
0xae: {  	[tilespmem:v1+s30+$0x0] =	vst.idx.add.f32.msk $0xffff, v0  }
0xaf: {  	v1 =	vld [tilespmem:$0x310];
	_ =	sdelay $0x7  }
0xb0: {  	[tilespmem:v1+s30+$0x0] =	vst.idx.add.f32.msk $0xffff, v0  }
0xb1: {  	v1 =	vld [tilespmem:$0x320];
	_ =	sdelay $0x7  }
0xb2: {  	[tilespmem:v1+s30+$0x0] =	vst.idx.add.f32.msk $0xffff, v0  }
0xb3: {  	v1 =	vld [tilespmem:$0x330];
	_ =	sdelay $0x7  }
0xb4: {  	[tilespmem:v1+s30+$0x0] =	vst.idx.add.f32.msk $0xffff, v0  }
0xb5: {  	v1 =	vld [tilespmem:$0x340];
	_ =	sdelay $0x7  }
0xb6: {  	[tilespmem:v1+s30+$0x0] =	vst.idx.add.f32.msk $0xffff, v0  }
0xb7: {  	v1 =	vld [tilespmem:$0x350];
	_ =	sdelay $0x7  }
0xb8: {  	[tilespmem:v1+s30+$0x0] =	vst.idx.add.f32.msk $0xffff, v0  }
0xb9: {  	v1 =	vld [tilespmem:$0x360];
	_ =	sdelay $0x7  }
0xba: {  	[tilespmem:v1+s30+$0x0] =	vst.idx.add.f32.msk $0xffff, v0  }
0xbb: {  	v1 =	vld [tilespmem:$0x370];
	_ =	sdelay $0x7  }
0xbc: {  	[tilespmem:v1+s30+$0x0] =	vst.idx.add.f32.msk $0xffff, v0  }
0xbd: {  	_ =	swait.ge [sflag:s17], $0x4000  }
0xbe: {  	[sflag:s17] =	ssyncset.done $0x0  }
0xbf: {  	s26 =	simm.s32 @!p1 $0x5;
	[sflag:s17] =	ssyncadd.s32 $0xFFFFC000  }
0xc0: {  	_ =	swait.ge @!p1 [sflag:s26], $0x80  }
0xc1: {  	[sflag:s26] =	ssyncset.done @!p1 $0x0  }
0xc2: {  	[sflag:s26] =	ssyncadd.s32 @!p1 $0xFFFFFF80;
	s26 =	simm.s32 @!p1 $0x9  }
0xc3: {  	_ =	swait.ge @!p1 [sflag:s26], $0x80  }
0xc4: {  	[sflag:s26] =	ssyncset.done @!p1 $0x0  }
0xc5: {  	[sflag:s26] =	ssyncadd.s32 @!p1 $0xFFFFFF80;
	s26 =	simm.s32 @!p1 $0x400  }
0xc6: {  	[tilespmem:s26], [sflag:$0x1] =	stream.indirect.gather @!p1 [hbm4b:s20+s29], $0x80, s11, s29, $0xb8;
	[tilespmem:$0x1EC00] =	vst v63  }
0xc7: {  	s24 =	sadd.s32 @!p1 $0x5060, s24;
	s26 =	simm.s32 @!p1 $0x100  }
0xc8: {  	[tilespmem:s26], [sflag:$0x7] =	stream.linear.gather @!p1 [hbm4b:s24+s11], $0x80, $0x38;
	[tilespmem:$0x1EC00] =	vst v63  }
0xc9: {  	s24 =	sadd.s32 @!p1 $0x5060, s28;
	s26 =	simm.s32 @!p1 $0x300  }
0xca: {  	[tilespmem:s26], [sflag:$0xB] =	stream.linear.gather @!p1 [hbm4b:s24+s11], $0x80, $0x38;
	[tilespmem:$0x1EC00] =	vst v63  }
0xcb: {  	_ =	swait.ge [sflag:s21], $0x4000  }
0xcc: {  	[sflag:s21] =	ssyncset.done $0x0  }
0xcd: {  	[sflag:s21] =	ssyncadd.s32 $0xFFFFC000  }
0xce: {  	[spmem:s2] =	stream.indirect.scatter.add.f32 [tilespmem:s15], [sflag:$0x4], $0x80, s9, s0, $0xb8;
	[tilespmem:$0x1EC00] =	vst v63  }
0xcf: {  	v1 =	vld [tilespmem:$0x380];
	_ =	sdelay $0x7  }
0xd0: {  	[tilespmem:v1+s30+$0x0] =	vst.idx.add.f32.msk $0xffff, v0  }
0xd1: {  	v1 =	vld [tilespmem:$0x390];
	_ =	sdelay $0x7  }
0xd2: {  	[tilespmem:v1+s30+$0x0] =	vst.idx.add.f32.msk $0xffff, v0  }
0xd3: {  	v1 =	vld [tilespmem:$0x3A0];
	_ =	sdelay $0x7  }
0xd4: {  	[tilespmem:v1+s30+$0x0] =	vst.idx.add.f32.msk $0xffff, v0  }
0xd5: {  	v1 =	vld [tilespmem:$0x3B0];
	_ =	sdelay $0x7  }
0xd6: {  	[tilespmem:v1+s30+$0x0] =	vst.idx.add.f32.msk $0xffff, v0  }
0xd7: {  	v1 =	vld [tilespmem:$0x3C0];
	_ =	sdelay $0x7  }
0xd8: {  	[tilespmem:v1+s30+$0x0] =	vst.idx.add.f32.msk $0xffff, v0  }
0xd9: {  	v1 =	vld [tilespmem:$0x3D0];
	_ =	sdelay $0x7  }
0xda: {  	[tilespmem:v1+s30+$0x0] =	vst.idx.add.f32.msk $0xffff, v0  }
0xdb: {  	v1 =	vld [tilespmem:$0x3E0];
	_ =	sdelay $0x7  }
0xdc: {  	[tilespmem:v1+s30+$0x0] =	vst.idx.add.f32.msk $0xffff, v0  }
0xdd: {  	v1 =	vld [tilespmem:$0x3F0];
	_ =	sdelay $0x6  }
.Ltmp3:
0xde: {  	_ = 	snop;
	(pc) =	sbr.rel @p1 .LBB2_8-.Ltmp3, $4  }
0xdf: {  	[tilespmem:v1+s30+$0x0] =	vst.idx.add.f32.msk $0xffff, v0  }
0xe0: {  	_ =	swait.ge [sflag:s22], $0x4000  }
0xe1: {  	[sflag:s22] =	ssyncset.done $0x0  }
0xe2: {  	[sflag:s22] =	ssyncadd.s32 $0xFFFFC000  }
0xe3: {  	_ =	swait.ge [sflag:s13], $0x80  }
0xe4: {  	[sflag:s13] =	ssyncset.done $0x0  }
0xe5: {  	[sflag:s13] =	ssyncadd.s32 $0xFFFFFF80  }
0xe6: {  	_ =	swait.ge [sflag:s14], $0x80  }
0xe7: {  	[sflag:s14] =	ssyncset.done $0x0  }
0xe8: {  	[sflag:s14] =	ssyncadd.s32 $0xFFFFFF80  }
0xe9: {  	[tilespmem:s15], [sflag:$0x2] =	stream.indirect.gather [hbm4b:s20+s0], $0x80, s0, s0, $0xb8;
	[tilespmem:$0x1EC00] =	vst v63  }
.Ltmp4:
0xea: {  	s11 =	sadd.s32 s10, s4;
	(pc) =	sbr.rel .LBB2_6-.Ltmp4, $4  }
0xeb: {  	s31 =	sadd.s32 s10, s5;
	s11 =	sadd.s32 $0x5070, s11  }
0xec: {  	[tilespmem:s8], [sflag:$0x8] =	stream.linear.gather [hbm4b:s11+s3], $0x80, $0x38;
	[tilespmem:$0x1EC00] =	vst v63  }
0xed: {  	s10 =	sadd.s32 $0x40, s10;
	s11 =	sadd.s32 $0x5070, s31  }
0xee: {  	[tilespmem:s9], [sflag:$0xC] =	stream.linear.gather [hbm4b:s11+s3], $0x80, $0x38;
	[tilespmem:$0x1EC00] =	vst v63  }
.LBB2_2:
0xef: {  	[tilespmem:s10], [sflag:$0x5] =	stream.linear.gather [hbm4b:s4+s10], $0x80, $0x38;
	[tilespmem:$0x1EC00] =	vst v63  }
0xf0: {  	s11 =	simm.s32 $0x200  }
0xf1: {  	[tilespmem:s11], [sflag:$0x9] =	stream.linear.gather [hbm4b:s5+s10], $0x80, $0x38;
	[tilespmem:$0x1EC00] =	vst v63  }
0xf2: {  	s28 =	rddreg [dreg:$0x3]  }
0xf3: {  	[tilespmem:s0], [sflag:$0x6] =	stream.linear.gather [hbm4b:s28+s10], $0x80, $0x38;
	[tilespmem:$0x1EC00] =	vst v63  }
0xf4: {  	s29 =	rddreg [dreg:$0x4]  }
0xf5: {  	[tilespmem:s1], [sflag:$0xA] =	stream.linear.gather [hbm4b:s29+s10], $0x80, $0x38;
	[tilespmem:$0x1EC00] =	vst v63  }
0xf6: {  	s31 =	rddreg [dreg:$0x5]  }
0xf7: {  	[tilespmem:s6], [sflag:$0x7] =	stream.linear.gather [hbm4b:s31+s10], $0x80, $0x38;
	[tilespmem:$0x1EC00] =	vst v63  }
0xf8: {  	s24 =	rddreg [dreg:$0x6]  }
0xf9: {  	[tilespmem:s7], [sflag:$0xB] =	stream.linear.gather [hbm4b:s24+s10], $0x80, $0x38;
	[tilespmem:$0x1EC00] =	vst v63  }
0xfa: {  	s26 =	rddreg [dreg:$0x7]  }
0xfb: {  	[tilespmem:s8], [sflag:$0x8] =	stream.linear.gather [hbm4b:s26+s10], $0x80, $0x38;
	[tilespmem:$0x1EC00] =	vst v63  }
0xfc: {  	s28 =	rddreg [dreg:$0x8];
	s29 =	simm.s32 $0x5  }
0xfd: {  	[tilespmem:s9], [sflag:$0xC] =	stream.linear.gather [hbm4b:s28+s10], $0x80, $0x38;
	[tilespmem:$0x1EC00] =	vst v63  }
0xfe: {  	_ =	swait.ge [sflag:s29], $0x80  }
0xff: {  	[sflag:s29] =	ssyncset.done $0x0  }
0x100: {  	s31 =	simm.s32 $0x9;
	[sflag:s29] =	ssyncadd.s32 $0xFFFFFF80  }
0x101: {  	_ =	swait.ge [sflag:s31], $0x80  }
0x102: {  	[sflag:s31] =	ssyncset.done $0x0  }
0x103: {  	[sflag:s31] =	ssyncadd.s32 $0xFFFFFF80  }
0x104: {  	[tilespmem:s12], [sflag:$0x1] =	stream.indirect.gather [hbm4b:s20+s0], $0x80, s10, s0, $0xb8;
	[tilespmem:$0x1EC00] =	vst v63  }
0x105: {  	_ =	swait.ge [sflag:s13], $0x80  }
0x106: {  	[sflag:s13] =	ssyncset.done $0x0  }
0x107: {  	[sflag:s13] =	ssyncadd.s32 $0xFFFFFF80  }
0x108: {  	_ =	swait.ge [sflag:s14], $0x80  }
0x109: {  	[sflag:s14] =	ssyncset.done $0x0  }
0x10a: {  	[sflag:s14] =	ssyncadd.s32 $0xFFFFFF80  }
0x10b: {  	[tilespmem:s15], [sflag:$0x2] =	stream.indirect.gather [hbm4b:s20+s0], $0x80, s0, s0, $0xb8;
	[tilespmem:$0x1EC00] =	vst v63  }
.LBB2_3:
0x10c: {  	_ =	swait.ge [sflag:s16], $0x4000  }
0x10d: {  	[sflag:s16] =	ssyncset.done $0x0  }
0x10e: {  	s11 =	simm.s32 $0x200;
	[sflag:s16] =	ssyncadd.s32 $0xFFFFC000  }
0x10f: {  	[spmem:s2] =	stream.indirect.scatter.add.f32 [tilespmem:s12], [sflag:$0x3], $0x80, s11, s0, $0xb8;
	[tilespmem:$0x1EC00] =	vst v63  }
0x110: {  	v1 =	vld [tilespmem:$0x200];
	_ =	sdelay $0x7  }
0x111: {  	[tilespmem:v1+s30+$0x0] =	vst.idx.add.f32.msk $0xffff, v0  }
0x112: {  	v1 =	vld [tilespmem:$0x210];
	_ =	sdelay $0x7  }
0x113: {  	[tilespmem:v1+s30+$0x0] =	vst.idx.add.f32.msk $0xffff, v0  }
0x114: {  	v1 =	vld [tilespmem:$0x220];
	_ =	sdelay $0x7  }
0x115: {  	[tilespmem:v1+s30+$0x0] =	vst.idx.add.f32.msk $0xffff, v0  }
0x116: {  	v1 =	vld [tilespmem:$0x230];
	_ =	sdelay $0x7  }
0x117: {  	[tilespmem:v1+s30+$0x0] =	vst.idx.add.f32.msk $0xffff, v0  }
0x118: {  	v1 =	vld [tilespmem:$0x240];
	_ =	sdelay $0x7  }
0x119: {  	[tilespmem:v1+s30+$0x0] =	vst.idx.add.f32.msk $0xffff, v0  }
0x11a: {  	v1 =	vld [tilespmem:$0x250];
	_ =	sdelay $0x7  }
0x11b: {  	[tilespmem:v1+s30+$0x0] =	vst.idx.add.f32.msk $0xffff, v0  }
0x11c: {  	v1 =	vld [tilespmem:$0x260];
	_ =	sdelay $0x7  }
0x11d: {  	[tilespmem:v1+s30+$0x0] =	vst.idx.add.f32.msk $0xffff, v0  }
0x11e: {  	v1 =	vld [tilespmem:$0x270];
	_ =	sdelay $0x7  }
0x11f: {  	[tilespmem:v1+s30+$0x0] =	vst.idx.add.f32.msk $0xffff, v0  }
0x120: {  	_ =	swait.ge [sflag:s17], $0x4000  }
0x121: {  	[sflag:s17] =	ssyncset.done $0x0  }
0x122: {  	[sflag:s17] =	ssyncadd.s32 $0xFFFFC000  }
0x123: {  	_ =	swait.ge [sflag:s18], $0x80  }
0x124: {  	[sflag:s18] =	ssyncset.done $0x0  }
0x125: {  	[sflag:s18] =	ssyncadd.s32 $0xFFFFFF80  }
0x126: {  	_ =	swait.ge [sflag:s19], $0x80  }
0x127: {  	p1 =	seq.s32 s10, $0x4C0;
	[sflag:s19] =	ssyncset.done $0x0  }
0x128: {  	s24 =	sadd.s32 @!p1 s10, s4;
	[sflag:s19] =	ssyncadd.s32 $0xFFFFFF80  }
0x129: {  	[tilespmem:s12], [sflag:$0x1] =	stream.indirect.gather [hbm4b:s20+s0], $0x80, s6, s0, $0xb8;
	[tilespmem:$0x1EC00] =	vst v63  }
0x12a: {  	s28 =	sadd.s32 @!p1 $0x40, s24;
	s11 =	simm.s32 @!p1 $0x0  }
0x12b: {  	[tilespmem:s11], [sflag:$0x5] =	stream.linear.gather @!p1 [hbm4b:s28+s11], $0x80, $0x38;
	[tilespmem:$0x1EC00] =	vst v63  }
0x12c: {  	s28 =	sadd.s32 @!p1 s10, s5  }
0x12d: {  	s26 =	simm.s32 @!p1 $0x200;
	s29 =	sadd.s32 @!p1 $0x40, s28  }
0x12e: {  	[tilespmem:s26], [sflag:$0x9] =	stream.linear.gather @!p1 [hbm4b:s29+s11], $0x80, $0x38;
	[tilespmem:$0x1EC00] =	vst v63  }
0x12f: {  	_ =	swait.ge [sflag:s21], $0x4000  }
0x130: {  	[sflag:s21] =	ssyncset.done $0x0  }
0x131: {  	[sflag:s21] =	ssyncadd.s32 $0xFFFFC000  }
0x132: {  	[spmem:s2] =	stream.indirect.scatter.add.f32 [tilespmem:s15], [sflag:$0x4], $0x80, s1, s0, $0xb8;
	[tilespmem:$0x1EC00] =	vst v63  }
0x133: {  	v1 =	vld [tilespmem:$0x280];
	_ =	sdelay $0x7  }
0x134: {  	[tilespmem:v1+s30+$0x0] =	vst.idx.add.f32.msk $0xffff, v0  }
0x135: {  	v1 =	vld [tilespmem:$0x290];
	_ =	sdelay $0x7  }
0x136: {  	[tilespmem:v1+s30+$0x0] =	vst.idx.add.f32.msk $0xffff, v0  }
0x137: {  	v1 =	vld [tilespmem:$0x2A0];
	_ =	sdelay $0x7  }
0x138: {  	[tilespmem:v1+s30+$0x0] =	vst.idx.add.f32.msk $0xffff, v0  }
0x139: {  	v1 =	vld [tilespmem:$0x2B0];
	_ =	sdelay $0x7  }
0x13a: {  	[tilespmem:v1+s30+$0x0] =	vst.idx.add.f32.msk $0xffff, v0  }
0x13b: {  	v1 =	vld [tilespmem:$0x2C0];
	_ =	sdelay $0x7  }
0x13c: {  	[tilespmem:v1+s30+$0x0] =	vst.idx.add.f32.msk $0xffff, v0  }
0x13d: {  	v1 =	vld [tilespmem:$0x2D0];
	_ =	sdelay $0x7  }
0x13e: {  	[tilespmem:v1+s30+$0x0] =	vst.idx.add.f32.msk $0xffff, v0  }
0x13f: {  	v1 =	vld [tilespmem:$0x2E0];
	_ =	sdelay $0x7  }
0x140: {  	[tilespmem:v1+s30+$0x0] =	vst.idx.add.f32.msk $0xffff, v0  }
0x141: {  	v1 =	vld [tilespmem:$0x2F0];
	_ =	sdelay $0x7  }
0x142: {  	[tilespmem:v1+s30+$0x0] =	vst.idx.add.f32.msk $0xffff, v0  }
0x143: {  	_ =	swait.ge [sflag:s22], $0x4000  }
0x144: {  	[sflag:s22] =	ssyncset.done $0x0  }
0x145: {  	[sflag:s22] =	ssyncadd.s32 $0xFFFFC000  }
0x146: {  	_ =	swait.ge [sflag:s23], $0x80  }
0x147: {  	[sflag:s23] =	ssyncset.done $0x0  }
0x148: {  	[sflag:s23] =	ssyncadd.s32 $0xFFFFFF80  }
0x149: {  	_ =	swait.ge [sflag:s25], $0x80  }
0x14a: {  	[sflag:s25] =	ssyncset.done $0x0  }
0x14b: {  	[sflag:s25] =	ssyncadd.s32 $0xFFFFFF80  }
0x14c: {  	[tilespmem:s15], [sflag:$0x2] =	stream.indirect.gather [hbm4b:s20+s0], $0x80, s8, s0, $0xb8;
	[tilespmem:$0x1EC00] =	vst v63  }
0x14d: {  	s26 =	sadd.s32 @!p1 $0x50, s24;
	s29 =	simm.s32 @!p1 $0x80  }
0x14e: {  	[tilespmem:s29], [sflag:$0x6] =	stream.linear.gather @!p1 [hbm4b:s26+s11], $0x80, $0x38;
	[tilespmem:$0x1EC00] =	vst v63  }
0x14f: {  	s31 =	simm.s32 @!p1 $0x280;
	s26 =	sadd.s32 @!p1 $0x50, s28  }
0x150: {  	[tilespmem:s31], [sflag:$0xA] =	stream.linear.gather @!p1 [hbm4b:s26+s11], $0x80, $0x38;
	[tilespmem:$0x1EC00] =	vst v63  }
0x151: {  	_ =	swait.ge [sflag:s16], $0x4000  }
0x152: {  	[sflag:s16] =	ssyncset.done $0x0  }
0x153: {  	[sflag:s16] =	ssyncadd.s32 $0xFFFFC000  }
0x154: {  	[spmem:s2] =	stream.indirect.scatter.add.f32 [tilespmem:s12], [sflag:$0x3], $0x80, s7, s0, $0xb8;
	[tilespmem:$0x1EC00] =	vst v63  }
0x155: {  	v1 =	vld [tilespmem:$0x300];
	_ =	sdelay $0x7  }
0x156: {  	[tilespmem:v1+s30+$0x0] =	vst.idx.add.f32.msk $0xffff, v0  }
0x157: {  	v1 =	vld [tilespmem:$0x310];
	_ =	sdelay $0x7  }
0x158: {  	[tilespmem:v1+s30+$0x0] =	vst.idx.add.f32.msk $0xffff, v0  }
0x159: {  	v1 =	vld [tilespmem:$0x320];
	_ =	sdelay $0x7  }
0x15a: {  	[tilespmem:v1+s30+$0x0] =	vst.idx.add.f32.msk $0xffff, v0  }
0x15b: {  	v1 =	vld [tilespmem:$0x330];
	_ =	sdelay $0x7  }
0x15c: {  	[tilespmem:v1+s30+$0x0] =	vst.idx.add.f32.msk $0xffff, v0  }
0x15d: {  	v1 =	vld [tilespmem:$0x340];
	_ =	sdelay $0x7  }
0x15e: {  	[tilespmem:v1+s30+$0x0] =	vst.idx.add.f32.msk $0xffff, v0  }
0x15f: {  	v1 =	vld [tilespmem:$0x350];
	_ =	sdelay $0x7  }
0x160: {  	[tilespmem:v1+s30+$0x0] =	vst.idx.add.f32.msk $0xffff, v0  }
0x161: {  	v1 =	vld [tilespmem:$0x360];
	_ =	sdelay $0x7  }
0x162: {  	[tilespmem:v1+s30+$0x0] =	vst.idx.add.f32.msk $0xffff, v0  }
0x163: {  	v1 =	vld [tilespmem:$0x370];
	_ =	sdelay $0x7  }
0x164: {  	[tilespmem:v1+s30+$0x0] =	vst.idx.add.f32.msk $0xffff, v0  }
0x165: {  	_ =	swait.ge [sflag:s17], $0x4000  }
0x166: {  	[sflag:s17] =	ssyncset.done $0x0  }
0x167: {  	s26 =	simm.s32 @!p1 $0x5;
	[sflag:s17] =	ssyncadd.s32 $0xFFFFC000  }
0x168: {  	_ =	swait.ge @!p1 [sflag:s26], $0x80  }
0x169: {  	[sflag:s26] =	ssyncset.done @!p1 $0x0  }
0x16a: {  	[sflag:s26] =	ssyncadd.s32 @!p1 $0xFFFFFF80;
	s26 =	simm.s32 @!p1 $0x9  }
0x16b: {  	_ =	swait.ge @!p1 [sflag:s26], $0x80  }
0x16c: {  	[sflag:s26] =	ssyncset.done @!p1 $0x0  }
0x16d: {  	[sflag:s26] =	ssyncadd.s32 @!p1 $0xFFFFFF80;
	s26 =	simm.s32 @!p1 $0x400  }
0x16e: {  	[tilespmem:s26], [sflag:$0x1] =	stream.indirect.gather @!p1 [hbm4b:s20+s29], $0x80, s11, s29, $0xb8;
	[tilespmem:$0x1EC00] =	vst v63  }
0x16f: {  	s24 =	sadd.s32 @!p1 $0x60, s24;
	s26 =	simm.s32 @!p1 $0x100  }
0x170: {  	[tilespmem:s26], [sflag:$0x7] =	stream.linear.gather @!p1 [hbm4b:s24+s11], $0x80, $0x38;
	[tilespmem:$0x1EC00] =	vst v63  }
0x171: {  	s24 =	sadd.s32 @!p1 $0x60, s28;
	s26 =	simm.s32 @!p1 $0x300  }
0x172: {  	[tilespmem:s26], [sflag:$0xB] =	stream.linear.gather @!p1 [hbm4b:s24+s11], $0x80, $0x38;
	[tilespmem:$0x1EC00] =	vst v63  }
0x173: {  	_ =	swait.ge [sflag:s21], $0x4000  }
0x174: {  	[sflag:s21] =	ssyncset.done $0x0  }
0x175: {  	[sflag:s21] =	ssyncadd.s32 $0xFFFFC000  }
0x176: {  	[spmem:s2] =	stream.indirect.scatter.add.f32 [tilespmem:s15], [sflag:$0x4], $0x80, s9, s0, $0xb8;
	[tilespmem:$0x1EC00] =	vst v63  }
0x177: {  	v1 =	vld [tilespmem:$0x380];
	_ =	sdelay $0x7  }
0x178: {  	[tilespmem:v1+s30+$0x0] =	vst.idx.add.f32.msk $0xffff, v0  }
0x179: {  	v1 =	vld [tilespmem:$0x390];
	_ =	sdelay $0x7  }
0x17a: {  	[tilespmem:v1+s30+$0x0] =	vst.idx.add.f32.msk $0xffff, v0  }
0x17b: {  	v1 =	vld [tilespmem:$0x3A0];
	_ =	sdelay $0x7  }
0x17c: {  	[tilespmem:v1+s30+$0x0] =	vst.idx.add.f32.msk $0xffff, v0  }
0x17d: {  	v1 =	vld [tilespmem:$0x3B0];
	_ =	sdelay $0x7  }
0x17e: {  	[tilespmem:v1+s30+$0x0] =	vst.idx.add.f32.msk $0xffff, v0  }
0x17f: {  	v1 =	vld [tilespmem:$0x3C0];
	_ =	sdelay $0x7  }
0x180: {  	[tilespmem:v1+s30+$0x0] =	vst.idx.add.f32.msk $0xffff, v0  }
0x181: {  	v1 =	vld [tilespmem:$0x3D0];
	_ =	sdelay $0x7  }
0x182: {  	[tilespmem:v1+s30+$0x0] =	vst.idx.add.f32.msk $0xffff, v0  }
0x183: {  	v1 =	vld [tilespmem:$0x3E0];
	_ =	sdelay $0x7  }
0x184: {  	[tilespmem:v1+s30+$0x0] =	vst.idx.add.f32.msk $0xffff, v0  }
0x185: {  	v1 =	vld [tilespmem:$0x3F0];
	_ =	sdelay $0x6  }
.Ltmp5:
0x186: {  	_ = 	snop;
	(pc) =	sbr.rel @p1 .LBB2_8-.Ltmp5, $4  }
0x187: {  	[tilespmem:v1+s30+$0x0] =	vst.idx.add.f32.msk $0xffff, v0  }
0x188: {  	_ =	swait.ge [sflag:s22], $0x4000  }
0x189: {  	[sflag:s22] =	ssyncset.done $0x0  }
0x18a: {  	[sflag:s22] =	ssyncadd.s32 $0xFFFFC000  }
0x18b: {  	_ =	swait.ge [sflag:s13], $0x80  }
0x18c: {  	[sflag:s13] =	ssyncset.done $0x0  }
0x18d: {  	[sflag:s13] =	ssyncadd.s32 $0xFFFFFF80  }
0x18e: {  	_ =	swait.ge [sflag:s14], $0x80  }
0x18f: {  	[sflag:s14] =	ssyncset.done $0x0  }
0x190: {  	[sflag:s14] =	ssyncadd.s32 $0xFFFFFF80  }
0x191: {  	[tilespmem:s15], [sflag:$0x2] =	stream.indirect.gather [hbm4b:s20+s0], $0x80, s0, s0, $0xb8;
	[tilespmem:$0x1EC00] =	vst v63  }
.Ltmp6:
0x192: {  	s11 =	sadd.s32 s10, s4;
	(pc) =	sbr.rel .LBB2_3-.Ltmp6, $4  }
0x193: {  	s31 =	sadd.s32 s10, s5;
	s11 =	sadd.s32 $0x70, s11  }
0x194: {  	[tilespmem:s8], [sflag:$0x8] =	stream.linear.gather [hbm4b:s11+s3], $0x80, $0x38;
	[tilespmem:$0x1EC00] =	vst v63  }
0x195: {  	s10 =	sadd.s32 $0x40, s10;
	s11 =	sadd.s32 $0x70, s31  }
0x196: {  	[tilespmem:s9], [sflag:$0xC] =	stream.linear.gather [hbm4b:s11+s3], $0x80, $0x38;
	[tilespmem:$0x1EC00] =	vst v63  }
.LBB2_9:
0x197: {  	_ =	sfence.sel $0x180000  }
0x198: {  	[bflag:$0x0] =	sbarrier.arrive $0xFFFF  }
0x199: {  	_ =	strace $0x90000047  }
0x19a: {  	s0 =	stileid.u32;
	[bflag:$0x2] =	sbarrier.arrive $0xFFFF  }
0x19b: {  	p0 =	sne.s32 s0, $0x0;
	s0 =	rddreg [dreg:$0x2]  }
0x19c: {  	s0 =	sadd.s32 @!p0 $0x100000, s0  }
0x19d: {  	[sflag:s0] =	ssyncadd.tile.s32 @!p0 $0x1;
	_ =	shalt  }
.Lfunc_end2:
_tile_overlayer_lowered:
.L_overlay_start_2:
0x19e: {  	(tag) =	ssettag $0x2  }
0x19f: {  	s0 =	rddreg [dreg:$0x0];
	s2 =	stileid.u32  }
0x1a0: {  	s1 =	rddreg [dreg:$0x1];
	p0 =	sne.s32 s2, $0x0  }
0x1a1: {  	s3 =	rddreg [dreg:$0x2];
	[bflag:$0x3] =	sbarrier.arrive $0xFFFF;
	s2 =	simm.s32 @!p0 $0x1C0D  }
0x1a2: {  	[timem:s3], [sflag:s2] =	dma.local @!p0 [hbm:s0], s1  }
0x1a3: {  	s0 =	simm.s32 @!p0 $0xD  }
0x1a4: {  	_ =	swait.ge @!p0 [sflag:s0], s1  }
0x1a5: {  	s1 =	ssub.s32 @!p0 $0x0, s1;
	[sflag:s0] =	ssyncset.done @!p0 $0x0  }
0x1a6: {  	[sflag:s0] =	ssyncadd.s32 @!p0 s1  }
0x1a7: {  	[bflag:$0x3] =	sbarrier.arrive $0xFFFF  }
0x1a8: {  	_ =	shalt  }

</sc_bundles>
